<compile_context>
chip_gen: v7x
topology: tpu7x:2x2x1
jax: 0.10.2.dev20260603
libtpu: 0.0.44.dev20260713+nightly
codegen_flags: <defaults>
</compile_context>

<pallas_src>
import jax
import jax.numpy as jnp
from jax import lax
from jax.experimental import pallas as pl
from jax.experimental.pallas import tpu as pltpu
from jax.experimental.pallas import tpu_sc as plsc

N = 10000
E = 320000
R = 8
F_IN = 128
HID = 256
F_OUT = 128
NCLS = 16
P = 100000
P_PAD = 102400

NC = 2
NS = 16


BE = 80


def _make_sc_seg():
    ept = E // (NC * NS)
    nb = ept // BE
    assert nb % 2 == 1 and nb >= 3

    def body(table, gix, d32, out, gidx0, gidx1, sidx0, sidx1,
             gall, dall, rows0, rows1, zbuf, destbuf, sem0, sem1):
        core = lax.axis_index("c")
        tid = lax.axis_index("s")
        base_e = (core * NS + tid) * ept

        @pl.loop(0, 40)
        def _(i):
            for j in range(F_OUT // 16):
                zbuf[i, pl.ds(j * 16, 16)] = jnp.zeros((16,), jnp.float32)

        zrows = 640

        @pl.loop(0, zrows // 40)
        def _(k):
            pltpu.sync_copy(zbuf,
                            destbuf.at[pl.ds(tid * zrows + k * 40, 40)])

        pltpu.sync_copy(gix.at[pl.ds(base_e, ept)], gall)
        pltpu.sync_copy(d32.at[pl.ds(base_e, ept)], dall)
        plsc.subcore_barrier()

        def fill(slotg, slots, b):
            @pl.loop(0, BE // 16)
            def _(i):
                s = pl.ds(i * 16, 16)
                t = pl.ds(b * BE + i * 16, 16)
                slotg[s] = gall[t]
                slots[s] = dall[t]

        fill(gidx0, sidx0, 0)
        pltpu.async_copy(table.at[gidx0], rows0, sem0)

        @pl.loop(0, (nb - 1) // 2)
        def _(p):
            fill(gidx1, sidx1, 2 * p + 1)
            pltpu.async_copy(table.at[gidx1], rows1, sem1)

            pltpu.make_async_copy(table.at[gidx0], rows0, sem0).wait()
            pltpu.sync_copy(rows0, destbuf.at[sidx0], add=True)

            fill(gidx0, sidx0, 2 * p + 2)
            pltpu.async_copy(table.at[gidx0], rows0, sem0)

            pltpu.make_async_copy(table.at[gidx1], rows1, sem1).wait()
            pltpu.sync_copy(rows1, destbuf.at[sidx1], add=True)

        pltpu.make_async_copy(table.at[gidx0], rows0, sem0).wait()
        pltpu.sync_copy(rows0, destbuf.at[sidx0], add=True)

        plsc.subcore_barrier()

        @pl.when(tid < 15)
        def _():
            pltpu.sync_copy(destbuf.at[pl.ds(tid * zrows, zrows)],
                            out.at[pl.ds(core * N + tid * zrows, zrows)])

        @pl.when(tid == 15)
        def _():
            pltpu.sync_copy(destbuf.at[pl.ds(15 * zrows, 400)],
                            out.at[pl.ds(core * N + 15 * zrows, 400)])

        plsc.subcore_barrier()

    mesh = plsc.VectorSubcoreMesh(core_axis_name="c", subcore_axis_name="s")

    def run(table, gix, d32):
        return pl.kernel(
            body,
            out_type=jax.ShapeDtypeStruct((NC * N, F_OUT), jnp.float32),
            mesh=mesh,
            scratch_types=[
                pltpu.VMEM((BE,), jnp.int32),
                pltpu.VMEM((BE,), jnp.int32),
                pltpu.VMEM((BE,), jnp.int32),
                pltpu.VMEM((BE,), jnp.int32),
                pltpu.VMEM((E // (NC * NS),), jnp.int32),
                pltpu.VMEM((E // (NC * NS),), jnp.int32),
                pltpu.VMEM((BE, F_OUT), jnp.float32),
                pltpu.VMEM((BE, F_OUT), jnp.float32),
                pltpu.VMEM((40, F_OUT), jnp.float32),
                pltpu.VMEM_SHARED((16 * 640, F_OUT), jnp.float32),
                pltpu.SemaphoreType.DMA,
                pltpu.SemaphoreType.DMA,
            ],
        )(table, gix, d32)

    return run


_sc_seg = _make_sc_seg()



PPT = P_PAD // (NC * NS)
B3 = 160
NB3 = PPT // B3


def _sc_dec_body(hAB, psrc, pdst, z, pall, qall, ia0, ib0, ia1, ib1,
                 u0, v0, u1, v1, sa0, sb0, sa1, sb1):
    core = lax.axis_index("c")
    tid = lax.axis_index("s")
    w = core * NS + tid
    base_p = w * PPT

    pltpu.sync_copy(psrc.at[pl.ds(base_p, PPT)], pall)
    pltpu.sync_copy(pdst.at[pl.ds(base_p, PPT)], qall)

    def fill(ia, ib, b):
        @pl.loop(0, B3 // 16)
        def _(i):
            s = pl.ds(i * 16, 16)
            t = pl.ds(b * B3 + i * 16, 16)
            ia[s] = pall[t]
            ib[s] = qall[t] + N

    def fire(ia, ib, u, v, sa, sb):
        pltpu.async_copy(hAB.at[ia], u, sa)
        pltpu.async_copy(hAB.at[ib], v, sb)

    def finish(ia, ib, u, v, sa, sb, b):
        pltpu.make_async_copy(hAB.at[ia], u, sa).wait()
        pltpu.make_async_copy(hAB.at[ib], v, sb).wait()

        @pl.loop(0, B3, unroll=4)
        def _(i):
            for j in range(F_OUT // 16):
                s = pl.ds(j * 16, 16)
                u[i, s] = jnp.maximum(u[i, s] + v[i, s], 0.0)

        pltpu.sync_copy(u, z.at[pl.ds(base_p + b * B3, B3)])

    fill(ia0, ib0, 0)
    fire(ia0, ib0, u0, v0, sa0, sb0)

    @pl.loop(0, NB3 // 2)
    def _(p):
        fill(ia1, ib1, 2 * p + 1)
        fire(ia1, ib1, u1, v1, sa1, sb1)
        finish(ia0, ib0, u0, v0, sa0, sb0, 2 * p)

        @pl.when(p < NB3 // 2 - 1)
        def _():
            fill(ia0, ib0, 2 * p + 2)
            fire(ia0, ib0, u0, v0, sa0, sb0)

        finish(ia1, ib1, u1, v1, sa1, sb1, 2 * p + 1)


def _sc_dec(hAB, psrc, pdst):
    mesh = plsc.VectorSubcoreMesh(core_axis_name="c", subcore_axis_name="s")
    return pl.kernel(
        _sc_dec_body,
        out_type=jax.ShapeDtypeStruct((P_PAD, F_OUT), jnp.float32),
        mesh=mesh,
        scratch_types=[
            pltpu.VMEM((PPT,), jnp.int32),
            pltpu.VMEM((PPT,), jnp.int32),
            pltpu.VMEM((B3,), jnp.int32),
            pltpu.VMEM((B3,), jnp.int32),
            pltpu.VMEM((B3,), jnp.int32),
            pltpu.VMEM((B3,), jnp.int32),
            pltpu.VMEM((B3, F_OUT), jnp.float32),
            pltpu.VMEM((B3, F_OUT), jnp.float32),
            pltpu.VMEM((B3, F_OUT), jnp.float32),
            pltpu.VMEM((B3, F_OUT), jnp.float32),
            pltpu.SemaphoreType.DMA,
            pltpu.SemaphoreType.DMA,
            pltpu.SemaphoreType.DMA,
            pltpu.SemaphoreType.DMA,
        ],
    )(hAB, psrc, pdst)



NBLK = 1000
NNB = N // NBLK


def _tc_eidx_body(ei_blk, et_blk, gix_blk, d_blk):
    gix_blk[...] = et_blk[...] * N + ei_blk[0] + N
    d_blk[...] = ei_blk[1]


def _tc_eidx(edge_index2, edge_type2):
    eb = 2500
    return pl.pallas_call(
        _tc_eidx_body,
        grid=(E // (eb * 128),),
        in_specs=[
            pl.BlockSpec((2, eb, 128), lambda i: (0, i, 0)),
            pl.BlockSpec((eb, 128), lambda i: (i, 0)),
        ],
        out_specs=[
            pl.BlockSpec((eb, 128), lambda i: (i, 0)),
            pl.BlockSpec((eb, 128), lambda i: (i, 0)),
        ],
        out_shape=[
            jax.ShapeDtypeStruct((E // 128, 128), jnp.int32),
            jax.ShapeDtypeStruct((E // 128, 128), jnp.int32),
        ],
    )(edge_index2, edge_type2)


def _tc_transform_body(h_blk, w_blk, b_blk, out_blk):
    r = pl.program_id(1)
    y = jnp.dot(h_blk[...], w_blk[0], preferred_element_type=jnp.float32)
    out_blk[...] = jnp.where(r == 0, y + b_blk[...], y)


def _tc_transform(h, Wall, bias):
    in_dim = h.shape[1]
    return pl.pallas_call(
        _tc_transform_body,
        grid=(NNB, R + 1),
        in_specs=[
            pl.BlockSpec((NBLK, in_dim), lambda nb, r: (nb, 0)),
            pl.BlockSpec((1, in_dim, 128), lambda nb, r: (r, 0, 0)),
            pl.BlockSpec((1, 128), lambda nb, r: (0, 0)),
        ],
        out_specs=pl.BlockSpec((NBLK, 128), lambda nb, r: (r * NNB + nb, 0)),
        out_shape=jax.ShapeDtypeStruct(((R + 1) * N, 128), jnp.float32),
    )(h, Wall, bias)


def _tc_h1l2_body(lo_blk, hi_blk, pa0, pa1, pb0, pb1, w_blk, b2_blk,
                  out_blk, h1s):
    r = pl.program_id(1)

    @pl.when(r == 0)
    def _():
        h1s[:, 0:128] = jnp.maximum(lo_blk[...] + pa0[...] + pa1[...], 0.0)
        h1s[:, 128:HID] = jnp.maximum(hi_blk[...] + pb0[...] + pb1[...], 0.0)

    y = jnp.dot(h1s[...], w_blk[0], preferred_element_type=jnp.float32)
    out_blk[...] = jnp.where(r == 0, y + b2_blk[...], y)


def _tc_h1l2(y1lo, y1hi, partsA, partsB, W2all, b2):
    blk = lambda f: pl.BlockSpec((NBLK, 128), f)
    return pl.pallas_call(
        _tc_h1l2_body,
        grid=(NNB, R + 1),
        in_specs=[
            blk(lambda nb, r: (nb, 0)),
            blk(lambda nb, r: (nb, 0)),
            blk(lambda nb, r: (nb, 0)),
            blk(lambda nb, r: (NNB + nb, 0)),
            blk(lambda nb, r: (nb, 0)),
            blk(lambda nb, r: (NNB + nb, 0)),
            pl.BlockSpec((1, HID, F_OUT), lambda nb, r: (r, 0, 0)),
            pl.BlockSpec((1, F_OUT), lambda nb, r: (0, 0)),
        ],
        out_specs=pl.BlockSpec((NBLK, F_OUT), lambda nb, r: (r * NNB + nb, 0)),
        out_shape=jax.ShapeDtypeStruct(((R + 1) * N, F_OUT), jnp.float32),
        scratch_shapes=[pltpu.VMEM((NBLK, HID), jnp.float32)],
    )(y1lo, y1hi, partsA, partsA, partsB, partsB, W2all, b2)


def _tc_dec_prep_body(root_blk, p0_blk, p1_blk, w_blk, b_blk, out_blk):
    g = pl.program_id(0)
    h2 = root_blk[...] + p0_blk[...] + p1_blk[...]
    y = jnp.dot(h2, w_blk[...], preferred_element_type=jnp.float32)
    out_blk[...] = jnp.where(g == 0, y + b_blk[...], y)


def _tc_dec_prep(y2all, parts, dec_w1, dec_b1):
    return pl.pallas_call(
        _tc_dec_prep_body,
        grid=(2, NNB),
        in_specs=[
            pl.BlockSpec((NBLK, F_OUT), lambda g, nb: (nb, 0)),
            pl.BlockSpec((NBLK, F_OUT), lambda g, nb: (nb, 0)),
            pl.BlockSpec((NBLK, F_OUT), lambda g, nb: (NNB + nb, 0)),
            pl.BlockSpec((F_OUT, F_OUT), lambda g, nb: (g, 0)),
            pl.BlockSpec((1, F_OUT), lambda g, nb: (0, 0)),
        ],
        out_specs=pl.BlockSpec((NBLK, F_OUT), lambda g, nb: (g * NNB + nb, 0)),
        out_shape=jax.ShapeDtypeStruct((2 * N, F_OUT), jnp.float32),
    )(y2all, parts, parts, dec_w1, dec_b1)


ZBLK = 1600


def _tc_out_body(z_blk, w_blk, b_blk, out_blk):
    out_blk[...] = (
        jnp.dot(z_blk[...], w_blk[...], preferred_element_type=jnp.float32)
        + b_blk[...]
    )


def _tc_out(z, dec_w2, dec_b2):
    return pl.pallas_call(
        _tc_out_body,
        grid=(P_PAD // ZBLK,),
        in_specs=[
            pl.BlockSpec((ZBLK, F_OUT), lambda i: (i, 0)),
            pl.BlockSpec((F_OUT, NCLS), lambda i: (0, 0)),
            pl.BlockSpec((1, NCLS), lambda i: (0, 0)),
        ],
        out_specs=pl.BlockSpec((ZBLK, NCLS), lambda i: (i, 0)),
        out_shape=jax.ShapeDtypeStruct((P_PAD, NCLS), jnp.float32),
    )(z, dec_w2, dec_b2)



@jax.jit
def _run(x, edge_index, edge_type, pairs, W1, root1, b1, W2, root2, b2,
         dec_w1, dec_b1, dec_w2, dec_b2):
    ei2 = jnp.asarray(edge_index, jnp.int32).reshape(2, E // 128, 128)
    et2 = jnp.asarray(edge_type, jnp.int32).reshape(E // 128, 128)
    gix2, d2 = _tc_eidx(ei2, et2)
    gix = gix2.reshape(E)
    d32 = d2.reshape(E)
    pairs32 = jnp.asarray(pairs, jnp.int32)
    pairs_p = jnp.concatenate(
        [pairs32, jnp.zeros((P_PAD - P, 2), jnp.int32)], axis=0)
    psrc = pairs_p[:, 0]
    pdst = pairs_p[:, 1]

    root1r = root1.reshape(1, F_IN, HID)
    W1lo = jnp.concatenate([root1r[:, :, :128], W1[:, :, :128]], axis=0)
    W1hi = jnp.concatenate([root1r[:, :, 128:], W1[:, :, 128:]], axis=0)
    y1lo = _tc_transform(x, W1lo, b1[:128].reshape(1, 128))
    y1hi = _tc_transform(x, W1hi, b1[128:].reshape(1, 128))
    partsA = _sc_seg(y1lo, gix, d32)
    y1hi2, _ = lax.optimization_barrier((y1hi, partsA))
    partsB = _sc_seg(y1hi2, gix, d32)
    W2all = jnp.concatenate([root2.reshape(1, HID, F_OUT), W2], axis=0)
    y2all = _tc_h1l2(y1lo, y1hi2, partsA, partsB, W2all, b2.reshape(1, F_OUT))
    parts2 = _sc_seg(y2all, gix, d32)

    hAB = _tc_dec_prep(y2all, parts2, dec_w1, dec_b1.reshape(1, F_OUT))
    z = _sc_dec(hAB, psrc, pdst)
    logits = _tc_out(z, dec_w2, dec_b2.reshape(1, NCLS))
    return logits[:P]


def kernel(x, edge_index, edge_type, pairs, W1, root1, b1, W2, root2, b2,
           dec_w1, dec_b1, dec_w2, dec_b2):
    return _run(x, edge_index, edge_type, pairs, W1, root1, b1, W2, root2, b2,
                dec_w1, dec_b1, dec_w2, dec_b2)

# --- scband reference (transcript-rebuilt; emitter-appended) ---
"""Pipeline reference for scband-rgcnmodel-14276471292252 (READ-ONLY COPY).

The authoritative reference and input builder live on the scoring server;
editing this copy changes nothing except your own understanding.
"""

import jax, jax.numpy as jnp
import numpy as np

N_NODES = 10000
N_EDGES = 320000
IN_FEATS = 128
HIDDEN = 256
OUT_FEATS = 128
NUM_REL = 8
NUM_CLASSES = 16
N_PAIRS = 100000


def setup_inputs(seed: int = 0) -> dict:
    key = jax.random.key(seed)
    ks = jax.random.split(key, 16)
    x = jax.random.normal(ks[0], (N_NODES, IN_FEATS), dtype=jnp.float32)
    edge_index = jax.random.randint(ks[1], (2, N_EDGES), 0, N_NODES, dtype=jnp.int64)
    edge_type = jax.random.randint(ks[2], (N_EDGES,), 0, NUM_REL, dtype=jnp.int64)
    pairs = jax.random.randint(ks[3], (N_PAIRS, 2), 0, N_NODES, dtype=jnp.int64)
    s1 = 1.0 / np.sqrt(IN_FEATS)
    s2 = 1.0 / np.sqrt(HIDDEN)
    s3 = 1.0 / np.sqrt(2 * OUT_FEATS)
    s4 = 1.0 / np.sqrt(OUT_FEATS)
    W1 = jax.random.uniform(ks[4], (NUM_REL, IN_FEATS, HIDDEN), jnp.float32, -s1, s1)
    root1 = jax.random.uniform(ks[5], (IN_FEATS, HIDDEN), jnp.float32, -s1, s1)
    b1 = jnp.zeros((HIDDEN,), jnp.float32)
    W2 = jax.random.uniform(ks[6], (NUM_REL, HIDDEN, OUT_FEATS), jnp.float32, -s2, s2)
    root2 = jax.random.uniform(ks[7], (HIDDEN, OUT_FEATS), jnp.float32, -s2, s2)
    b2 = jnp.zeros((OUT_FEATS,), jnp.float32)
    dec_w1 = jax.random.uniform(ks[8], (2 * OUT_FEATS, OUT_FEATS), jnp.float32, -s3, s3)
    dec_b1 = jax.random.uniform(ks[9], (OUT_FEATS,), jnp.float32, -s3, s3)
    dec_w2 = jax.random.uniform(ks[10], (OUT_FEATS, NUM_CLASSES), jnp.float32, -s4, s4)
    dec_b2 = jax.random.uniform(ks[11], (NUM_CLASSES,), jnp.float32, -s4, s4)
    return {"x": x, "edge_index": edge_index, "edge_type": edge_type, "pairs": pairs,
            "W1": W1, "root1": root1, "b1": b1, "W2": W2, "root2": root2, "b2": b2,
            "dec_w1": dec_w1, "dec_b1": dec_b1, "dec_w2": dec_w2, "dec_b2": dec_b2}


def _rgcn_conv(x, edge_index, edge_type, W, root, b):
    src = edge_index[0]
    dst = edge_index[1]
    n = x.shape[0]
    out = x @ root + b
    for r in range(NUM_REL):
        xr = x @ W[r]
        mask = (edge_type == r).astype(x.dtype)
        msg = jnp.take(xr, src, axis=0) * mask[:, None]
        out = out + jax.ops.segment_sum(msg, dst, num_segments=n)
    return out


def reference(x, edge_index, edge_type, pairs, W1, root1, b1, W2, root2, b2, dec_w1, dec_b1, dec_w2, dec_b2):
    h = jax.nn.relu(_rgcn_conv(x, edge_index, edge_type, W1, root1, b1))
    h = _rgcn_conv(h, edge_index, edge_type, W2, root2, b2)
    src = pairs[:, 0]
    dst = pairs[:, 1]
    edge_feats = jnp.concatenate([jnp.take(h, src, axis=0), jnp.take(h, dst, axis=0)], axis=1)
    z = jax.nn.relu(edge_feats @ dec_w1 + dec_b1)
    # dropout is identity in eval mode
    logits = z @ dec_w2 + dec_b2
    return logits

if __name__ == "__main__":
    import jax
    _d = setup_inputs()
    print(jax.jit(kernel)(*tuple(_d.values())))

</pallas_src>

<mosaic_0001>
#map = affine_map<(d0, d1) -> (0, 0)>
#map1 = affine_map<(d0, d1) -> (0)>
module attributes {stable_mosaic.version = 14 : i64} {
  func.func @_sc_dec_body(%arg0: i32, %arg1: i32, %arg2: memref<20000x128xf32, #tpu.memory_space<hbm>>, %arg3: memref<102400xi32, #tpu.memory_space<hbm>>, %arg4: memref<102400xi32, #tpu.memory_space<hbm>>, %arg5: memref<102400x128xf32, #tpu.memory_space<hbm>>, %arg6: memref<3200xi32, #tpu.memory_space<vmem>>, %arg7: memref<3200xi32, #tpu.memory_space<vmem>>, %arg8: memref<160xi32, #tpu.memory_space<vmem>>, %arg9: memref<160xi32, #tpu.memory_space<vmem>>, %arg10: memref<160xi32, #tpu.memory_space<vmem>>, %arg11: memref<160xi32, #tpu.memory_space<vmem>>, %arg12: memref<160x128xf32, #tpu.memory_space<vmem>>, %arg13: memref<160x128xf32, #tpu.memory_space<vmem>>, %arg14: memref<160x128xf32, #tpu.memory_space<vmem>>, %arg15: memref<160x128xf32, #tpu.memory_space<vmem>>, %arg16: memref<!tpu.dma_semaphore, #tpu.memory_space<semaphore_mem>>, %arg17: memref<!tpu.dma_semaphore, #tpu.memory_space<semaphore_mem>>, %arg18: memref<!tpu.dma_semaphore, #tpu.memory_space<semaphore_mem>>, %arg19: memref<!tpu.dma_semaphore, #tpu.memory_space<semaphore_mem>>) attributes {dimension_semantics = [#tpu.dimension_semantics<core_parallel>, #tpu.dimension_semantics<subcore_parallel>], iteration_bounds = array<i64: 2, 16>, scalar_prefetch = 0 : i64, scratch_operands = 14 : i64, tpu.core_type = #tpu.core_type<sc_vector_subcore>, window_params = [{transform_indices = #map}, {transform_indices = #map1}, {transform_indices = #map1}, {transform_indices = #map}]} {
    %mul3A = arith.constant 16 : i32
    %mul3A_0 = arith.muli %arg0, %mul3A : i32
    %add3A = arith.addi %mul3A_0, %arg1 : i32
    %mul3A_1 = arith.constant 3200 : i32
    %mul3A_2 = arith.muli %add3A, %mul3A_1 : i32
    "tpu.region"() ({
      %run_scoped3A = tpu.sem_alloc : memref<!tpu.dma_semaphore, #tpu.memory_space<semaphore_mem>>
      %dma_start3A_17 = tpu.memref_slice %arg3[%mul3A_2] : memref<102400xi32, #tpu.memory_space<hbm>> -> memref<3200xi32, #tpu.memory_space<hbm>>
      %dma_start3A_18 = tpu.memref_slice %arg3[%mul3A_2] : memref<102400xi32, #tpu.memory_space<hbm>> -> memref<3200xi32, #tpu.memory_space<hbm>>
      tpu.enqueue_dma source(%dma_start3A_18 : memref<3200xi32, #tpu.memory_space<hbm>>) target(%arg6 : memref<3200xi32, #tpu.memory_space<vmem>>) target_semaphore(%run_scoped3A : memref<!tpu.dma_semaphore, #tpu.memory_space<semaphore_mem>>)
      %dma_wait3A = tpu.memref_slice %arg3[%mul3A_2] : memref<102400xi32, #tpu.memory_space<hbm>> -> memref<3200xi32, #tpu.memory_space<hbm>>
      %dma_wait3A_19 = tpu.memref_slice %arg3[%mul3A_2] : memref<102400xi32, #tpu.memory_space<hbm>> -> memref<3200xi32, #tpu.memory_space<hbm>>
      tpu.wait_dma2 semaphore(%run_scoped3A : memref<!tpu.dma_semaphore, #tpu.memory_space<semaphore_mem>>) src(%dma_wait3A_19 : memref<3200xi32, #tpu.memory_space<hbm>>) dst(%arg6 : memref<3200xi32, #tpu.memory_space<vmem>>)
      tpu.yield
    }) : () -> ()
    "tpu.region"() ({
      %run_scoped3A = tpu.sem_alloc : memref<!tpu.dma_semaphore, #tpu.memory_space<semaphore_mem>>
      %dma_start3A_17 = tpu.memref_slice %arg4[%mul3A_2] : memref<102400xi32, #tpu.memory_space<hbm>> -> memref<3200xi32, #tpu.memory_space<hbm>>
      %dma_start3A_18 = tpu.memref_slice %arg4[%mul3A_2] : memref<102400xi32, #tpu.memory_space<hbm>> -> memref<3200xi32, #tpu.memory_space<hbm>>
      tpu.enqueue_dma source(%dma_start3A_18 : memref<3200xi32, #tpu.memory_space<hbm>>) target(%arg7 : memref<3200xi32, #tpu.memory_space<vmem>>) target_semaphore(%run_scoped3A : memref<!tpu.dma_semaphore, #tpu.memory_space<semaphore_mem>>)
      %dma_wait3A = tpu.memref_slice %arg4[%mul3A_2] : memref<102400xi32, #tpu.memory_space<hbm>> -> memref<3200xi32, #tpu.memory_space<hbm>>
      %dma_wait3A_19 = tpu.memref_slice %arg4[%mul3A_2] : memref<102400xi32, #tpu.memory_space<hbm>> -> memref<3200xi32, #tpu.memory_space<hbm>>
      tpu.wait_dma2 semaphore(%run_scoped3A : memref<!tpu.dma_semaphore, #tpu.memory_space<semaphore_mem>>) src(%dma_wait3A_19 : memref<3200xi32, #tpu.memory_space<hbm>>) dst(%arg7 : memref<3200xi32, #tpu.memory_space<vmem>>)
      tpu.yield
    }) : () -> ()
    %scan3A = arith.constant 0 : i32
    %scan3A_3 = arith.constant 10 : i32
    %scan3A_4 = arith.addi %scan3A, %scan3A_3 : i32
    %scan3A_5 = arith.constant 1 : i32
    scf.for %scan3A_17 = %scan3A to %scan3A_4 step %scan3A_5  : i32 {
      %mul3A_18 = arith.constant 1 : i32
      %mul3A_19 = arith.muli %scan3A_17, %mul3A_18 : i32
      %add3A_20 = arith.constant 0 : i32
      %add3A_21 = arith.addi %add3A_20, %mul3A_19 : i32
      %mul3A_22 = arith.constant 16 : i32
      %mul3A_23 = arith.muli %add3A_21, %mul3A_22 : i32
      %mul3A_24 = arith.constant 16 : i32
      %mul3A_25 = arith.muli %add3A_21, %mul3A_24 : i32
      %add3A_26 = arith.constant 0 : i32
      %add3A_27 = arith.addi %add3A_26, %mul3A_25 : i32
      %get3A = arith.index_cast %add3A_27 : i32 to index
      %get3A_28 = tpu.vector_load %arg6[%get3A] {strides = array<i32>} : memref<3200xi32, #tpu.memory_space<vmem>>, vector<16xi32>,
      %get3A_29 = vector.shape_cast %get3A_28 : vector<16xi32> to vector<16xi32>
      %swap3A = arith.index_cast %mul3A_23 : i32 to index
      %swap3A_30 = tpu.vector_load %arg8[%swap3A] {strides = array<i32>} : memref<160xi32, #tpu.memory_space<vmem>>, vector<16xi32>,
      %swap3A_31 = vector.shape_cast %swap3A_30 : vector<16xi32> to vector<16xi32>
      %swap3A_32 = vector.shape_cast %get3A_29 : vector<16xi32> to vector<16xi32>
      tpu.vector_store %arg8[%swap3A], %swap3A_32 {strides = array<i32>} : memref<160xi32, #tpu.memory_space<vmem>>, vector<16xi32>,
      %get3A_33 = arith.index_cast %add3A_27 : i32 to index
      %get3A_34 = tpu.vector_load %arg7[%get3A_33] {strides = array<i32>} : memref<3200xi32, #tpu.memory_space<vmem>>, vector<16xi32>,
      %get3A_35 = vector.shape_cast %get3A_34 : vector<16xi32> to vector<16xi32>
      %add3A_36 = arith.constant 10000 : i32
      %add3A_37 = vector.broadcast %add3A_36 : i32 to vector<16xi32>
      %add3A_38 = arith.addi %get3A_35, %add3A_37 : vector<16xi32>
      %swap3A_39 = arith.index_cast %mul3A_23 : i32 to index
      %swap3A_40 = tpu.vector_load %arg9[%swap3A_39] {strides = array<i32>} : memref<160xi32, #tpu.memory_space<vmem>>, vector<16xi32>,
      %swap3A_41 = vector.shape_cast %swap3A_40 : vector<16xi32> to vector<16xi32>
      %swap3A_42 = vector.shape_cast %add3A_38 : vector<16xi32> to vector<16xi32>
      tpu.vector_store %arg9[%swap3A_39], %swap3A_42 {strides = array<i32>} : memref<160xi32, #tpu.memory_space<vmem>>, vector<16xi32>,
    }
    %scan3A_6 = arith.constant 10 : i32
    %dma_start3A = arith.constant 0 : i32
    %dma_start3A_7 = arith.constant 0 : i32
    %dma_start3A_8 = tpu.memref_slice %arg2[%dma_start3A, %dma_start3A_7] : memref<20000x128xf32, #tpu.memory_space<hbm>> -> memref<20000x128xf32, #tpu.memory_space<hbm>>
    tpu.enqueue_indirect_dma source(%dma_start3A_8 : memref<20000x128xf32, #tpu.memory_space<hbm>>) target(%arg12 : memref<160x128xf32, #tpu.memory_space<vmem>>) offsets(%arg8 : memref<160xi32, #tpu.memory_space<vmem>>) semaphore(%arg16 : memref<!tpu.dma_semaphore, #tpu.memory_space<semaphore_mem>>)
    %dma_start3A_9 = arith.constant 0 : i32
    %dma_start3A_10 = arith.constant 0 : i32
    %dma_start3A_11 = tpu.memref_slice %arg2[%dma_start3A_9, %dma_start3A_10] : memref<20000x128xf32, #tpu.memory_space<hbm>> -> memref<20000x128xf32, #tpu.memory_space<hbm>>
    tpu.enqueue_indirect_dma source(%dma_start3A_11 : memref<20000x128xf32, #tpu.memory_space<hbm>>) target(%arg13 : memref<160x128xf32, #tpu.memory_space<vmem>>) offsets(%arg9 : memref<160xi32, #tpu.memory_space<vmem>>) semaphore(%arg17 : memref<!tpu.dma_semaphore, #tpu.memory_space<semaphore_mem>>)
    %scan3A_12 = arith.constant 0 : i32
    %scan3A_13 = arith.constant 10 : i32
    %scan3A_14 = arith.addi %scan3A_12, %scan3A_13 : i32
    %scan3A_15 = arith.constant 1 : i32
    scf.for %scan3A_17 = %scan3A_12 to %scan3A_14 step %scan3A_15  : i32 {
      %mul3A_18 = arith.constant 1 : i32
      %mul3A_19 = arith.muli %scan3A_17, %mul3A_18 : i32
      %add3A_20 = arith.constant 0 : i32
      %add3A_21 = arith.addi %add3A_20, %mul3A_19 : i32
      %mul3A_22 = arith.constant 2 : i32
      %mul3A_23 = arith.muli %mul3A_22, %add3A_21 : i32
      %add3A_24 = arith.constant 1 : i32
      %add3A_25 = arith.addi %mul3A_23, %add3A_24 : i32
      %scan3A_26 = arith.constant 0 : i32
      %scan3A_27 = arith.constant 10 : i32
      %scan3A_28 = arith.addi %scan3A_26, %scan3A_27 : i32
      %scan3A_29 = arith.constant 1 : i32
      scf.for %scan3A_72 = %scan3A_26 to %scan3A_28 step %scan3A_29  : i32 {
        %mul3A_73 = arith.constant 1 : i32
        %mul3A_74 = arith.muli %scan3A_72, %mul3A_73 : i32
        %add3A_75 = arith.constant 0 : i32
        %add3A_76 = arith.addi %add3A_75, %mul3A_74 : i32
        %mul3A_77 = arith.constant 16 : i32
        %mul3A_78 = arith.muli %add3A_76, %mul3A_77 : i32
        %mul3A_79 = arith.constant 160 : i32
        %mul3A_80 = arith.muli %add3A_25, %mul3A_79 : i32
        %mul3A_81 = arith.constant 16 : i32
        %mul3A_82 = arith.muli %add3A_76, %mul3A_81 : i32
        %add3A_83 = arith.addi %mul3A_80, %mul3A_82 : i32
        %get3A = arith.index_cast %add3A_83 : i32 to index
        %get3A_84 = tpu.vector_load %arg6[%get3A] {strides = array<i32>} : memref<3200xi32, #tpu.memory_space<vmem>>, vector<16xi32>,
        %get3A_85 = vector.shape_cast %get3A_84 : vector<16xi32> to vector<16xi32>
        %swap3A = arith.index_cast %mul3A_78 : i32 to index
        %swap3A_86 = tpu.vector_load %arg10[%swap3A] {strides = array<i32>} : memref<160xi32, #tpu.memory_space<vmem>>, vector<16xi32>,
        %swap3A_87 = vector.shape_cast %swap3A_86 : vector<16xi32> to vector<16xi32>
        %swap3A_88 = vector.shape_cast %get3A_85 : vector<16xi32> to vector<16xi32>
        tpu.vector_store %arg10[%swap3A], %swap3A_88 {strides = array<i32>} : memref<160xi32, #tpu.memory_space<vmem>>, vector<16xi32>,
        %get3A_89 = arith.index_cast %add3A_83 : i32 to index
        %get3A_90 = tpu.vector_load %arg7[%get3A_89] {strides = array<i32>} : memref<3200xi32, #tpu.memory_space<vmem>>, vector<16xi32>,
        %get3A_91 = vector.shape_cast %get3A_90 : vector<16xi32> to vector<16xi32>
        %add3A_92 = arith.constant 10000 : i32
        %add3A_93 = vector.broadcast %add3A_92 : i32 to vector<16xi32>
        %add3A_94 = arith.addi %get3A_91, %add3A_93 : vector<16xi32>
        %swap3A_95 = arith.index_cast %mul3A_78 : i32 to index
        %swap3A_96 = tpu.vector_load %arg11[%swap3A_95] {strides = array<i32>} : memref<160xi32, #tpu.memory_space<vmem>>, vector<16xi32>,
        %swap3A_97 = vector.shape_cast %swap3A_96 : vector<16xi32> to vector<16xi32>
        %swap3A_98 = vector.shape_cast %add3A_94 : vector<16xi32> to vector<16xi32>
        tpu.vector_store %arg11[%swap3A_95], %swap3A_98 {strides = array<i32>} : memref<160xi32, #tpu.memory_space<vmem>>, vector<16xi32>,
      }
      %scan3A_30 = arith.constant 10 : i32
      %dma_start3A_31 = arith.constant 0 : i32
      %dma_start3A_32 = arith.constant 0 : i32
      %dma_start3A_33 = tpu.memref_slice %arg2[%dma_start3A_31, %dma_start3A_32] : memref<20000x128xf32, #tpu.memory_space<hbm>> -> memref<20000x128xf32, #tpu.memory_space<hbm>>
      tpu.enqueue_indirect_dma source(%dma_start3A_33 : memref<20000x128xf32, #tpu.memory_space<hbm>>) target(%arg14 : memref<160x128xf32, #tpu.memory_space<vmem>>) offsets(%arg10 : memref<160xi32, #tpu.memory_space<vmem>>) semaphore(%arg18 : memref<!tpu.dma_semaphore, #tpu.memory_space<semaphore_mem>>)
      %dma_start3A_34 = arith.constant 0 : i32
      %dma_start3A_35 = arith.constant 0 : i32
      %dma_start3A_36 = tpu.memref_slice %arg2[%dma_start3A_34, %dma_start3A_35] : memref<20000x128xf32, #tpu.memory_space<hbm>> -> memref<20000x128xf32, #tpu.memory_space<hbm>>
      tpu.enqueue_indirect_dma source(%dma_start3A_36 : memref<20000x128xf32, #tpu.memory_space<hbm>>) target(%arg15 : memref<160x128xf32, #tpu.memory_space<vmem>>) offsets(%arg11 : memref<160xi32, #tpu.memory_space<vmem>>) semaphore(%arg19 : memref<!tpu.dma_semaphore, #tpu.memory_space<semaphore_mem>>)
      %mul3A_37 = arith.constant 2 : i32
      %mul3A_38 = arith.muli %mul3A_37, %add3A_21 : i32
      %dma_wait3A = arith.constant 0 : i32
      %dma_wait3A_39 = arith.constant 0 : i32
      %dma_wait3A_40 = tpu.memref_slice %arg2[%dma_wait3A, %dma_wait3A_39] : memref<20000x128xf32, #tpu.memory_space<hbm>> -> memref<20000x128xf32, #tpu.memory_space<hbm>>
      tpu.wait_indirect_dma semaphore(%arg16 : memref<!tpu.dma_semaphore, #tpu.memory_space<semaphore_mem>>) src(%dma_wait3A_40 : memref<20000x128xf32, #tpu.memory_space<hbm>>) dst(%arg12 : memref<160x128xf32, #tpu.memory_space<vmem>>)
      %dma_wait3A_41 = arith.constant 0 : i32
      %dma_wait3A_42 = arith.constant 0 : i32
      %dma_wait3A_43 = tpu.memref_slice %arg2[%dma_wait3A_41, %dma_wait3A_42] : memref<20000x128xf32, #tpu.memory_space<hbm>> -> memref<20000x128xf32, #tpu.memory_space<hbm>>
      tpu.wait_indirect_dma semaphore(%arg17 : memref<!tpu.dma_semaphore, #tpu.memory_space<semaphore_mem>>) src(%dma_wait3A_43 : memref<20000x128xf32, #tpu.memory_space<hbm>>) dst(%arg13 : memref<160x128xf32, #tpu.memory_space<vmem>>)
      %scan3A_44 = arith.constant 0 : i32
      %scan3A_45 = arith.constant 160 : i32
      %scan3A_46 = arith.addi %scan3A_44, %scan3A_45 : i32
      %scan3A_47 = arith.constant 4 : i32
      scf.for %scan3A_72 = %scan3A_44 to %scan3A_46 step %scan3A_47  : i32 {
        %mul3A_73 = arith.constant 1 : i32
        %mul3A_74 = arith.muli %scan3A_72, %mul3A_73 : i32
        %add3A_75 = arith.constant 0 : i32
        %add3A_76 = arith.addi %add3A_75, %mul3A_74 : i32
        %get3A = arith.index_cast %add3A_76 : i32 to index
        %get3A_77 = arith.constant 0 : index
        %get3A_78 = tpu.vector_load %arg12[%get3A, %get3A_77] {strides = array<i32>} : memref<160x128xf32, #tpu.memory_space<vmem>>, vector<1x16xf32>,
        %get3A_79 = vector.shape_cast %get3A_78 : vector<1x16xf32> to vector<16xf32>
        %get3A_80 = arith.index_cast %add3A_76 : i32 to index
        %get3A_81 = arith.constant 0 : index
        %get3A_82 = tpu.vector_load %arg13[%get3A_80, %get3A_81] {strides = array<i32>} : memref<160x128xf32, #tpu.memory_space<vmem>>, vector<1x16xf32>,
        %get3A_83 = vector.shape_cast %get3A_82 : vector<1x16xf32> to vector<16xf32>
        %add3A_84 = arith.addf %get3A_79, %get3A_83 : vector<16xf32>
        %max3A = arith.constant 0.000000e+00 : f32
        %max3A_85 = vector.broadcast %max3A : f32 to vector<16xf32>
        %max3A_86 = arith.maximumf %add3A_84, %max3A_85 : vector<16xf32>
        %swap3A = arith.index_cast %add3A_76 : i32 to index
        %swap3A_87 = arith.constant 0 : index
        %swap3A_88 = tpu.vector_load %arg12[%swap3A, %swap3A_87] {strides = array<i32>} : memref<160x128xf32, #tpu.memory_space<vmem>>, vector<1x16xf32>,
        %swap3A_89 = vector.shape_cast %swap3A_88 : vector<1x16xf32> to vector<16xf32>
        %swap3A_90 = vector.shape_cast %max3A_86 : vector<16xf32> to vector<1x16xf32>
        tpu.vector_store %arg12[%swap3A, %swap3A_87], %swap3A_90 {strides = array<i32>} : memref<160x128xf32, #tpu.memory_space<vmem>>, vector<1x16xf32>,
        %get3A_91 = arith.index_cast %add3A_76 : i32 to index
        %get3A_92 = arith.constant 16 : index
        %get3A_93 = tpu.vector_load %arg12[%get3A_91, %get3A_92] {strides = array<i32>} : memref<160x128xf32, #tpu.memory_space<vmem>>, vector<1x16xf32>,
        %get3A_94 = vector.shape_cast %get3A_93 : vector<1x16xf32> to vector<16xf32>
        %get3A_95 = arith.index_cast %add3A_76 : i32 to index
        %get3A_96 = arith.constant 16 : index
        %get3A_97 = tpu.vector_load %arg13[%get3A_95, %get3A_96] {strides = array<i32>} : memref<160x128xf32, #tpu.memory_space<vmem>>, vector<1x16xf32>,
        %get3A_98 = vector.shape_cast %get3A_97 : vector<1x16xf32> to vector<16xf32>
        %add3A_99 = arith.addf %get3A_94, %get3A_98 : vector<16xf32>
        %max3A_100 = arith.constant 0.000000e+00 : f32
        %max3A_101 = vector.broadcast %max3A_100 : f32 to vector<16xf32>
        %max3A_102 = arith.maximumf %add3A_99, %max3A_101 : vector<16xf32>
        %swap3A_103 = arith.index_cast %add3A_76 : i32 to index
        %swap3A_104 = arith.constant 16 : index
        %swap3A_105 = tpu.vector_load %arg12[%swap3A_103, %swap3A_104] {strides = array<i32>} : memref<160x128xf32, #tpu.memory_space<vmem>>, vector<1x16xf32>,
        %swap3A_106 = vector.shape_cast %swap3A_105 : vector<1x16xf32> to vector<16xf32>
        %swap3A_107 = vector.shape_cast %max3A_102 : vector<16xf32> to vector<1x16xf32>
        tpu.vector_store %arg12[%swap3A_103, %swap3A_104], %swap3A_107 {strides = array<i32>} : memref<160x128xf32, #tpu.memory_space<vmem>>, vector<1x16xf32>,
        %get3A_108 = arith.index_cast %add3A_76 : i32 to index
        %get3A_109 = arith.constant 32 : index
        %get3A_110 = tpu.vector_load %arg12[%get3A_108, %get3A_109] {strides = array<i32>} : memref<160x128xf32, #tpu.memory_space<vmem>>, vector<1x16xf32>,
        %get3A_111 = vector.shape_cast %get3A_110 : vector<1x16xf32> to vector<16xf32>
        %get3A_112 = arith.index_cast %add3A_76 : i32 to index
        %get3A_113 = arith.constant 32 : index
        %get3A_114 = tpu.vector_load %arg13[%get3A_112, %get3A_113] {strides = array<i32>} : memref<160x128xf32, #tpu.memory_space<vmem>>, vector<1x16xf32>,
        %get3A_115 = vector.shape_cast %get3A_114 : vector<1x16xf32> to vector<16xf32>
        %add3A_116 = arith.addf %get3A_111, %get3A_115 : vector<16xf32>
        %max3A_117 = arith.constant 0.000000e+00 : f32
        %max3A_118 = vector.broadcast %max3A_117 : f32 to vector<16xf32>
        %max3A_119 = arith.maximumf %add3A_116, %max3A_118 : vector<16xf32>
        %swap3A_120 = arith.index_cast %add3A_76 : i32 to index
        %swap3A_121 = arith.constant 32 : index
        %swap3A_122 = tpu.vector_load %arg12[%swap3A_120, %swap3A_121] {strides = array<i32>} : memref<160x128xf32, #tpu.memory_space<vmem>>, vector<1x16xf32>,
        %swap3A_123 = vector.shape_cast %swap3A_122 : vector<1x16xf32> to vector<16xf32>
        %swap3A_124 = vector.shape_cast %max3A_119 : vector<16xf32> to vector<1x16xf32>
        tpu.vector_store %arg12[%swap3A_120, %swap3A_121], %swap3A_124 {strides = array<i32>} : memref<160x128xf32, #tpu.memory_space<vmem>>, vector<1x16xf32>,
        %get3A_125 = arith.index_cast %add3A_76 : i32 to index
        %get3A_126 = arith.constant 48 : index
        %get3A_127 = tpu.vector_load %arg12[%get3A_125, %get3A_126] {strides = array<i32>} : memref<160x128xf32, #tpu.memory_space<vmem>>, vector<1x16xf32>,
        %get3A_128 = vector.shape_cast %get3A_127 : vector<1x16xf32> to vector<16xf32>
        %get3A_129 = arith.index_cast %add3A_76 : i32 to index
        %get3A_130 = arith.constant 48 : index
        %get3A_131 = tpu.vector_load %arg13[%get3A_129, %get3A_130] {strides = array<i32>} : memref<160x128xf32, #tpu.memory_space<vmem>>, vector<1x16xf32>,
        %get3A_132 = vector.shape_cast %get3A_131 : vector<1x16xf32> to vector<16xf32>
        %add3A_133 = arith.addf %get3A_128, %get3A_132 : vector<16xf32>
        %max3A_134 = arith.constant 0.000000e+00 : f32
        %max3A_135 = vector.broadcast %max3A_134 : f32 to vector<16xf32>
        %max3A_136 = arith.maximumf %add3A_133, %max3A_135 : vector<16xf32>
        %swap3A_137 = arith.index_cast %add3A_76 : i32 to index
        %swap3A_138 = arith.constant 48 : index
        %swap3A_139 = tpu.vector_load %arg12[%swap3A_137, %swap3A_138] {strides = array<i32>} : memref<160x128xf32, #tpu.memory_space<vmem>>, vector<1x16xf32>,
        %swap3A_140 = vector.shape_cast %swap3A_139 : vector<1x16xf32> to vector<16xf32>
        %swap3A_141 = vector.shape_cast %max3A_136 : vector<16xf32> to vector<1x16xf32>
        tpu.vector_store %arg12[%swap3A_137, %swap3A_138], %swap3A_141 {strides = array<i32>} : memref<160x128xf32, #tpu.memory_space<vmem>>, vector<1x16xf32>,
        %get3A_142 = arith.index_cast %add3A_76 : i32 to index
        %get3A_143 = arith.constant 64 : index
        %get3A_144 = tpu.vector_load %arg12[%get3A_142, %get3A_143] {strides = array<i32>} : memref<160x128xf32, #tpu.memory_space<vmem>>, vector<1x16xf32>,
        %get3A_145 = vector.shape_cast %get3A_144 : vector<1x16xf32> to vector<16xf32>
        %get3A_146 = arith.index_cast %add3A_76 : i32 to index
        %get3A_147 = arith.constant 64 : index
        %get3A_148 = tpu.vector_load %arg13[%get3A_146, %get3A_147] {strides = array<i32>} : memref<160x128xf32, #tpu.memory_space<vmem>>, vector<1x16xf32>,
        %get3A_149 = vector.shape_cast %get3A_148 : vector<1x16xf32> to vector<16xf32>
        %add3A_150 = arith.addf %get3A_145, %get3A_149 : vector<16xf32>
        %max3A_151 = arith.constant 0.000000e+00 : f32
        %max3A_152 = vector.broadcast %max3A_151 : f32 to vector<16xf32>
        %max3A_153 = arith.maximumf %add3A_150, %max3A_152 : vector<16xf32>
        %swap3A_154 = arith.index_cast %add3A_76 : i32 to index
        %swap3A_155 = arith.constant 64 : index
        %swap3A_156 = tpu.vector_load %arg12[%swap3A_154, %swap3A_155] {strides = array<i32>} : memref<160x128xf32, #tpu.memory_space<vmem>>, vector<1x16xf32>,
        %swap3A_157 = vector.shape_cast %swap3A_156 : vector<1x16xf32> to vector<16xf32>
        %swap3A_158 = vector.shape_cast %max3A_153 : vector<16xf32> to vector<1x16xf32>
        tpu.vector_store %arg12[%swap3A_154, %swap3A_155], %swap3A_158 {strides = array<i32>} : memref<160x128xf32, #tpu.memory_space<vmem>>, vector<1x16xf32>,
        %get3A_159 = arith.index_cast %add3A_76 : i32 to index
        %get3A_160 = arith.constant 80 : index
        %get3A_161 = tpu.vector_load %arg12[%get3A_159, %get3A_160] {strides = array<i32>} : memref<160x128xf32, #tpu.memory_space<vmem>>, vector<1x16xf32>,
        %get3A_162 = vector.shape_cast %get3A_161 : vector<1x16xf32> to vector<16xf32>
        %get3A_163 = arith.index_cast %add3A_76 : i32 to index
        %get3A_164 = arith.constant 80 : index
        %get3A_165 = tpu.vector_load %arg13[%get3A_163, %get3A_164] {strides = array<i32>} : memref<160x128xf32, #tpu.memory_space<vmem>>, vector<1x16xf32>,
        %get3A_166 = vector.shape_cast %get3A_165 : vector<1x16xf32> to vector<16xf32>
        %add3A_167 = arith.addf %get3A_162, %get3A_166 : vector<16xf32>
        %max3A_168 = arith.constant 0.000000e+00 : f32
        %max3A_169 = vector.broadcast %max3A_168 : f32 to vector<16xf32>
        %max3A_170 = arith.maximumf %add3A_167, %max3A_169 : vector<16xf32>
        %swap3A_171 = arith.index_cast %add3A_76 : i32 to index
        %swap3A_172 = arith.constant 80 : index
        %swap3A_173 = tpu.vector_load %arg12[%swap3A_171, %swap3A_172] {strides = array<i32>} : memref<160x128xf32, #tpu.memory_space<vmem>>, vector<1x16xf32>,
        %swap3A_174 = vector.shape_cast %swap3A_173 : vector<1x16xf32> to vector<16xf32>
        %swap3A_175 = vector.shape_cast %max3A_170 : vector<16xf32> to vector<1x16xf32>
        tpu.vector_store %arg12[%swap3A_171, %swap3A_172], %swap3A_175 {strides = array<i32>} : memref<160x128xf32, #tpu.memory_space<vmem>>, vector<1x16xf32>,
        %get3A_176 = arith.index_cast %add3A_76 : i32 to index
        %get3A_177 = arith.constant 96 : index
        %get3A_178 = tpu.vector_load %arg12[%get3A_176, %get3A_177] {strides = array<i32>} : memref<160x128xf32, #tpu.memory_space<vmem>>, vector<1x16xf32>,
        %get3A_179 = vector.shape_cast %get3A_178 : vector<1x16xf32> to vector<16xf32>
        %get3A_180 = arith.index_cast %add3A_76 : i32 to index
        %get3A_181 = arith.constant 96 : index
        %get3A_182 = tpu.vector_load %arg13[%get3A_180, %get3A_181] {strides = array<i32>} : memref<160x128xf32, #tpu.memory_space<vmem>>, vector<1x16xf32>,
        %get3A_183 = vector.shape_cast %get3A_182 : vector<1x16xf32> to vector<16xf32>
        %add3A_184 = arith.addf %get3A_179, %get3A_183 : vector<16xf32>
        %max3A_185 = arith.constant 0.000000e+00 : f32
        %max3A_186 = vector.broadcast %max3A_185 : f32 to vector<16xf32>
        %max3A_187 = arith.maximumf %add3A_184, %max3A_186 : vector<16xf32>
        %swap3A_188 = arith.index_cast %add3A_76 : i32 to index
        %swap3A_189 = arith.constant 96 : index
        %swap3A_190 = tpu.vector_load %arg12[%swap3A_188, %swap3A_189] {strides = array<i32>} : memref<160x128xf32, #tpu.memory_space<vmem>>, vector<1x16xf32>,
        %swap3A_191 = vector.shape_cast %swap3A_190 : vector<1x16xf32> to vector<16xf32>
        %swap3A_192 = vector.shape_cast %max3A_187 : vector<16xf32> to vector<1x16xf32>
        tpu.vector_store %arg12[%swap3A_188, %swap3A_189], %swap3A_192 {strides = array<i32>} : memref<160x128xf32, #tpu.memory_space<vmem>>, vector<1x16xf32>,
        %get3A_193 = arith.index_cast %add3A_76 : i32 to index
        %get3A_194 = arith.constant 112 : index
        %get3A_195 = tpu.vector_load %arg12[%get3A_193, %get3A_194] {strides = array<i32>} : memref<160x128xf32, #tpu.memory_space<vmem>>, vector<1x16xf32>,
        %get3A_196 = vector.shape_cast %get3A_195 : vector<1x16xf32> to vector<16xf32>
        %get3A_197 = arith.index_cast %add3A_76 : i32 to index
        %get3A_198 = arith.constant 112 : index
        %get3A_199 = tpu.vector_load %arg13[%get3A_197, %get3A_198] {strides = array<i32>} : memref<160x128xf32, #tpu.memory_space<vmem>>, vector<1x16xf32>,
        %get3A_200 = vector.shape_cast %get3A_199 : vector<1x16xf32> to vector<16xf32>
        %add3A_201 = arith.addf %get3A_196, %get3A_200 : vector<16xf32>
        %max3A_202 = arith.constant 0.000000e+00 : f32
        %max3A_203 = vector.broadcast %max3A_202 : f32 to vector<16xf32>
        %max3A_204 = arith.maximumf %add3A_201, %max3A_203 : vector<16xf32>
        %swap3A_205 = arith.index_cast %add3A_76 : i32 to index
        %swap3A_206 = arith.constant 112 : index
        %swap3A_207 = tpu.vector_load %arg12[%swap3A_205, %swap3A_206] {strides = array<i32>} : memref<160x128xf32, #tpu.memory_space<vmem>>, vector<1x16xf32>,
        %swap3A_208 = vector.shape_cast %swap3A_207 : vector<1x16xf32> to vector<16xf32>
        %swap3A_209 = vector.shape_cast %max3A_204 : vector<16xf32> to vector<1x16xf32>
        tpu.vector_store %arg12[%swap3A_205, %swap3A_206], %swap3A_209 {strides = array<i32>} : memref<160x128xf32, #tpu.memory_space<vmem>>, vector<1x16xf32>,
        %scan3A_210 = arith.constant 1 : i32
        %scan3A_211 = arith.addi %scan3A_72, %scan3A_210 : i32
        %mul3A_212 = arith.constant 1 : i32
        %mul3A_213 = arith.muli %scan3A_211, %mul3A_212 : i32
        %add3A_214 = arith.constant 0 : i32
        %add3A_215 = arith.addi %add3A_214, %mul3A_213 : i32
        %get3A_216 = arith.index_cast %add3A_215 : i32 to index
        %get3A_217 = arith.constant 0 : index
        %get3A_218 = tpu.vector_load %arg12[%get3A_216, %get3A_217] {strides = array<i32>} : memref<160x128xf32, #tpu.memory_space<vmem>>, vector<1x16xf32>,
        %get3A_219 = vector.shape_cast %get3A_218 : vector<1x16xf32> to vector<16xf32>
        %get3A_220 = arith.index_cast %add3A_215 : i32 to index
        %get3A_221 = arith.constant 0 : index
        %get3A_222 = tpu.vector_load %arg13[%get3A_220, %get3A_221] {strides = array<i32>} : memref<160x128xf32, #tpu.memory_space<vmem>>, vector<1x16xf32>,
        %get3A_223 = vector.shape_cast %get3A_222 : vector<1x16xf32> to vector<16xf32>
        %add3A_224 = arith.addf %get3A_219, %get3A_223 : vector<16xf32>
        %max3A_225 = arith.constant 0.000000e+00 : f32
        %max3A_226 = vector.broadcast %max3A_225 : f32 to vector<16xf32>
        %max3A_227 = arith.maximumf %add3A_224, %max3A_226 : vector<16xf32>
        %swap3A_228 = arith.index_cast %add3A_215 : i32 to index
        %swap3A_229 = arith.constant 0 : index
        %swap3A_230 = tpu.vector_load %arg12[%swap3A_228, %swap3A_229] {strides = array<i32>} : memref<160x128xf32, #tpu.memory_space<vmem>>, vector<1x16xf32>,
        %swap3A_231 = vector.shape_cast %swap3A_230 : vector<1x16xf32> to vector<16xf32>
        %swap3A_232 = vector.shape_cast %max3A_227 : vector<16xf32> to vector<1x16xf32>
        tpu.vector_store %arg12[%swap3A_228, %swap3A_229], %swap3A_232 {strides = array<i32>} : memref<160x128xf32, #tpu.memory_space<vmem>>, vector<1x16xf32>,
        %get3A_233 = arith.index_cast %add3A_215 : i32 to index
        %get3A_234 = arith.constant 16 : index
        %get3A_235 = tpu.vector_load %arg12[%get3A_233, %get3A_234] {strides = array<i32>} : memref<160x128xf32, #tpu.memory_space<vmem>>, vector<1x16xf32>,
        %get3A_236 = vector.shape_cast %get3A_235 : vector<1x16xf32> to vector<16xf32>
        %get3A_237 = arith.index_cast %add3A_215 : i32 to index
        %get3A_238 = arith.constant 16 : index
        %get3A_239 = tpu.vector_load %arg13[%get3A_237, %get3A_238] {strides = array<i32>} : memref<160x128xf32, #tpu.memory_space<vmem>>, vector<1x16xf32>,
        %get3A_240 = vector.shape_cast %get3A_239 : vector<1x16xf32> to vector<16xf32>
        %add3A_241 = arith.addf %get3A_236, %get3A_240 : vector<16xf32>
        %max3A_242 = arith.constant 0.000000e+00 : f32
        %max3A_243 = vector.broadcast %max3A_242 : f32 to vector<16xf32>
        %max3A_244 = arith.maximumf %add3A_241, %max3A_243 : vector<16xf32>
        %swap3A_245 = arith.index_cast %add3A_215 : i32 to index
        %swap3A_246 = arith.constant 16 : index
        %swap3A_247 = tpu.vector_load %arg12[%swap3A_245, %swap3A_246] {strides = array<i32>} : memref<160x128xf32, #tpu.memory_space<vmem>>, vector<1x16xf32>,
        %swap3A_248 = vector.shape_cast %swap3A_247 : vector<1x16xf32> to vector<16xf32>
        %swap3A_249 = vector.shape_cast %max3A_244 : vector<16xf32> to vector<1x16xf32>
        tpu.vector_store %arg12[%swap3A_245, %swap3A_246], %swap3A_249 {strides = array<i32>} : memref<160x128xf32, #tpu.memory_space<vmem>>, vector<1x16xf32>,
        %get3A_250 = arith.index_cast %add3A_215 : i32 to index
        %get3A_251 = arith.constant 32 : index
        %get3A_252 = tpu.vector_load %arg12[%get3A_250, %get3A_251] {strides = array<i32>} : memref<160x128xf32, #tpu.memory_space<vmem>>, vector<1x16xf32>,
        %get3A_253 = vector.shape_cast %get3A_252 : vector<1x16xf32> to vector<16xf32>
        %get3A_254 = arith.index_cast %add3A_215 : i32 to index
        %get3A_255 = arith.constant 32 : index
        %get3A_256 = tpu.vector_load %arg13[%get3A_254, %get3A_255] {strides = array<i32>} : memref<160x128xf32, #tpu.memory_space<vmem>>, vector<1x16xf32>,
        %get3A_257 = vector.shape_cast %get3A_256 : vector<1x16xf32> to vector<16xf32>
        %add3A_258 = arith.addf %get3A_253, %get3A_257 : vector<16xf32>
        %max3A_259 = arith.constant 0.000000e+00 : f32
        %max3A_260 = vector.broadcast %max3A_259 : f32 to vector<16xf32>
        %max3A_261 = arith.maximumf %add3A_258, %max3A_260 : vector<16xf32>
        %swap3A_262 = arith.index_cast %add3A_215 : i32 to index
        %swap3A_263 = arith.constant 32 : index
        %swap3A_264 = tpu.vector_load %arg12[%swap3A_262, %swap3A_263] {strides = array<i32>} : memref<160x128xf32, #tpu.memory_space<vmem>>, vector<1x16xf32>,
        %swap3A_265 = vector.shape_cast %swap3A_264 : vector<1x16xf32> to vector<16xf32>
        %swap3A_266 = vector.shape_cast %max3A_261 : vector<16xf32> to vector<1x16xf32>
        tpu.vector_store %arg12[%swap3A_262, %swap3A_263], %swap3A_266 {strides = array<i32>} : memref<160x128xf32, #tpu.memory_space<vmem>>, vector<1x16xf32>,
        %get3A_267 = arith.index_cast %add3A_215 : i32 to index
        %get3A_268 = arith.constant 48 : index
        %get3A_269 = tpu.vector_load %arg12[%get3A_267, %get3A_268] {strides = array<i32>} : memref<160x128xf32, #tpu.memory_space<vmem>>, vector<1x16xf32>,
        %get3A_270 = vector.shape_cast %get3A_269 : vector<1x16xf32> to vector<16xf32>
        %get3A_271 = arith.index_cast %add3A_215 : i32 to index
        %get3A_272 = arith.constant 48 : index
        %get3A_273 = tpu.vector_load %arg13[%get3A_271, %get3A_272] {strides = array<i32>} : memref<160x128xf32, #tpu.memory_space<vmem>>, vector<1x16xf32>,
        %get3A_274 = vector.shape_cast %get3A_273 : vector<1x16xf32> to vector<16xf32>
        %add3A_275 = arith.addf %get3A_270, %get3A_274 : vector<16xf32>
        %max3A_276 = arith.constant 0.000000e+00 : f32
        %max3A_277 = vector.broadcast %max3A_276 : f32 to vector<16xf32>
        %max3A_278 = arith.maximumf %add3A_275, %max3A_277 : vector<16xf32>
        %swap3A_279 = arith.index_cast %add3A_215 : i32 to index
        %swap3A_280 = arith.constant 48 : index
        %swap3A_281 = tpu.vector_load %arg12[%swap3A_279, %swap3A_280] {strides = array<i32>} : memref<160x128xf32, #tpu.memory_space<vmem>>, vector<1x16xf32>,
        %swap3A_282 = vector.shape_cast %swap3A_281 : vector<1x16xf32> to vector<16xf32>
        %swap3A_283 = vector.shape_cast %max3A_278 : vector<16xf32> to vector<1x16xf32>
        tpu.vector_store %arg12[%swap3A_279, %swap3A_280], %swap3A_283 {strides = array<i32>} : memref<160x128xf32, #tpu.memory_space<vmem>>, vector<1x16xf32>,
        %get3A_284 = arith.index_cast %add3A_215 : i32 to index
        %get3A_285 = arith.constant 64 : index
        %get3A_286 = tpu.vector_load %arg12[%get3A_284, %get3A_285] {strides = array<i32>} : memref<160x128xf32, #tpu.memory_space<vmem>>, vector<1x16xf32>,
        %get3A_287 = vector.shape_cast %get3A_286 : vector<1x16xf32> to vector<16xf32>
        %get3A_288 = arith.index_cast %add3A_215 : i32 to index
        %get3A_289 = arith.constant 64 : index
        %get3A_290 = tpu.vector_load %arg13[%get3A_288, %get3A_289] {strides = array<i32>} : memref<160x128xf32, #tpu.memory_space<vmem>>, vector<1x16xf32>,
        %get3A_291 = vector.shape_cast %get3A_290 : vector<1x16xf32> to vector<16xf32>
        %add3A_292 = arith.addf %get3A_287, %get3A_291 : vector<16xf32>
        %max3A_293 = arith.constant 0.000000e+00 : f32
        %max3A_294 = vector.broadcast %max3A_293 : f32 to vector<16xf32>
        %max3A_295 = arith.maximumf %add3A_292, %max3A_294 : vector<16xf32>
        %swap3A_296 = arith.index_cast %add3A_215 : i32 to index
        %swap3A_297 = arith.constant 64 : index
        %swap3A_298 = tpu.vector_load %arg12[%swap3A_296, %swap3A_297] {strides = array<i32>} : memref<160x128xf32, #tpu.memory_space<vmem>>, vector<1x16xf32>,
        %swap3A_299 = vector.shape_cast %swap3A_298 : vector<1x16xf32> to vector<16xf32>
        %swap3A_300 = vector.shape_cast %max3A_295 : vector<16xf32> to vector<1x16xf32>
        tpu.vector_store %arg12[%swap3A_296, %swap3A_297], %swap3A_300 {strides = array<i32>} : memref<160x128xf32, #tpu.memory_space<vmem>>, vector<1x16xf32>,
        %get3A_301 = arith.index_cast %add3A_215 : i32 to index
        %get3A_302 = arith.constant 80 : index
        %get3A_303 = tpu.vector_load %arg12[%get3A_301, %get3A_302] {strides = array<i32>} : memref<160x128xf32, #tpu.memory_space<vmem>>, vector<1x16xf32>,
        %get3A_304 = vector.shape_cast %get3A_303 : vector<1x16xf32> to vector<16xf32>
        %get3A_305 = arith.index_cast %add3A_215 : i32 to index
        %get3A_306 = arith.constant 80 : index
        %get3A_307 = tpu.vector_load %arg13[%get3A_305, %get3A_306] {strides = array<i32>} : memref<160x128xf32, #tpu.memory_space<vmem>>, vector<1x16xf32>,
        %get3A_308 = vector.shape_cast %get3A_307 : vector<1x16xf32> to vector<16xf32>
        %add3A_309 = arith.addf %get3A_304, %get3A_308 : vector<16xf32>
        %max3A_310 = arith.constant 0.000000e+00 : f32
        %max3A_311 = vector.broadcast %max3A_310 : f32 to vector<16xf32>
        %max3A_312 = arith.maximumf %add3A_309, %max3A_311 : vector<16xf32>
        %swap3A_313 = arith.index_cast %add3A_215 : i32 to index
        %swap3A_314 = arith.constant 80 : index
        %swap3A_315 = tpu.vector_load %arg12[%swap3A_313, %swap3A_314] {strides = array<i32>} : memref<160x128xf32, #tpu.memory_space<vmem>>, vector<1x16xf32>,
        %swap3A_316 = vector.shape_cast %swap3A_315 : vector<1x16xf32> to vector<16xf32>
        %swap3A_317 = vector.shape_cast %max3A_312 : vector<16xf32> to vector<1x16xf32>
        tpu.vector_store %arg12[%swap3A_313, %swap3A_314], %swap3A_317 {strides = array<i32>} : memref<160x128xf32, #tpu.memory_space<vmem>>, vector<1x16xf32>,
        %get3A_318 = arith.index_cast %add3A_215 : i32 to index
        %get3A_319 = arith.constant 96 : index
        %get3A_320 = tpu.vector_load %arg12[%get3A_318, %get3A_319] {strides = array<i32>} : memref<160x128xf32, #tpu.memory_space<vmem>>, vector<1x16xf32>,
        %get3A_321 = vector.shape_cast %get3A_320 : vector<1x16xf32> to vector<16xf32>
        %get3A_322 = arith.index_cast %add3A_215 : i32 to index
        %get3A_323 = arith.constant 96 : index
        %get3A_324 = tpu.vector_load %arg13[%get3A_322, %get3A_323] {strides = array<i32>} : memref<160x128xf32, #tpu.memory_space<vmem>>, vector<1x16xf32>,
        %get3A_325 = vector.shape_cast %get3A_324 : vector<1x16xf32> to vector<16xf32>
        %add3A_326 = arith.addf %get3A_321, %get3A_325 : vector<16xf32>
        %max3A_327 = arith.constant 0.000000e+00 : f32
        %max3A_328 = vector.broadcast %max3A_327 : f32 to vector<16xf32>
        %max3A_329 = arith.maximumf %add3A_326, %max3A_328 : vector<16xf32>
        %swap3A_330 = arith.index_cast %add3A_215 : i32 to index
        %swap3A_331 = arith.constant 96 : index
        %swap3A_332 = tpu.vector_load %arg12[%swap3A_330, %swap3A_331] {strides = array<i32>} : memref<160x128xf32, #tpu.memory_space<vmem>>, vector<1x16xf32>,
        %swap3A_333 = vector.shape_cast %swap3A_332 : vector<1x16xf32> to vector<16xf32>
        %swap3A_334 = vector.shape_cast %max3A_329 : vector<16xf32> to vector<1x16xf32>
        tpu.vector_store %arg12[%swap3A_330, %swap3A_331], %swap3A_334 {strides = array<i32>} : memref<160x128xf32, #tpu.memory_space<vmem>>, vector<1x16xf32>,
        %get3A_335 = arith.index_cast %add3A_215 : i32 to index
        %get3A_336 = arith.constant 112 : index
        %get3A_337 = tpu.vector_load %arg12[%get3A_335, %get3A_336] {strides = array<i32>} : memref<160x128xf32, #tpu.memory_space<vmem>>, vector<1x16xf32>,
        %get3A_338 = vector.shape_cast %get3A_337 : vector<1x16xf32> to vector<16xf32>
        %get3A_339 = arith.index_cast %add3A_215 : i32 to index
        %get3A_340 = arith.constant 112 : index
        %get3A_341 = tpu.vector_load %arg13[%get3A_339, %get3A_340] {strides = array<i32>} : memref<160x128xf32, #tpu.memory_space<vmem>>, vector<1x16xf32>,
        %get3A_342 = vector.shape_cast %get3A_341 : vector<1x16xf32> to vector<16xf32>
        %add3A_343 = arith.addf %get3A_338, %get3A_342 : vector<16xf32>
        %max3A_344 = arith.constant 0.000000e+00 : f32
        %max3A_345 = vector.broadcast %max3A_344 : f32 to vector<16xf32>
        %max3A_346 = arith.maximumf %add3A_343, %max3A_345 : vector<16xf32>
        %swap3A_347 = arith.index_cast %add3A_215 : i32 to index
        %swap3A_348 = arith.constant 112 : index
        %swap3A_349 = tpu.vector_load %arg12[%swap3A_347, %swap3A_348] {strides = array<i32>} : memref<160x128xf32, #tpu.memory_space<vmem>>, vector<1x16xf32>,
        %swap3A_350 = vector.shape_cast %swap3A_349 : vector<1x16xf32> to vector<16xf32>
        %swap3A_351 = vector.shape_cast %max3A_346 : vector<16xf32> to vector<1x16xf32>
        tpu.vector_store %arg12[%swap3A_347, %swap3A_348], %swap3A_351 {strides = array<i32>} : memref<160x128xf32, #tpu.memory_space<vmem>>, vector<1x16xf32>,
        %scan3A_352 = arith.constant 2 : i32
        %scan3A_353 = arith.addi %scan3A_72, %scan3A_352 : i32
        %mul3A_354 = arith.constant 1 : i32
        %mul3A_355 = arith.muli %scan3A_353, %mul3A_354 : i32
        %add3A_356 = arith.constant 0 : i32
        %add3A_357 = arith.addi %add3A_356, %mul3A_355 : i32
        %get3A_358 = arith.index_cast %add3A_357 : i32 to index
        %get3A_359 = arith.constant 0 : index
        %get3A_360 = tpu.vector_load %arg12[%get3A_358, %get3A_359] {strides = array<i32>} : memref<160x128xf32, #tpu.memory_space<vmem>>, vector<1x16xf32>,
        %get3A_361 = vector.shape_cast %get3A_360 : vector<1x16xf32> to vector<16xf32>
        %get3A_362 = arith.index_cast %add3A_357 : i32 to index
        %get3A_363 = arith.constant 0 : index
        %get3A_364 = tpu.vector_load %arg13[%get3A_362, %get3A_363] {strides = array<i32>} : memref<160x128xf32, #tpu.memory_space<vmem>>, vector<1x16xf32>,
        %get3A_365 = vector.shape_cast %get3A_364 : vector<1x16xf32> to vector<16xf32>
        %add3A_366 = arith.addf %get3A_361, %get3A_365 : vector<16xf32>
        %max3A_367 = arith.constant 0.000000e+00 : f32
        %max3A_368 = vector.broadcast %max3A_367 : f32 to vector<16xf32>
        %max3A_369 = arith.maximumf %add3A_366, %max3A_368 : vector<16xf32>
        %swap3A_370 = arith.index_cast %add3A_357 : i32 to index
        %swap3A_371 = arith.constant 0 : index
        %swap3A_372 = tpu.vector_load %arg12[%swap3A_370, %swap3A_371] {strides = array<i32>} : memref<160x128xf32, #tpu.memory_space<vmem>>, vector<1x16xf32>,
        %swap3A_373 = vector.shape_cast %swap3A_372 : vector<1x16xf32> to vector<16xf32>
        %swap3A_374 = vector.shape_cast %max3A_369 : vector<16xf32> to vector<1x16xf32>
        tpu.vector_store %arg12[%swap3A_370, %swap3A_371], %swap3A_374 {strides = array<i32>} : memref<160x128xf32, #tpu.memory_space<vmem>>, vector<1x16xf32>,
        %get3A_375 = arith.index_cast %add3A_357 : i32 to index
        %get3A_376 = arith.constant 16 : index
        %get3A_377 = tpu.vector_load %arg12[%get3A_375, %get3A_376] {strides = array<i32>} : memref<160x128xf32, #tpu.memory_space<vmem>>, vector<1x16xf32>,
        %get3A_378 = vector.shape_cast %get3A_377 : vector<1x16xf32> to vector<16xf32>
        %get3A_379 = arith.index_cast %add3A_357 : i32 to index
        %get3A_380 = arith.constant 16 : index
        %get3A_381 = tpu.vector_load %arg13[%get3A_379, %get3A_380] {strides = array<i32>} : memref<160x128xf32, #tpu.memory_space<vmem>>, vector<1x16xf32>,
        %get3A_382 = vector.shape_cast %get3A_381 : vector<1x16xf32> to vector<16xf32>
        %add3A_383 = arith.addf %get3A_378, %get3A_382 : vector<16xf32>
        %max3A_384 = arith.constant 0.000000e+00 : f32
        %max3A_385 = vector.broadcast %max3A_384 : f32 to vector<16xf32>
        %max3A_386 = arith.maximumf %add3A_383, %max3A_385 : vector<16xf32>
        %swap3A_387 = arith.index_cast %add3A_357 : i32 to index
        %swap3A_388 = arith.constant 16 : index
        %swap3A_389 = tpu.vector_load %arg12[%swap3A_387, %swap3A_388] {strides = array<i32>} : memref<160x128xf32, #tpu.memory_space<vmem>>, vector<1x16xf32>,
        %swap3A_390 = vector.shape_cast %swap3A_389 : vector<1x16xf32> to vector<16xf32>
        %swap3A_391 = vector.shape_cast %max3A_386 : vector<16xf32> to vector<1x16xf32>
        tpu.vector_store %arg12[%swap3A_387, %swap3A_388], %swap3A_391 {strides = array<i32>} : memref<160x128xf32, #tpu.memory_space<vmem>>, vector<1x16xf32>,
        %get3A_392 = arith.index_cast %add3A_357 : i32 to index
        %get3A_393 = arith.constant 32 : index
        %get3A_394 = tpu.vector_load %arg12[%get3A_392, %get3A_393] {strides = array<i32>} : memref<160x128xf32, #tpu.memory_space<vmem>>, vector<1x16xf32>,
        %get3A_395 = vector.shape_cast %get3A_394 : vector<1x16xf32> to vector<16xf32>
        %get3A_396 = arith.index_cast %add3A_357 : i32 to index
        %get3A_397 = arith.constant 32 : index
        %get3A_398 = tpu.vector_load %arg13[%get3A_396, %get3A_397] {strides = array<i32>} : memref<160x128xf32, #tpu.memory_space<vmem>>, vector<1x16xf32>,
        %get3A_399 = vector.shape_cast %get3A_398 : vector<1x16xf32> to vector<16xf32>
        %add3A_400 = arith.addf %get3A_395, %get3A_399 : vector<16xf32>
        %max3A_401 = arith.constant 0.000000e+00 : f32
        %max3A_402 = vector.broadcast %max3A_401 : f32 to vector<16xf32>
        %max3A_403 = arith.maximumf %add3A_400, %max3A_402 : vector<16xf32>
        %swap3A_404 = arith.index_cast %add3A_357 : i32 to index
        %swap3A_405 = arith.constant 32 : index
        %swap3A_406 = tpu.vector_load %arg12[%swap3A_404, %swap3A_405] {strides = array<i32>} : memref<160x128xf32, #tpu.memory_space<vmem>>, vector<1x16xf32>,
        %swap3A_407 = vector.shape_cast %swap3A_406 : vector<1x16xf32> to vector<16xf32>
        %swap3A_408 = vector.shape_cast %max3A_403 : vector<16xf32> to vector<1x16xf32>
        tpu.vector_store %arg12[%swap3A_404, %swap3A_405], %swap3A_408 {strides = array<i32>} : memref<160x128xf32, #tpu.memory_space<vmem>>, vector<1x16xf32>,
        %get3A_409 = arith.index_cast %add3A_357 : i32 to index
        %get3A_410 = arith.constant 48 : index
        %get3A_411 = tpu.vector_load %arg12[%get3A_409, %get3A_410] {strides = array<i32>} : memref<160x128xf32, #tpu.memory_space<vmem>>, vector<1x16xf32>,
        %get3A_412 = vector.shape_cast %get3A_411 : vector<1x16xf32> to vector<16xf32>
        %get3A_413 = arith.index_cast %add3A_357 : i32 to index
        %get3A_414 = arith.constant 48 : index
        %get3A_415 = tpu.vector_load %arg13[%get3A_413, %get3A_414] {strides = array<i32>} : memref<160x128xf32, #tpu.memory_space<vmem>>, vector<1x16xf32>,
        %get3A_416 = vector.shape_cast %get3A_415 : vector<1x16xf32> to vector<16xf32>
        %add3A_417 = arith.addf %get3A_412, %get3A_416 : vector<16xf32>
        %max3A_418 = arith.constant 0.000000e+00 : f32
        %max3A_419 = vector.broadcast %max3A_418 : f32 to vector<16xf32>
        %max3A_420 = arith.maximumf %add3A_417, %max3A_419 : vector<16xf32>
        %swap3A_421 = arith.index_cast %add3A_357 : i32 to index
        %swap3A_422 = arith.constant 48 : index
        %swap3A_423 = tpu.vector_load %arg12[%swap3A_421, %swap3A_422] {strides = array<i32>} : memref<160x128xf32, #tpu.memory_space<vmem>>, vector<1x16xf32>,
        %swap3A_424 = vector.shape_cast %swap3A_423 : vector<1x16xf32> to vector<16xf32>
        %swap3A_425 = vector.shape_cast %max3A_420 : vector<16xf32> to vector<1x16xf32>
        tpu.vector_store %arg12[%swap3A_421, %swap3A_422], %swap3A_425 {strides = array<i32>} : memref<160x128xf32, #tpu.memory_space<vmem>>, vector<1x16xf32>,
        %get3A_426 = arith.index_cast %add3A_357 : i32 to index
        %get3A_427 = arith.constant 64 : index
        %get3A_428 = tpu.vector_load %arg12[%get3A_426, %get3A_427] {strides = array<i32>} : memref<160x128xf32, #tpu.memory_space<vmem>>, vector<1x16xf32>,
        %get3A_429 = vector.shape_cast %get3A_428 : vector<1x16xf32> to vector<16xf32>
        %get3A_430 = arith.index_cast %add3A_357 : i32 to index
        %get3A_431 = arith.constant 64 : index
        %get3A_432 = tpu.vector_load %arg13[%get3A_430, %get3A_431] {strides = array<i32>} : memref<160x128xf32, #tpu.memory_space<vmem>>, vector<1x16xf32>,
        %get3A_433 = vector.shape_cast %get3A_432 : vector<1x16xf32> to vector<16xf32>
        %add3A_434 = arith.addf %get3A_429, %get3A_433 : vector<16xf32>
        %max3A_435 = arith.constant 0.000000e+00 : f32
        %max3A_436 = vector.broadcast %max3A_435 : f32 to vector<16xf32>
        %max3A_437 = arith.maximumf %add3A_434, %max3A_436 : vector<16xf32>
        %swap3A_438 = arith.index_cast %add3A_357 : i32 to index
        %swap3A_439 = arith.constant 64 : index
        %swap3A_440 = tpu.vector_load %arg12[%swap3A_438, %swap3A_439] {strides = array<i32>} : memref<160x128xf32, #tpu.memory_space<vmem>>, vector<1x16xf32>,
        %swap3A_441 = vector.shape_cast %swap3A_440 : vector<1x16xf32> to vector<16xf32>
        %swap3A_442 = vector.shape_cast %max3A_437 : vector<16xf32> to vector<1x16xf32>
        tpu.vector_store %arg12[%swap3A_438, %swap3A_439], %swap3A_442 {strides = array<i32>} : memref<160x128xf32, #tpu.memory_space<vmem>>, vector<1x16xf32>,
        %get3A_443 = arith.index_cast %add3A_357 : i32 to index
        %get3A_444 = arith.constant 80 : index
        %get3A_445 = tpu.vector_load %arg12[%get3A_443, %get3A_444] {strides = array<i32>} : memref<160x128xf32, #tpu.memory_space<vmem>>, vector<1x16xf32>,
        %get3A_446 = vector.shape_cast %get3A_445 : vector<1x16xf32> to vector<16xf32>
        %get3A_447 = arith.index_cast %add3A_357 : i32 to index
        %get3A_448 = arith.constant 80 : index
        %get3A_449 = tpu.vector_load %arg13[%get3A_447, %get3A_448] {strides = array<i32>} : memref<160x128xf32, #tpu.memory_space<vmem>>, vector<1x16xf32>,
        %get3A_450 = vector.shape_cast %get3A_449 : vector<1x16xf32> to vector<16xf32>
        %add3A_451 = arith.addf %get3A_446, %get3A_450 : vector<16xf32>
        %max3A_452 = arith.constant 0.000000e+00 : f32
        %max3A_453 = vector.broadcast %max3A_452 : f32 to vector<16xf32>
        %max3A_454 = arith.maximumf %add3A_451, %max3A_453 : vector<16xf32>
        %swap3A_455 = arith.index_cast %add3A_357 : i32 to index
        %swap3A_456 = arith.constant 80 : index
        %swap3A_457 = tpu.vector_load %arg12[%swap3A_455, %swap3A_456] {strides = array<i32>} : memref<160x128xf32, #tpu.memory_space<vmem>>, vector<1x16xf32>,
        %swap3A_458 = vector.shape_cast %swap3A_457 : vector<1x16xf32> to vector<16xf32>
        %swap3A_459 = vector.shape_cast %max3A_454 : vector<16xf32> to vector<1x16xf32>
        tpu.vector_store %arg12[%swap3A_455, %swap3A_456], %swap3A_459 {strides = array<i32>} : memref<160x128xf32, #tpu.memory_space<vmem>>, vector<1x16xf32>,
        %get3A_460 = arith.index_cast %add3A_357 : i32 to index
        %get3A_461 = arith.constant 96 : index
        %get3A_462 = tpu.vector_load %arg12[%get3A_460, %get3A_461] {strides = array<i32>} : memref<160x128xf32, #tpu.memory_space<vmem>>, vector<1x16xf32>,
        %get3A_463 = vector.shape_cast %get3A_462 : vector<1x16xf32> to vector<16xf32>
        %get3A_464 = arith.index_cast %add3A_357 : i32 to index
        %get3A_465 = arith.constant 96 : index
        %get3A_466 = tpu.vector_load %arg13[%get3A_464, %get3A_465] {strides = array<i32>} : memref<160x128xf32, #tpu.memory_space<vmem>>, vector<1x16xf32>,
        %get3A_467 = vector.shape_cast %get3A_466 : vector<1x16xf32> to vector<16xf32>
        %add3A_468 = arith.addf %get3A_463, %get3A_467 : vector<16xf32>
        %max3A_469 = arith.constant 0.000000e+00 : f32
        %max3A_470 = vector.broadcast %max3A_469 : f32 to vector<16xf32>
        %max3A_471 = arith.maximumf %add3A_468, %max3A_470 : vector<16xf32>
        %swap3A_472 = arith.index_cast %add3A_357 : i32 to index
        %swap3A_473 = arith.constant 96 : index
        %swap3A_474 = tpu.vector_load %arg12[%swap3A_472, %swap3A_473] {strides = array<i32>} : memref<160x128xf32, #tpu.memory_space<vmem>>, vector<1x16xf32>,
        %swap3A_475 = vector.shape_cast %swap3A_474 : vector<1x16xf32> to vector<16xf32>
        %swap3A_476 = vector.shape_cast %max3A_471 : vector<16xf32> to vector<1x16xf32>
        tpu.vector_store %arg12[%swap3A_472, %swap3A_473], %swap3A_476 {strides = array<i32>} : memref<160x128xf32, #tpu.memory_space<vmem>>, vector<1x16xf32>,
        %get3A_477 = arith.index_cast %add3A_357 : i32 to index
        %get3A_478 = arith.constant 112 : index
        %get3A_479 = tpu.vector_load %arg12[%get3A_477, %get3A_478] {strides = array<i32>} : memref<160x128xf32, #tpu.memory_space<vmem>>, vector<1x16xf32>,
        %get3A_480 = vector.shape_cast %get3A_479 : vector<1x16xf32> to vector<16xf32>
        %get3A_481 = arith.index_cast %add3A_357 : i32 to index
        %get3A_482 = arith.constant 112 : index
        %get3A_483 = tpu.vector_load %arg13[%get3A_481, %get3A_482] {strides = array<i32>} : memref<160x128xf32, #tpu.memory_space<vmem>>, vector<1x16xf32>,
        %get3A_484 = vector.shape_cast %get3A_483 : vector<1x16xf32> to vector<16xf32>
        %add3A_485 = arith.addf %get3A_480, %get3A_484 : vector<16xf32>
        %max3A_486 = arith.constant 0.000000e+00 : f32
        %max3A_487 = vector.broadcast %max3A_486 : f32 to vector<16xf32>
        %max3A_488 = arith.maximumf %add3A_485, %max3A_487 : vector<16xf32>
        %swap3A_489 = arith.index_cast %add3A_357 : i32 to index
        %swap3A_490 = arith.constant 112 : index
        %swap3A_491 = tpu.vector_load %arg12[%swap3A_489, %swap3A_490] {strides = array<i32>} : memref<160x128xf32, #tpu.memory_space<vmem>>, vector<1x16xf32>,
        %swap3A_492 = vector.shape_cast %swap3A_491 : vector<1x16xf32> to vector<16xf32>
        %swap3A_493 = vector.shape_cast %max3A_488 : vector<16xf32> to vector<1x16xf32>
        tpu.vector_store %arg12[%swap3A_489, %swap3A_490], %swap3A_493 {strides = array<i32>} : memref<160x128xf32, #tpu.memory_space<vmem>>, vector<1x16xf32>,
        %scan3A_494 = arith.constant 3 : i32
        %scan3A_495 = arith.addi %scan3A_72, %scan3A_494 : i32
        %mul3A_496 = arith.constant 1 : i32
        %mul3A_497 = arith.muli %scan3A_495, %mul3A_496 : i32
        %add3A_498 = arith.constant 0 : i32
        %add3A_499 = arith.addi %add3A_498, %mul3A_497 : i32
        %get3A_500 = arith.index_cast %add3A_499 : i32 to index
        %get3A_501 = arith.constant 0 : index
        %get3A_502 = tpu.vector_load %arg12[%get3A_500, %get3A_501] {strides = array<i32>} : memref<160x128xf32, #tpu.memory_space<vmem>>, vector<1x16xf32>,
        %get3A_503 = vector.shape_cast %get3A_502 : vector<1x16xf32> to vector<16xf32>
        %get3A_504 = arith.index_cast %add3A_499 : i32 to index
        %get3A_505 = arith.constant 0 : index
        %get3A_506 = tpu.vector_load %arg13[%get3A_504, %get3A_505] {strides = array<i32>} : memref<160x128xf32, #tpu.memory_space<vmem>>, vector<1x16xf32>,
        %get3A_507 = vector.shape_cast %get3A_506 : vector<1x16xf32> to vector<16xf32>
        %add3A_508 = arith.addf %get3A_503, %get3A_507 : vector<16xf32>
        %max3A_509 = arith.constant 0.000000e+00 : f32
        %max3A_510 = vector.broadcast %max3A_509 : f32 to vector<16xf32>
        %max3A_511 = arith.maximumf %add3A_508, %max3A_510 : vector<16xf32>
        %swap3A_512 = arith.index_cast %add3A_499 : i32 to index
        %swap3A_513 = arith.constant 0 : index
        %swap3A_514 = tpu.vector_load %arg12[%swap3A_512, %swap3A_513] {strides = array<i32>} : memref<160x128xf32, #tpu.memory_space<vmem>>, vector<1x16xf32>,
        %swap3A_515 = vector.shape_cast %swap3A_514 : vector<1x16xf32> to vector<16xf32>
        %swap3A_516 = vector.shape_cast %max3A_511 : vector<16xf32> to vector<1x16xf32>
        tpu.vector_store %arg12[%swap3A_512, %swap3A_513], %swap3A_516 {strides = array<i32>} : memref<160x128xf32, #tpu.memory_space<vmem>>, vector<1x16xf32>,
        %get3A_517 = arith.index_cast %add3A_499 : i32 to index
        %get3A_518 = arith.constant 16 : index
        %get3A_519 = tpu.vector_load %arg12[%get3A_517, %get3A_518] {strides = array<i32>} : memref<160x128xf32, #tpu.memory_space<vmem>>, vector<1x16xf32>,
        %get3A_520 = vector.shape_cast %get3A_519 : vector<1x16xf32> to vector<16xf32>
        %get3A_521 = arith.index_cast %add3A_499 : i32 to index
        %get3A_522 = arith.constant 16 : index
        %get3A_523 = tpu.vector_load %arg13[%get3A_521, %get3A_522] {strides = array<i32>} : memref<160x128xf32, #tpu.memory_space<vmem>>, vector<1x16xf32>,
        %get3A_524 = vector.shape_cast %get3A_523 : vector<1x16xf32> to vector<16xf32>
        %add3A_525 = arith.addf %get3A_520, %get3A_524 : vector<16xf32>
        %max3A_526 = arith.constant 0.000000e+00 : f32
        %max3A_527 = vector.broadcast %max3A_526 : f32 to vector<16xf32>
        %max3A_528 = arith.maximumf %add3A_525, %max3A_527 : vector<16xf32>
        %swap3A_529 = arith.index_cast %add3A_499 : i32 to index
        %swap3A_530 = arith.constant 16 : index
        %swap3A_531 = tpu.vector_load %arg12[%swap3A_529, %swap3A_530] {strides = array<i32>} : memref<160x128xf32, #tpu.memory_space<vmem>>, vector<1x16xf32>,
        %swap3A_532 = vector.shape_cast %swap3A_531 : vector<1x16xf32> to vector<16xf32>
        %swap3A_533 = vector.shape_cast %max3A_528 : vector<16xf32> to vector<1x16xf32>
        tpu.vector_store %arg12[%swap3A_529, %swap3A_530], %swap3A_533 {strides = array<i32>} : memref<160x128xf32, #tpu.memory_space<vmem>>, vector<1x16xf32>,
        %get3A_534 = arith.index_cast %add3A_499 : i32 to index
        %get3A_535 = arith.constant 32 : index
        %get3A_536 = tpu.vector_load %arg12[%get3A_534, %get3A_535] {strides = array<i32>} : memref<160x128xf32, #tpu.memory_space<vmem>>, vector<1x16xf32>,
        %get3A_537 = vector.shape_cast %get3A_536 : vector<1x16xf32> to vector<16xf32>
        %get3A_538 = arith.index_cast %add3A_499 : i32 to index
        %get3A_539 = arith.constant 32 : index
        %get3A_540 = tpu.vector_load %arg13[%get3A_538, %get3A_539] {strides = array<i32>} : memref<160x128xf32, #tpu.memory_space<vmem>>, vector<1x16xf32>,
        %get3A_541 = vector.shape_cast %get3A_540 : vector<1x16xf32> to vector<16xf32>
        %add3A_542 = arith.addf %get3A_537, %get3A_541 : vector<16xf32>
        %max3A_543 = arith.constant 0.000000e+00 : f32
        %max3A_544 = vector.broadcast %max3A_543 : f32 to vector<16xf32>
        %max3A_545 = arith.maximumf %add3A_542, %max3A_544 : vector<16xf32>
        %swap3A_546 = arith.index_cast %add3A_499 : i32 to index
        %swap3A_547 = arith.constant 32 : index
        %swap3A_548 = tpu.vector_load %arg12[%swap3A_546, %swap3A_547] {strides = array<i32>} : memref<160x128xf32, #tpu.memory_space<vmem>>, vector<1x16xf32>,
        %swap3A_549 = vector.shape_cast %swap3A_548 : vector<1x16xf32> to vector<16xf32>
        %swap3A_550 = vector.shape_cast %max3A_545 : vector<16xf32> to vector<1x16xf32>
        tpu.vector_store %arg12[%swap3A_546, %swap3A_547], %swap3A_550 {strides = array<i32>} : memref<160x128xf32, #tpu.memory_space<vmem>>, vector<1x16xf32>,
        %get3A_551 = arith.index_cast %add3A_499 : i32 to index
        %get3A_552 = arith.constant 48 : index
        %get3A_553 = tpu.vector_load %arg12[%get3A_551, %get3A_552] {strides = array<i32>} : memref<160x128xf32, #tpu.memory_space<vmem>>, vector<1x16xf32>,
        %get3A_554 = vector.shape_cast %get3A_553 : vector<1x16xf32> to vector<16xf32>
        %get3A_555 = arith.index_cast %add3A_499 : i32 to index
        %get3A_556 = arith.constant 48 : index
        %get3A_557 = tpu.vector_load %arg13[%get3A_555, %get3A_556] {strides = array<i32>} : memref<160x128xf32, #tpu.memory_space<vmem>>, vector<1x16xf32>,
        %get3A_558 = vector.shape_cast %get3A_557 : vector<1x16xf32> to vector<16xf32>
        %add3A_559 = arith.addf %get3A_554, %get3A_558 : vector<16xf32>
        %max3A_560 = arith.constant 0.000000e+00 : f32
        %max3A_561 = vector.broadcast %max3A_560 : f32 to vector<16xf32>
        %max3A_562 = arith.maximumf %add3A_559, %max3A_561 : vector<16xf32>
        %swap3A_563 = arith.index_cast %add3A_499 : i32 to index
        %swap3A_564 = arith.constant 48 : index
        %swap3A_565 = tpu.vector_load %arg12[%swap3A_563, %swap3A_564] {strides = array<i32>} : memref<160x128xf32, #tpu.memory_space<vmem>>, vector<1x16xf32>,
        %swap3A_566 = vector.shape_cast %swap3A_565 : vector<1x16xf32> to vector<16xf32>
        %swap3A_567 = vector.shape_cast %max3A_562 : vector<16xf32> to vector<1x16xf32>
        tpu.vector_store %arg12[%swap3A_563, %swap3A_564], %swap3A_567 {strides = array<i32>} : memref<160x128xf32, #tpu.memory_space<vmem>>, vector<1x16xf32>,
        %get3A_568 = arith.index_cast %add3A_499 : i32 to index
        %get3A_569 = arith.constant 64 : index
        %get3A_570 = tpu.vector_load %arg12[%get3A_568, %get3A_569] {strides = array<i32>} : memref<160x128xf32, #tpu.memory_space<vmem>>, vector<1x16xf32>,
        %get3A_571 = vector.shape_cast %get3A_570 : vector<1x16xf32> to vector<16xf32>
        %get3A_572 = arith.index_cast %add3A_499 : i32 to index
        %get3A_573 = arith.constant 64 : index
        %get3A_574 = tpu.vector_load %arg13[%get3A_572, %get3A_573] {strides = array<i32>} : memref<160x128xf32, #tpu.memory_space<vmem>>, vector<1x16xf32>,
        %get3A_575 = vector.shape_cast %get3A_574 : vector<1x16xf32> to vector<16xf32>
        %add3A_576 = arith.addf %get3A_571, %get3A_575 : vector<16xf32>
        %max3A_577 = arith.constant 0.000000e+00 : f32
        %max3A_578 = vector.broadcast %max3A_577 : f32 to vector<16xf32>
        %max3A_579 = arith.maximumf %add3A_576, %max3A_578 : vector<16xf32>
        %swap3A_580 = arith.index_cast %add3A_499 : i32 to index
        %swap3A_581 = arith.constant 64 : index
        %swap3A_582 = tpu.vector_load %arg12[%swap3A_580, %swap3A_581] {strides = array<i32>} : memref<160x128xf32, #tpu.memory_space<vmem>>, vector<1x16xf32>,
        %swap3A_583 = vector.shape_cast %swap3A_582 : vector<1x16xf32> to vector<16xf32>
        %swap3A_584 = vector.shape_cast %max3A_579 : vector<16xf32> to vector<1x16xf32>
        tpu.vector_store %arg12[%swap3A_580, %swap3A_581], %swap3A_584 {strides = array<i32>} : memref<160x128xf32, #tpu.memory_space<vmem>>, vector<1x16xf32>,
        %get3A_585 = arith.index_cast %add3A_499 : i32 to index
        %get3A_586 = arith.constant 80 : index
        %get3A_587 = tpu.vector_load %arg12[%get3A_585, %get3A_586] {strides = array<i32>} : memref<160x128xf32, #tpu.memory_space<vmem>>, vector<1x16xf32>,
        %get3A_588 = vector.shape_cast %get3A_587 : vector<1x16xf32> to vector<16xf32>
        %get3A_589 = arith.index_cast %add3A_499 : i32 to index
        %get3A_590 = arith.constant 80 : index
        %get3A_591 = tpu.vector_load %arg13[%get3A_589, %get3A_590] {strides = array<i32>} : memref<160x128xf32, #tpu.memory_space<vmem>>, vector<1x16xf32>,
        %get3A_592 = vector.shape_cast %get3A_591 : vector<1x16xf32> to vector<16xf32>
        %add3A_593 = arith.addf %get3A_588, %get3A_592 : vector<16xf32>
        %max3A_594 = arith.constant 0.000000e+00 : f32
        %max3A_595 = vector.broadcast %max3A_594 : f32 to vector<16xf32>
        %max3A_596 = arith.maximumf %add3A_593, %max3A_595 : vector<16xf32>
        %swap3A_597 = arith.index_cast %add3A_499 : i32 to index
        %swap3A_598 = arith.constant 80 : index
        %swap3A_599 = tpu.vector_load %arg12[%swap3A_597, %swap3A_598] {strides = array<i32>} : memref<160x128xf32, #tpu.memory_space<vmem>>, vector<1x16xf32>,
        %swap3A_600 = vector.shape_cast %swap3A_599 : vector<1x16xf32> to vector<16xf32>
        %swap3A_601 = vector.shape_cast %max3A_596 : vector<16xf32> to vector<1x16xf32>
        tpu.vector_store %arg12[%swap3A_597, %swap3A_598], %swap3A_601 {strides = array<i32>} : memref<160x128xf32, #tpu.memory_space<vmem>>, vector<1x16xf32>,
        %get3A_602 = arith.index_cast %add3A_499 : i32 to index
        %get3A_603 = arith.constant 96 : index
        %get3A_604 = tpu.vector_load %arg12[%get3A_602, %get3A_603] {strides = array<i32>} : memref<160x128xf32, #tpu.memory_space<vmem>>, vector<1x16xf32>,
        %get3A_605 = vector.shape_cast %get3A_604 : vector<1x16xf32> to vector<16xf32>
        %get3A_606 = arith.index_cast %add3A_499 : i32 to index
        %get3A_607 = arith.constant 96 : index
        %get3A_608 = tpu.vector_load %arg13[%get3A_606, %get3A_607] {strides = array<i32>} : memref<160x128xf32, #tpu.memory_space<vmem>>, vector<1x16xf32>,
        %get3A_609 = vector.shape_cast %get3A_608 : vector<1x16xf32> to vector<16xf32>
        %add3A_610 = arith.addf %get3A_605, %get3A_609 : vector<16xf32>
        %max3A_611 = arith.constant 0.000000e+00 : f32
        %max3A_612 = vector.broadcast %max3A_611 : f32 to vector<16xf32>
        %max3A_613 = arith.maximumf %add3A_610, %max3A_612 : vector<16xf32>
        %swap3A_614 = arith.index_cast %add3A_499 : i32 to index
        %swap3A_615 = arith.constant 96 : index
        %swap3A_616 = tpu.vector_load %arg12[%swap3A_614, %swap3A_615] {strides = array<i32>} : memref<160x128xf32, #tpu.memory_space<vmem>>, vector<1x16xf32>,
        %swap3A_617 = vector.shape_cast %swap3A_616 : vector<1x16xf32> to vector<16xf32>
        %swap3A_618 = vector.shape_cast %max3A_613 : vector<16xf32> to vector<1x16xf32>
        tpu.vector_store %arg12[%swap3A_614, %swap3A_615], %swap3A_618 {strides = array<i32>} : memref<160x128xf32, #tpu.memory_space<vmem>>, vector<1x16xf32>,
        %get3A_619 = arith.index_cast %add3A_499 : i32 to index
        %get3A_620 = arith.constant 112 : index
        %get3A_621 = tpu.vector_load %arg12[%get3A_619, %get3A_620] {strides = array<i32>} : memref<160x128xf32, #tpu.memory_space<vmem>>, vector<1x16xf32>,
        %get3A_622 = vector.shape_cast %get3A_621 : vector<1x16xf32> to vector<16xf32>
        %get3A_623 = arith.index_cast %add3A_499 : i32 to index
        %get3A_624 = arith.constant 112 : index
        %get3A_625 = tpu.vector_load %arg13[%get3A_623, %get3A_624] {strides = array<i32>} : memref<160x128xf32, #tpu.memory_space<vmem>>, vector<1x16xf32>,
        %get3A_626 = vector.shape_cast %get3A_625 : vector<1x16xf32> to vector<16xf32>
        %add3A_627 = arith.addf %get3A_622, %get3A_626 : vector<16xf32>
        %max3A_628 = arith.constant 0.000000e+00 : f32
        %max3A_629 = vector.broadcast %max3A_628 : f32 to vector<16xf32>
        %max3A_630 = arith.maximumf %add3A_627, %max3A_629 : vector<16xf32>
        %swap3A_631 = arith.index_cast %add3A_499 : i32 to index
        %swap3A_632 = arith.constant 112 : index
        %swap3A_633 = tpu.vector_load %arg12[%swap3A_631, %swap3A_632] {strides = array<i32>} : memref<160x128xf32, #tpu.memory_space<vmem>>, vector<1x16xf32>,
        %swap3A_634 = vector.shape_cast %swap3A_633 : vector<1x16xf32> to vector<16xf32>
        %swap3A_635 = vector.shape_cast %max3A_630 : vector<16xf32> to vector<1x16xf32>
        tpu.vector_store %arg12[%swap3A_631, %swap3A_632], %swap3A_635 {strides = array<i32>} : memref<160x128xf32, #tpu.memory_space<vmem>>, vector<1x16xf32>,
      }
      %scan3A_48 = arith.constant 160 : i32
      %mul3A_49 = arith.constant 160 : i32
      %mul3A_50 = arith.muli %mul3A_38, %mul3A_49 : i32
      %add3A_51 = arith.addi %mul3A_2, %mul3A_50 : i32
      "tpu.region"() ({
        %run_scoped3A = tpu.sem_alloc : memref<!tpu.dma_semaphore, #tpu.memory_space<semaphore_mem>>
        %dma_start3A_72 = arith.constant 0 : i32
        %dma_start3A_73 = tpu.memref_slice %arg5[%add3A_51, %dma_start3A_72] : memref<102400x128xf32, #tpu.memory_space<hbm>> -> memref<160x128xf32, #tpu.memory_space<hbm>>
        %dma_start3A_74 = arith.constant 0 : i32
        %dma_start3A_75 = tpu.memref_slice %arg5[%add3A_51, %dma_start3A_74] : memref<102400x128xf32, #tpu.memory_space<hbm>> -> memref<160x128xf32, #tpu.memory_space<hbm>>
        tpu.enqueue_dma source(%arg12 : memref<160x128xf32, #tpu.memory_space<vmem>>) target(%dma_start3A_75 : memref<160x128xf32, #tpu.memory_space<hbm>>) target_semaphore(%run_scoped3A : memref<!tpu.dma_semaphore, #tpu.memory_space<semaphore_mem>>)
        %dma_wait3A_76 = arith.constant 0 : i32
        %dma_wait3A_77 = tpu.memref_slice %arg5[%add3A_51, %dma_wait3A_76] : memref<102400x128xf32, #tpu.memory_space<hbm>> -> memref<160x128xf32, #tpu.memory_space<hbm>>
        %dma_wait3A_78 = arith.constant 0 : i32
        %dma_wait3A_79 = tpu.memref_slice %arg5[%add3A_51, %dma_wait3A_78] : memref<102400x128xf32, #tpu.memory_space<hbm>> -> memref<160x128xf32, #tpu.memory_space<hbm>>
        tpu.wait_dma2 semaphore(%run_scoped3A : memref<!tpu.dma_semaphore, #tpu.memory_space<semaphore_mem>>) src(%arg12 : memref<160x128xf32, #tpu.memory_space<vmem>>) dst(%dma_wait3A_79 : memref<160x128xf32, #tpu.memory_space<hbm>>)
        tpu.yield
      }) : () -> ()
      %lt3A = arith.constant 9 : i32
      %lt3A_52 = arith.cmpi slt, %add3A_21, %lt3A : i32
      %convert_element_type3A = arith.extui %lt3A_52 : i1 to i32
      %cond3A = arith.constant 0 : i32
      %cond3A_53 = arith.cmpi ne, %convert_element_type3A, %cond3A : i32
      scf.if %cond3A_53 {
        %mul3A_72 = arith.constant 2 : i32
        %mul3A_73 = arith.muli %mul3A_72, %add3A_21 : i32
        %add3A_74 = arith.constant 2 : i32
        %add3A_75 = arith.addi %mul3A_73, %add3A_74 : i32
        %scan3A_76 = arith.constant 0 : i32
        %scan3A_77 = arith.constant 10 : i32
        %scan3A_78 = arith.addi %scan3A_76, %scan3A_77 : i32
        %scan3A_79 = arith.constant 1 : i32
        scf.for %scan3A_87 = %scan3A_76 to %scan3A_78 step %scan3A_79  : i32 {
          %mul3A_88 = arith.constant 1 : i32
          %mul3A_89 = arith.muli %scan3A_87, %mul3A_88 : i32
          %add3A_90 = arith.constant 0 : i32
          %add3A_91 = arith.addi %add3A_90, %mul3A_89 : i32
          %mul3A_92 = arith.constant 16 : i32
          %mul3A_93 = arith.muli %add3A_91, %mul3A_92 : i32
          %mul3A_94 = arith.constant 160 : i32
          %mul3A_95 = arith.muli %add3A_75, %mul3A_94 : i32
          %mul3A_96 = arith.constant 16 : i32
          %mul3A_97 = arith.muli %add3A_91, %mul3A_96 : i32
          %add3A_98 = arith.addi %mul3A_95, %mul3A_97 : i32
          %get3A = arith.index_cast %add3A_98 : i32 to index
          %get3A_99 = tpu.vector_load %arg6[%get3A] {strides = array<i32>} : memref<3200xi32, #tpu.memory_space<vmem>>, vector<16xi32>,
          %get3A_100 = vector.shape_cast %get3A_99 : vector<16xi32> to vector<16xi32>
          %swap3A = arith.index_cast %mul3A_93 : i32 to index
          %swap3A_101 = tpu.vector_load %arg8[%swap3A] {strides = array<i32>} : memref<160xi32, #tpu.memory_space<vmem>>, vector<16xi32>,
          %swap3A_102 = vector.shape_cast %swap3A_101 : vector<16xi32> to vector<16xi32>
          %swap3A_103 = vector.shape_cast %get3A_100 : vector<16xi32> to vector<16xi32>
          tpu.vector_store %arg8[%swap3A], %swap3A_103 {strides = array<i32>} : memref<160xi32, #tpu.memory_space<vmem>>, vector<16xi32>,
          %get3A_104 = arith.index_cast %add3A_98 : i32 to index
          %get3A_105 = tpu.vector_load %arg7[%get3A_104] {strides = array<i32>} : memref<3200xi32, #tpu.memory_space<vmem>>, vector<16xi32>,
          %get3A_106 = vector.shape_cast %get3A_105 : vector<16xi32> to vector<16xi32>
          %add3A_107 = arith.constant 10000 : i32
          %add3A_108 = vector.broadcast %add3A_107 : i32 to vector<16xi32>
          %add3A_109 = arith.addi %get3A_106, %add3A_108 : vector<16xi32>
          %swap3A_110 = arith.index_cast %mul3A_93 : i32 to index
          %swap3A_111 = tpu.vector_load %arg9[%swap3A_110] {strides = array<i32>} : memref<160xi32, #tpu.memory_space<vmem>>, vector<16xi32>,
          %swap3A_112 = vector.shape_cast %swap3A_111 : vector<16xi32> to vector<16xi32>
          %swap3A_113 = vector.shape_cast %add3A_109 : vector<16xi32> to vector<16xi32>
          tpu.vector_store %arg9[%swap3A_110], %swap3A_113 {strides = array<i32>} : memref<160xi32, #tpu.memory_space<vmem>>, vector<16xi32>,
        }
        %scan3A_80 = arith.constant 10 : i32
        %dma_start3A_81 = arith.constant 0 : i32
        %dma_start3A_82 = arith.constant 0 : i32
        %dma_start3A_83 = tpu.memref_slice %arg2[%dma_start3A_81, %dma_start3A_82] : memref<20000x128xf32, #tpu.memory_space<hbm>> -> memref<20000x128xf32, #tpu.memory_space<hbm>>
        tpu.enqueue_indirect_dma source(%dma_start3A_83 : memref<20000x128xf32, #tpu.memory_space<hbm>>) target(%arg12 : memref<160x128xf32, #tpu.memory_space<vmem>>) offsets(%arg8 : memref<160xi32, #tpu.memory_space<vmem>>) semaphore(%arg16 : memref<!tpu.dma_semaphore, #tpu.memory_space<semaphore_mem>>)
        %dma_start3A_84 = arith.constant 0 : i32
        %dma_start3A_85 = arith.constant 0 : i32
        %dma_start3A_86 = tpu.memref_slice %arg2[%dma_start3A_84, %dma_start3A_85] : memref<20000x128xf32, #tpu.memory_space<hbm>> -> memref<20000x128xf32, #tpu.memory_space<hbm>>
        tpu.enqueue_indirect_dma source(%dma_start3A_86 : memref<20000x128xf32, #tpu.memory_space<hbm>>) target(%arg13 : memref<160x128xf32, #tpu.memory_space<vmem>>) offsets(%arg9 : memref<160xi32, #tpu.memory_space<vmem>>) semaphore(%arg17 : memref<!tpu.dma_semaphore, #tpu.memory_space<semaphore_mem>>)
      } else {
      }
      %mul3A_54 = arith.constant 2 : i32
      %mul3A_55 = arith.muli %mul3A_54, %add3A_21 : i32
      %add3A_56 = arith.constant 1 : i32
      %add3A_57 = arith.addi %mul3A_55, %add3A_56 : i32
      %dma_wait3A_58 = arith.constant 0 : i32
      %dma_wait3A_59 = arith.constant 0 : i32
      %dma_wait3A_60 = tpu.memref_slice %arg2[%dma_wait3A_58, %dma_wait3A_59] : memref<20000x128xf32, #tpu.memory_space<hbm>> -> memref<20000x128xf32, #tpu.memory_space<hbm>>
      tpu.wait_indirect_dma semaphore(%arg18 : memref<!tpu.dma_semaphore, #tpu.memory_space<semaphore_mem>>) src(%dma_wait3A_60 : memref<20000x128xf32, #tpu.memory_space<hbm>>) dst(%arg14 : memref<160x128xf32, #tpu.memory_space<vmem>>)
      %dma_wait3A_61 = arith.constant 0 : i32
      %dma_wait3A_62 = arith.constant 0 : i32
      %dma_wait3A_63 = tpu.memref_slice %arg2[%dma_wait3A_61, %dma_wait3A_62] : memref<20000x128xf32, #tpu.memory_space<hbm>> -> memref<20000x128xf32, #tpu.memory_space<hbm>>
      tpu.wait_indirect_dma semaphore(%arg19 : memref<!tpu.dma_semaphore, #tpu.memory_space<semaphore_mem>>) src(%dma_wait3A_63 : memref<20000x128xf32, #tpu.memory_space<hbm>>) dst(%arg15 : memref<160x128xf32, #tpu.memory_space<vmem>>)
      %scan3A_64 = arith.constant 0 : i32
      %scan3A_65 = arith.constant 160 : i32
      %scan3A_66 = arith.addi %scan3A_64, %scan3A_65 : i32
      %scan3A_67 = arith.constant 4 : i32
      scf.for %scan3A_72 = %scan3A_64 to %scan3A_66 step %scan3A_67  : i32 {
        %mul3A_73 = arith.constant 1 : i32
        %mul3A_74 = arith.muli %scan3A_72, %mul3A_73 : i32
        %add3A_75 = arith.constant 0 : i32
        %add3A_76 = arith.addi %add3A_75, %mul3A_74 : i32
        %get3A = arith.index_cast %add3A_76 : i32 to index
        %get3A_77 = arith.constant 0 : index
        %get3A_78 = tpu.vector_load %arg14[%get3A, %get3A_77] {strides = array<i32>} : memref<160x128xf32, #tpu.memory_space<vmem>>, vector<1x16xf32>,
        %get3A_79 = vector.shape_cast %get3A_78 : vector<1x16xf32> to vector<16xf32>
        %get3A_80 = arith.index_cast %add3A_76 : i32 to index
        %get3A_81 = arith.constant 0 : index
        %get3A_82 = tpu.vector_load %arg15[%get3A_80, %get3A_81] {strides = array<i32>} : memref<160x128xf32, #tpu.memory_space<vmem>>, vector<1x16xf32>,
        %get3A_83 = vector.shape_cast %get3A_82 : vector<1x16xf32> to vector<16xf32>
        %add3A_84 = arith.addf %get3A_79, %get3A_83 : vector<16xf32>
        %max3A = arith.constant 0.000000e+00 : f32
        %max3A_85 = vector.broadcast %max3A : f32 to vector<16xf32>
        %max3A_86 = arith.maximumf %add3A_84, %max3A_85 : vector<16xf32>
        %swap3A = arith.index_cast %add3A_76 : i32 to index
        %swap3A_87 = arith.constant 0 : index
        %swap3A_88 = tpu.vector_load %arg14[%swap3A, %swap3A_87] {strides = array<i32>} : memref<160x128xf32, #tpu.memory_space<vmem>>, vector<1x16xf32>,
        %swap3A_89 = vector.shape_cast %swap3A_88 : vector<1x16xf32> to vector<16xf32>
        %swap3A_90 = vector.shape_cast %max3A_86 : vector<16xf32> to vector<1x16xf32>
        tpu.vector_store %arg14[%swap3A, %swap3A_87], %swap3A_90 {strides = array<i32>} : memref<160x128xf32, #tpu.memory_space<vmem>>, vector<1x16xf32>,
        %get3A_91 = arith.index_cast %add3A_76 : i32 to index
        %get3A_92 = arith.constant 16 : index
        %get3A_93 = tpu.vector_load %arg14[%get3A_91, %get3A_92] {strides = array<i32>} : memref<160x128xf32, #tpu.memory_space<vmem>>, vector<1x16xf32>,
        %get3A_94 = vector.shape_cast %get3A_93 : vector<1x16xf32> to vector<16xf32>
        %get3A_95 = arith.index_cast %add3A_76 : i32 to index
        %get3A_96 = arith.constant 16 : index
        %get3A_97 = tpu.vector_load %arg15[%get3A_95, %get3A_96] {strides = array<i32>} : memref<160x128xf32, #tpu.memory_space<vmem>>, vector<1x16xf32>,
        %get3A_98 = vector.shape_cast %get3A_97 : vector<1x16xf32> to vector<16xf32>
        %add3A_99 = arith.addf %get3A_94, %get3A_98 : vector<16xf32>
        %max3A_100 = arith.constant 0.000000e+00 : f32
        %max3A_101 = vector.broadcast %max3A_100 : f32 to vector<16xf32>
        %max3A_102 = arith.maximumf %add3A_99, %max3A_101 : vector<16xf32>
        %swap3A_103 = arith.index_cast %add3A_76 : i32 to index
        %swap3A_104 = arith.constant 16 : index
        %swap3A_105 = tpu.vector_load %arg14[%swap3A_103, %swap3A_104] {strides = array<i32>} : memref<160x128xf32, #tpu.memory_space<vmem>>, vector<1x16xf32>,
        %swap3A_106 = vector.shape_cast %swap3A_105 : vector<1x16xf32> to vector<16xf32>
        %swap3A_107 = vector.shape_cast %max3A_102 : vector<16xf32> to vector<1x16xf32>
        tpu.vector_store %arg14[%swap3A_103, %swap3A_104], %swap3A_107 {strides = array<i32>} : memref<160x128xf32, #tpu.memory_space<vmem>>, vector<1x16xf32>,
        %get3A_108 = arith.index_cast %add3A_76 : i32 to index
        %get3A_109 = arith.constant 32 : index
        %get3A_110 = tpu.vector_load %arg14[%get3A_108, %get3A_109] {strides = array<i32>} : memref<160x128xf32, #tpu.memory_space<vmem>>, vector<1x16xf32>,
        %get3A_111 = vector.shape_cast %get3A_110 : vector<1x16xf32> to vector<16xf32>
        %get3A_112 = arith.index_cast %add3A_76 : i32 to index
        %get3A_113 = arith.constant 32 : index
        %get3A_114 = tpu.vector_load %arg15[%get3A_112, %get3A_113] {strides = array<i32>} : memref<160x128xf32, #tpu.memory_space<vmem>>, vector<1x16xf32>,
        %get3A_115 = vector.shape_cast %get3A_114 : vector<1x16xf32> to vector<16xf32>
        %add3A_116 = arith.addf %get3A_111, %get3A_115 : vector<16xf32>
        %max3A_117 = arith.constant 0.000000e+00 : f32
        %max3A_118 = vector.broadcast %max3A_117 : f32 to vector<16xf32>
        %max3A_119 = arith.maximumf %add3A_116, %max3A_118 : vector<16xf32>
        %swap3A_120 = arith.index_cast %add3A_76 : i32 to index
        %swap3A_121 = arith.constant 32 : index
        %swap3A_122 = tpu.vector_load %arg14[%swap3A_120, %swap3A_121] {strides = array<i32>} : memref<160x128xf32, #tpu.memory_space<vmem>>, vector<1x16xf32>,
        %swap3A_123 = vector.shape_cast %swap3A_122 : vector<1x16xf32> to vector<16xf32>
        %swap3A_124 = vector.shape_cast %max3A_119 : vector<16xf32> to vector<1x16xf32>
        tpu.vector_store %arg14[%swap3A_120, %swap3A_121], %swap3A_124 {strides = array<i32>} : memref<160x128xf32, #tpu.memory_space<vmem>>, vector<1x16xf32>,
        %get3A_125 = arith.index_cast %add3A_76 : i32 to index
        %get3A_126 = arith.constant 48 : index
        %get3A_127 = tpu.vector_load %arg14[%get3A_125, %get3A_126] {strides = array<i32>} : memref<160x128xf32, #tpu.memory_space<vmem>>, vector<1x16xf32>,
        %get3A_128 = vector.shape_cast %get3A_127 : vector<1x16xf32> to vector<16xf32>
        %get3A_129 = arith.index_cast %add3A_76 : i32 to index
        %get3A_130 = arith.constant 48 : index
        %get3A_131 = tpu.vector_load %arg15[%get3A_129, %get3A_130] {strides = array<i32>} : memref<160x128xf32, #tpu.memory_space<vmem>>, vector<1x16xf32>,
        %get3A_132 = vector.shape_cast %get3A_131 : vector<1x16xf32> to vector<16xf32>
        %add3A_133 = arith.addf %get3A_128, %get3A_132 : vector<16xf32>
        %max3A_134 = arith.constant 0.000000e+00 : f32
        %max3A_135 = vector.broadcast %max3A_134 : f32 to vector<16xf32>
        %max3A_136 = arith.maximumf %add3A_133, %max3A_135 : vector<16xf32>
        %swap3A_137 = arith.index_cast %add3A_76 : i32 to index
        %swap3A_138 = arith.constant 48 : index
        %swap3A_139 = tpu.vector_load %arg14[%swap3A_137, %swap3A_138] {strides = array<i32>} : memref<160x128xf32, #tpu.memory_space<vmem>>, vector<1x16xf32>,
        %swap3A_140 = vector.shape_cast %swap3A_139 : vector<1x16xf32> to vector<16xf32>
        %swap3A_141 = vector.shape_cast %max3A_136 : vector<16xf32> to vector<1x16xf32>
        tpu.vector_store %arg14[%swap3A_137, %swap3A_138], %swap3A_141 {strides = array<i32>} : memref<160x128xf32, #tpu.memory_space<vmem>>, vector<1x16xf32>,
        %get3A_142 = arith.index_cast %add3A_76 : i32 to index
        %get3A_143 = arith.constant 64 : index
        %get3A_144 = tpu.vector_load %arg14[%get3A_142, %get3A_143] {strides = array<i32>} : memref<160x128xf32, #tpu.memory_space<vmem>>, vector<1x16xf32>,
        %get3A_145 = vector.shape_cast %get3A_144 : vector<1x16xf32> to vector<16xf32>
        %get3A_146 = arith.index_cast %add3A_76 : i32 to index
        %get3A_147 = arith.constant 64 : index
        %get3A_148 = tpu.vector_load %arg15[%get3A_146, %get3A_147] {strides = array<i32>} : memref<160x128xf32, #tpu.memory_space<vmem>>, vector<1x16xf32>,
        %get3A_149 = vector.shape_cast %get3A_148 : vector<1x16xf32> to vector<16xf32>
        %add3A_150 = arith.addf %get3A_145, %get3A_149 : vector<16xf32>
        %max3A_151 = arith.constant 0.000000e+00 : f32
        %max3A_152 = vector.broadcast %max3A_151 : f32 to vector<16xf32>
        %max3A_153 = arith.maximumf %add3A_150, %max3A_152 : vector<16xf32>
        %swap3A_154 = arith.index_cast %add3A_76 : i32 to index
        %swap3A_155 = arith.constant 64 : index
        %swap3A_156 = tpu.vector_load %arg14[%swap3A_154, %swap3A_155] {strides = array<i32>} : memref<160x128xf32, #tpu.memory_space<vmem>>, vector<1x16xf32>,
        %swap3A_157 = vector.shape_cast %swap3A_156 : vector<1x16xf32> to vector<16xf32>
        %swap3A_158 = vector.shape_cast %max3A_153 : vector<16xf32> to vector<1x16xf32>
        tpu.vector_store %arg14[%swap3A_154, %swap3A_155], %swap3A_158 {strides = array<i32>} : memref<160x128xf32, #tpu.memory_space<vmem>>, vector<1x16xf32>,
        %get3A_159 = arith.index_cast %add3A_76 : i32 to index
        %get3A_160 = arith.constant 80 : index
        %get3A_161 = tpu.vector_load %arg14[%get3A_159, %get3A_160] {strides = array<i32>} : memref<160x128xf32, #tpu.memory_space<vmem>>, vector<1x16xf32>,
        %get3A_162 = vector.shape_cast %get3A_161 : vector<1x16xf32> to vector<16xf32>
        %get3A_163 = arith.index_cast %add3A_76 : i32 to index
        %get3A_164 = arith.constant 80 : index
        %get3A_165 = tpu.vector_load %arg15[%get3A_163, %get3A_164] {strides = array<i32>} : memref<160x128xf32, #tpu.memory_space<vmem>>, vector<1x16xf32>,
        %get3A_166 = vector.shape_cast %get3A_165 : vector<1x16xf32> to vector<16xf32>
        %add3A_167 = arith.addf %get3A_162, %get3A_166 : vector<16xf32>
        %max3A_168 = arith.constant 0.000000e+00 : f32
        %max3A_169 = vector.broadcast %max3A_168 : f32 to vector<16xf32>
        %max3A_170 = arith.maximumf %add3A_167, %max3A_169 : vector<16xf32>
        %swap3A_171 = arith.index_cast %add3A_76 : i32 to index
        %swap3A_172 = arith.constant 80 : index
        %swap3A_173 = tpu.vector_load %arg14[%swap3A_171, %swap3A_172] {strides = array<i32>} : memref<160x128xf32, #tpu.memory_space<vmem>>, vector<1x16xf32>,
        %swap3A_174 = vector.shape_cast %swap3A_173 : vector<1x16xf32> to vector<16xf32>
        %swap3A_175 = vector.shape_cast %max3A_170 : vector<16xf32> to vector<1x16xf32>
        tpu.vector_store %arg14[%swap3A_171, %swap3A_172], %swap3A_175 {strides = array<i32>} : memref<160x128xf32, #tpu.memory_space<vmem>>, vector<1x16xf32>,
        %get3A_176 = arith.index_cast %add3A_76 : i32 to index
        %get3A_177 = arith.constant 96 : index
        %get3A_178 = tpu.vector_load %arg14[%get3A_176, %get3A_177] {strides = array<i32>} : memref<160x128xf32, #tpu.memory_space<vmem>>, vector<1x16xf32>,
        %get3A_179 = vector.shape_cast %get3A_178 : vector<1x16xf32> to vector<16xf32>
        %get3A_180 = arith.index_cast %add3A_76 : i32 to index
        %get3A_181 = arith.constant 96 : index
        %get3A_182 = tpu.vector_load %arg15[%get3A_180, %get3A_181] {strides = array<i32>} : memref<160x128xf32, #tpu.memory_space<vmem>>, vector<1x16xf32>,
        %get3A_183 = vector.shape_cast %get3A_182 : vector<1x16xf32> to vector<16xf32>
        %add3A_184 = arith.addf %get3A_179, %get3A_183 : vector<16xf32>
        %max3A_185 = arith.constant 0.000000e+00 : f32
        %max3A_186 = vector.broadcast %max3A_185 : f32 to vector<16xf32>
        %max3A_187 = arith.maximumf %add3A_184, %max3A_186 : vector<16xf32>
        %swap3A_188 = arith.index_cast %add3A_76 : i32 to index
        %swap3A_189 = arith.constant 96 : index
        %swap3A_190 = tpu.vector_load %arg14[%swap3A_188, %swap3A_189] {strides = array<i32>} : memref<160x128xf32, #tpu.memory_space<vmem>>, vector<1x16xf32>,
        %swap3A_191 = vector.shape_cast %swap3A_190 : vector<1x16xf32> to vector<16xf32>
        %swap3A_192 = vector.shape_cast %max3A_187 : vector<16xf32> to vector<1x16xf32>
        tpu.vector_store %arg14[%swap3A_188, %swap3A_189], %swap3A_192 {strides = array<i32>} : memref<160x128xf32, #tpu.memory_space<vmem>>, vector<1x16xf32>,
        %get3A_193 = arith.index_cast %add3A_76 : i32 to index
        %get3A_194 = arith.constant 112 : index
        %get3A_195 = tpu.vector_load %arg14[%get3A_193, %get3A_194] {strides = array<i32>} : memref<160x128xf32, #tpu.memory_space<vmem>>, vector<1x16xf32>,
        %get3A_196 = vector.shape_cast %get3A_195 : vector<1x16xf32> to vector<16xf32>
        %get3A_197 = arith.index_cast %add3A_76 : i32 to index
        %get3A_198 = arith.constant 112 : index
        %get3A_199 = tpu.vector_load %arg15[%get3A_197, %get3A_198] {strides = array<i32>} : memref<160x128xf32, #tpu.memory_space<vmem>>, vector<1x16xf32>,
        %get3A_200 = vector.shape_cast %get3A_199 : vector<1x16xf32> to vector<16xf32>
        %add3A_201 = arith.addf %get3A_196, %get3A_200 : vector<16xf32>
        %max3A_202 = arith.constant 0.000000e+00 : f32
        %max3A_203 = vector.broadcast %max3A_202 : f32 to vector<16xf32>
        %max3A_204 = arith.maximumf %add3A_201, %max3A_203 : vector<16xf32>
        %swap3A_205 = arith.index_cast %add3A_76 : i32 to index
        %swap3A_206 = arith.constant 112 : index
        %swap3A_207 = tpu.vector_load %arg14[%swap3A_205, %swap3A_206] {strides = array<i32>} : memref<160x128xf32, #tpu.memory_space<vmem>>, vector<1x16xf32>,
        %swap3A_208 = vector.shape_cast %swap3A_207 : vector<1x16xf32> to vector<16xf32>
        %swap3A_209 = vector.shape_cast %max3A_204 : vector<16xf32> to vector<1x16xf32>
        tpu.vector_store %arg14[%swap3A_205, %swap3A_206], %swap3A_209 {strides = array<i32>} : memref<160x128xf32, #tpu.memory_space<vmem>>, vector<1x16xf32>,
        %scan3A_210 = arith.constant 1 : i32
        %scan3A_211 = arith.addi %scan3A_72, %scan3A_210 : i32
        %mul3A_212 = arith.constant 1 : i32
        %mul3A_213 = arith.muli %scan3A_211, %mul3A_212 : i32
        %add3A_214 = arith.constant 0 : i32
        %add3A_215 = arith.addi %add3A_214, %mul3A_213 : i32
        %get3A_216 = arith.index_cast %add3A_215 : i32 to index
        %get3A_217 = arith.constant 0 : index
        %get3A_218 = tpu.vector_load %arg14[%get3A_216, %get3A_217] {strides = array<i32>} : memref<160x128xf32, #tpu.memory_space<vmem>>, vector<1x16xf32>,
        %get3A_219 = vector.shape_cast %get3A_218 : vector<1x16xf32> to vector<16xf32>
        %get3A_220 = arith.index_cast %add3A_215 : i32 to index
        %get3A_221 = arith.constant 0 : index
        %get3A_222 = tpu.vector_load %arg15[%get3A_220, %get3A_221] {strides = array<i32>} : memref<160x128xf32, #tpu.memory_space<vmem>>, vector<1x16xf32>,
        %get3A_223 = vector.shape_cast %get3A_222 : vector<1x16xf32> to vector<16xf32>
        %add3A_224 = arith.addf %get3A_219, %get3A_223 : vector<16xf32>
        %max3A_225 = arith.constant 0.000000e+00 : f32
        %max3A_226 = vector.broadcast %max3A_225 : f32 to vector<16xf32>
        %max3A_227 = arith.maximumf %add3A_224, %max3A_226 : vector<16xf32>
        %swap3A_228 = arith.index_cast %add3A_215 : i32 to index
        %swap3A_229 = arith.constant 0 : index
        %swap3A_230 = tpu.vector_load %arg14[%swap3A_228, %swap3A_229] {strides = array<i32>} : memref<160x128xf32, #tpu.memory_space<vmem>>, vector<1x16xf32>,
        %swap3A_231 = vector.shape_cast %swap3A_230 : vector<1x16xf32> to vector<16xf32>
        %swap3A_232 = vector.shape_cast %max3A_227 : vector<16xf32> to vector<1x16xf32>
        tpu.vector_store %arg14[%swap3A_228, %swap3A_229], %swap3A_232 {strides = array<i32>} : memref<160x128xf32, #tpu.memory_space<vmem>>, vector<1x16xf32>,
        %get3A_233 = arith.index_cast %add3A_215 : i32 to index
        %get3A_234 = arith.constant 16 : index
        %get3A_235 = tpu.vector_load %arg14[%get3A_233, %get3A_234] {strides = array<i32>} : memref<160x128xf32, #tpu.memory_space<vmem>>, vector<1x16xf32>,
        %get3A_236 = vector.shape_cast %get3A_235 : vector<1x16xf32> to vector<16xf32>
        %get3A_237 = arith.index_cast %add3A_215 : i32 to index
        %get3A_238 = arith.constant 16 : index
        %get3A_239 = tpu.vector_load %arg15[%get3A_237, %get3A_238] {strides = array<i32>} : memref<160x128xf32, #tpu.memory_space<vmem>>, vector<1x16xf32>,
        %get3A_240 = vector.shape_cast %get3A_239 : vector<1x16xf32> to vector<16xf32>
        %add3A_241 = arith.addf %get3A_236, %get3A_240 : vector<16xf32>
        %max3A_242 = arith.constant 0.000000e+00 : f32
        %max3A_243 = vector.broadcast %max3A_242 : f32 to vector<16xf32>
        %max3A_244 = arith.maximumf %add3A_241, %max3A_243 : vector<16xf32>
        %swap3A_245 = arith.index_cast %add3A_215 : i32 to index
        %swap3A_246 = arith.constant 16 : index
        %swap3A_247 = tpu.vector_load %arg14[%swap3A_245, %swap3A_246] {strides = array<i32>} : memref<160x128xf32, #tpu.memory_space<vmem>>, vector<1x16xf32>,
        %swap3A_248 = vector.shape_cast %swap3A_247 : vector<1x16xf32> to vector<16xf32>
        %swap3A_249 = vector.shape_cast %max3A_244 : vector<16xf32> to vector<1x16xf32>
        tpu.vector_store %arg14[%swap3A_245, %swap3A_246], %swap3A_249 {strides = array<i32>} : memref<160x128xf32, #tpu.memory_space<vmem>>, vector<1x16xf32>,
        %get3A_250 = arith.index_cast %add3A_215 : i32 to index
        %get3A_251 = arith.constant 32 : index
        %get3A_252 = tpu.vector_load %arg14[%get3A_250, %get3A_251] {strides = array<i32>} : memref<160x128xf32, #tpu.memory_space<vmem>>, vector<1x16xf32>,
        %get3A_253 = vector.shape_cast %get3A_252 : vector<1x16xf32> to vector<16xf32>
        %get3A_254 = arith.index_cast %add3A_215 : i32 to index
        %get3A_255 = arith.constant 32 : index
        %get3A_256 = tpu.vector_load %arg15[%get3A_254, %get3A_255] {strides = array<i32>} : memref<160x128xf32, #tpu.memory_space<vmem>>, vector<1x16xf32>,
        %get3A_257 = vector.shape_cast %get3A_256 : vector<1x16xf32> to vector<16xf32>
        %add3A_258 = arith.addf %get3A_253, %get3A_257 : vector<16xf32>
        %max3A_259 = arith.constant 0.000000e+00 : f32
        %max3A_260 = vector.broadcast %max3A_259 : f32 to vector<16xf32>
        %max3A_261 = arith.maximumf %add3A_258, %max3A_260 : vector<16xf32>
        %swap3A_262 = arith.index_cast %add3A_215 : i32 to index
        %swap3A_263 = arith.constant 32 : index
        %swap3A_264 = tpu.vector_load %arg14[%swap3A_262, %swap3A_263] {strides = array<i32>} : memref<160x128xf32, #tpu.memory_space<vmem>>, vector<1x16xf32>,
        %swap3A_265 = vector.shape_cast %swap3A_264 : vector<1x16xf32> to vector<16xf32>
        %swap3A_266 = vector.shape_cast %max3A_261 : vector<16xf32> to vector<1x16xf32>
        tpu.vector_store %arg14[%swap3A_262, %swap3A_263], %swap3A_266 {strides = array<i32>} : memref<160x128xf32, #tpu.memory_space<vmem>>, vector<1x16xf32>,
        %get3A_267 = arith.index_cast %add3A_215 : i32 to index
        %get3A_268 = arith.constant 48 : index
        %get3A_269 = tpu.vector_load %arg14[%get3A_267, %get3A_268] {strides = array<i32>} : memref<160x128xf32, #tpu.memory_space<vmem>>, vector<1x16xf32>,
        %get3A_270 = vector.shape_cast %get3A_269 : vector<1x16xf32> to vector<16xf32>
        %get3A_271 = arith.index_cast %add3A_215 : i32 to index
        %get3A_272 = arith.constant 48 : index
        %get3A_273 = tpu.vector_load %arg15[%get3A_271, %get3A_272] {strides = array<i32>} : memref<160x128xf32, #tpu.memory_space<vmem>>, vector<1x16xf32>,
        %get3A_274 = vector.shape_cast %get3A_273 : vector<1x16xf32> to vector<16xf32>
        %add3A_275 = arith.addf %get3A_270, %get3A_274 : vector<16xf32>
        %max3A_276 = arith.constant 0.000000e+00 : f32
        %max3A_277 = vector.broadcast %max3A_276 : f32 to vector<16xf32>
        %max3A_278 = arith.maximumf %add3A_275, %max3A_277 : vector<16xf32>
        %swap3A_279 = arith.index_cast %add3A_215 : i32 to index
        %swap3A_280 = arith.constant 48 : index
        %swap3A_281 = tpu.vector_load %arg14[%swap3A_279, %swap3A_280] {strides = array<i32>} : memref<160x128xf32, #tpu.memory_space<vmem>>, vector<1x16xf32>,
        %swap3A_282 = vector.shape_cast %swap3A_281 : vector<1x16xf32> to vector<16xf32>
        %swap3A_283 = vector.shape_cast %max3A_278 : vector<16xf32> to vector<1x16xf32>
        tpu.vector_store %arg14[%swap3A_279, %swap3A_280], %swap3A_283 {strides = array<i32>} : memref<160x128xf32, #tpu.memory_space<vmem>>, vector<1x16xf32>,
        %get3A_284 = arith.index_cast %add3A_215 : i32 to index
        %get3A_285 = arith.constant 64 : index
        %get3A_286 = tpu.vector_load %arg14[%get3A_284, %get3A_285] {strides = array<i32>} : memref<160x128xf32, #tpu.memory_space<vmem>>, vector<1x16xf32>,
        %get3A_287 = vector.shape_cast %get3A_286 : vector<1x16xf32> to vector<16xf32>
        %get3A_288 = arith.index_cast %add3A_215 : i32 to index
        %get3A_289 = arith.constant 64 : index
        %get3A_290 = tpu.vector_load %arg15[%get3A_288, %get3A_289] {strides = array<i32>} : memref<160x128xf32, #tpu.memory_space<vmem>>, vector<1x16xf32>,
        %get3A_291 = vector.shape_cast %get3A_290 : vector<1x16xf32> to vector<16xf32>
        %add3A_292 = arith.addf %get3A_287, %get3A_291 : vector<16xf32>
        %max3A_293 = arith.constant 0.000000e+00 : f32
        %max3A_294 = vector.broadcast %max3A_293 : f32 to vector<16xf32>
        %max3A_295 = arith.maximumf %add3A_292, %max3A_294 : vector<16xf32>
        %swap3A_296 = arith.index_cast %add3A_215 : i32 to index
        %swap3A_297 = arith.constant 64 : index
        %swap3A_298 = tpu.vector_load %arg14[%swap3A_296, %swap3A_297] {strides = array<i32>} : memref<160x128xf32, #tpu.memory_space<vmem>>, vector<1x16xf32>,
        %swap3A_299 = vector.shape_cast %swap3A_298 : vector<1x16xf32> to vector<16xf32>
        %swap3A_300 = vector.shape_cast %max3A_295 : vector<16xf32> to vector<1x16xf32>
        tpu.vector_store %arg14[%swap3A_296, %swap3A_297], %swap3A_300 {strides = array<i32>} : memref<160x128xf32, #tpu.memory_space<vmem>>, vector<1x16xf32>,
        %get3A_301 = arith.index_cast %add3A_215 : i32 to index
        %get3A_302 = arith.constant 80 : index
        %get3A_303 = tpu.vector_load %arg14[%get3A_301, %get3A_302] {strides = array<i32>} : memref<160x128xf32, #tpu.memory_space<vmem>>, vector<1x16xf32>,
        %get3A_304 = vector.shape_cast %get3A_303 : vector<1x16xf32> to vector<16xf32>
        %get3A_305 = arith.index_cast %add3A_215 : i32 to index
        %get3A_306 = arith.constant 80 : index
        %get3A_307 = tpu.vector_load %arg15[%get3A_305, %get3A_306] {strides = array<i32>} : memref<160x128xf32, #tpu.memory_space<vmem>>, vector<1x16xf32>,
        %get3A_308 = vector.shape_cast %get3A_307 : vector<1x16xf32> to vector<16xf32>
        %add3A_309 = arith.addf %get3A_304, %get3A_308 : vector<16xf32>
        %max3A_310 = arith.constant 0.000000e+00 : f32
        %max3A_311 = vector.broadcast %max3A_310 : f32 to vector<16xf32>
        %max3A_312 = arith.maximumf %add3A_309, %max3A_311 : vector<16xf32>
        %swap3A_313 = arith.index_cast %add3A_215 : i32 to index
        %swap3A_314 = arith.constant 80 : index
        %swap3A_315 = tpu.vector_load %arg14[%swap3A_313, %swap3A_314] {strides = array<i32>} : memref<160x128xf32, #tpu.memory_space<vmem>>, vector<1x16xf32>,
        %swap3A_316 = vector.shape_cast %swap3A_315 : vector<1x16xf32> to vector<16xf32>
        %swap3A_317 = vector.shape_cast %max3A_312 : vector<16xf32> to vector<1x16xf32>
        tpu.vector_store %arg14[%swap3A_313, %swap3A_314], %swap3A_317 {strides = array<i32>} : memref<160x128xf32, #tpu.memory_space<vmem>>, vector<1x16xf32>,
        %get3A_318 = arith.index_cast %add3A_215 : i32 to index
        %get3A_319 = arith.constant 96 : index
        %get3A_320 = tpu.vector_load %arg14[%get3A_318, %get3A_319] {strides = array<i32>} : memref<160x128xf32, #tpu.memory_space<vmem>>, vector<1x16xf32>,
        %get3A_321 = vector.shape_cast %get3A_320 : vector<1x16xf32> to vector<16xf32>
        %get3A_322 = arith.index_cast %add3A_215 : i32 to index
        %get3A_323 = arith.constant 96 : index
        %get3A_324 = tpu.vector_load %arg15[%get3A_322, %get3A_323] {strides = array<i32>} : memref<160x128xf32, #tpu.memory_space<vmem>>, vector<1x16xf32>,
        %get3A_325 = vector.shape_cast %get3A_324 : vector<1x16xf32> to vector<16xf32>
        %add3A_326 = arith.addf %get3A_321, %get3A_325 : vector<16xf32>
        %max3A_327 = arith.constant 0.000000e+00 : f32
        %max3A_328 = vector.broadcast %max3A_327 : f32 to vector<16xf32>
        %max3A_329 = arith.maximumf %add3A_326, %max3A_328 : vector<16xf32>
        %swap3A_330 = arith.index_cast %add3A_215 : i32 to index
        %swap3A_331 = arith.constant 96 : index
        %swap3A_332 = tpu.vector_load %arg14[%swap3A_330, %swap3A_331] {strides = array<i32>} : memref<160x128xf32, #tpu.memory_space<vmem>>, vector<1x16xf32>,
        %swap3A_333 = vector.shape_cast %swap3A_332 : vector<1x16xf32> to vector<16xf32>
        %swap3A_334 = vector.shape_cast %max3A_329 : vector<16xf32> to vector<1x16xf32>
        tpu.vector_store %arg14[%swap3A_330, %swap3A_331], %swap3A_334 {strides = array<i32>} : memref<160x128xf32, #tpu.memory_space<vmem>>, vector<1x16xf32>,
        %get3A_335 = arith.index_cast %add3A_215 : i32 to index
        %get3A_336 = arith.constant 112 : index
        %get3A_337 = tpu.vector_load %arg14[%get3A_335, %get3A_336] {strides = array<i32>} : memref<160x128xf32, #tpu.memory_space<vmem>>, vector<1x16xf32>,
        %get3A_338 = vector.shape_cast %get3A_337 : vector<1x16xf32> to vector<16xf32>
        %get3A_339 = arith.index_cast %add3A_215 : i32 to index
        %get3A_340 = arith.constant 112 : index
        %get3A_341 = tpu.vector_load %arg15[%get3A_339, %get3A_340] {strides = array<i32>} : memref<160x128xf32, #tpu.memory_space<vmem>>, vector<1x16xf32>,
        %get3A_342 = vector.shape_cast %get3A_341 : vector<1x16xf32> to vector<16xf32>
        %add3A_343 = arith.addf %get3A_338, %get3A_342 : vector<16xf32>
        %max3A_344 = arith.constant 0.000000e+00 : f32
        %max3A_345 = vector.broadcast %max3A_344 : f32 to vector<16xf32>
        %max3A_346 = arith.maximumf %add3A_343, %max3A_345 : vector<16xf32>
        %swap3A_347 = arith.index_cast %add3A_215 : i32 to index
        %swap3A_348 = arith.constant 112 : index
        %swap3A_349 = tpu.vector_load %arg14[%swap3A_347, %swap3A_348] {strides = array<i32>} : memref<160x128xf32, #tpu.memory_space<vmem>>, vector<1x16xf32>,
        %swap3A_350 = vector.shape_cast %swap3A_349 : vector<1x16xf32> to vector<16xf32>
        %swap3A_351 = vector.shape_cast %max3A_346 : vector<16xf32> to vector<1x16xf32>
        tpu.vector_store %arg14[%swap3A_347, %swap3A_348], %swap3A_351 {strides = array<i32>} : memref<160x128xf32, #tpu.memory_space<vmem>>, vector<1x16xf32>,
        %scan3A_352 = arith.constant 2 : i32
        %scan3A_353 = arith.addi %scan3A_72, %scan3A_352 : i32
        %mul3A_354 = arith.constant 1 : i32
        %mul3A_355 = arith.muli %scan3A_353, %mul3A_354 : i32
        %add3A_356 = arith.constant 0 : i32
        %add3A_357 = arith.addi %add3A_356, %mul3A_355 : i32
        %get3A_358 = arith.index_cast %add3A_357 : i32 to index
        %get3A_359 = arith.constant 0 : index
        %get3A_360 = tpu.vector_load %arg14[%get3A_358, %get3A_359] {strides = array<i32>} : memref<160x128xf32, #tpu.memory_space<vmem>>, vector<1x16xf32>,
        %get3A_361 = vector.shape_cast %get3A_360 : vector<1x16xf32> to vector<16xf32>
        %get3A_362 = arith.index_cast %add3A_357 : i32 to index
        %get3A_363 = arith.constant 0 : index
        %get3A_364 = tpu.vector_load %arg15[%get3A_362, %get3A_363] {strides = array<i32>} : memref<160x128xf32, #tpu.memory_space<vmem>>, vector<1x16xf32>,
        %get3A_365 = vector.shape_cast %get3A_364 : vector<1x16xf32> to vector<16xf32>
        %add3A_366 = arith.addf %get3A_361, %get3A_365 : vector<16xf32>
        %max3A_367 = arith.constant 0.000000e+00 : f32
        %max3A_368 = vector.broadcast %max3A_367 : f32 to vector<16xf32>
        %max3A_369 = arith.maximumf %add3A_366, %max3A_368 : vector<16xf32>
        %swap3A_370 = arith.index_cast %add3A_357 : i32 to index
        %swap3A_371 = arith.constant 0 : index
        %swap3A_372 = tpu.vector_load %arg14[%swap3A_370, %swap3A_371] {strides = array<i32>} : memref<160x128xf32, #tpu.memory_space<vmem>>, vector<1x16xf32>,
        %swap3A_373 = vector.shape_cast %swap3A_372 : vector<1x16xf32> to vector<16xf32>
        %swap3A_374 = vector.shape_cast %max3A_369 : vector<16xf32> to vector<1x16xf32>
        tpu.vector_store %arg14[%swap3A_370, %swap3A_371], %swap3A_374 {strides = array<i32>} : memref<160x128xf32, #tpu.memory_space<vmem>>, vector<1x16xf32>,
        %get3A_375 = arith.index_cast %add3A_357 : i32 to index
        %get3A_376 = arith.constant 16 : index
        %get3A_377 = tpu.vector_load %arg14[%get3A_375, %get3A_376] {strides = array<i32>} : memref<160x128xf32, #tpu.memory_space<vmem>>, vector<1x16xf32>,
        %get3A_378 = vector.shape_cast %get3A_377 : vector<1x16xf32> to vector<16xf32>
        %get3A_379 = arith.index_cast %add3A_357 : i32 to index
        %get3A_380 = arith.constant 16 : index
        %get3A_381 = tpu.vector_load %arg15[%get3A_379, %get3A_380] {strides = array<i32>} : memref<160x128xf32, #tpu.memory_space<vmem>>, vector<1x16xf32>,
        %get3A_382 = vector.shape_cast %get3A_381 : vector<1x16xf32> to vector<16xf32>
        %add3A_383 = arith.addf %get3A_378, %get3A_382 : vector<16xf32>
        %max3A_384 = arith.constant 0.000000e+00 : f32
        %max3A_385 = vector.broadcast %max3A_384 : f32 to vector<16xf32>
        %max3A_386 = arith.maximumf %add3A_383, %max3A_385 : vector<16xf32>
        %swap3A_387 = arith.index_cast %add3A_357 : i32 to index
        %swap3A_388 = arith.constant 16 : index
        %swap3A_389 = tpu.vector_load %arg14[%swap3A_387, %swap3A_388] {strides = array<i32>} : memref<160x128xf32, #tpu.memory_space<vmem>>, vector<1x16xf32>,
        %swap3A_390 = vector.shape_cast %swap3A_389 : vector<1x16xf32> to vector<16xf32>
        %swap3A_391 = vector.shape_cast %max3A_386 : vector<16xf32> to vector<1x16xf32>
        tpu.vector_store %arg14[%swap3A_387, %swap3A_388], %swap3A_391 {strides = array<i32>} : memref<160x128xf32, #tpu.memory_space<vmem>>, vector<1x16xf32>,
        %get3A_392 = arith.index_cast %add3A_357 : i32 to index
        %get3A_393 = arith.constant 32 : index
        %get3A_394 = tpu.vector_load %arg14[%get3A_392, %get3A_393] {strides = array<i32>} : memref<160x128xf32, #tpu.memory_space<vmem>>, vector<1x16xf32>,
        %get3A_395 = vector.shape_cast %get3A_394 : vector<1x16xf32> to vector<16xf32>
        %get3A_396 = arith.index_cast %add3A_357 : i32 to index
        %get3A_397 = arith.constant 32 : index
        %get3A_398 = tpu.vector_load %arg15[%get3A_396, %get3A_397] {strides = array<i32>} : memref<160x128xf32, #tpu.memory_space<vmem>>, vector<1x16xf32>,
        %get3A_399 = vector.shape_cast %get3A_398 : vector<1x16xf32> to vector<16xf32>
        %add3A_400 = arith.addf %get3A_395, %get3A_399 : vector<16xf32>
        %max3A_401 = arith.constant 0.000000e+00 : f32
        %max3A_402 = vector.broadcast %max3A_401 : f32 to vector<16xf32>
        %max3A_403 = arith.maximumf %add3A_400, %max3A_402 : vector<16xf32>
        %swap3A_404 = arith.index_cast %add3A_357 : i32 to index
        %swap3A_405 = arith.constant 32 : index
        %swap3A_406 = tpu.vector_load %arg14[%swap3A_404, %swap3A_405] {strides = array<i32>} : memref<160x128xf32, #tpu.memory_space<vmem>>, vector<1x16xf32>,
        %swap3A_407 = vector.shape_cast %swap3A_406 : vector<1x16xf32> to vector<16xf32>
        %swap3A_408 = vector.shape_cast %max3A_403 : vector<16xf32> to vector<1x16xf32>
        tpu.vector_store %arg14[%swap3A_404, %swap3A_405], %swap3A_408 {strides = array<i32>} : memref<160x128xf32, #tpu.memory_space<vmem>>, vector<1x16xf32>,
        %get3A_409 = arith.index_cast %add3A_357 : i32 to index
        %get3A_410 = arith.constant 48 : index
        %get3A_411 = tpu.vector_load %arg14[%get3A_409, %get3A_410] {strides = array<i32>} : memref<160x128xf32, #tpu.memory_space<vmem>>, vector<1x16xf32>,
        %get3A_412 = vector.shape_cast %get3A_411 : vector<1x16xf32> to vector<16xf32>
        %get3A_413 = arith.index_cast %add3A_357 : i32 to index
        %get3A_414 = arith.constant 48 : index
        %get3A_415 = tpu.vector_load %arg15[%get3A_413, %get3A_414] {strides = array<i32>} : memref<160x128xf32, #tpu.memory_space<vmem>>, vector<1x16xf32>,
        %get3A_416 = vector.shape_cast %get3A_415 : vector<1x16xf32> to vector<16xf32>
        %add3A_417 = arith.addf %get3A_412, %get3A_416 : vector<16xf32>
        %max3A_418 = arith.constant 0.000000e+00 : f32
        %max3A_419 = vector.broadcast %max3A_418 : f32 to vector<16xf32>
        %max3A_420 = arith.maximumf %add3A_417, %max3A_419 : vector<16xf32>
        %swap3A_421 = arith.index_cast %add3A_357 : i32 to index
        %swap3A_422 = arith.constant 48 : index
        %swap3A_423 = tpu.vector_load %arg14[%swap3A_421, %swap3A_422] {strides = array<i32>} : memref<160x128xf32, #tpu.memory_space<vmem>>, vector<1x16xf32>,
        %swap3A_424 = vector.shape_cast %swap3A_423 : vector<1x16xf32> to vector<16xf32>
        %swap3A_425 = vector.shape_cast %max3A_420 : vector<16xf32> to vector<1x16xf32>
        tpu.vector_store %arg14[%swap3A_421, %swap3A_422], %swap3A_425 {strides = array<i32>} : memref<160x128xf32, #tpu.memory_space<vmem>>, vector<1x16xf32>,
        %get3A_426 = arith.index_cast %add3A_357 : i32 to index
        %get3A_427 = arith.constant 64 : index
        %get3A_428 = tpu.vector_load %arg14[%get3A_426, %get3A_427] {strides = array<i32>} : memref<160x128xf32, #tpu.memory_space<vmem>>, vector<1x16xf32>,
        %get3A_429 = vector.shape_cast %get3A_428 : vector<1x16xf32> to vector<16xf32>
        %get3A_430 = arith.index_cast %add3A_357 : i32 to index
        %get3A_431 = arith.constant 64 : index
        %get3A_432 = tpu.vector_load %arg15[%get3A_430, %get3A_431] {strides = array<i32>} : memref<160x128xf32, #tpu.memory_space<vmem>>, vector<1x16xf32>,
        %get3A_433 = vector.shape_cast %get3A_432 : vector<1x16xf32> to vector<16xf32>
        %add3A_434 = arith.addf %get3A_429, %get3A_433 : vector<16xf32>
        %max3A_435 = arith.constant 0.000000e+00 : f32
        %max3A_436 = vector.broadcast %max3A_435 : f32 to vector<16xf32>
        %max3A_437 = arith.maximumf %add3A_434, %max3A_436 : vector<16xf32>
        %swap3A_438 = arith.index_cast %add3A_357 : i32 to index
        %swap3A_439 = arith.constant 64 : index
        %swap3A_440 = tpu.vector_load %arg14[%swap3A_438, %swap3A_439] {strides = array<i32>} : memref<160x128xf32, #tpu.memory_space<vmem>>, vector<1x16xf32>,
        %swap3A_441 = vector.shape_cast %swap3A_440 : vector<1x16xf32> to vector<16xf32>
        %swap3A_442 = vector.shape_cast %max3A_437 : vector<16xf32> to vector<1x16xf32>
        tpu.vector_store %arg14[%swap3A_438, %swap3A_439], %swap3A_442 {strides = array<i32>} : memref<160x128xf32, #tpu.memory_space<vmem>>, vector<1x16xf32>,
        %get3A_443 = arith.index_cast %add3A_357 : i32 to index
        %get3A_444 = arith.constant 80 : index
        %get3A_445 = tpu.vector_load %arg14[%get3A_443, %get3A_444] {strides = array<i32>} : memref<160x128xf32, #tpu.memory_space<vmem>>, vector<1x16xf32>,
        %get3A_446 = vector.shape_cast %get3A_445 : vector<1x16xf32> to vector<16xf32>
        %get3A_447 = arith.index_cast %add3A_357 : i32 to index
        %get3A_448 = arith.constant 80 : index
        %get3A_449 = tpu.vector_load %arg15[%get3A_447, %get3A_448] {strides = array<i32>} : memref<160x128xf32, #tpu.memory_space<vmem>>, vector<1x16xf32>,
        %get3A_450 = vector.shape_cast %get3A_449 : vector<1x16xf32> to vector<16xf32>
        %add3A_451 = arith.addf %get3A_446, %get3A_450 : vector<16xf32>
        %max3A_452 = arith.constant 0.000000e+00 : f32
        %max3A_453 = vector.broadcast %max3A_452 : f32 to vector<16xf32>
        %max3A_454 = arith.maximumf %add3A_451, %max3A_453 : vector<16xf32>
        %swap3A_455 = arith.index_cast %add3A_357 : i32 to index
        %swap3A_456 = arith.constant 80 : index
        %swap3A_457 = tpu.vector_load %arg14[%swap3A_455, %swap3A_456] {strides = array<i32>} : memref<160x128xf32, #tpu.memory_space<vmem>>, vector<1x16xf32>,
        %swap3A_458 = vector.shape_cast %swap3A_457 : vector<1x16xf32> to vector<16xf32>
        %swap3A_459 = vector.shape_cast %max3A_454 : vector<16xf32> to vector<1x16xf32>
        tpu.vector_store %arg14[%swap3A_455, %swap3A_456], %swap3A_459 {strides = array<i32>} : memref<160x128xf32, #tpu.memory_space<vmem>>, vector<1x16xf32>,
        %get3A_460 = arith.index_cast %add3A_357 : i32 to index
        %get3A_461 = arith.constant 96 : index
        %get3A_462 = tpu.vector_load %arg14[%get3A_460, %get3A_461] {strides = array<i32>} : memref<160x128xf32, #tpu.memory_space<vmem>>, vector<1x16xf32>,
        %get3A_463 = vector.shape_cast %get3A_462 : vector<1x16xf32> to vector<16xf32>
        %get3A_464 = arith.index_cast %add3A_357 : i32 to index
        %get3A_465 = arith.constant 96 : index
        %get3A_466 = tpu.vector_load %arg15[%get3A_464, %get3A_465] {strides = array<i32>} : memref<160x128xf32, #tpu.memory_space<vmem>>, vector<1x16xf32>,
        %get3A_467 = vector.shape_cast %get3A_466 : vector<1x16xf32> to vector<16xf32>
        %add3A_468 = arith.addf %get3A_463, %get3A_467 : vector<16xf32>
        %max3A_469 = arith.constant 0.000000e+00 : f32
        %max3A_470 = vector.broadcast %max3A_469 : f32 to vector<16xf32>
        %max3A_471 = arith.maximumf %add3A_468, %max3A_470 : vector<16xf32>
        %swap3A_472 = arith.index_cast %add3A_357 : i32 to index
        %swap3A_473 = arith.constant 96 : index
        %swap3A_474 = tpu.vector_load %arg14[%swap3A_472, %swap3A_473] {strides = array<i32>} : memref<160x128xf32, #tpu.memory_space<vmem>>, vector<1x16xf32>,
        %swap3A_475 = vector.shape_cast %swap3A_474 : vector<1x16xf32> to vector<16xf32>
        %swap3A_476 = vector.shape_cast %max3A_471 : vector<16xf32> to vector<1x16xf32>
        tpu.vector_store %arg14[%swap3A_472, %swap3A_473], %swap3A_476 {strides = array<i32>} : memref<160x128xf32, #tpu.memory_space<vmem>>, vector<1x16xf32>,
        %get3A_477 = arith.index_cast %add3A_357 : i32 to index
        %get3A_478 = arith.constant 112 : index
        %get3A_479 = tpu.vector_load %arg14[%get3A_477, %get3A_478] {strides = array<i32>} : memref<160x128xf32, #tpu.memory_space<vmem>>, vector<1x16xf32>,
        %get3A_480 = vector.shape_cast %get3A_479 : vector<1x16xf32> to vector<16xf32>
        %get3A_481 = arith.index_cast %add3A_357 : i32 to index
        %get3A_482 = arith.constant 112 : index
        %get3A_483 = tpu.vector_load %arg15[%get3A_481, %get3A_482] {strides = array<i32>} : memref<160x128xf32, #tpu.memory_space<vmem>>, vector<1x16xf32>,
        %get3A_484 = vector.shape_cast %get3A_483 : vector<1x16xf32> to vector<16xf32>
        %add3A_485 = arith.addf %get3A_480, %get3A_484 : vector<16xf32>
        %max3A_486 = arith.constant 0.000000e+00 : f32
        %max3A_487 = vector.broadcast %max3A_486 : f32 to vector<16xf32>
        %max3A_488 = arith.maximumf %add3A_485, %max3A_487 : vector<16xf32>
        %swap3A_489 = arith.index_cast %add3A_357 : i32 to index
        %swap3A_490 = arith.constant 112 : index
        %swap3A_491 = tpu.vector_load %arg14[%swap3A_489, %swap3A_490] {strides = array<i32>} : memref<160x128xf32, #tpu.memory_space<vmem>>, vector<1x16xf32>,
        %swap3A_492 = vector.shape_cast %swap3A_491 : vector<1x16xf32> to vector<16xf32>
        %swap3A_493 = vector.shape_cast %max3A_488 : vector<16xf32> to vector<1x16xf32>
        tpu.vector_store %arg14[%swap3A_489, %swap3A_490], %swap3A_493 {strides = array<i32>} : memref<160x128xf32, #tpu.memory_space<vmem>>, vector<1x16xf32>,
        %scan3A_494 = arith.constant 3 : i32
        %scan3A_495 = arith.addi %scan3A_72, %scan3A_494 : i32
        %mul3A_496 = arith.constant 1 : i32
        %mul3A_497 = arith.muli %scan3A_495, %mul3A_496 : i32
        %add3A_498 = arith.constant 0 : i32
        %add3A_499 = arith.addi %add3A_498, %mul3A_497 : i32
        %get3A_500 = arith.index_cast %add3A_499 : i32 to index
        %get3A_501 = arith.constant 0 : index
        %get3A_502 = tpu.vector_load %arg14[%get3A_500, %get3A_501] {strides = array<i32>} : memref<160x128xf32, #tpu.memory_space<vmem>>, vector<1x16xf32>,
        %get3A_503 = vector.shape_cast %get3A_502 : vector<1x16xf32> to vector<16xf32>
        %get3A_504 = arith.index_cast %add3A_499 : i32 to index
        %get3A_505 = arith.constant 0 : index
        %get3A_506 = tpu.vector_load %arg15[%get3A_504, %get3A_505] {strides = array<i32>} : memref<160x128xf32, #tpu.memory_space<vmem>>, vector<1x16xf32>,
        %get3A_507 = vector.shape_cast %get3A_506 : vector<1x16xf32> to vector<16xf32>
        %add3A_508 = arith.addf %get3A_503, %get3A_507 : vector<16xf32>
        %max3A_509 = arith.constant 0.000000e+00 : f32
        %max3A_510 = vector.broadcast %max3A_509 : f32 to vector<16xf32>
        %max3A_511 = arith.maximumf %add3A_508, %max3A_510 : vector<16xf32>
        %swap3A_512 = arith.index_cast %add3A_499 : i32 to index
        %swap3A_513 = arith.constant 0 : index
        %swap3A_514 = tpu.vector_load %arg14[%swap3A_512, %swap3A_513] {strides = array<i32>} : memref<160x128xf32, #tpu.memory_space<vmem>>, vector<1x16xf32>,
        %swap3A_515 = vector.shape_cast %swap3A_514 : vector<1x16xf32> to vector<16xf32>
        %swap3A_516 = vector.shape_cast %max3A_511 : vector<16xf32> to vector<1x16xf32>
        tpu.vector_store %arg14[%swap3A_512, %swap3A_513], %swap3A_516 {strides = array<i32>} : memref<160x128xf32, #tpu.memory_space<vmem>>, vector<1x16xf32>,
        %get3A_517 = arith.index_cast %add3A_499 : i32 to index
        %get3A_518 = arith.constant 16 : index
        %get3A_519 = tpu.vector_load %arg14[%get3A_517, %get3A_518] {strides = array<i32>} : memref<160x128xf32, #tpu.memory_space<vmem>>, vector<1x16xf32>,
        %get3A_520 = vector.shape_cast %get3A_519 : vector<1x16xf32> to vector<16xf32>
        %get3A_521 = arith.index_cast %add3A_499 : i32 to index
        %get3A_522 = arith.constant 16 : index
        %get3A_523 = tpu.vector_load %arg15[%get3A_521, %get3A_522] {strides = array<i32>} : memref<160x128xf32, #tpu.memory_space<vmem>>, vector<1x16xf32>,
        %get3A_524 = vector.shape_cast %get3A_523 : vector<1x16xf32> to vector<16xf32>
        %add3A_525 = arith.addf %get3A_520, %get3A_524 : vector<16xf32>
        %max3A_526 = arith.constant 0.000000e+00 : f32
        %max3A_527 = vector.broadcast %max3A_526 : f32 to vector<16xf32>
        %max3A_528 = arith.maximumf %add3A_525, %max3A_527 : vector<16xf32>
        %swap3A_529 = arith.index_cast %add3A_499 : i32 to index
        %swap3A_530 = arith.constant 16 : index
        %swap3A_531 = tpu.vector_load %arg14[%swap3A_529, %swap3A_530] {strides = array<i32>} : memref<160x128xf32, #tpu.memory_space<vmem>>, vector<1x16xf32>,
        %swap3A_532 = vector.shape_cast %swap3A_531 : vector<1x16xf32> to vector<16xf32>
        %swap3A_533 = vector.shape_cast %max3A_528 : vector<16xf32> to vector<1x16xf32>
        tpu.vector_store %arg14[%swap3A_529, %swap3A_530], %swap3A_533 {strides = array<i32>} : memref<160x128xf32, #tpu.memory_space<vmem>>, vector<1x16xf32>,
        %get3A_534 = arith.index_cast %add3A_499 : i32 to index
        %get3A_535 = arith.constant 32 : index
        %get3A_536 = tpu.vector_load %arg14[%get3A_534, %get3A_535] {strides = array<i32>} : memref<160x128xf32, #tpu.memory_space<vmem>>, vector<1x16xf32>,
        %get3A_537 = vector.shape_cast %get3A_536 : vector<1x16xf32> to vector<16xf32>
        %get3A_538 = arith.index_cast %add3A_499 : i32 to index
        %get3A_539 = arith.constant 32 : index
        %get3A_540 = tpu.vector_load %arg15[%get3A_538, %get3A_539] {strides = array<i32>} : memref<160x128xf32, #tpu.memory_space<vmem>>, vector<1x16xf32>,
        %get3A_541 = vector.shape_cast %get3A_540 : vector<1x16xf32> to vector<16xf32>
        %add3A_542 = arith.addf %get3A_537, %get3A_541 : vector<16xf32>
        %max3A_543 = arith.constant 0.000000e+00 : f32
        %max3A_544 = vector.broadcast %max3A_543 : f32 to vector<16xf32>
        %max3A_545 = arith.maximumf %add3A_542, %max3A_544 : vector<16xf32>
        %swap3A_546 = arith.index_cast %add3A_499 : i32 to index
        %swap3A_547 = arith.constant 32 : index
        %swap3A_548 = tpu.vector_load %arg14[%swap3A_546, %swap3A_547] {strides = array<i32>} : memref<160x128xf32, #tpu.memory_space<vmem>>, vector<1x16xf32>,
        %swap3A_549 = vector.shape_cast %swap3A_548 : vector<1x16xf32> to vector<16xf32>
        %swap3A_550 = vector.shape_cast %max3A_545 : vector<16xf32> to vector<1x16xf32>
        tpu.vector_store %arg14[%swap3A_546, %swap3A_547], %swap3A_550 {strides = array<i32>} : memref<160x128xf32, #tpu.memory_space<vmem>>, vector<1x16xf32>,
        %get3A_551 = arith.index_cast %add3A_499 : i32 to index
        %get3A_552 = arith.constant 48 : index
        %get3A_553 = tpu.vector_load %arg14[%get3A_551, %get3A_552] {strides = array<i32>} : memref<160x128xf32, #tpu.memory_space<vmem>>, vector<1x16xf32>,
        %get3A_554 = vector.shape_cast %get3A_553 : vector<1x16xf32> to vector<16xf32>
        %get3A_555 = arith.index_cast %add3A_499 : i32 to index
        %get3A_556 = arith.constant 48 : index
        %get3A_557 = tpu.vector_load %arg15[%get3A_555, %get3A_556] {strides = array<i32>} : memref<160x128xf32, #tpu.memory_space<vmem>>, vector<1x16xf32>,
        %get3A_558 = vector.shape_cast %get3A_557 : vector<1x16xf32> to vector<16xf32>
        %add3A_559 = arith.addf %get3A_554, %get3A_558 : vector<16xf32>
        %max3A_560 = arith.constant 0.000000e+00 : f32
        %max3A_561 = vector.broadcast %max3A_560 : f32 to vector<16xf32>
        %max3A_562 = arith.maximumf %add3A_559, %max3A_561 : vector<16xf32>
        %swap3A_563 = arith.index_cast %add3A_499 : i32 to index
        %swap3A_564 = arith.constant 48 : index
        %swap3A_565 = tpu.vector_load %arg14[%swap3A_563, %swap3A_564] {strides = array<i32>} : memref<160x128xf32, #tpu.memory_space<vmem>>, vector<1x16xf32>,
        %swap3A_566 = vector.shape_cast %swap3A_565 : vector<1x16xf32> to vector<16xf32>
        %swap3A_567 = vector.shape_cast %max3A_562 : vector<16xf32> to vector<1x16xf32>
        tpu.vector_store %arg14[%swap3A_563, %swap3A_564], %swap3A_567 {strides = array<i32>} : memref<160x128xf32, #tpu.memory_space<vmem>>, vector<1x16xf32>,
        %get3A_568 = arith.index_cast %add3A_499 : i32 to index
        %get3A_569 = arith.constant 64 : index
        %get3A_570 = tpu.vector_load %arg14[%get3A_568, %get3A_569] {strides = array<i32>} : memref<160x128xf32, #tpu.memory_space<vmem>>, vector<1x16xf32>,
        %get3A_571 = vector.shape_cast %get3A_570 : vector<1x16xf32> to vector<16xf32>
        %get3A_572 = arith.index_cast %add3A_499 : i32 to index
        %get3A_573 = arith.constant 64 : index
        %get3A_574 = tpu.vector_load %arg15[%get3A_572, %get3A_573] {strides = array<i32>} : memref<160x128xf32, #tpu.memory_space<vmem>>, vector<1x16xf32>,
        %get3A_575 = vector.shape_cast %get3A_574 : vector<1x16xf32> to vector<16xf32>
        %add3A_576 = arith.addf %get3A_571, %get3A_575 : vector<16xf32>
        %max3A_577 = arith.constant 0.000000e+00 : f32
        %max3A_578 = vector.broadcast %max3A_577 : f32 to vector<16xf32>
        %max3A_579 = arith.maximumf %add3A_576, %max3A_578 : vector<16xf32>
        %swap3A_580 = arith.index_cast %add3A_499 : i32 to index
        %swap3A_581 = arith.constant 64 : index
        %swap3A_582 = tpu.vector_load %arg14[%swap3A_580, %swap3A_581] {strides = array<i32>} : memref<160x128xf32, #tpu.memory_space<vmem>>, vector<1x16xf32>,
        %swap3A_583 = vector.shape_cast %swap3A_582 : vector<1x16xf32> to vector<16xf32>
        %swap3A_584 = vector.shape_cast %max3A_579 : vector<16xf32> to vector<1x16xf32>
        tpu.vector_store %arg14[%swap3A_580, %swap3A_581], %swap3A_584 {strides = array<i32>} : memref<160x128xf32, #tpu.memory_space<vmem>>, vector<1x16xf32>,
        %get3A_585 = arith.index_cast %add3A_499 : i32 to index
        %get3A_586 = arith.constant 80 : index
        %get3A_587 = tpu.vector_load %arg14[%get3A_585, %get3A_586] {strides = array<i32>} : memref<160x128xf32, #tpu.memory_space<vmem>>, vector<1x16xf32>,
        %get3A_588 = vector.shape_cast %get3A_587 : vector<1x16xf32> to vector<16xf32>
        %get3A_589 = arith.index_cast %add3A_499 : i32 to index
        %get3A_590 = arith.constant 80 : index
        %get3A_591 = tpu.vector_load %arg15[%get3A_589, %get3A_590] {strides = array<i32>} : memref<160x128xf32, #tpu.memory_space<vmem>>, vector<1x16xf32>,
        %get3A_592 = vector.shape_cast %get3A_591 : vector<1x16xf32> to vector<16xf32>
        %add3A_593 = arith.addf %get3A_588, %get3A_592 : vector<16xf32>
        %max3A_594 = arith.constant 0.000000e+00 : f32
        %max3A_595 = vector.broadcast %max3A_594 : f32 to vector<16xf32>
        %max3A_596 = arith.maximumf %add3A_593, %max3A_595 : vector<16xf32>
        %swap3A_597 = arith.index_cast %add3A_499 : i32 to index
        %swap3A_598 = arith.constant 80 : index
        %swap3A_599 = tpu.vector_load %arg14[%swap3A_597, %swap3A_598] {strides = array<i32>} : memref<160x128xf32, #tpu.memory_space<vmem>>, vector<1x16xf32>,
        %swap3A_600 = vector.shape_cast %swap3A_599 : vector<1x16xf32> to vector<16xf32>
        %swap3A_601 = vector.shape_cast %max3A_596 : vector<16xf32> to vector<1x16xf32>
        tpu.vector_store %arg14[%swap3A_597, %swap3A_598], %swap3A_601 {strides = array<i32>} : memref<160x128xf32, #tpu.memory_space<vmem>>, vector<1x16xf32>,
        %get3A_602 = arith.index_cast %add3A_499 : i32 to index
        %get3A_603 = arith.constant 96 : index
        %get3A_604 = tpu.vector_load %arg14[%get3A_602, %get3A_603] {strides = array<i32>} : memref<160x128xf32, #tpu.memory_space<vmem>>, vector<1x16xf32>,
        %get3A_605 = vector.shape_cast %get3A_604 : vector<1x16xf32> to vector<16xf32>
        %get3A_606 = arith.index_cast %add3A_499 : i32 to index
        %get3A_607 = arith.constant 96 : index
        %get3A_608 = tpu.vector_load %arg15[%get3A_606, %get3A_607] {strides = array<i32>} : memref<160x128xf32, #tpu.memory_space<vmem>>, vector<1x16xf32>,
        %get3A_609 = vector.shape_cast %get3A_608 : vector<1x16xf32> to vector<16xf32>
        %add3A_610 = arith.addf %get3A_605, %get3A_609 : vector<16xf32>
        %max3A_611 = arith.constant 0.000000e+00 : f32
        %max3A_612 = vector.broadcast %max3A_611 : f32 to vector<16xf32>
        %max3A_613 = arith.maximumf %add3A_610, %max3A_612 : vector<16xf32>
        %swap3A_614 = arith.index_cast %add3A_499 : i32 to index
        %swap3A_615 = arith.constant 96 : index
        %swap3A_616 = tpu.vector_load %arg14[%swap3A_614, %swap3A_615] {strides = array<i32>} : memref<160x128xf32, #tpu.memory_space<vmem>>, vector<1x16xf32>,
        %swap3A_617 = vector.shape_cast %swap3A_616 : vector<1x16xf32> to vector<16xf32>
        %swap3A_618 = vector.shape_cast %max3A_613 : vector<16xf32> to vector<1x16xf32>
        tpu.vector_store %arg14[%swap3A_614, %swap3A_615], %swap3A_618 {strides = array<i32>} : memref<160x128xf32, #tpu.memory_space<vmem>>, vector<1x16xf32>,
        %get3A_619 = arith.index_cast %add3A_499 : i32 to index
        %get3A_620 = arith.constant 112 : index
        %get3A_621 = tpu.vector_load %arg14[%get3A_619, %get3A_620] {strides = array<i32>} : memref<160x128xf32, #tpu.memory_space<vmem>>, vector<1x16xf32>,
        %get3A_622 = vector.shape_cast %get3A_621 : vector<1x16xf32> to vector<16xf32>
        %get3A_623 = arith.index_cast %add3A_499 : i32 to index
        %get3A_624 = arith.constant 112 : index
        %get3A_625 = tpu.vector_load %arg15[%get3A_623, %get3A_624] {strides = array<i32>} : memref<160x128xf32, #tpu.memory_space<vmem>>, vector<1x16xf32>,
        %get3A_626 = vector.shape_cast %get3A_625 : vector<1x16xf32> to vector<16xf32>
        %add3A_627 = arith.addf %get3A_622, %get3A_626 : vector<16xf32>
        %max3A_628 = arith.constant 0.000000e+00 : f32
        %max3A_629 = vector.broadcast %max3A_628 : f32 to vector<16xf32>
        %max3A_630 = arith.maximumf %add3A_627, %max3A_629 : vector<16xf32>
        %swap3A_631 = arith.index_cast %add3A_499 : i32 to index
        %swap3A_632 = arith.constant 112 : index
        %swap3A_633 = tpu.vector_load %arg14[%swap3A_631, %swap3A_632] {strides = array<i32>} : memref<160x128xf32, #tpu.memory_space<vmem>>, vector<1x16xf32>,
        %swap3A_634 = vector.shape_cast %swap3A_633 : vector<1x16xf32> to vector<16xf32>
        %swap3A_635 = vector.shape_cast %max3A_630 : vector<16xf32> to vector<1x16xf32>
        tpu.vector_store %arg14[%swap3A_631, %swap3A_632], %swap3A_635 {strides = array<i32>} : memref<160x128xf32, #tpu.memory_space<vmem>>, vector<1x16xf32>,
      }
      %scan3A_68 = arith.constant 160 : i32
      %mul3A_69 = arith.constant 160 : i32
      %mul3A_70 = arith.muli %add3A_57, %mul3A_69 : i32
      %add3A_71 = arith.addi %mul3A_2, %mul3A_70 : i32
      "tpu.region"() ({
        %run_scoped3A = tpu.sem_alloc : memref<!tpu.dma_semaphore, #tpu.memory_space<semaphore_mem>>
        %dma_start3A_72 = arith.constant 0 : i32
        %dma_start3A_73 = tpu.memref_slice %arg5[%add3A_71, %dma_start3A_72] : memref<102400x128xf32, #tpu.memory_space<hbm>> -> memref<160x128xf32, #tpu.memory_space<hbm>>
        %dma_start3A_74 = arith.constant 0 : i32
        %dma_start3A_75 = tpu.memref_slice %arg5[%add3A_71, %dma_start3A_74] : memref<102400x128xf32, #tpu.memory_space<hbm>> -> memref<160x128xf32, #tpu.memory_space<hbm>>
        tpu.enqueue_dma source(%arg14 : memref<160x128xf32, #tpu.memory_space<vmem>>) target(%dma_start3A_75 : memref<160x128xf32, #tpu.memory_space<hbm>>) target_semaphore(%run_scoped3A : memref<!tpu.dma_semaphore, #tpu.memory_space<semaphore_mem>>)
        %dma_wait3A_76 = arith.constant 0 : i32
        %dma_wait3A_77 = tpu.memref_slice %arg5[%add3A_71, %dma_wait3A_76] : memref<102400x128xf32, #tpu.memory_space<hbm>> -> memref<160x128xf32, #tpu.memory_space<hbm>>
        %dma_wait3A_78 = arith.constant 0 : i32
        %dma_wait3A_79 = tpu.memref_slice %arg5[%add3A_71, %dma_wait3A_78] : memref<102400x128xf32, #tpu.memory_space<hbm>> -> memref<160x128xf32, #tpu.memory_space<hbm>>
        tpu.wait_dma2 semaphore(%run_scoped3A : memref<!tpu.dma_semaphore, #tpu.memory_space<semaphore_mem>>) src(%arg14 : memref<160x128xf32, #tpu.memory_space<vmem>>) dst(%dma_wait3A_79 : memref<160x128xf32, #tpu.memory_space<hbm>>)
        tpu.yield
      }) : () -> ()
    }
    %scan3A_16 = arith.constant 10 : i32
    return
  }
}

#map = affine_map<(d0, d1) -> (0, 0)>
#map1 = affine_map<(d0, d1) -> (0)>
module attributes {stable_mosaic.version = 14 : i64} {
  func.func @body(%arg0: i32, %arg1: i32, %arg2: memref<90000x128xf32, #tpu.memory_space<hbm>>, %arg3: memref<320000xi32, #tpu.memory_space<hbm>>, %arg4: memref<320000xi32, #tpu.memory_space<hbm>>, %arg5: memref<20000x128xf32, #tpu.memory_space<hbm>>, %arg6: memref<80xi32, #tpu.memory_space<vmem>>, %arg7: memref<80xi32, #tpu.memory_space<vmem>>, %arg8: memref<80xi32, #tpu.memory_space<vmem>>, %arg9: memref<80xi32, #tpu.memory_space<vmem>>, %arg10: memref<10000xi32, #tpu.memory_space<vmem>>, %arg11: memref<10000xi32, #tpu.memory_space<vmem>>, %arg12: memref<80x128xf32, #tpu.memory_space<vmem>>, %arg13: memref<80x128xf32, #tpu.memory_space<vmem>>, %arg14: memref<40x128xf32, #tpu.memory_space<vmem>>, %arg15: memref<10240x128xf32, #tpu.memory_space<vmem_shared>>, %arg16: memref<!tpu.dma_semaphore, #tpu.memory_space<semaphore_mem>>, %arg17: memref<!tpu.dma_semaphore, #tpu.memory_space<semaphore_mem>>) attributes {dimension_semantics = [#tpu.dimension_semantics<core_parallel>, #tpu.dimension_semantics<subcore_parallel>], iteration_bounds = array<i64: 2, 16>, scalar_prefetch = 0 : i64, scratch_operands = 12 : i64, tpu.core_type = #tpu.core_type<sc_vector_subcore>, window_params = [{transform_indices = #map}, {transform_indices = #map1}, {transform_indices = #map1}, {transform_indices = #map}]} {
    %mul3A = arith.constant 16 : i32
    %mul3A_0 = arith.muli %arg0, %mul3A : i32
    %add3A = arith.addi %mul3A_0, %arg1 : i32
    %mul3A_1 = arith.constant 10000 : i32
    %mul3A_2 = arith.muli %add3A, %mul3A_1 : i32
    %scan3A = arith.constant 0 : i32
    %scan3A_3 = arith.constant 40 : i32
    %scan3A_4 = arith.addi %scan3A, %scan3A_3 : i32
    %scan3A_5 = arith.constant 1 : i32
    scf.for %scan3A_34 = %scan3A to %scan3A_4 step %scan3A_5  : i32 {
      %mul3A_35 = arith.constant 1 : i32
      %mul3A_36 = arith.muli %scan3A_34, %mul3A_35 : i32
      %add3A_37 = arith.constant 0 : i32
      %add3A_38 = arith.addi %add3A_37, %mul3A_36 : i32
      %broadcast_in_dim3A = arith.constant 0.000000e+00 : f32
      %broadcast_in_dim3A_39 = vector.broadcast %broadcast_in_dim3A : f32 to vector<16xf32>
      %swap3A = arith.index_cast %add3A_38 : i32 to index
      %swap3A_40 = arith.constant 0 : index
      %swap3A_41 = tpu.vector_load %arg14[%swap3A, %swap3A_40] {strides = array<i32>} : memref<40x128xf32, #tpu.memory_space<vmem>>, vector<1x16xf32>,
      %swap3A_42 = vector.shape_cast %swap3A_41 : vector<1x16xf32> to vector<16xf32>
      %swap3A_43 = vector.shape_cast %broadcast_in_dim3A_39 : vector<16xf32> to vector<1x16xf32>
      tpu.vector_store %arg14[%swap3A, %swap3A_40], %swap3A_43 {strides = array<i32>} : memref<40x128xf32, #tpu.memory_space<vmem>>, vector<1x16xf32>,
      %broadcast_in_dim3A_44 = arith.constant 0.000000e+00 : f32
      %broadcast_in_dim3A_45 = vector.broadcast %broadcast_in_dim3A_44 : f32 to vector<16xf32>
      %swap3A_46 = arith.index_cast %add3A_38 : i32 to index
      %swap3A_47 = arith.constant 16 : index
      %swap3A_48 = tpu.vector_load %arg14[%swap3A_46, %swap3A_47] {strides = array<i32>} : memref<40x128xf32, #tpu.memory_space<vmem>>, vector<1x16xf32>,
      %swap3A_49 = vector.shape_cast %swap3A_48 : vector<1x16xf32> to vector<16xf32>
      %swap3A_50 = vector.shape_cast %broadcast_in_dim3A_45 : vector<16xf32> to vector<1x16xf32>
      tpu.vector_store %arg14[%swap3A_46, %swap3A_47], %swap3A_50 {strides = array<i32>} : memref<40x128xf32, #tpu.memory_space<vmem>>, vector<1x16xf32>,
      %broadcast_in_dim3A_51 = arith.constant 0.000000e+00 : f32
      %broadcast_in_dim3A_52 = vector.broadcast %broadcast_in_dim3A_51 : f32 to vector<16xf32>
      %swap3A_53 = arith.index_cast %add3A_38 : i32 to index
      %swap3A_54 = arith.constant 32 : index
      %swap3A_55 = tpu.vector_load %arg14[%swap3A_53, %swap3A_54] {strides = array<i32>} : memref<40x128xf32, #tpu.memory_space<vmem>>, vector<1x16xf32>,
      %swap3A_56 = vector.shape_cast %swap3A_55 : vector<1x16xf32> to vector<16xf32>
      %swap3A_57 = vector.shape_cast %broadcast_in_dim3A_52 : vector<16xf32> to vector<1x16xf32>
      tpu.vector_store %arg14[%swap3A_53, %swap3A_54], %swap3A_57 {strides = array<i32>} : memref<40x128xf32, #tpu.memory_space<vmem>>, vector<1x16xf32>,
      %broadcast_in_dim3A_58 = arith.constant 0.000000e+00 : f32
      %broadcast_in_dim3A_59 = vector.broadcast %broadcast_in_dim3A_58 : f32 to vector<16xf32>
      %swap3A_60 = arith.index_cast %add3A_38 : i32 to index
      %swap3A_61 = arith.constant 48 : index
      %swap3A_62 = tpu.vector_load %arg14[%swap3A_60, %swap3A_61] {strides = array<i32>} : memref<40x128xf32, #tpu.memory_space<vmem>>, vector<1x16xf32>,
      %swap3A_63 = vector.shape_cast %swap3A_62 : vector<1x16xf32> to vector<16xf32>
      %swap3A_64 = vector.shape_cast %broadcast_in_dim3A_59 : vector<16xf32> to vector<1x16xf32>
      tpu.vector_store %arg14[%swap3A_60, %swap3A_61], %swap3A_64 {strides = array<i32>} : memref<40x128xf32, #tpu.memory_space<vmem>>, vector<1x16xf32>,
      %broadcast_in_dim3A_65 = arith.constant 0.000000e+00 : f32
      %broadcast_in_dim3A_66 = vector.broadcast %broadcast_in_dim3A_65 : f32 to vector<16xf32>
      %swap3A_67 = arith.index_cast %add3A_38 : i32 to index
      %swap3A_68 = arith.constant 64 : index
      %swap3A_69 = tpu.vector_load %arg14[%swap3A_67, %swap3A_68] {strides = array<i32>} : memref<40x128xf32, #tpu.memory_space<vmem>>, vector<1x16xf32>,
      %swap3A_70 = vector.shape_cast %swap3A_69 : vector<1x16xf32> to vector<16xf32>
      %swap3A_71 = vector.shape_cast %broadcast_in_dim3A_66 : vector<16xf32> to vector<1x16xf32>
      tpu.vector_store %arg14[%swap3A_67, %swap3A_68], %swap3A_71 {strides = array<i32>} : memref<40x128xf32, #tpu.memory_space<vmem>>, vector<1x16xf32>,
      %broadcast_in_dim3A_72 = arith.constant 0.000000e+00 : f32
      %broadcast_in_dim3A_73 = vector.broadcast %broadcast_in_dim3A_72 : f32 to vector<16xf32>
      %swap3A_74 = arith.index_cast %add3A_38 : i32 to index
      %swap3A_75 = arith.constant 80 : index
      %swap3A_76 = tpu.vector_load %arg14[%swap3A_74, %swap3A_75] {strides = array<i32>} : memref<40x128xf32, #tpu.memory_space<vmem>>, vector<1x16xf32>,
      %swap3A_77 = vector.shape_cast %swap3A_76 : vector<1x16xf32> to vector<16xf32>
      %swap3A_78 = vector.shape_cast %broadcast_in_dim3A_73 : vector<16xf32> to vector<1x16xf32>
      tpu.vector_store %arg14[%swap3A_74, %swap3A_75], %swap3A_78 {strides = array<i32>} : memref<40x128xf32, #tpu.memory_space<vmem>>, vector<1x16xf32>,
      %broadcast_in_dim3A_79 = arith.constant 0.000000e+00 : f32
      %broadcast_in_dim3A_80 = vector.broadcast %broadcast_in_dim3A_79 : f32 to vector<16xf32>
      %swap3A_81 = arith.index_cast %add3A_38 : i32 to index
      %swap3A_82 = arith.constant 96 : index
      %swap3A_83 = tpu.vector_load %arg14[%swap3A_81, %swap3A_82] {strides = array<i32>} : memref<40x128xf32, #tpu.memory_space<vmem>>, vector<1x16xf32>,
      %swap3A_84 = vector.shape_cast %swap3A_83 : vector<1x16xf32> to vector<16xf32>
      %swap3A_85 = vector.shape_cast %broadcast_in_dim3A_80 : vector<16xf32> to vector<1x16xf32>
      tpu.vector_store %arg14[%swap3A_81, %swap3A_82], %swap3A_85 {strides = array<i32>} : memref<40x128xf32, #tpu.memory_space<vmem>>, vector<1x16xf32>,
      %broadcast_in_dim3A_86 = arith.constant 0.000000e+00 : f32
      %broadcast_in_dim3A_87 = vector.broadcast %broadcast_in_dim3A_86 : f32 to vector<16xf32>
      %swap3A_88 = arith.index_cast %add3A_38 : i32 to index
      %swap3A_89 = arith.constant 112 : index
      %swap3A_90 = tpu.vector_load %arg14[%swap3A_88, %swap3A_89] {strides = array<i32>} : memref<40x128xf32, #tpu.memory_space<vmem>>, vector<1x16xf32>,
      %swap3A_91 = vector.shape_cast %swap3A_90 : vector<1x16xf32> to vector<16xf32>
      %swap3A_92 = vector.shape_cast %broadcast_in_dim3A_87 : vector<16xf32> to vector<1x16xf32>
      tpu.vector_store %arg14[%swap3A_88, %swap3A_89], %swap3A_92 {strides = array<i32>} : memref<40x128xf32, #tpu.memory_space<vmem>>, vector<1x16xf32>,
    }
    %scan3A_6 = arith.constant 40 : i32
    %scan3A_7 = arith.constant 0 : i32
    %scan3A_8 = arith.constant 16 : i32
    %scan3A_9 = arith.addi %scan3A_7, %scan3A_8 : i32
    %scan3A_10 = arith.constant 1 : i32
    scf.for %scan3A_34 = %scan3A_7 to %scan3A_9 step %scan3A_10  : i32 {
      %mul3A_35 = arith.constant 1 : i32
      %mul3A_36 = arith.muli %scan3A_34, %mul3A_35 : i32
      %add3A_37 = arith.constant 0 : i32
      %add3A_38 = arith.addi %add3A_37, %mul3A_36 : i32
      %mul3A_39 = arith.constant 640 : i32
      %mul3A_40 = arith.muli %arg1, %mul3A_39 : i32
      %mul3A_41 = arith.constant 40 : i32
      %mul3A_42 = arith.muli %add3A_38, %mul3A_41 : i32
      %add3A_43 = arith.addi %mul3A_40, %mul3A_42 : i32
      "tpu.region"() ({
        %run_scoped3A = tpu.sem_alloc : memref<!tpu.dma_semaphore, #tpu.memory_space<semaphore_mem>>
        %dma_start3A_44 = arith.constant 0 : i32
        %dma_start3A_45 = tpu.memref_slice %arg15[%add3A_43, %dma_start3A_44] : memref<10240x128xf32, #tpu.memory_space<vmem_shared>> -> memref<40x128xf32, #tpu.memory_space<vmem_shared>>
        %dma_start3A_46 = arith.constant 0 : i32
        %dma_start3A_47 = tpu.memref_slice %arg15[%add3A_43, %dma_start3A_46] : memref<10240x128xf32, #tpu.memory_space<vmem_shared>> -> memref<40x128xf32, #tpu.memory_space<vmem_shared>>
        tpu.enqueue_dma source(%arg14 : memref<40x128xf32, #tpu.memory_space<vmem>>) target(%dma_start3A_47 : memref<40x128xf32, #tpu.memory_space<vmem_shared>>) target_semaphore(%run_scoped3A : memref<!tpu.dma_semaphore, #tpu.memory_space<semaphore_mem>>)
        %dma_wait3A_48 = arith.constant 0 : i32
        %dma_wait3A_49 = tpu.memref_slice %arg15[%add3A_43, %dma_wait3A_48] : memref<10240x128xf32, #tpu.memory_space<vmem_shared>> -> memref<40x128xf32, #tpu.memory_space<vmem_shared>>
        %dma_wait3A_50 = arith.constant 0 : i32
        %dma_wait3A_51 = tpu.memref_slice %arg15[%add3A_43, %dma_wait3A_50] : memref<10240x128xf32, #tpu.memory_space<vmem_shared>> -> memref<40x128xf32, #tpu.memory_space<vmem_shared>>
        tpu.wait_dma2 semaphore(%run_scoped3A : memref<!tpu.dma_semaphore, #tpu.memory_space<semaphore_mem>>) src(%arg14 : memref<40x128xf32, #tpu.memory_space<vmem>>) dst(%dma_wait3A_51 : memref<40x128xf32, #tpu.memory_space<vmem_shared>>)
        tpu.yield
      }) : () -> ()
    }
    %scan3A_11 = arith.constant 16 : i32
    "tpu.region"() ({
      %run_scoped3A = tpu.sem_alloc : memref<!tpu.dma_semaphore, #tpu.memory_space<semaphore_mem>>
      %dma_start3A_34 = tpu.memref_slice %arg3[%mul3A_2] : memref<320000xi32, #tpu.memory_space<hbm>> -> memref<10000xi32, #tpu.memory_space<hbm>>
      %dma_start3A_35 = tpu.memref_slice %arg3[%mul3A_2] : memref<320000xi32, #tpu.memory_space<hbm>> -> memref<10000xi32, #tpu.memory_space<hbm>>
      tpu.enqueue_dma source(%dma_start3A_35 : memref<10000xi32, #tpu.memory_space<hbm>>) target(%arg10 : memref<10000xi32, #tpu.memory_space<vmem>>) target_semaphore(%run_scoped3A : memref<!tpu.dma_semaphore, #tpu.memory_space<semaphore_mem>>)
      %dma_wait3A_36 = tpu.memref_slice %arg3[%mul3A_2] : memref<320000xi32, #tpu.memory_space<hbm>> -> memref<10000xi32, #tpu.memory_space<hbm>>
      %dma_wait3A_37 = tpu.memref_slice %arg3[%mul3A_2] : memref<320000xi32, #tpu.memory_space<hbm>> -> memref<10000xi32, #tpu.memory_space<hbm>>
      tpu.wait_dma2 semaphore(%run_scoped3A : memref<!tpu.dma_semaphore, #tpu.memory_space<semaphore_mem>>) src(%dma_wait3A_37 : memref<10000xi32, #tpu.memory_space<hbm>>) dst(%arg10 : memref<10000xi32, #tpu.memory_space<vmem>>)
      tpu.yield
    }) : () -> ()
    "tpu.region"() ({
      %run_scoped3A = tpu.sem_alloc : memref<!tpu.dma_semaphore, #tpu.memory_space<semaphore_mem>>
      %dma_start3A_34 = tpu.memref_slice %arg4[%mul3A_2] : memref<320000xi32, #tpu.memory_space<hbm>> -> memref<10000xi32, #tpu.memory_space<hbm>>
      %dma_start3A_35 = tpu.memref_slice %arg4[%mul3A_2] : memref<320000xi32, #tpu.memory_space<hbm>> -> memref<10000xi32, #tpu.memory_space<hbm>>
      tpu.enqueue_dma source(%dma_start3A_35 : memref<10000xi32, #tpu.memory_space<hbm>>) target(%arg11 : memref<10000xi32, #tpu.memory_space<vmem>>) target_semaphore(%run_scoped3A : memref<!tpu.dma_semaphore, #tpu.memory_space<semaphore_mem>>)
      %dma_wait3A_36 = tpu.memref_slice %arg4[%mul3A_2] : memref<320000xi32, #tpu.memory_space<hbm>> -> memref<10000xi32, #tpu.memory_space<hbm>>
      %dma_wait3A_37 = tpu.memref_slice %arg4[%mul3A_2] : memref<320000xi32, #tpu.memory_space<hbm>> -> memref<10000xi32, #tpu.memory_space<hbm>>
      tpu.wait_dma2 semaphore(%run_scoped3A : memref<!tpu.dma_semaphore, #tpu.memory_space<semaphore_mem>>) src(%dma_wait3A_37 : memref<10000xi32, #tpu.memory_space<hbm>>) dst(%arg11 : memref<10000xi32, #tpu.memory_space<vmem>>)
      tpu.yield
    }) : () -> ()
    %barrier3A = arith.constant 0 : index
    tpu.barrier barrier_id(%barrier3A)
    %scan3A_12 = arith.constant 0 : i32
    %scan3A_13 = arith.constant 5 : i32
    %scan3A_14 = arith.addi %scan3A_12, %scan3A_13 : i32
    %scan3A_15 = arith.constant 1 : i32
    scf.for %scan3A_34 = %scan3A_12 to %scan3A_14 step %scan3A_15  : i32 {
      %mul3A_35 = arith.constant 1 : i32
      %mul3A_36 = arith.muli %scan3A_34, %mul3A_35 : i32
      %add3A_37 = arith.constant 0 : i32
      %add3A_38 = arith.addi %add3A_37, %mul3A_36 : i32
      %mul3A_39 = arith.constant 16 : i32
      %mul3A_40 = arith.muli %add3A_38, %mul3A_39 : i32
      %mul3A_41 = arith.constant 16 : i32
      %mul3A_42 = arith.muli %add3A_38, %mul3A_41 : i32
      %add3A_43 = arith.constant 0 : i32
      %add3A_44 = arith.addi %add3A_43, %mul3A_42 : i32
      %get3A = arith.index_cast %add3A_44 : i32 to index
      %get3A_45 = tpu.vector_load %arg10[%get3A] {strides = array<i32>} : memref<10000xi32, #tpu.memory_space<vmem>>, vector<16xi32>,
      %get3A_46 = vector.shape_cast %get3A_45 : vector<16xi32> to vector<16xi32>
      %swap3A = arith.index_cast %mul3A_40 : i32 to index
      %swap3A_47 = tpu.vector_load %arg6[%swap3A] {strides = array<i32>} : memref<80xi32, #tpu.memory_space<vmem>>, vector<16xi32>,
      %swap3A_48 = vector.shape_cast %swap3A_47 : vector<16xi32> to vector<16xi32>
      %swap3A_49 = vector.shape_cast %get3A_46 : vector<16xi32> to vector<16xi32>
      tpu.vector_store %arg6[%swap3A], %swap3A_49 {strides = array<i32>} : memref<80xi32, #tpu.memory_space<vmem>>, vector<16xi32>,
      %get3A_50 = arith.index_cast %add3A_44 : i32 to index
      %get3A_51 = tpu.vector_load %arg11[%get3A_50] {strides = array<i32>} : memref<10000xi32, #tpu.memory_space<vmem>>, vector<16xi32>,
      %get3A_52 = vector.shape_cast %get3A_51 : vector<16xi32> to vector<16xi32>
      %swap3A_53 = arith.index_cast %mul3A_40 : i32 to index
      %swap3A_54 = tpu.vector_load %arg8[%swap3A_53] {strides = array<i32>} : memref<80xi32, #tpu.memory_space<vmem>>, vector<16xi32>,
      %swap3A_55 = vector.shape_cast %swap3A_54 : vector<16xi32> to vector<16xi32>
      %swap3A_56 = vector.shape_cast %get3A_52 : vector<16xi32> to vector<16xi32>
      tpu.vector_store %arg8[%swap3A_53], %swap3A_56 {strides = array<i32>} : memref<80xi32, #tpu.memory_space<vmem>>, vector<16xi32>,
    }
    %scan3A_16 = arith.constant 5 : i32
    %dma_start3A = arith.constant 0 : i32
    %dma_start3A_17 = arith.constant 0 : i32
    %dma_start3A_18 = tpu.memref_slice %arg2[%dma_start3A, %dma_start3A_17] : memref<90000x128xf32, #tpu.memory_space<hbm>> -> memref<90000x128xf32, #tpu.memory_space<hbm>>
    tpu.enqueue_indirect_dma source(%dma_start3A_18 : memref<90000x128xf32, #tpu.memory_space<hbm>>) target(%arg12 : memref<80x128xf32, #tpu.memory_space<vmem>>) offsets(%arg6 : memref<80xi32, #tpu.memory_space<vmem>>) semaphore(%arg16 : memref<!tpu.dma_semaphore, #tpu.memory_space<semaphore_mem>>)
    %scan3A_19 = arith.constant 0 : i32
    %scan3A_20 = arith.constant 62 : i32
    %scan3A_21 = arith.addi %scan3A_19, %scan3A_20 : i32
    %scan3A_22 = arith.constant 1 : i32
    scf.for %scan3A_34 = %scan3A_19 to %scan3A_21 step %scan3A_22  : i32 {
      %mul3A_35 = arith.constant 1 : i32
      %mul3A_36 = arith.muli %scan3A_34, %mul3A_35 : i32
      %add3A_37 = arith.constant 0 : i32
      %add3A_38 = arith.addi %add3A_37, %mul3A_36 : i32
      %mul3A_39 = arith.constant 2 : i32
      %mul3A_40 = arith.muli %mul3A_39, %add3A_38 : i32
      %add3A_41 = arith.constant 1 : i32
      %add3A_42 = arith.addi %mul3A_40, %add3A_41 : i32
      %scan3A_43 = arith.constant 0 : i32
      %scan3A_44 = arith.constant 5 : i32
      %scan3A_45 = arith.addi %scan3A_43, %scan3A_44 : i32
      %scan3A_46 = arith.constant 1 : i32
      scf.for %scan3A_69 = %scan3A_43 to %scan3A_45 step %scan3A_46  : i32 {
        %mul3A_70 = arith.constant 1 : i32
        %mul3A_71 = arith.muli %scan3A_69, %mul3A_70 : i32
        %add3A_72 = arith.constant 0 : i32
        %add3A_73 = arith.addi %add3A_72, %mul3A_71 : i32
        %mul3A_74 = arith.constant 16 : i32
        %mul3A_75 = arith.muli %add3A_73, %mul3A_74 : i32
        %mul3A_76 = arith.constant 80 : i32
        %mul3A_77 = arith.muli %add3A_42, %mul3A_76 : i32
        %mul3A_78 = arith.constant 16 : i32
        %mul3A_79 = arith.muli %add3A_73, %mul3A_78 : i32
        %add3A_80 = arith.addi %mul3A_77, %mul3A_79 : i32
        %get3A = arith.index_cast %add3A_80 : i32 to index
        %get3A_81 = tpu.vector_load %arg10[%get3A] {strides = array<i32>} : memref<10000xi32, #tpu.memory_space<vmem>>, vector<16xi32>,
        %get3A_82 = vector.shape_cast %get3A_81 : vector<16xi32> to vector<16xi32>
        %swap3A = arith.index_cast %mul3A_75 : i32 to index
        %swap3A_83 = tpu.vector_load %arg7[%swap3A] {strides = array<i32>} : memref<80xi32, #tpu.memory_space<vmem>>, vector<16xi32>,
        %swap3A_84 = vector.shape_cast %swap3A_83 : vector<16xi32> to vector<16xi32>
        %swap3A_85 = vector.shape_cast %get3A_82 : vector<16xi32> to vector<16xi32>
        tpu.vector_store %arg7[%swap3A], %swap3A_85 {strides = array<i32>} : memref<80xi32, #tpu.memory_space<vmem>>, vector<16xi32>,
        %get3A_86 = arith.index_cast %add3A_80 : i32 to index
        %get3A_87 = tpu.vector_load %arg11[%get3A_86] {strides = array<i32>} : memref<10000xi32, #tpu.memory_space<vmem>>, vector<16xi32>,
        %get3A_88 = vector.shape_cast %get3A_87 : vector<16xi32> to vector<16xi32>
        %swap3A_89 = arith.index_cast %mul3A_75 : i32 to index
        %swap3A_90 = tpu.vector_load %arg9[%swap3A_89] {strides = array<i32>} : memref<80xi32, #tpu.memory_space<vmem>>, vector<16xi32>,
        %swap3A_91 = vector.shape_cast %swap3A_90 : vector<16xi32> to vector<16xi32>
        %swap3A_92 = vector.shape_cast %get3A_88 : vector<16xi32> to vector<16xi32>
        tpu.vector_store %arg9[%swap3A_89], %swap3A_92 {strides = array<i32>} : memref<80xi32, #tpu.memory_space<vmem>>, vector<16xi32>,
      }
      %scan3A_47 = arith.constant 5 : i32
      %dma_start3A_48 = arith.constant 0 : i32
      %dma_start3A_49 = arith.constant 0 : i32
      %dma_start3A_50 = tpu.memref_slice %arg2[%dma_start3A_48, %dma_start3A_49] : memref<90000x128xf32, #tpu.memory_space<hbm>> -> memref<90000x128xf32, #tpu.memory_space<hbm>>
      tpu.enqueue_indirect_dma source(%dma_start3A_50 : memref<90000x128xf32, #tpu.memory_space<hbm>>) target(%arg13 : memref<80x128xf32, #tpu.memory_space<vmem>>) offsets(%arg7 : memref<80xi32, #tpu.memory_space<vmem>>) semaphore(%arg17 : memref<!tpu.dma_semaphore, #tpu.memory_space<semaphore_mem>>)
      %dma_wait3A_51 = arith.constant 0 : i32
      %dma_wait3A_52 = arith.constant 0 : i32
      %dma_wait3A_53 = tpu.memref_slice %arg2[%dma_wait3A_51, %dma_wait3A_52] : memref<90000x128xf32, #tpu.memory_space<hbm>> -> memref<90000x128xf32, #tpu.memory_space<hbm>>
      tpu.wait_indirect_dma semaphore(%arg16 : memref<!tpu.dma_semaphore, #tpu.memory_space<semaphore_mem>>) src(%dma_wait3A_53 : memref<90000x128xf32, #tpu.memory_space<hbm>>) dst(%arg12 : memref<80x128xf32, #tpu.memory_space<vmem>>)
      "tpu.region"() ({
        %run_scoped3A = tpu.sem_alloc : memref<!tpu.dma_semaphore, #tpu.memory_space<semaphore_mem>>
        %dma_start3A_69 = arith.constant 0 : i32
        %dma_start3A_70 = arith.constant 0 : i32
        %dma_start3A_71 = tpu.memref_slice %arg15[%dma_start3A_69, %dma_start3A_70] : memref<10240x128xf32, #tpu.memory_space<vmem_shared>> -> memref<10240x128xf32, #tpu.memory_space<vmem_shared>>
        tpu.enqueue_indirect_dma source(%arg12 : memref<80x128xf32, #tpu.memory_space<vmem>>) target(%dma_start3A_71 : memref<10240x128xf32, #tpu.memory_space<vmem_shared>>) offsets(%arg8 : memref<80xi32, #tpu.memory_space<vmem>>) semaphore(%run_scoped3A : memref<!tpu.dma_semaphore, #tpu.memory_space<semaphore_mem>>) {add = true}
        %dma_wait3A_72 = arith.constant 0 : i32
        %dma_wait3A_73 = arith.constant 0 : i32
        %dma_wait3A_74 = tpu.memref_slice %arg15[%dma_wait3A_72, %dma_wait3A_73] : memref<10240x128xf32, #tpu.memory_space<vmem_shared>> -> memref<10240x128xf32, #tpu.memory_space<vmem_shared>>
        tpu.wait_indirect_dma semaphore(%run_scoped3A : memref<!tpu.dma_semaphore, #tpu.memory_space<semaphore_mem>>) src(%arg12 : memref<80x128xf32, #tpu.memory_space<vmem>>) dst(%dma_wait3A_74 : memref<10240x128xf32, #tpu.memory_space<vmem_shared>>)
        tpu.yield
      }) : () -> ()
      %mul3A_54 = arith.constant 2 : i32
      %mul3A_55 = arith.muli %mul3A_54, %add3A_38 : i32
      %add3A_56 = arith.constant 2 : i32
      %add3A_57 = arith.addi %mul3A_55, %add3A_56 : i32
      %scan3A_58 = arith.constant 0 : i32
      %scan3A_59 = arith.constant 5 : i32
      %scan3A_60 = arith.addi %scan3A_58, %scan3A_59 : i32
      %scan3A_61 = arith.constant 1 : i32
      scf.for %scan3A_69 = %scan3A_58 to %scan3A_60 step %scan3A_61  : i32 {
        %mul3A_70 = arith.constant 1 : i32
        %mul3A_71 = arith.muli %scan3A_69, %mul3A_70 : i32
        %add3A_72 = arith.constant 0 : i32
        %add3A_73 = arith.addi %add3A_72, %mul3A_71 : i32
        %mul3A_74 = arith.constant 16 : i32
        %mul3A_75 = arith.muli %add3A_73, %mul3A_74 : i32
        %mul3A_76 = arith.constant 80 : i32
        %mul3A_77 = arith.muli %add3A_57, %mul3A_76 : i32
        %mul3A_78 = arith.constant 16 : i32
        %mul3A_79 = arith.muli %add3A_73, %mul3A_78 : i32
        %add3A_80 = arith.addi %mul3A_77, %mul3A_79 : i32
        %get3A = arith.index_cast %add3A_80 : i32 to index
        %get3A_81 = tpu.vector_load %arg10[%get3A] {strides = array<i32>} : memref<10000xi32, #tpu.memory_space<vmem>>, vector<16xi32>,
        %get3A_82 = vector.shape_cast %get3A_81 : vector<16xi32> to vector<16xi32>
        %swap3A = arith.index_cast %mul3A_75 : i32 to index
        %swap3A_83 = tpu.vector_load %arg6[%swap3A] {strides = array<i32>} : memref<80xi32, #tpu.memory_space<vmem>>, vector<16xi32>,
        %swap3A_84 = vector.shape_cast %swap3A_83 : vector<16xi32> to vector<16xi32>
        %swap3A_85 = vector.shape_cast %get3A_82 : vector<16xi32> to vector<16xi32>
        tpu.vector_store %arg6[%swap3A], %swap3A_85 {strides = array<i32>} : memref<80xi32, #tpu.memory_space<vmem>>, vector<16xi32>,
        %get3A_86 = arith.index_cast %add3A_80 : i32 to index
        %get3A_87 = tpu.vector_load %arg11[%get3A_86] {strides = array<i32>} : memref<10000xi32, #tpu.memory_space<vmem>>, vector<16xi32>,
        %get3A_88 = vector.shape_cast %get3A_87 : vector<16xi32> to vector<16xi32>
        %swap3A_89 = arith.index_cast %mul3A_75 : i32 to index
        %swap3A_90 = tpu.vector_load %arg8[%swap3A_89] {strides = array<i32>} : memref<80xi32, #tpu.memory_space<vmem>>, vector<16xi32>,
        %swap3A_91 = vector.shape_cast %swap3A_90 : vector<16xi32> to vector<16xi32>
        %swap3A_92 = vector.shape_cast %get3A_88 : vector<16xi32> to vector<16xi32>
        tpu.vector_store %arg8[%swap3A_89], %swap3A_92 {strides = array<i32>} : memref<80xi32, #tpu.memory_space<vmem>>, vector<16xi32>,
      }
      %scan3A_62 = arith.constant 5 : i32
      %dma_start3A_63 = arith.constant 0 : i32
      %dma_start3A_64 = arith.constant 0 : i32
      %dma_start3A_65 = tpu.memref_slice %arg2[%dma_start3A_63, %dma_start3A_64] : memref<90000x128xf32, #tpu.memory_space<hbm>> -> memref<90000x128xf32, #tpu.memory_space<hbm>>
      tpu.enqueue_indirect_dma source(%dma_start3A_65 : memref<90000x128xf32, #tpu.memory_space<hbm>>) target(%arg12 : memref<80x128xf32, #tpu.memory_space<vmem>>) offsets(%arg6 : memref<80xi32, #tpu.memory_space<vmem>>) semaphore(%arg16 : memref<!tpu.dma_semaphore, #tpu.memory_space<semaphore_mem>>)
      %dma_wait3A_66 = arith.constant 0 : i32
      %dma_wait3A_67 = arith.constant 0 : i32
      %dma_wait3A_68 = tpu.memref_slice %arg2[%dma_wait3A_66, %dma_wait3A_67] : memref<90000x128xf32, #tpu.memory_space<hbm>> -> memref<90000x128xf32, #tpu.memory_space<hbm>>
      tpu.wait_indirect_dma semaphore(%arg17 : memref<!tpu.dma_semaphore, #tpu.memory_space<semaphore_mem>>) src(%dma_wait3A_68 : memref<90000x128xf32, #tpu.memory_space<hbm>>) dst(%arg13 : memref<80x128xf32, #tpu.memory_space<vmem>>)
      "tpu.region"() ({
        %run_scoped3A = tpu.sem_alloc : memref<!tpu.dma_semaphore, #tpu.memory_space<semaphore_mem>>
        %dma_start3A_69 = arith.constant 0 : i32
        %dma_start3A_70 = arith.constant 0 : i32
        %dma_start3A_71 = tpu.memref_slice %arg15[%dma_start3A_69, %dma_start3A_70] : memref<10240x128xf32, #tpu.memory_space<vmem_shared>> -> memref<10240x128xf32, #tpu.memory_space<vmem_shared>>
        tpu.enqueue_indirect_dma source(%arg13 : memref<80x128xf32, #tpu.memory_space<vmem>>) target(%dma_start3A_71 : memref<10240x128xf32, #tpu.memory_space<vmem_shared>>) offsets(%arg9 : memref<80xi32, #tpu.memory_space<vmem>>) semaphore(%run_scoped3A : memref<!tpu.dma_semaphore, #tpu.memory_space<semaphore_mem>>) {add = true}
        %dma_wait3A_72 = arith.constant 0 : i32
        %dma_wait3A_73 = arith.constant 0 : i32
        %dma_wait3A_74 = tpu.memref_slice %arg15[%dma_wait3A_72, %dma_wait3A_73] : memref<10240x128xf32, #tpu.memory_space<vmem_shared>> -> memref<10240x128xf32, #tpu.memory_space<vmem_shared>>
        tpu.wait_indirect_dma semaphore(%run_scoped3A : memref<!tpu.dma_semaphore, #tpu.memory_space<semaphore_mem>>) src(%arg13 : memref<80x128xf32, #tpu.memory_space<vmem>>) dst(%dma_wait3A_74 : memref<10240x128xf32, #tpu.memory_space<vmem_shared>>)
        tpu.yield
      }) : () -> ()
    }
    %scan3A_23 = arith.constant 62 : i32
    %dma_wait3A = arith.constant 0 : i32
    %dma_wait3A_24 = arith.constant 0 : i32
    %dma_wait3A_25 = tpu.memref_slice %arg2[%dma_wait3A, %dma_wait3A_24] : memref<90000x128xf32, #tpu.memory_space<hbm>> -> memref<90000x128xf32, #tpu.memory_space<hbm>>
    tpu.wait_indirect_dma semaphore(%arg16 : memref<!tpu.dma_semaphore, #tpu.memory_space<semaphore_mem>>) src(%dma_wait3A_25 : memref<90000x128xf32, #tpu.memory_space<hbm>>) dst(%arg12 : memref<80x128xf32, #tpu.memory_space<vmem>>)
    "tpu.region"() ({
      %run_scoped3A = tpu.sem_alloc : memref<!tpu.dma_semaphore, #tpu.memory_space<semaphore_mem>>
      %dma_start3A_34 = arith.constant 0 : i32
      %dma_start3A_35 = arith.constant 0 : i32
      %dma_start3A_36 = tpu.memref_slice %arg15[%dma_start3A_34, %dma_start3A_35] : memref<10240x128xf32, #tpu.memory_space<vmem_shared>> -> memref<10240x128xf32, #tpu.memory_space<vmem_shared>>
      tpu.enqueue_indirect_dma source(%arg12 : memref<80x128xf32, #tpu.memory_space<vmem>>) target(%dma_start3A_36 : memref<10240x128xf32, #tpu.memory_space<vmem_shared>>) offsets(%arg8 : memref<80xi32, #tpu.memory_space<vmem>>) semaphore(%run_scoped3A : memref<!tpu.dma_semaphore, #tpu.memory_space<semaphore_mem>>) {add = true}
      %dma_wait3A_37 = arith.constant 0 : i32
      %dma_wait3A_38 = arith.constant 0 : i32
      %dma_wait3A_39 = tpu.memref_slice %arg15[%dma_wait3A_37, %dma_wait3A_38] : memref<10240x128xf32, #tpu.memory_space<vmem_shared>> -> memref<10240x128xf32, #tpu.memory_space<vmem_shared>>
      tpu.wait_indirect_dma semaphore(%run_scoped3A : memref<!tpu.dma_semaphore, #tpu.memory_space<semaphore_mem>>) src(%arg12 : memref<80x128xf32, #tpu.memory_space<vmem>>) dst(%dma_wait3A_39 : memref<10240x128xf32, #tpu.memory_space<vmem_shared>>)
      tpu.yield
    }) : () -> ()
    %barrier3A_26 = arith.constant 0 : index
    tpu.barrier barrier_id(%barrier3A_26)
    %lt3A = arith.constant 15 : i32
    %lt3A_27 = arith.cmpi slt, %arg1, %lt3A : i32
    %convert_element_type3A = arith.extui %lt3A_27 : i1 to i32
    %cond3A = arith.constant 0 : i32
    %cond3A_28 = arith.cmpi ne, %convert_element_type3A, %cond3A : i32
    scf.if %cond3A_28 {
      %mul3A_34 = arith.constant 640 : i32
      %mul3A_35 = arith.muli %arg1, %mul3A_34 : i32
      %mul3A_36 = arith.constant 10000 : i32
      %mul3A_37 = arith.muli %arg0, %mul3A_36 : i32
      %mul3A_38 = arith.constant 640 : i32
      %mul3A_39 = arith.muli %arg1, %mul3A_38 : i32
      %add3A_40 = arith.addi %mul3A_37, %mul3A_39 : i32
      "tpu.region"() ({
        %run_scoped3A = tpu.sem_alloc : memref<!tpu.dma_semaphore, #tpu.memory_space<semaphore_mem>>
        %dma_start3A_41 = arith.constant 0 : i32
        %dma_start3A_42 = tpu.memref_slice %arg5[%add3A_40, %dma_start3A_41] : memref<20000x128xf32, #tpu.memory_space<hbm>> -> memref<640x128xf32, #tpu.memory_space<hbm>>
        %dma_start3A_43 = arith.constant 0 : i32
        %dma_start3A_44 = tpu.memref_slice %arg15[%mul3A_35, %dma_start3A_43] : memref<10240x128xf32, #tpu.memory_space<vmem_shared>> -> memref<640x128xf32, #tpu.memory_space<vmem_shared>>
        tpu.enqueue_dma source(%dma_start3A_44 : memref<640x128xf32, #tpu.memory_space<vmem_shared>>) target(%dma_start3A_42 : memref<640x128xf32, #tpu.memory_space<hbm>>) target_semaphore(%run_scoped3A : memref<!tpu.dma_semaphore, #tpu.memory_space<semaphore_mem>>)
        %dma_wait3A_45 = arith.constant 0 : i32
        %dma_wait3A_46 = tpu.memref_slice %arg5[%add3A_40, %dma_wait3A_45] : memref<20000x128xf32, #tpu.memory_space<hbm>> -> memref<640x128xf32, #tpu.memory_space<hbm>>
        %dma_wait3A_47 = arith.constant 0 : i32
        %dma_wait3A_48 = tpu.memref_slice %arg15[%mul3A_35, %dma_wait3A_47] : memref<10240x128xf32, #tpu.memory_space<vmem_shared>> -> memref<640x128xf32, #tpu.memory_space<vmem_shared>>
        tpu.wait_dma2 semaphore(%run_scoped3A : memref<!tpu.dma_semaphore, #tpu.memory_space<semaphore_mem>>) src(%dma_wait3A_48 : memref<640x128xf32, #tpu.memory_space<vmem_shared>>) dst(%dma_wait3A_46 : memref<640x128xf32, #tpu.memory_space<hbm>>)
        tpu.yield
      }) : () -> ()
    } else {
    }
    %eq3A = arith.constant 15 : i32
    %eq3A_29 = arith.cmpi eq, %arg1, %eq3A : i32
    %convert_element_type3A_30 = arith.extui %eq3A_29 : i1 to i32
    %cond3A_31 = arith.constant 0 : i32
    %cond3A_32 = arith.cmpi ne, %convert_element_type3A_30, %cond3A_31 : i32
    scf.if %cond3A_32 {
      %mul3A_34 = arith.constant 10000 : i32
      %mul3A_35 = arith.muli %arg0, %mul3A_34 : i32
      %add3A_36 = arith.constant 9600 : i32
      %add3A_37 = arith.addi %mul3A_35, %add3A_36 : i32
      "tpu.region"() ({
        %run_scoped3A = tpu.sem_alloc : memref<!tpu.dma_semaphore, #tpu.memory_space<semaphore_mem>>
        %dma_start3A_38 = arith.constant 0 : i32
        %dma_start3A_39 = tpu.memref_slice %arg5[%add3A_37, %dma_start3A_38] : memref<20000x128xf32, #tpu.memory_space<hbm>> -> memref<400x128xf32, #tpu.memory_space<hbm>>
        %dma_start3A_40 = arith.constant 9600 : i32
        %dma_start3A_41 = arith.constant 0 : i32
        %dma_start3A_42 = tpu.memref_slice %arg15[%dma_start3A_40, %dma_start3A_41] : memref<10240x128xf32, #tpu.memory_space<vmem_shared>> -> memref<400x128xf32, #tpu.memory_space<vmem_shared>>
        tpu.enqueue_dma source(%dma_start3A_42 : memref<400x128xf32, #tpu.memory_space<vmem_shared>>) target(%dma_start3A_39 : memref<400x128xf32, #tpu.memory_space<hbm>>) target_semaphore(%run_scoped3A : memref<!tpu.dma_semaphore, #tpu.memory_space<semaphore_mem>>)
        %dma_wait3A_43 = arith.constant 0 : i32
        %dma_wait3A_44 = tpu.memref_slice %arg5[%add3A_37, %dma_wait3A_43] : memref<20000x128xf32, #tpu.memory_space<hbm>> -> memref<400x128xf32, #tpu.memory_space<hbm>>
        %dma_wait3A_45 = arith.constant 9600 : i32
        %dma_wait3A_46 = arith.constant 0 : i32
        %dma_wait3A_47 = tpu.memref_slice %arg15[%dma_wait3A_45, %dma_wait3A_46] : memref<10240x128xf32, #tpu.memory_space<vmem_shared>> -> memref<400x128xf32, #tpu.memory_space<vmem_shared>>
        tpu.wait_dma2 semaphore(%run_scoped3A : memref<!tpu.dma_semaphore, #tpu.memory_space<semaphore_mem>>) src(%dma_wait3A_47 : memref<400x128xf32, #tpu.memory_space<vmem_shared>>) dst(%dma_wait3A_44 : memref<400x128xf32, #tpu.memory_space<hbm>>)
        tpu.yield
      }) : () -> ()
    } else {
    }
    %barrier3A_33 = arith.constant 0 : index
    tpu.barrier barrier_id(%barrier3A_33)
    return
  }
}

#map = affine_map<(d0, d1) -> (0, 0)>
#map1 = affine_map<(d0, d1) -> (0)>
module attributes {stable_mosaic.version = 14 : i64} {
  func.func @body(%arg0: i32, %arg1: i32, %arg2: memref<90000x128xf32, #tpu.memory_space<hbm>>, %arg3: memref<320000xi32, #tpu.memory_space<hbm>>, %arg4: memref<320000xi32, #tpu.memory_space<hbm>>, %arg5: memref<20000x128xf32, #tpu.memory_space<hbm>>, %arg6: memref<80xi32, #tpu.memory_space<vmem>>, %arg7: memref<80xi32, #tpu.memory_space<vmem>>, %arg8: memref<80xi32, #tpu.memory_space<vmem>>, %arg9: memref<80xi32, #tpu.memory_space<vmem>>, %arg10: memref<10000xi32, #tpu.memory_space<vmem>>, %arg11: memref<10000xi32, #tpu.memory_space<vmem>>, %arg12: memref<80x128xf32, #tpu.memory_space<vmem>>, %arg13: memref<80x128xf32, #tpu.memory_space<vmem>>, %arg14: memref<40x128xf32, #tpu.memory_space<vmem>>, %arg15: memref<10240x128xf32, #tpu.memory_space<vmem_shared>>, %arg16: memref<!tpu.dma_semaphore, #tpu.memory_space<semaphore_mem>>, %arg17: memref<!tpu.dma_semaphore, #tpu.memory_space<semaphore_mem>>) attributes {dimension_semantics = [#tpu.dimension_semantics<core_parallel>, #tpu.dimension_semantics<subcore_parallel>], iteration_bounds = array<i64: 2, 16>, scalar_prefetch = 0 : i64, scratch_operands = 12 : i64, tpu.core_type = #tpu.core_type<sc_vector_subcore>, window_params = [{transform_indices = #map}, {transform_indices = #map1}, {transform_indices = #map1}, {transform_indices = #map}]} {
    %mul3A = arith.constant 16 : i32
    %mul3A_0 = arith.muli %arg0, %mul3A : i32
    %add3A = arith.addi %mul3A_0, %arg1 : i32
    %mul3A_1 = arith.constant 10000 : i32
    %mul3A_2 = arith.muli %add3A, %mul3A_1 : i32
    %scan3A = arith.constant 0 : i32
    %scan3A_3 = arith.constant 40 : i32
    %scan3A_4 = arith.addi %scan3A, %scan3A_3 : i32
    %scan3A_5 = arith.constant 1 : i32
    scf.for %scan3A_34 = %scan3A to %scan3A_4 step %scan3A_5  : i32 {
      %mul3A_35 = arith.constant 1 : i32
      %mul3A_36 = arith.muli %scan3A_34, %mul3A_35 : i32
      %add3A_37 = arith.constant 0 : i32
      %add3A_38 = arith.addi %add3A_37, %mul3A_36 : i32
      %broadcast_in_dim3A = arith.constant 0.000000e+00 : f32
      %broadcast_in_dim3A_39 = vector.broadcast %broadcast_in_dim3A : f32 to vector<16xf32>
      %swap3A = arith.index_cast %add3A_38 : i32 to index
      %swap3A_40 = arith.constant 0 : index
      %swap3A_41 = tpu.vector_load %arg14[%swap3A, %swap3A_40] {strides = array<i32>} : memref<40x128xf32, #tpu.memory_space<vmem>>, vector<1x16xf32>,
      %swap3A_42 = vector.shape_cast %swap3A_41 : vector<1x16xf32> to vector<16xf32>
      %swap3A_43 = vector.shape_cast %broadcast_in_dim3A_39 : vector<16xf32> to vector<1x16xf32>
      tpu.vector_store %arg14[%swap3A, %swap3A_40], %swap3A_43 {strides = array<i32>} : memref<40x128xf32, #tpu.memory_space<vmem>>, vector<1x16xf32>,
      %broadcast_in_dim3A_44 = arith.constant 0.000000e+00 : f32
      %broadcast_in_dim3A_45 = vector.broadcast %broadcast_in_dim3A_44 : f32 to vector<16xf32>
      %swap3A_46 = arith.index_cast %add3A_38 : i32 to index
      %swap3A_47 = arith.constant 16 : index
      %swap3A_48 = tpu.vector_load %arg14[%swap3A_46, %swap3A_47] {strides = array<i32>} : memref<40x128xf32, #tpu.memory_space<vmem>>, vector<1x16xf32>,
      %swap3A_49 = vector.shape_cast %swap3A_48 : vector<1x16xf32> to vector<16xf32>
      %swap3A_50 = vector.shape_cast %broadcast_in_dim3A_45 : vector<16xf32> to vector<1x16xf32>
      tpu.vector_store %arg14[%swap3A_46, %swap3A_47], %swap3A_50 {strides = array<i32>} : memref<40x128xf32, #tpu.memory_space<vmem>>, vector<1x16xf32>,
      %broadcast_in_dim3A_51 = arith.constant 0.000000e+00 : f32
      %broadcast_in_dim3A_52 = vector.broadcast %broadcast_in_dim3A_51 : f32 to vector<16xf32>
      %swap3A_53 = arith.index_cast %add3A_38 : i32 to index
      %swap3A_54 = arith.constant 32 : index
      %swap3A_55 = tpu.vector_load %arg14[%swap3A_53, %swap3A_54] {strides = array<i32>} : memref<40x128xf32, #tpu.memory_space<vmem>>, vector<1x16xf32>,
      %swap3A_56 = vector.shape_cast %swap3A_55 : vector<1x16xf32> to vector<16xf32>
      %swap3A_57 = vector.shape_cast %broadcast_in_dim3A_52 : vector<16xf32> to vector<1x16xf32>
      tpu.vector_store %arg14[%swap3A_53, %swap3A_54], %swap3A_57 {strides = array<i32>} : memref<40x128xf32, #tpu.memory_space<vmem>>, vector<1x16xf32>,
      %broadcast_in_dim3A_58 = arith.constant 0.000000e+00 : f32
      %broadcast_in_dim3A_59 = vector.broadcast %broadcast_in_dim3A_58 : f32 to vector<16xf32>
      %swap3A_60 = arith.index_cast %add3A_38 : i32 to index
      %swap3A_61 = arith.constant 48 : index
      %swap3A_62 = tpu.vector_load %arg14[%swap3A_60, %swap3A_61] {strides = array<i32>} : memref<40x128xf32, #tpu.memory_space<vmem>>, vector<1x16xf32>,
      %swap3A_63 = vector.shape_cast %swap3A_62 : vector<1x16xf32> to vector<16xf32>
      %swap3A_64 = vector.shape_cast %broadcast_in_dim3A_59 : vector<16xf32> to vector<1x16xf32>
      tpu.vector_store %arg14[%swap3A_60, %swap3A_61], %swap3A_64 {strides = array<i32>} : memref<40x128xf32, #tpu.memory_space<vmem>>, vector<1x16xf32>,
      %broadcast_in_dim3A_65 = arith.constant 0.000000e+00 : f32
      %broadcast_in_dim3A_66 = vector.broadcast %broadcast_in_dim3A_65 : f32 to vector<16xf32>
      %swap3A_67 = arith.index_cast %add3A_38 : i32 to index
      %swap3A_68 = arith.constant 64 : index
      %swap3A_69 = tpu.vector_load %arg14[%swap3A_67, %swap3A_68] {strides = array<i32>} : memref<40x128xf32, #tpu.memory_space<vmem>>, vector<1x16xf32>,
      %swap3A_70 = vector.shape_cast %swap3A_69 : vector<1x16xf32> to vector<16xf32>
      %swap3A_71 = vector.shape_cast %broadcast_in_dim3A_66 : vector<16xf32> to vector<1x16xf32>
      tpu.vector_store %arg14[%swap3A_67, %swap3A_68], %swap3A_71 {strides = array<i32>} : memref<40x128xf32, #tpu.memory_space<vmem>>, vector<1x16xf32>,
      %broadcast_in_dim3A_72 = arith.constant 0.000000e+00 : f32
      %broadcast_in_dim3A_73 = vector.broadcast %broadcast_in_dim3A_72 : f32 to vector<16xf32>
      %swap3A_74 = arith.index_cast %add3A_38 : i32 to index
      %swap3A_75 = arith.constant 80 : index
      %swap3A_76 = tpu.vector_load %arg14[%swap3A_74, %swap3A_75] {strides = array<i32>} : memref<40x128xf32, #tpu.memory_space<vmem>>, vector<1x16xf32>,
      %swap3A_77 = vector.shape_cast %swap3A_76 : vector<1x16xf32> to vector<16xf32>
      %swap3A_78 = vector.shape_cast %broadcast_in_dim3A_73 : vector<16xf32> to vector<1x16xf32>
      tpu.vector_store %arg14[%swap3A_74, %swap3A_75], %swap3A_78 {strides = array<i32>} : memref<40x128xf32, #tpu.memory_space<vmem>>, vector<1x16xf32>,
      %broadcast_in_dim3A_79 = arith.constant 0.000000e+00 : f32
      %broadcast_in_dim3A_80 = vector.broadcast %broadcast_in_dim3A_79 : f32 to vector<16xf32>
      %swap3A_81 = arith.index_cast %add3A_38 : i32 to index
      %swap3A_82 = arith.constant 96 : index
      %swap3A_83 = tpu.vector_load %arg14[%swap3A_81, %swap3A_82] {strides = array<i32>} : memref<40x128xf32, #tpu.memory_space<vmem>>, vector<1x16xf32>,
      %swap3A_84 = vector.shape_cast %swap3A_83 : vector<1x16xf32> to vector<16xf32>
      %swap3A_85 = vector.shape_cast %broadcast_in_dim3A_80 : vector<16xf32> to vector<1x16xf32>
      tpu.vector_store %arg14[%swap3A_81, %swap3A_82], %swap3A_85 {strides = array<i32>} : memref<40x128xf32, #tpu.memory_space<vmem>>, vector<1x16xf32>,
      %broadcast_in_dim3A_86 = arith.constant 0.000000e+00 : f32
      %broadcast_in_dim3A_87 = vector.broadcast %broadcast_in_dim3A_86 : f32 to vector<16xf32>
      %swap3A_88 = arith.index_cast %add3A_38 : i32 to index
      %swap3A_89 = arith.constant 112 : index
      %swap3A_90 = tpu.vector_load %arg14[%swap3A_88, %swap3A_89] {strides = array<i32>} : memref<40x128xf32, #tpu.memory_space<vmem>>, vector<1x16xf32>,
      %swap3A_91 = vector.shape_cast %swap3A_90 : vector<1x16xf32> to vector<16xf32>
      %swap3A_92 = vector.shape_cast %broadcast_in_dim3A_87 : vector<16xf32> to vector<1x16xf32>
      tpu.vector_store %arg14[%swap3A_88, %swap3A_89], %swap3A_92 {strides = array<i32>} : memref<40x128xf32, #tpu.memory_space<vmem>>, vector<1x16xf32>,
    }
    %scan3A_6 = arith.constant 40 : i32
    %scan3A_7 = arith.constant 0 : i32
    %scan3A_8 = arith.constant 16 : i32
    %scan3A_9 = arith.addi %scan3A_7, %scan3A_8 : i32
    %scan3A_10 = arith.constant 1 : i32
    scf.for %scan3A_34 = %scan3A_7 to %scan3A_9 step %scan3A_10  : i32 {
      %mul3A_35 = arith.constant 1 : i32
      %mul3A_36 = arith.muli %scan3A_34, %mul3A_35 : i32
      %add3A_37 = arith.constant 0 : i32
      %add3A_38 = arith.addi %add3A_37, %mul3A_36 : i32
      %mul3A_39 = arith.constant 640 : i32
      %mul3A_40 = arith.muli %arg1, %mul3A_39 : i32
      %mul3A_41 = arith.constant 40 : i32
      %mul3A_42 = arith.muli %add3A_38, %mul3A_41 : i32
      %add3A_43 = arith.addi %mul3A_40, %mul3A_42 : i32
      "tpu.region"() ({
        %run_scoped3A = tpu.sem_alloc : memref<!tpu.dma_semaphore, #tpu.memory_space<semaphore_mem>>
        %dma_start3A_44 = arith.constant 0 : i32
        %dma_start3A_45 = tpu.memref_slice %arg15[%add3A_43, %dma_start3A_44] : memref<10240x128xf32, #tpu.memory_space<vmem_shared>> -> memref<40x128xf32, #tpu.memory_space<vmem_shared>>
        %dma_start3A_46 = arith.constant 0 : i32
        %dma_start3A_47 = tpu.memref_slice %arg15[%add3A_43, %dma_start3A_46] : memref<10240x128xf32, #tpu.memory_space<vmem_shared>> -> memref<40x128xf32, #tpu.memory_space<vmem_shared>>
        tpu.enqueue_dma source(%arg14 : memref<40x128xf32, #tpu.memory_space<vmem>>) target(%dma_start3A_47 : memref<40x128xf32, #tpu.memory_space<vmem_shared>>) target_semaphore(%run_scoped3A : memref<!tpu.dma_semaphore, #tpu.memory_space<semaphore_mem>>)
        %dma_wait3A_48 = arith.constant 0 : i32
        %dma_wait3A_49 = tpu.memref_slice %arg15[%add3A_43, %dma_wait3A_48] : memref<10240x128xf32, #tpu.memory_space<vmem_shared>> -> memref<40x128xf32, #tpu.memory_space<vmem_shared>>
        %dma_wait3A_50 = arith.constant 0 : i32
        %dma_wait3A_51 = tpu.memref_slice %arg15[%add3A_43, %dma_wait3A_50] : memref<10240x128xf32, #tpu.memory_space<vmem_shared>> -> memref<40x128xf32, #tpu.memory_space<vmem_shared>>
        tpu.wait_dma2 semaphore(%run_scoped3A : memref<!tpu.dma_semaphore, #tpu.memory_space<semaphore_mem>>) src(%arg14 : memref<40x128xf32, #tpu.memory_space<vmem>>) dst(%dma_wait3A_51 : memref<40x128xf32, #tpu.memory_space<vmem_shared>>)
        tpu.yield
      }) : () -> ()
    }
    %scan3A_11 = arith.constant 16 : i32
    "tpu.region"() ({
      %run_scoped3A = tpu.sem_alloc : memref<!tpu.dma_semaphore, #tpu.memory_space<semaphore_mem>>
      %dma_start3A_34 = tpu.memref_slice %arg3[%mul3A_2] : memref<320000xi32, #tpu.memory_space<hbm>> -> memref<10000xi32, #tpu.memory_space<hbm>>
      %dma_start3A_35 = tpu.memref_slice %arg3[%mul3A_2] : memref<320000xi32, #tpu.memory_space<hbm>> -> memref<10000xi32, #tpu.memory_space<hbm>>
      tpu.enqueue_dma source(%dma_start3A_35 : memref<10000xi32, #tpu.memory_space<hbm>>) target(%arg10 : memref<10000xi32, #tpu.memory_space<vmem>>) target_semaphore(%run_scoped3A : memref<!tpu.dma_semaphore, #tpu.memory_space<semaphore_mem>>)
      %dma_wait3A_36 = tpu.memref_slice %arg3[%mul3A_2] : memref<320000xi32, #tpu.memory_space<hbm>> -> memref<10000xi32, #tpu.memory_space<hbm>>
      %dma_wait3A_37 = tpu.memref_slice %arg3[%mul3A_2] : memref<320000xi32, #tpu.memory_space<hbm>> -> memref<10000xi32, #tpu.memory_space<hbm>>
      tpu.wait_dma2 semaphore(%run_scoped3A : memref<!tpu.dma_semaphore, #tpu.memory_space<semaphore_mem>>) src(%dma_wait3A_37 : memref<10000xi32, #tpu.memory_space<hbm>>) dst(%arg10 : memref<10000xi32, #tpu.memory_space<vmem>>)
      tpu.yield
    }) : () -> ()
    "tpu.region"() ({
      %run_scoped3A = tpu.sem_alloc : memref<!tpu.dma_semaphore, #tpu.memory_space<semaphore_mem>>
      %dma_start3A_34 = tpu.memref_slice %arg4[%mul3A_2] : memref<320000xi32, #tpu.memory_space<hbm>> -> memref<10000xi32, #tpu.memory_space<hbm>>
      %dma_start3A_35 = tpu.memref_slice %arg4[%mul3A_2] : memref<320000xi32, #tpu.memory_space<hbm>> -> memref<10000xi32, #tpu.memory_space<hbm>>
      tpu.enqueue_dma source(%dma_start3A_35 : memref<10000xi32, #tpu.memory_space<hbm>>) target(%arg11 : memref<10000xi32, #tpu.memory_space<vmem>>) target_semaphore(%run_scoped3A : memref<!tpu.dma_semaphore, #tpu.memory_space<semaphore_mem>>)
      %dma_wait3A_36 = tpu.memref_slice %arg4[%mul3A_2] : memref<320000xi32, #tpu.memory_space<hbm>> -> memref<10000xi32, #tpu.memory_space<hbm>>
      %dma_wait3A_37 = tpu.memref_slice %arg4[%mul3A_2] : memref<320000xi32, #tpu.memory_space<hbm>> -> memref<10000xi32, #tpu.memory_space<hbm>>
      tpu.wait_dma2 semaphore(%run_scoped3A : memref<!tpu.dma_semaphore, #tpu.memory_space<semaphore_mem>>) src(%dma_wait3A_37 : memref<10000xi32, #tpu.memory_space<hbm>>) dst(%arg11 : memref<10000xi32, #tpu.memory_space<vmem>>)
      tpu.yield
    }) : () -> ()
    %barrier3A = arith.constant 0 : index
    tpu.barrier barrier_id(%barrier3A)
    %scan3A_12 = arith.constant 0 : i32
    %scan3A_13 = arith.constant 5 : i32
    %scan3A_14 = arith.addi %scan3A_12, %scan3A_13 : i32
    %scan3A_15 = arith.constant 1 : i32
    scf.for %scan3A_34 = %scan3A_12 to %scan3A_14 step %scan3A_15  : i32 {
      %mul3A_35 = arith.constant 1 : i32
      %mul3A_36 = arith.muli %scan3A_34, %mul3A_35 : i32
      %add3A_37 = arith.constant 0 : i32
      %add3A_38 = arith.addi %add3A_37, %mul3A_36 : i32
      %mul3A_39 = arith.constant 16 : i32
      %mul3A_40 = arith.muli %add3A_38, %mul3A_39 : i32
      %mul3A_41 = arith.constant 16 : i32
      %mul3A_42 = arith.muli %add3A_38, %mul3A_41 : i32
      %add3A_43 = arith.constant 0 : i32
      %add3A_44 = arith.addi %add3A_43, %mul3A_42 : i32
      %get3A = arith.index_cast %add3A_44 : i32 to index
      %get3A_45 = tpu.vector_load %arg10[%get3A] {strides = array<i32>} : memref<10000xi32, #tpu.memory_space<vmem>>, vector<16xi32>,
      %get3A_46 = vector.shape_cast %get3A_45 : vector<16xi32> to vector<16xi32>
      %swap3A = arith.index_cast %mul3A_40 : i32 to index
      %swap3A_47 = tpu.vector_load %arg6[%swap3A] {strides = array<i32>} : memref<80xi32, #tpu.memory_space<vmem>>, vector<16xi32>,
      %swap3A_48 = vector.shape_cast %swap3A_47 : vector<16xi32> to vector<16xi32>
      %swap3A_49 = vector.shape_cast %get3A_46 : vector<16xi32> to vector<16xi32>
      tpu.vector_store %arg6[%swap3A], %swap3A_49 {strides = array<i32>} : memref<80xi32, #tpu.memory_space<vmem>>, vector<16xi32>,
      %get3A_50 = arith.index_cast %add3A_44 : i32 to index
      %get3A_51 = tpu.vector_load %arg11[%get3A_50] {strides = array<i32>} : memref<10000xi32, #tpu.memory_space<vmem>>, vector<16xi32>,
      %get3A_52 = vector.shape_cast %get3A_51 : vector<16xi32> to vector<16xi32>
      %swap3A_53 = arith.index_cast %mul3A_40 : i32 to index
      %swap3A_54 = tpu.vector_load %arg8[%swap3A_53] {strides = array<i32>} : memref<80xi32, #tpu.memory_space<vmem>>, vector<16xi32>,
      %swap3A_55 = vector.shape_cast %swap3A_54 : vector<16xi32> to vector<16xi32>
      %swap3A_56 = vector.shape_cast %get3A_52 : vector<16xi32> to vector<16xi32>
      tpu.vector_store %arg8[%swap3A_53], %swap3A_56 {strides = array<i32>} : memref<80xi32, #tpu.memory_space<vmem>>, vector<16xi32>,
    }
    %scan3A_16 = arith.constant 5 : i32
    %dma_start3A = arith.constant 0 : i32
    %dma_start3A_17 = arith.constant 0 : i32
    %dma_start3A_18 = tpu.memref_slice %arg2[%dma_start3A, %dma_start3A_17] : memref<90000x128xf32, #tpu.memory_space<hbm>> -> memref<90000x128xf32, #tpu.memory_space<hbm>>
    tpu.enqueue_indirect_dma source(%dma_start3A_18 : memref<90000x128xf32, #tpu.memory_space<hbm>>) target(%arg12 : memref<80x128xf32, #tpu.memory_space<vmem>>) offsets(%arg6 : memref<80xi32, #tpu.memory_space<vmem>>) semaphore(%arg16 : memref<!tpu.dma_semaphore, #tpu.memory_space<semaphore_mem>>)
    %scan3A_19 = arith.constant 0 : i32
    %scan3A_20 = arith.constant 62 : i32
    %scan3A_21 = arith.addi %scan3A_19, %scan3A_20 : i32
    %scan3A_22 = arith.constant 1 : i32
    scf.for %scan3A_34 = %scan3A_19 to %scan3A_21 step %scan3A_22  : i32 {
      %mul3A_35 = arith.constant 1 : i32
      %mul3A_36 = arith.muli %scan3A_34, %mul3A_35 : i32
      %add3A_37 = arith.constant 0 : i32
      %add3A_38 = arith.addi %add3A_37, %mul3A_36 : i32
      %mul3A_39 = arith.constant 2 : i32
      %mul3A_40 = arith.muli %mul3A_39, %add3A_38 : i32
      %add3A_41 = arith.constant 1 : i32
      %add3A_42 = arith.addi %mul3A_40, %add3A_41 : i32
      %scan3A_43 = arith.constant 0 : i32
      %scan3A_44 = arith.constant 5 : i32
      %scan3A_45 = arith.addi %scan3A_43, %scan3A_44 : i32
      %scan3A_46 = arith.constant 1 : i32
      scf.for %scan3A_69 = %scan3A_43 to %scan3A_45 step %scan3A_46  : i32 {
        %mul3A_70 = arith.constant 1 : i32
        %mul3A_71 = arith.muli %scan3A_69, %mul3A_70 : i32
        %add3A_72 = arith.constant 0 : i32
        %add3A_73 = arith.addi %add3A_72, %mul3A_71 : i32
        %mul3A_74 = arith.constant 16 : i32
        %mul3A_75 = arith.muli %add3A_73, %mul3A_74 : i32
        %mul3A_76 = arith.constant 80 : i32
        %mul3A_77 = arith.muli %add3A_42, %mul3A_76 : i32
        %mul3A_78 = arith.constant 16 : i32
        %mul3A_79 = arith.muli %add3A_73, %mul3A_78 : i32
        %add3A_80 = arith.addi %mul3A_77, %mul3A_79 : i32
        %get3A = arith.index_cast %add3A_80 : i32 to index
        %get3A_81 = tpu.vector_load %arg10[%get3A] {strides = array<i32>} : memref<10000xi32, #tpu.memory_space<vmem>>, vector<16xi32>,
        %get3A_82 = vector.shape_cast %get3A_81 : vector<16xi32> to vector<16xi32>
        %swap3A = arith.index_cast %mul3A_75 : i32 to index
        %swap3A_83 = tpu.vector_load %arg7[%swap3A] {strides = array<i32>} : memref<80xi32, #tpu.memory_space<vmem>>, vector<16xi32>,
        %swap3A_84 = vector.shape_cast %swap3A_83 : vector<16xi32> to vector<16xi32>
        %swap3A_85 = vector.shape_cast %get3A_82 : vector<16xi32> to vector<16xi32>
        tpu.vector_store %arg7[%swap3A], %swap3A_85 {strides = array<i32>} : memref<80xi32, #tpu.memory_space<vmem>>, vector<16xi32>,
        %get3A_86 = arith.index_cast %add3A_80 : i32 to index
        %get3A_87 = tpu.vector_load %arg11[%get3A_86] {strides = array<i32>} : memref<10000xi32, #tpu.memory_space<vmem>>, vector<16xi32>,
        %get3A_88 = vector.shape_cast %get3A_87 : vector<16xi32> to vector<16xi32>
        %swap3A_89 = arith.index_cast %mul3A_75 : i32 to index
        %swap3A_90 = tpu.vector_load %arg9[%swap3A_89] {strides = array<i32>} : memref<80xi32, #tpu.memory_space<vmem>>, vector<16xi32>,
        %swap3A_91 = vector.shape_cast %swap3A_90 : vector<16xi32> to vector<16xi32>
        %swap3A_92 = vector.shape_cast %get3A_88 : vector<16xi32> to vector<16xi32>
        tpu.vector_store %arg9[%swap3A_89], %swap3A_92 {strides = array<i32>} : memref<80xi32, #tpu.memory_space<vmem>>, vector<16xi32>,
      }
      %scan3A_47 = arith.constant 5 : i32
      %dma_start3A_48 = arith.constant 0 : i32
      %dma_start3A_49 = arith.constant 0 : i32
      %dma_start3A_50 = tpu.memref_slice %arg2[%dma_start3A_48, %dma_start3A_49] : memref<90000x128xf32, #tpu.memory_space<hbm>> -> memref<90000x128xf32, #tpu.memory_space<hbm>>
      tpu.enqueue_indirect_dma source(%dma_start3A_50 : memref<90000x128xf32, #tpu.memory_space<hbm>>) target(%arg13 : memref<80x128xf32, #tpu.memory_space<vmem>>) offsets(%arg7 : memref<80xi32, #tpu.memory_space<vmem>>) semaphore(%arg17 : memref<!tpu.dma_semaphore, #tpu.memory_space<semaphore_mem>>)
      %dma_wait3A_51 = arith.constant 0 : i32
      %dma_wait3A_52 = arith.constant 0 : i32
      %dma_wait3A_53 = tpu.memref_slice %arg2[%dma_wait3A_51, %dma_wait3A_52] : memref<90000x128xf32, #tpu.memory_space<hbm>> -> memref<90000x128xf32, #tpu.memory_space<hbm>>
      tpu.wait_indirect_dma semaphore(%arg16 : memref<!tpu.dma_semaphore, #tpu.memory_space<semaphore_mem>>) src(%dma_wait3A_53 : memref<90000x128xf32, #tpu.memory_space<hbm>>) dst(%arg12 : memref<80x128xf32, #tpu.memory_space<vmem>>)
      "tpu.region"() ({
        %run_scoped3A = tpu.sem_alloc : memref<!tpu.dma_semaphore, #tpu.memory_space<semaphore_mem>>
        %dma_start3A_69 = arith.constant 0 : i32
        %dma_start3A_70 = arith.constant 0 : i32
        %dma_start3A_71 = tpu.memref_slice %arg15[%dma_start3A_69, %dma_start3A_70] : memref<10240x128xf32, #tpu.memory_space<vmem_shared>> -> memref<10240x128xf32, #tpu.memory_space<vmem_shared>>
        tpu.enqueue_indirect_dma source(%arg12 : memref<80x128xf32, #tpu.memory_space<vmem>>) target(%dma_start3A_71 : memref<10240x128xf32, #tpu.memory_space<vmem_shared>>) offsets(%arg8 : memref<80xi32, #tpu.memory_space<vmem>>) semaphore(%run_scoped3A : memref<!tpu.dma_semaphore, #tpu.memory_space<semaphore_mem>>) {add = true}
        %dma_wait3A_72 = arith.constant 0 : i32
        %dma_wait3A_73 = arith.constant 0 : i32
        %dma_wait3A_74 = tpu.memref_slice %arg15[%dma_wait3A_72, %dma_wait3A_73] : memref<10240x128xf32, #tpu.memory_space<vmem_shared>> -> memref<10240x128xf32, #tpu.memory_space<vmem_shared>>
        tpu.wait_indirect_dma semaphore(%run_scoped3A : memref<!tpu.dma_semaphore, #tpu.memory_space<semaphore_mem>>) src(%arg12 : memref<80x128xf32, #tpu.memory_space<vmem>>) dst(%dma_wait3A_74 : memref<10240x128xf32, #tpu.memory_space<vmem_shared>>)
        tpu.yield
      }) : () -> ()
      %mul3A_54 = arith.constant 2 : i32
      %mul3A_55 = arith.muli %mul3A_54, %add3A_38 : i32
      %add3A_56 = arith.constant 2 : i32
      %add3A_57 = arith.addi %mul3A_55, %add3A_56 : i32
      %scan3A_58 = arith.constant 0 : i32
      %scan3A_59 = arith.constant 5 : i32
      %scan3A_60 = arith.addi %scan3A_58, %scan3A_59 : i32
      %scan3A_61 = arith.constant 1 : i32
      scf.for %scan3A_69 = %scan3A_58 to %scan3A_60 step %scan3A_61  : i32 {
        %mul3A_70 = arith.constant 1 : i32
        %mul3A_71 = arith.muli %scan3A_69, %mul3A_70 : i32
        %add3A_72 = arith.constant 0 : i32
        %add3A_73 = arith.addi %add3A_72, %mul3A_71 : i32
        %mul3A_74 = arith.constant 16 : i32
        %mul3A_75 = arith.muli %add3A_73, %mul3A_74 : i32
        %mul3A_76 = arith.constant 80 : i32
        %mul3A_77 = arith.muli %add3A_57, %mul3A_76 : i32
        %mul3A_78 = arith.constant 16 : i32
        %mul3A_79 = arith.muli %add3A_73, %mul3A_78 : i32
        %add3A_80 = arith.addi %mul3A_77, %mul3A_79 : i32
        %get3A = arith.index_cast %add3A_80 : i32 to index
        %get3A_81 = tpu.vector_load %arg10[%get3A] {strides = array<i32>} : memref<10000xi32, #tpu.memory_space<vmem>>, vector<16xi32>,
        %get3A_82 = vector.shape_cast %get3A_81 : vector<16xi32> to vector<16xi32>
        %swap3A = arith.index_cast %mul3A_75 : i32 to index
        %swap3A_83 = tpu.vector_load %arg6[%swap3A] {strides = array<i32>} : memref<80xi32, #tpu.memory_space<vmem>>, vector<16xi32>,
        %swap3A_84 = vector.shape_cast %swap3A_83 : vector<16xi32> to vector<16xi32>
        %swap3A_85 = vector.shape_cast %get3A_82 : vector<16xi32> to vector<16xi32>
        tpu.vector_store %arg6[%swap3A], %swap3A_85 {strides = array<i32>} : memref<80xi32, #tpu.memory_space<vmem>>, vector<16xi32>,
        %get3A_86 = arith.index_cast %add3A_80 : i32 to index
        %get3A_87 = tpu.vector_load %arg11[%get3A_86] {strides = array<i32>} : memref<10000xi32, #tpu.memory_space<vmem>>, vector<16xi32>,
        %get3A_88 = vector.shape_cast %get3A_87 : vector<16xi32> to vector<16xi32>
        %swap3A_89 = arith.index_cast %mul3A_75 : i32 to index
        %swap3A_90 = tpu.vector_load %arg8[%swap3A_89] {strides = array<i32>} : memref<80xi32, #tpu.memory_space<vmem>>, vector<16xi32>,
        %swap3A_91 = vector.shape_cast %swap3A_90 : vector<16xi32> to vector<16xi32>
        %swap3A_92 = vector.shape_cast %get3A_88 : vector<16xi32> to vector<16xi32>
        tpu.vector_store %arg8[%swap3A_89], %swap3A_92 {strides = array<i32>} : memref<80xi32, #tpu.memory_space<vmem>>, vector<16xi32>,
      }
      %scan3A_62 = arith.constant 5 : i32
      %dma_start3A_63 = arith.constant 0 : i32
      %dma_start3A_64 = arith.constant 0 : i32
      %dma_start3A_65 = tpu.memref_slice %arg2[%dma_start3A_63, %dma_start3A_64] : memref<90000x128xf32, #tpu.memory_space<hbm>> -> memref<90000x128xf32, #tpu.memory_space<hbm>>
      tpu.enqueue_indirect_dma source(%dma_start3A_65 : memref<90000x128xf32, #tpu.memory_space<hbm>>) target(%arg12 : memref<80x128xf32, #tpu.memory_space<vmem>>) offsets(%arg6 : memref<80xi32, #tpu.memory_space<vmem>>) semaphore(%arg16 : memref<!tpu.dma_semaphore, #tpu.memory_space<semaphore_mem>>)
      %dma_wait3A_66 = arith.constant 0 : i32
      %dma_wait3A_67 = arith.constant 0 : i32
      %dma_wait3A_68 = tpu.memref_slice %arg2[%dma_wait3A_66, %dma_wait3A_67] : memref<90000x128xf32, #tpu.memory_space<hbm>> -> memref<90000x128xf32, #tpu.memory_space<hbm>>
      tpu.wait_indirect_dma semaphore(%arg17 : memref<!tpu.dma_semaphore, #tpu.memory_space<semaphore_mem>>) src(%dma_wait3A_68 : memref<90000x128xf32, #tpu.memory_space<hbm>>) dst(%arg13 : memref<80x128xf32, #tpu.memory_space<vmem>>)
      "tpu.region"() ({
        %run_scoped3A = tpu.sem_alloc : memref<!tpu.dma_semaphore, #tpu.memory_space<semaphore_mem>>
        %dma_start3A_69 = arith.constant 0 : i32
        %dma_start3A_70 = arith.constant 0 : i32
        %dma_start3A_71 = tpu.memref_slice %arg15[%dma_start3A_69, %dma_start3A_70] : memref<10240x128xf32, #tpu.memory_space<vmem_shared>> -> memref<10240x128xf32, #tpu.memory_space<vmem_shared>>
        tpu.enqueue_indirect_dma source(%arg13 : memref<80x128xf32, #tpu.memory_space<vmem>>) target(%dma_start3A_71 : memref<10240x128xf32, #tpu.memory_space<vmem_shared>>) offsets(%arg9 : memref<80xi32, #tpu.memory_space<vmem>>) semaphore(%run_scoped3A : memref<!tpu.dma_semaphore, #tpu.memory_space<semaphore_mem>>) {add = true}
        %dma_wait3A_72 = arith.constant 0 : i32
        %dma_wait3A_73 = arith.constant 0 : i32
        %dma_wait3A_74 = tpu.memref_slice %arg15[%dma_wait3A_72, %dma_wait3A_73] : memref<10240x128xf32, #tpu.memory_space<vmem_shared>> -> memref<10240x128xf32, #tpu.memory_space<vmem_shared>>
        tpu.wait_indirect_dma semaphore(%run_scoped3A : memref<!tpu.dma_semaphore, #tpu.memory_space<semaphore_mem>>) src(%arg13 : memref<80x128xf32, #tpu.memory_space<vmem>>) dst(%dma_wait3A_74 : memref<10240x128xf32, #tpu.memory_space<vmem_shared>>)
        tpu.yield
      }) : () -> ()
    }
    %scan3A_23 = arith.constant 62 : i32
    %dma_wait3A = arith.constant 0 : i32
    %dma_wait3A_24 = arith.constant 0 : i32
    %dma_wait3A_25 = tpu.memref_slice %arg2[%dma_wait3A, %dma_wait3A_24] : memref<90000x128xf32, #tpu.memory_space<hbm>> -> memref<90000x128xf32, #tpu.memory_space<hbm>>
    tpu.wait_indirect_dma semaphore(%arg16 : memref<!tpu.dma_semaphore, #tpu.memory_space<semaphore_mem>>) src(%dma_wait3A_25 : memref<90000x128xf32, #tpu.memory_space<hbm>>) dst(%arg12 : memref<80x128xf32, #tpu.memory_space<vmem>>)
    "tpu.region"() ({
      %run_scoped3A = tpu.sem_alloc : memref<!tpu.dma_semaphore, #tpu.memory_space<semaphore_mem>>
      %dma_start3A_34 = arith.constant 0 : i32
      %dma_start3A_35 = arith.constant 0 : i32
      %dma_start3A_36 = tpu.memref_slice %arg15[%dma_start3A_34, %dma_start3A_35] : memref<10240x128xf32, #tpu.memory_space<vmem_shared>> -> memref<10240x128xf32, #tpu.memory_space<vmem_shared>>
      tpu.enqueue_indirect_dma source(%arg12 : memref<80x128xf32, #tpu.memory_space<vmem>>) target(%dma_start3A_36 : memref<10240x128xf32, #tpu.memory_space<vmem_shared>>) offsets(%arg8 : memref<80xi32, #tpu.memory_space<vmem>>) semaphore(%run_scoped3A : memref<!tpu.dma_semaphore, #tpu.memory_space<semaphore_mem>>) {add = true}
      %dma_wait3A_37 = arith.constant 0 : i32
      %dma_wait3A_38 = arith.constant 0 : i32
      %dma_wait3A_39 = tpu.memref_slice %arg15[%dma_wait3A_37, %dma_wait3A_38] : memref<10240x128xf32, #tpu.memory_space<vmem_shared>> -> memref<10240x128xf32, #tpu.memory_space<vmem_shared>>
      tpu.wait_indirect_dma semaphore(%run_scoped3A : memref<!tpu.dma_semaphore, #tpu.memory_space<semaphore_mem>>) src(%arg12 : memref<80x128xf32, #tpu.memory_space<vmem>>) dst(%dma_wait3A_39 : memref<10240x128xf32, #tpu.memory_space<vmem_shared>>)
      tpu.yield
    }) : () -> ()
    %barrier3A_26 = arith.constant 0 : index
    tpu.barrier barrier_id(%barrier3A_26)
    %lt3A = arith.constant 15 : i32
    %lt3A_27 = arith.cmpi slt, %arg1, %lt3A : i32
    %convert_element_type3A = arith.extui %lt3A_27 : i1 to i32
    %cond3A = arith.constant 0 : i32
    %cond3A_28 = arith.cmpi ne, %convert_element_type3A, %cond3A : i32
    scf.if %cond3A_28 {
      %mul3A_34 = arith.constant 640 : i32
      %mul3A_35 = arith.muli %arg1, %mul3A_34 : i32
      %mul3A_36 = arith.constant 10000 : i32
      %mul3A_37 = arith.muli %arg0, %mul3A_36 : i32
      %mul3A_38 = arith.constant 640 : i32
      %mul3A_39 = arith.muli %arg1, %mul3A_38 : i32
      %add3A_40 = arith.addi %mul3A_37, %mul3A_39 : i32
      "tpu.region"() ({
        %run_scoped3A = tpu.sem_alloc : memref<!tpu.dma_semaphore, #tpu.memory_space<semaphore_mem>>
        %dma_start3A_41 = arith.constant 0 : i32
        %dma_start3A_42 = tpu.memref_slice %arg5[%add3A_40, %dma_start3A_41] : memref<20000x128xf32, #tpu.memory_space<hbm>> -> memref<640x128xf32, #tpu.memory_space<hbm>>
        %dma_start3A_43 = arith.constant 0 : i32
        %dma_start3A_44 = tpu.memref_slice %arg15[%mul3A_35, %dma_start3A_43] : memref<10240x128xf32, #tpu.memory_space<vmem_shared>> -> memref<640x128xf32, #tpu.memory_space<vmem_shared>>
        tpu.enqueue_dma source(%dma_start3A_44 : memref<640x128xf32, #tpu.memory_space<vmem_shared>>) target(%dma_start3A_42 : memref<640x128xf32, #tpu.memory_space<hbm>>) target_semaphore(%run_scoped3A : memref<!tpu.dma_semaphore, #tpu.memory_space<semaphore_mem>>)
        %dma_wait3A_45 = arith.constant 0 : i32
        %dma_wait3A_46 = tpu.memref_slice %arg5[%add3A_40, %dma_wait3A_45] : memref<20000x128xf32, #tpu.memory_space<hbm>> -> memref<640x128xf32, #tpu.memory_space<hbm>>
        %dma_wait3A_47 = arith.constant 0 : i32
        %dma_wait3A_48 = tpu.memref_slice %arg15[%mul3A_35, %dma_wait3A_47] : memref<10240x128xf32, #tpu.memory_space<vmem_shared>> -> memref<640x128xf32, #tpu.memory_space<vmem_shared>>
        tpu.wait_dma2 semaphore(%run_scoped3A : memref<!tpu.dma_semaphore, #tpu.memory_space<semaphore_mem>>) src(%dma_wait3A_48 : memref<640x128xf32, #tpu.memory_space<vmem_shared>>) dst(%dma_wait3A_46 : memref<640x128xf32, #tpu.memory_space<hbm>>)
        tpu.yield
      }) : () -> ()
    } else {
    }
    %eq3A = arith.constant 15 : i32
    %eq3A_29 = arith.cmpi eq, %arg1, %eq3A : i32
    %convert_element_type3A_30 = arith.extui %eq3A_29 : i1 to i32
    %cond3A_31 = arith.constant 0 : i32
    %cond3A_32 = arith.cmpi ne, %convert_element_type3A_30, %cond3A_31 : i32
    scf.if %cond3A_32 {
      %mul3A_34 = arith.constant 10000 : i32
      %mul3A_35 = arith.muli %arg0, %mul3A_34 : i32
      %add3A_36 = arith.constant 9600 : i32
      %add3A_37 = arith.addi %mul3A_35, %add3A_36 : i32
      "tpu.region"() ({
        %run_scoped3A = tpu.sem_alloc : memref<!tpu.dma_semaphore, #tpu.memory_space<semaphore_mem>>
        %dma_start3A_38 = arith.constant 0 : i32
        %dma_start3A_39 = tpu.memref_slice %arg5[%add3A_37, %dma_start3A_38] : memref<20000x128xf32, #tpu.memory_space<hbm>> -> memref<400x128xf32, #tpu.memory_space<hbm>>
        %dma_start3A_40 = arith.constant 9600 : i32
        %dma_start3A_41 = arith.constant 0 : i32
        %dma_start3A_42 = tpu.memref_slice %arg15[%dma_start3A_40, %dma_start3A_41] : memref<10240x128xf32, #tpu.memory_space<vmem_shared>> -> memref<400x128xf32, #tpu.memory_space<vmem_shared>>
        tpu.enqueue_dma source(%dma_start3A_42 : memref<400x128xf32, #tpu.memory_space<vmem_shared>>) target(%dma_start3A_39 : memref<400x128xf32, #tpu.memory_space<hbm>>) target_semaphore(%run_scoped3A : memref<!tpu.dma_semaphore, #tpu.memory_space<semaphore_mem>>)
        %dma_wait3A_43 = arith.constant 0 : i32
        %dma_wait3A_44 = tpu.memref_slice %arg5[%add3A_37, %dma_wait3A_43] : memref<20000x128xf32, #tpu.memory_space<hbm>> -> memref<400x128xf32, #tpu.memory_space<hbm>>
        %dma_wait3A_45 = arith.constant 9600 : i32
        %dma_wait3A_46 = arith.constant 0 : i32
        %dma_wait3A_47 = tpu.memref_slice %arg15[%dma_wait3A_45, %dma_wait3A_46] : memref<10240x128xf32, #tpu.memory_space<vmem_shared>> -> memref<400x128xf32, #tpu.memory_space<vmem_shared>>
        tpu.wait_dma2 semaphore(%run_scoped3A : memref<!tpu.dma_semaphore, #tpu.memory_space<semaphore_mem>>) src(%dma_wait3A_47 : memref<400x128xf32, #tpu.memory_space<vmem_shared>>) dst(%dma_wait3A_44 : memref<400x128xf32, #tpu.memory_space<hbm>>)
        tpu.yield
      }) : () -> ()
    } else {
    }
    %barrier3A_33 = arith.constant 0 : index
    tpu.barrier barrier_id(%barrier3A_33)
    return
  }
}

#map = affine_map<(d0, d1) -> (0, 0)>
#map1 = affine_map<(d0, d1) -> (0)>
module attributes {stable_mosaic.version = 14 : i64} {
  func.func @body(%arg0: i32, %arg1: i32, %arg2: memref<90000x128xf32, #tpu.memory_space<hbm>>, %arg3: memref<320000xi32, #tpu.memory_space<hbm>>, %arg4: memref<320000xi32, #tpu.memory_space<hbm>>, %arg5: memref<20000x128xf32, #tpu.memory_space<hbm>>, %arg6: memref<80xi32, #tpu.memory_space<vmem>>, %arg7: memref<80xi32, #tpu.memory_space<vmem>>, %arg8: memref<80xi32, #tpu.memory_space<vmem>>, %arg9: memref<80xi32, #tpu.memory_space<vmem>>, %arg10: memref<10000xi32, #tpu.memory_space<vmem>>, %arg11: memref<10000xi32, #tpu.memory_space<vmem>>, %arg12: memref<80x128xf32, #tpu.memory_space<vmem>>, %arg13: memref<80x128xf32, #tpu.memory_space<vmem>>, %arg14: memref<40x128xf32, #tpu.memory_space<vmem>>, %arg15: memref<10240x128xf32, #tpu.memory_space<vmem_shared>>, %arg16: memref<!tpu.dma_semaphore, #tpu.memory_space<semaphore_mem>>, %arg17: memref<!tpu.dma_semaphore, #tpu.memory_space<semaphore_mem>>) attributes {dimension_semantics = [#tpu.dimension_semantics<core_parallel>, #tpu.dimension_semantics<subcore_parallel>], iteration_bounds = array<i64: 2, 16>, scalar_prefetch = 0 : i64, scratch_operands = 12 : i64, tpu.core_type = #tpu.core_type<sc_vector_subcore>, window_params = [{transform_indices = #map}, {transform_indices = #map1}, {transform_indices = #map1}, {transform_indices = #map}]} {
    %mul3A = arith.constant 16 : i32
    %mul3A_0 = arith.muli %arg0, %mul3A : i32
    %add3A = arith.addi %mul3A_0, %arg1 : i32
    %mul3A_1 = arith.constant 10000 : i32
    %mul3A_2 = arith.muli %add3A, %mul3A_1 : i32
    %scan3A = arith.constant 0 : i32
    %scan3A_3 = arith.constant 40 : i32
    %scan3A_4 = arith.addi %scan3A, %scan3A_3 : i32
    %scan3A_5 = arith.constant 1 : i32
    scf.for %scan3A_34 = %scan3A to %scan3A_4 step %scan3A_5  : i32 {
      %mul3A_35 = arith.constant 1 : i32
      %mul3A_36 = arith.muli %scan3A_34, %mul3A_35 : i32
      %add3A_37 = arith.constant 0 : i32
      %add3A_38 = arith.addi %add3A_37, %mul3A_36 : i32
      %broadcast_in_dim3A = arith.constant 0.000000e+00 : f32
      %broadcast_in_dim3A_39 = vector.broadcast %broadcast_in_dim3A : f32 to vector<16xf32>
      %swap3A = arith.index_cast %add3A_38 : i32 to index
      %swap3A_40 = arith.constant 0 : index
      %swap3A_41 = tpu.vector_load %arg14[%swap3A, %swap3A_40] {strides = array<i32>} : memref<40x128xf32, #tpu.memory_space<vmem>>, vector<1x16xf32>,
      %swap3A_42 = vector.shape_cast %swap3A_41 : vector<1x16xf32> to vector<16xf32>
      %swap3A_43 = vector.shape_cast %broadcast_in_dim3A_39 : vector<16xf32> to vector<1x16xf32>
      tpu.vector_store %arg14[%swap3A, %swap3A_40], %swap3A_43 {strides = array<i32>} : memref<40x128xf32, #tpu.memory_space<vmem>>, vector<1x16xf32>,
      %broadcast_in_dim3A_44 = arith.constant 0.000000e+00 : f32
      %broadcast_in_dim3A_45 = vector.broadcast %broadcast_in_dim3A_44 : f32 to vector<16xf32>
      %swap3A_46 = arith.index_cast %add3A_38 : i32 to index
      %swap3A_47 = arith.constant 16 : index
      %swap3A_48 = tpu.vector_load %arg14[%swap3A_46, %swap3A_47] {strides = array<i32>} : memref<40x128xf32, #tpu.memory_space<vmem>>, vector<1x16xf32>,
      %swap3A_49 = vector.shape_cast %swap3A_48 : vector<1x16xf32> to vector<16xf32>
      %swap3A_50 = vector.shape_cast %broadcast_in_dim3A_45 : vector<16xf32> to vector<1x16xf32>
      tpu.vector_store %arg14[%swap3A_46, %swap3A_47], %swap3A_50 {strides = array<i32>} : memref<40x128xf32, #tpu.memory_space<vmem>>, vector<1x16xf32>,
      %broadcast_in_dim3A_51 = arith.constant 0.000000e+00 : f32
      %broadcast_in_dim3A_52 = vector.broadcast %broadcast_in_dim3A_51 : f32 to vector<16xf32>
      %swap3A_53 = arith.index_cast %add3A_38 : i32 to index
      %swap3A_54 = arith.constant 32 : index
      %swap3A_55 = tpu.vector_load %arg14[%swap3A_53, %swap3A_54] {strides = array<i32>} : memref<40x128xf32, #tpu.memory_space<vmem>>, vector<1x16xf32>,
      %swap3A_56 = vector.shape_cast %swap3A_55 : vector<1x16xf32> to vector<16xf32>
      %swap3A_57 = vector.shape_cast %broadcast_in_dim3A_52 : vector<16xf32> to vector<1x16xf32>
      tpu.vector_store %arg14[%swap3A_53, %swap3A_54], %swap3A_57 {strides = array<i32>} : memref<40x128xf32, #tpu.memory_space<vmem>>, vector<1x16xf32>,
      %broadcast_in_dim3A_58 = arith.constant 0.000000e+00 : f32
      %broadcast_in_dim3A_59 = vector.broadcast %broadcast_in_dim3A_58 : f32 to vector<16xf32>
      %swap3A_60 = arith.index_cast %add3A_38 : i32 to index
      %swap3A_61 = arith.constant 48 : index
      %swap3A_62 = tpu.vector_load %arg14[%swap3A_60, %swap3A_61] {strides = array<i32>} : memref<40x128xf32, #tpu.memory_space<vmem>>, vector<1x16xf32>,
      %swap3A_63 = vector.shape_cast %swap3A_62 : vector<1x16xf32> to vector<16xf32>
      %swap3A_64 = vector.shape_cast %broadcast_in_dim3A_59 : vector<16xf32> to vector<1x16xf32>
      tpu.vector_store %arg14[%swap3A_60, %swap3A_61], %swap3A_64 {strides = array<i32>} : memref<40x128xf32, #tpu.memory_space<vmem>>, vector<1x16xf32>,
      %broadcast_in_dim3A_65 = arith.constant 0.000000e+00 : f32
      %broadcast_in_dim3A_66 = vector.broadcast %broadcast_in_dim3A_65 : f32 to vector<16xf32>
      %swap3A_67 = arith.index_cast %add3A_38 : i32 to index
      %swap3A_68 = arith.constant 64 : index
      %swap3A_69 = tpu.vector_load %arg14[%swap3A_67, %swap3A_68] {strides = array<i32>} : memref<40x128xf32, #tpu.memory_space<vmem>>, vector<1x16xf32>,
      %swap3A_70 = vector.shape_cast %swap3A_69 : vector<1x16xf32> to vector<16xf32>
      %swap3A_71 = vector.shape_cast %broadcast_in_dim3A_66 : vector<16xf32> to vector<1x16xf32>
      tpu.vector_store %arg14[%swap3A_67, %swap3A_68], %swap3A_71 {strides = array<i32>} : memref<40x128xf32, #tpu.memory_space<vmem>>, vector<1x16xf32>,
      %broadcast_in_dim3A_72 = arith.constant 0.000000e+00 : f32
      %broadcast_in_dim3A_73 = vector.broadcast %broadcast_in_dim3A_72 : f32 to vector<16xf32>
      %swap3A_74 = arith.index_cast %add3A_38 : i32 to index
      %swap3A_75 = arith.constant 80 : index
      %swap3A_76 = tpu.vector_load %arg14[%swap3A_74, %swap3A_75] {strides = array<i32>} : memref<40x128xf32, #tpu.memory_space<vmem>>, vector<1x16xf32>,
      %swap3A_77 = vector.shape_cast %swap3A_76 : vector<1x16xf32> to vector<16xf32>
      %swap3A_78 = vector.shape_cast %broadcast_in_dim3A_73 : vector<16xf32> to vector<1x16xf32>
      tpu.vector_store %arg14[%swap3A_74, %swap3A_75], %swap3A_78 {strides = array<i32>} : memref<40x128xf32, #tpu.memory_space<vmem>>, vector<1x16xf32>,
      %broadcast_in_dim3A_79 = arith.constant 0.000000e+00 : f32
      %broadcast_in_dim3A_80 = vector.broadcast %broadcast_in_dim3A_79 : f32 to vector<16xf32>
      %swap3A_81 = arith.index_cast %add3A_38 : i32 to index
      %swap3A_82 = arith.constant 96 : index
      %swap3A_83 = tpu.vector_load %arg14[%swap3A_81, %swap3A_82] {strides = array<i32>} : memref<40x128xf32, #tpu.memory_space<vmem>>, vector<1x16xf32>,
      %swap3A_84 = vector.shape_cast %swap3A_83 : vector<1x16xf32> to vector<16xf32>
      %swap3A_85 = vector.shape_cast %broadcast_in_dim3A_80 : vector<16xf32> to vector<1x16xf32>
      tpu.vector_store %arg14[%swap3A_81, %swap3A_82], %swap3A_85 {strides = array<i32>} : memref<40x128xf32, #tpu.memory_space<vmem>>, vector<1x16xf32>,
      %broadcast_in_dim3A_86 = arith.constant 0.000000e+00 : f32
      %broadcast_in_dim3A_87 = vector.broadcast %broadcast_in_dim3A_86 : f32 to vector<16xf32>
      %swap3A_88 = arith.index_cast %add3A_38 : i32 to index
      %swap3A_89 = arith.constant 112 : index
      %swap3A_90 = tpu.vector_load %arg14[%swap3A_88, %swap3A_89] {strides = array<i32>} : memref<40x128xf32, #tpu.memory_space<vmem>>, vector<1x16xf32>,
      %swap3A_91 = vector.shape_cast %swap3A_90 : vector<1x16xf32> to vector<16xf32>
      %swap3A_92 = vector.shape_cast %broadcast_in_dim3A_87 : vector<16xf32> to vector<1x16xf32>
      tpu.vector_store %arg14[%swap3A_88, %swap3A_89], %swap3A_92 {strides = array<i32>} : memref<40x128xf32, #tpu.memory_space<vmem>>, vector<1x16xf32>,
    }
    %scan3A_6 = arith.constant 40 : i32
    %scan3A_7 = arith.constant 0 : i32
    %scan3A_8 = arith.constant 16 : i32
    %scan3A_9 = arith.addi %scan3A_7, %scan3A_8 : i32
    %scan3A_10 = arith.constant 1 : i32
    scf.for %scan3A_34 = %scan3A_7 to %scan3A_9 step %scan3A_10  : i32 {
      %mul3A_35 = arith.constant 1 : i32
      %mul3A_36 = arith.muli %scan3A_34, %mul3A_35 : i32
      %add3A_37 = arith.constant 0 : i32
      %add3A_38 = arith.addi %add3A_37, %mul3A_36 : i32
      %mul3A_39 = arith.constant 640 : i32
      %mul3A_40 = arith.muli %arg1, %mul3A_39 : i32
      %mul3A_41 = arith.constant 40 : i32
      %mul3A_42 = arith.muli %add3A_38, %mul3A_41 : i32
      %add3A_43 = arith.addi %mul3A_40, %mul3A_42 : i32
      "tpu.region"() ({
        %run_scoped3A = tpu.sem_alloc : memref<!tpu.dma_semaphore, #tpu.memory_space<semaphore_mem>>
        %dma_start3A_44 = arith.constant 0 : i32
        %dma_start3A_45 = tpu.memref_slice %arg15[%add3A_43, %dma_start3A_44] : memref<10240x128xf32, #tpu.memory_space<vmem_shared>> -> memref<40x128xf32, #tpu.memory_space<vmem_shared>>
        %dma_start3A_46 = arith.constant 0 : i32
        %dma_start3A_47 = tpu.memref_slice %arg15[%add3A_43, %dma_start3A_46] : memref<10240x128xf32, #tpu.memory_space<vmem_shared>> -> memref<40x128xf32, #tpu.memory_space<vmem_shared>>
        tpu.enqueue_dma source(%arg14 : memref<40x128xf32, #tpu.memory_space<vmem>>) target(%dma_start3A_47 : memref<40x128xf32, #tpu.memory_space<vmem_shared>>) target_semaphore(%run_scoped3A : memref<!tpu.dma_semaphore, #tpu.memory_space<semaphore_mem>>)
        %dma_wait3A_48 = arith.constant 0 : i32
        %dma_wait3A_49 = tpu.memref_slice %arg15[%add3A_43, %dma_wait3A_48] : memref<10240x128xf32, #tpu.memory_space<vmem_shared>> -> memref<40x128xf32, #tpu.memory_space<vmem_shared>>
        %dma_wait3A_50 = arith.constant 0 : i32
        %dma_wait3A_51 = tpu.memref_slice %arg15[%add3A_43, %dma_wait3A_50] : memref<10240x128xf32, #tpu.memory_space<vmem_shared>> -> memref<40x128xf32, #tpu.memory_space<vmem_shared>>
        tpu.wait_dma2 semaphore(%run_scoped3A : memref<!tpu.dma_semaphore, #tpu.memory_space<semaphore_mem>>) src(%arg14 : memref<40x128xf32, #tpu.memory_space<vmem>>) dst(%dma_wait3A_51 : memref<40x128xf32, #tpu.memory_space<vmem_shared>>)
        tpu.yield
      }) : () -> ()
    }
    %scan3A_11 = arith.constant 16 : i32
    "tpu.region"() ({
      %run_scoped3A = tpu.sem_alloc : memref<!tpu.dma_semaphore, #tpu.memory_space<semaphore_mem>>
      %dma_start3A_34 = tpu.memref_slice %arg3[%mul3A_2] : memref<320000xi32, #tpu.memory_space<hbm>> -> memref<10000xi32, #tpu.memory_space<hbm>>
      %dma_start3A_35 = tpu.memref_slice %arg3[%mul3A_2] : memref<320000xi32, #tpu.memory_space<hbm>> -> memref<10000xi32, #tpu.memory_space<hbm>>
      tpu.enqueue_dma source(%dma_start3A_35 : memref<10000xi32, #tpu.memory_space<hbm>>) target(%arg10 : memref<10000xi32, #tpu.memory_space<vmem>>) target_semaphore(%run_scoped3A : memref<!tpu.dma_semaphore, #tpu.memory_space<semaphore_mem>>)
      %dma_wait3A_36 = tpu.memref_slice %arg3[%mul3A_2] : memref<320000xi32, #tpu.memory_space<hbm>> -> memref<10000xi32, #tpu.memory_space<hbm>>
      %dma_wait3A_37 = tpu.memref_slice %arg3[%mul3A_2] : memref<320000xi32, #tpu.memory_space<hbm>> -> memref<10000xi32, #tpu.memory_space<hbm>>
      tpu.wait_dma2 semaphore(%run_scoped3A : memref<!tpu.dma_semaphore, #tpu.memory_space<semaphore_mem>>) src(%dma_wait3A_37 : memref<10000xi32, #tpu.memory_space<hbm>>) dst(%arg10 : memref<10000xi32, #tpu.memory_space<vmem>>)
      tpu.yield
    }) : () -> ()
    "tpu.region"() ({
      %run_scoped3A = tpu.sem_alloc : memref<!tpu.dma_semaphore, #tpu.memory_space<semaphore_mem>>
      %dma_start3A_34 = tpu.memref_slice %arg4[%mul3A_2] : memref<320000xi32, #tpu.memory_space<hbm>> -> memref<10000xi32, #tpu.memory_space<hbm>>
      %dma_start3A_35 = tpu.memref_slice %arg4[%mul3A_2] : memref<320000xi32, #tpu.memory_space<hbm>> -> memref<10000xi32, #tpu.memory_space<hbm>>
      tpu.enqueue_dma source(%dma_start3A_35 : memref<10000xi32, #tpu.memory_space<hbm>>) target(%arg11 : memref<10000xi32, #tpu.memory_space<vmem>>) target_semaphore(%run_scoped3A : memref<!tpu.dma_semaphore, #tpu.memory_space<semaphore_mem>>)
      %dma_wait3A_36 = tpu.memref_slice %arg4[%mul3A_2] : memref<320000xi32, #tpu.memory_space<hbm>> -> memref<10000xi32, #tpu.memory_space<hbm>>
      %dma_wait3A_37 = tpu.memref_slice %arg4[%mul3A_2] : memref<320000xi32, #tpu.memory_space<hbm>> -> memref<10000xi32, #tpu.memory_space<hbm>>
      tpu.wait_dma2 semaphore(%run_scoped3A : memref<!tpu.dma_semaphore, #tpu.memory_space<semaphore_mem>>) src(%dma_wait3A_37 : memref<10000xi32, #tpu.memory_space<hbm>>) dst(%arg11 : memref<10000xi32, #tpu.memory_space<vmem>>)
      tpu.yield
    }) : () -> ()
    %barrier3A = arith.constant 0 : index
    tpu.barrier barrier_id(%barrier3A)
    %scan3A_12 = arith.constant 0 : i32
    %scan3A_13 = arith.constant 5 : i32
    %scan3A_14 = arith.addi %scan3A_12, %scan3A_13 : i32
    %scan3A_15 = arith.constant 1 : i32
    scf.for %scan3A_34 = %scan3A_12 to %scan3A_14 step %scan3A_15  : i32 {
      %mul3A_35 = arith.constant 1 : i32
      %mul3A_36 = arith.muli %scan3A_34, %mul3A_35 : i32
      %add3A_37 = arith.constant 0 : i32
      %add3A_38 = arith.addi %add3A_37, %mul3A_36 : i32
      %mul3A_39 = arith.constant 16 : i32
      %mul3A_40 = arith.muli %add3A_38, %mul3A_39 : i32
      %mul3A_41 = arith.constant 16 : i32
      %mul3A_42 = arith.muli %add3A_38, %mul3A_41 : i32
      %add3A_43 = arith.constant 0 : i32
      %add3A_44 = arith.addi %add3A_43, %mul3A_42 : i32
      %get3A = arith.index_cast %add3A_44 : i32 to index
      %get3A_45 = tpu.vector_load %arg10[%get3A] {strides = array<i32>} : memref<10000xi32, #tpu.memory_space<vmem>>, vector<16xi32>,
      %get3A_46 = vector.shape_cast %get3A_45 : vector<16xi32> to vector<16xi32>
      %swap3A = arith.index_cast %mul3A_40 : i32 to index
      %swap3A_47 = tpu.vector_load %arg6[%swap3A] {strides = array<i32>} : memref<80xi32, #tpu.memory_space<vmem>>, vector<16xi32>,
      %swap3A_48 = vector.shape_cast %swap3A_47 : vector<16xi32> to vector<16xi32>
      %swap3A_49 = vector.shape_cast %get3A_46 : vector<16xi32> to vector<16xi32>
      tpu.vector_store %arg6[%swap3A], %swap3A_49 {strides = array<i32>} : memref<80xi32, #tpu.memory_space<vmem>>, vector<16xi32>,
      %get3A_50 = arith.index_cast %add3A_44 : i32 to index
      %get3A_51 = tpu.vector_load %arg11[%get3A_50] {strides = array<i32>} : memref<10000xi32, #tpu.memory_space<vmem>>, vector<16xi32>,
      %get3A_52 = vector.shape_cast %get3A_51 : vector<16xi32> to vector<16xi32>
      %swap3A_53 = arith.index_cast %mul3A_40 : i32 to index
      %swap3A_54 = tpu.vector_load %arg8[%swap3A_53] {strides = array<i32>} : memref<80xi32, #tpu.memory_space<vmem>>, vector<16xi32>,
      %swap3A_55 = vector.shape_cast %swap3A_54 : vector<16xi32> to vector<16xi32>
      %swap3A_56 = vector.shape_cast %get3A_52 : vector<16xi32> to vector<16xi32>
      tpu.vector_store %arg8[%swap3A_53], %swap3A_56 {strides = array<i32>} : memref<80xi32, #tpu.memory_space<vmem>>, vector<16xi32>,
    }
    %scan3A_16 = arith.constant 5 : i32
    %dma_start3A = arith.constant 0 : i32
    %dma_start3A_17 = arith.constant 0 : i32
    %dma_start3A_18 = tpu.memref_slice %arg2[%dma_start3A, %dma_start3A_17] : memref<90000x128xf32, #tpu.memory_space<hbm>> -> memref<90000x128xf32, #tpu.memory_space<hbm>>
    tpu.enqueue_indirect_dma source(%dma_start3A_18 : memref<90000x128xf32, #tpu.memory_space<hbm>>) target(%arg12 : memref<80x128xf32, #tpu.memory_space<vmem>>) offsets(%arg6 : memref<80xi32, #tpu.memory_space<vmem>>) semaphore(%arg16 : memref<!tpu.dma_semaphore, #tpu.memory_space<semaphore_mem>>)
    %scan3A_19 = arith.constant 0 : i32
    %scan3A_20 = arith.constant 62 : i32
    %scan3A_21 = arith.addi %scan3A_19, %scan3A_20 : i32
    %scan3A_22 = arith.constant 1 : i32
    scf.for %scan3A_34 = %scan3A_19 to %scan3A_21 step %scan3A_22  : i32 {
      %mul3A_35 = arith.constant 1 : i32
      %mul3A_36 = arith.muli %scan3A_34, %mul3A_35 : i32
      %add3A_37 = arith.constant 0 : i32
      %add3A_38 = arith.addi %add3A_37, %mul3A_36 : i32
      %mul3A_39 = arith.constant 2 : i32
      %mul3A_40 = arith.muli %mul3A_39, %add3A_38 : i32
      %add3A_41 = arith.constant 1 : i32
      %add3A_42 = arith.addi %mul3A_40, %add3A_41 : i32
      %scan3A_43 = arith.constant 0 : i32
      %scan3A_44 = arith.constant 5 : i32
      %scan3A_45 = arith.addi %scan3A_43, %scan3A_44 : i32
      %scan3A_46 = arith.constant 1 : i32
      scf.for %scan3A_69 = %scan3A_43 to %scan3A_45 step %scan3A_46  : i32 {
        %mul3A_70 = arith.constant 1 : i32
        %mul3A_71 = arith.muli %scan3A_69, %mul3A_70 : i32
        %add3A_72 = arith.constant 0 : i32
        %add3A_73 = arith.addi %add3A_72, %mul3A_71 : i32
        %mul3A_74 = arith.constant 16 : i32
        %mul3A_75 = arith.muli %add3A_73, %mul3A_74 : i32
        %mul3A_76 = arith.constant 80 : i32
        %mul3A_77 = arith.muli %add3A_42, %mul3A_76 : i32
        %mul3A_78 = arith.constant 16 : i32
        %mul3A_79 = arith.muli %add3A_73, %mul3A_78 : i32
        %add3A_80 = arith.addi %mul3A_77, %mul3A_79 : i32
        %get3A = arith.index_cast %add3A_80 : i32 to index
        %get3A_81 = tpu.vector_load %arg10[%get3A] {strides = array<i32>} : memref<10000xi32, #tpu.memory_space<vmem>>, vector<16xi32>,
        %get3A_82 = vector.shape_cast %get3A_81 : vector<16xi32> to vector<16xi32>
        %swap3A = arith.index_cast %mul3A_75 : i32 to index
        %swap3A_83 = tpu.vector_load %arg7[%swap3A] {strides = array<i32>} : memref<80xi32, #tpu.memory_space<vmem>>, vector<16xi32>,
        %swap3A_84 = vector.shape_cast %swap3A_83 : vector<16xi32> to vector<16xi32>
        %swap3A_85 = vector.shape_cast %get3A_82 : vector<16xi32> to vector<16xi32>
        tpu.vector_store %arg7[%swap3A], %swap3A_85 {strides = array<i32>} : memref<80xi32, #tpu.memory_space<vmem>>, vector<16xi32>,
        %get3A_86 = arith.index_cast %add3A_80 : i32 to index
        %get3A_87 = tpu.vector_load %arg11[%get3A_86] {strides = array<i32>} : memref<10000xi32, #tpu.memory_space<vmem>>, vector<16xi32>,
        %get3A_88 = vector.shape_cast %get3A_87 : vector<16xi32> to vector<16xi32>
        %swap3A_89 = arith.index_cast %mul3A_75 : i32 to index
        %swap3A_90 = tpu.vector_load %arg9[%swap3A_89] {strides = array<i32>} : memref<80xi32, #tpu.memory_space<vmem>>, vector<16xi32>,
        %swap3A_91 = vector.shape_cast %swap3A_90 : vector<16xi32> to vector<16xi32>
        %swap3A_92 = vector.shape_cast %get3A_88 : vector<16xi32> to vector<16xi32>
        tpu.vector_store %arg9[%swap3A_89], %swap3A_92 {strides = array<i32>} : memref<80xi32, #tpu.memory_space<vmem>>, vector<16xi32>,
      }
      %scan3A_47 = arith.constant 5 : i32
      %dma_start3A_48 = arith.constant 0 : i32
      %dma_start3A_49 = arith.constant 0 : i32
      %dma_start3A_50 = tpu.memref_slice %arg2[%dma_start3A_48, %dma_start3A_49] : memref<90000x128xf32, #tpu.memory_space<hbm>> -> memref<90000x128xf32, #tpu.memory_space<hbm>>
      tpu.enqueue_indirect_dma source(%dma_start3A_50 : memref<90000x128xf32, #tpu.memory_space<hbm>>) target(%arg13 : memref<80x128xf32, #tpu.memory_space<vmem>>) offsets(%arg7 : memref<80xi32, #tpu.memory_space<vmem>>) semaphore(%arg17 : memref<!tpu.dma_semaphore, #tpu.memory_space<semaphore_mem>>)
      %dma_wait3A_51 = arith.constant 0 : i32
      %dma_wait3A_52 = arith.constant 0 : i32
      %dma_wait3A_53 = tpu.memref_slice %arg2[%dma_wait3A_51, %dma_wait3A_52] : memref<90000x128xf32, #tpu.memory_space<hbm>> -> memref<90000x128xf32, #tpu.memory_space<hbm>>
      tpu.wait_indirect_dma semaphore(%arg16 : memref<!tpu.dma_semaphore, #tpu.memory_space<semaphore_mem>>) src(%dma_wait3A_53 : memref<90000x128xf32, #tpu.memory_space<hbm>>) dst(%arg12 : memref<80x128xf32, #tpu.memory_space<vmem>>)
      "tpu.region"() ({
        %run_scoped3A = tpu.sem_alloc : memref<!tpu.dma_semaphore, #tpu.memory_space<semaphore_mem>>
        %dma_start3A_69 = arith.constant 0 : i32
        %dma_start3A_70 = arith.constant 0 : i32
        %dma_start3A_71 = tpu.memref_slice %arg15[%dma_start3A_69, %dma_start3A_70] : memref<10240x128xf32, #tpu.memory_space<vmem_shared>> -> memref<10240x128xf32, #tpu.memory_space<vmem_shared>>
        tpu.enqueue_indirect_dma source(%arg12 : memref<80x128xf32, #tpu.memory_space<vmem>>) target(%dma_start3A_71 : memref<10240x128xf32, #tpu.memory_space<vmem_shared>>) offsets(%arg8 : memref<80xi32, #tpu.memory_space<vmem>>) semaphore(%run_scoped3A : memref<!tpu.dma_semaphore, #tpu.memory_space<semaphore_mem>>) {add = true}
        %dma_wait3A_72 = arith.constant 0 : i32
        %dma_wait3A_73 = arith.constant 0 : i32
        %dma_wait3A_74 = tpu.memref_slice %arg15[%dma_wait3A_72, %dma_wait3A_73] : memref<10240x128xf32, #tpu.memory_space<vmem_shared>> -> memref<10240x128xf32, #tpu.memory_space<vmem_shared>>
        tpu.wait_indirect_dma semaphore(%run_scoped3A : memref<!tpu.dma_semaphore, #tpu.memory_space<semaphore_mem>>) src(%arg12 : memref<80x128xf32, #tpu.memory_space<vmem>>) dst(%dma_wait3A_74 : memref<10240x128xf32, #tpu.memory_space<vmem_shared>>)
        tpu.yield
      }) : () -> ()
      %mul3A_54 = arith.constant 2 : i32
      %mul3A_55 = arith.muli %mul3A_54, %add3A_38 : i32
      %add3A_56 = arith.constant 2 : i32
      %add3A_57 = arith.addi %mul3A_55, %add3A_56 : i32
      %scan3A_58 = arith.constant 0 : i32
      %scan3A_59 = arith.constant 5 : i32
      %scan3A_60 = arith.addi %scan3A_58, %scan3A_59 : i32
      %scan3A_61 = arith.constant 1 : i32
      scf.for %scan3A_69 = %scan3A_58 to %scan3A_60 step %scan3A_61  : i32 {
        %mul3A_70 = arith.constant 1 : i32
        %mul3A_71 = arith.muli %scan3A_69, %mul3A_70 : i32
        %add3A_72 = arith.constant 0 : i32
        %add3A_73 = arith.addi %add3A_72, %mul3A_71 : i32
        %mul3A_74 = arith.constant 16 : i32
        %mul3A_75 = arith.muli %add3A_73, %mul3A_74 : i32
        %mul3A_76 = arith.constant 80 : i32
        %mul3A_77 = arith.muli %add3A_57, %mul3A_76 : i32
        %mul3A_78 = arith.constant 16 : i32
        %mul3A_79 = arith.muli %add3A_73, %mul3A_78 : i32
        %add3A_80 = arith.addi %mul3A_77, %mul3A_79 : i32
        %get3A = arith.index_cast %add3A_80 : i32 to index
        %get3A_81 = tpu.vector_load %arg10[%get3A] {strides = array<i32>} : memref<10000xi32, #tpu.memory_space<vmem>>, vector<16xi32>,
        %get3A_82 = vector.shape_cast %get3A_81 : vector<16xi32> to vector<16xi32>
        %swap3A = arith.index_cast %mul3A_75 : i32 to index
        %swap3A_83 = tpu.vector_load %arg6[%swap3A] {strides = array<i32>} : memref<80xi32, #tpu.memory_space<vmem>>, vector<16xi32>,
        %swap3A_84 = vector.shape_cast %swap3A_83 : vector<16xi32> to vector<16xi32>
        %swap3A_85 = vector.shape_cast %get3A_82 : vector<16xi32> to vector<16xi32>
        tpu.vector_store %arg6[%swap3A], %swap3A_85 {strides = array<i32>} : memref<80xi32, #tpu.memory_space<vmem>>, vector<16xi32>,
        %get3A_86 = arith.index_cast %add3A_80 : i32 to index
        %get3A_87 = tpu.vector_load %arg11[%get3A_86] {strides = array<i32>} : memref<10000xi32, #tpu.memory_space<vmem>>, vector<16xi32>,
        %get3A_88 = vector.shape_cast %get3A_87 : vector<16xi32> to vector<16xi32>
        %swap3A_89 = arith.index_cast %mul3A_75 : i32 to index
        %swap3A_90 = tpu.vector_load %arg8[%swap3A_89] {strides = array<i32>} : memref<80xi32, #tpu.memory_space<vmem>>, vector<16xi32>,
        %swap3A_91 = vector.shape_cast %swap3A_90 : vector<16xi32> to vector<16xi32>
        %swap3A_92 = vector.shape_cast %get3A_88 : vector<16xi32> to vector<16xi32>
        tpu.vector_store %arg8[%swap3A_89], %swap3A_92 {strides = array<i32>} : memref<80xi32, #tpu.memory_space<vmem>>, vector<16xi32>,
      }
      %scan3A_62 = arith.constant 5 : i32
      %dma_start3A_63 = arith.constant 0 : i32
      %dma_start3A_64 = arith.constant 0 : i32
      %dma_start3A_65 = tpu.memref_slice %arg2[%dma_start3A_63, %dma_start3A_64] : memref<90000x128xf32, #tpu.memory_space<hbm>> -> memref<90000x128xf32, #tpu.memory_space<hbm>>
      tpu.enqueue_indirect_dma source(%dma_start3A_65 : memref<90000x128xf32, #tpu.memory_space<hbm>>) target(%arg12 : memref<80x128xf32, #tpu.memory_space<vmem>>) offsets(%arg6 : memref<80xi32, #tpu.memory_space<vmem>>) semaphore(%arg16 : memref<!tpu.dma_semaphore, #tpu.memory_space<semaphore_mem>>)
      %dma_wait3A_66 = arith.constant 0 : i32
      %dma_wait3A_67 = arith.constant 0 : i32
      %dma_wait3A_68 = tpu.memref_slice %arg2[%dma_wait3A_66, %dma_wait3A_67] : memref<90000x128xf32, #tpu.memory_space<hbm>> -> memref<90000x128xf32, #tpu.memory_space<hbm>>
      tpu.wait_indirect_dma semaphore(%arg17 : memref<!tpu.dma_semaphore, #tpu.memory_space<semaphore_mem>>) src(%dma_wait3A_68 : memref<90000x128xf32, #tpu.memory_space<hbm>>) dst(%arg13 : memref<80x128xf32, #tpu.memory_space<vmem>>)
      "tpu.region"() ({
        %run_scoped3A = tpu.sem_alloc : memref<!tpu.dma_semaphore, #tpu.memory_space<semaphore_mem>>
        %dma_start3A_69 = arith.constant 0 : i32
        %dma_start3A_70 = arith.constant 0 : i32
        %dma_start3A_71 = tpu.memref_slice %arg15[%dma_start3A_69, %dma_start3A_70] : memref<10240x128xf32, #tpu.memory_space<vmem_shared>> -> memref<10240x128xf32, #tpu.memory_space<vmem_shared>>
        tpu.enqueue_indirect_dma source(%arg13 : memref<80x128xf32, #tpu.memory_space<vmem>>) target(%dma_start3A_71 : memref<10240x128xf32, #tpu.memory_space<vmem_shared>>) offsets(%arg9 : memref<80xi32, #tpu.memory_space<vmem>>) semaphore(%run_scoped3A : memref<!tpu.dma_semaphore, #tpu.memory_space<semaphore_mem>>) {add = true}
        %dma_wait3A_72 = arith.constant 0 : i32
        %dma_wait3A_73 = arith.constant 0 : i32
        %dma_wait3A_74 = tpu.memref_slice %arg15[%dma_wait3A_72, %dma_wait3A_73] : memref<10240x128xf32, #tpu.memory_space<vmem_shared>> -> memref<10240x128xf32, #tpu.memory_space<vmem_shared>>
        tpu.wait_indirect_dma semaphore(%run_scoped3A : memref<!tpu.dma_semaphore, #tpu.memory_space<semaphore_mem>>) src(%arg13 : memref<80x128xf32, #tpu.memory_space<vmem>>) dst(%dma_wait3A_74 : memref<10240x128xf32, #tpu.memory_space<vmem_shared>>)
        tpu.yield
      }) : () -> ()
    }
    %scan3A_23 = arith.constant 62 : i32
    %dma_wait3A = arith.constant 0 : i32
    %dma_wait3A_24 = arith.constant 0 : i32
    %dma_wait3A_25 = tpu.memref_slice %arg2[%dma_wait3A, %dma_wait3A_24] : memref<90000x128xf32, #tpu.memory_space<hbm>> -> memref<90000x128xf32, #tpu.memory_space<hbm>>
    tpu.wait_indirect_dma semaphore(%arg16 : memref<!tpu.dma_semaphore, #tpu.memory_space<semaphore_mem>>) src(%dma_wait3A_25 : memref<90000x128xf32, #tpu.memory_space<hbm>>) dst(%arg12 : memref<80x128xf32, #tpu.memory_space<vmem>>)
    "tpu.region"() ({
      %run_scoped3A = tpu.sem_alloc : memref<!tpu.dma_semaphore, #tpu.memory_space<semaphore_mem>>
      %dma_start3A_34 = arith.constant 0 : i32
      %dma_start3A_35 = arith.constant 0 : i32
      %dma_start3A_36 = tpu.memref_slice %arg15[%dma_start3A_34, %dma_start3A_35] : memref<10240x128xf32, #tpu.memory_space<vmem_shared>> -> memref<10240x128xf32, #tpu.memory_space<vmem_shared>>
      tpu.enqueue_indirect_dma source(%arg12 : memref<80x128xf32, #tpu.memory_space<vmem>>) target(%dma_start3A_36 : memref<10240x128xf32, #tpu.memory_space<vmem_shared>>) offsets(%arg8 : memref<80xi32, #tpu.memory_space<vmem>>) semaphore(%run_scoped3A : memref<!tpu.dma_semaphore, #tpu.memory_space<semaphore_mem>>) {add = true}
      %dma_wait3A_37 = arith.constant 0 : i32
      %dma_wait3A_38 = arith.constant 0 : i32
      %dma_wait3A_39 = tpu.memref_slice %arg15[%dma_wait3A_37, %dma_wait3A_38] : memref<10240x128xf32, #tpu.memory_space<vmem_shared>> -> memref<10240x128xf32, #tpu.memory_space<vmem_shared>>
      tpu.wait_indirect_dma semaphore(%run_scoped3A : memref<!tpu.dma_semaphore, #tpu.memory_space<semaphore_mem>>) src(%arg12 : memref<80x128xf32, #tpu.memory_space<vmem>>) dst(%dma_wait3A_39 : memref<10240x128xf32, #tpu.memory_space<vmem_shared>>)
      tpu.yield
    }) : () -> ()
    %barrier3A_26 = arith.constant 0 : index
    tpu.barrier barrier_id(%barrier3A_26)
    %lt3A = arith.constant 15 : i32
    %lt3A_27 = arith.cmpi slt, %arg1, %lt3A : i32
    %convert_element_type3A = arith.extui %lt3A_27 : i1 to i32
    %cond3A = arith.constant 0 : i32
    %cond3A_28 = arith.cmpi ne, %convert_element_type3A, %cond3A : i32
    scf.if %cond3A_28 {
      %mul3A_34 = arith.constant 640 : i32
      %mul3A_35 = arith.muli %arg1, %mul3A_34 : i32
      %mul3A_36 = arith.constant 10000 : i32
      %mul3A_37 = arith.muli %arg0, %mul3A_36 : i32
      %mul3A_38 = arith.constant 640 : i32
      %mul3A_39 = arith.muli %arg1, %mul3A_38 : i32
      %add3A_40 = arith.addi %mul3A_37, %mul3A_39 : i32
      "tpu.region"() ({
        %run_scoped3A = tpu.sem_alloc : memref<!tpu.dma_semaphore, #tpu.memory_space<semaphore_mem>>
        %dma_start3A_41 = arith.constant 0 : i32
        %dma_start3A_42 = tpu.memref_slice %arg5[%add3A_40, %dma_start3A_41] : memref<20000x128xf32, #tpu.memory_space<hbm>> -> memref<640x128xf32, #tpu.memory_space<hbm>>
        %dma_start3A_43 = arith.constant 0 : i32
        %dma_start3A_44 = tpu.memref_slice %arg15[%mul3A_35, %dma_start3A_43] : memref<10240x128xf32, #tpu.memory_space<vmem_shared>> -> memref<640x128xf32, #tpu.memory_space<vmem_shared>>
        tpu.enqueue_dma source(%dma_start3A_44 : memref<640x128xf32, #tpu.memory_space<vmem_shared>>) target(%dma_start3A_42 : memref<640x128xf32, #tpu.memory_space<hbm>>) target_semaphore(%run_scoped3A : memref<!tpu.dma_semaphore, #tpu.memory_space<semaphore_mem>>)
        %dma_wait3A_45 = arith.constant 0 : i32
        %dma_wait3A_46 = tpu.memref_slice %arg5[%add3A_40, %dma_wait3A_45] : memref<20000x128xf32, #tpu.memory_space<hbm>> -> memref<640x128xf32, #tpu.memory_space<hbm>>
        %dma_wait3A_47 = arith.constant 0 : i32
        %dma_wait3A_48 = tpu.memref_slice %arg15[%mul3A_35, %dma_wait3A_47] : memref<10240x128xf32, #tpu.memory_space<vmem_shared>> -> memref<640x128xf32, #tpu.memory_space<vmem_shared>>
        tpu.wait_dma2 semaphore(%run_scoped3A : memref<!tpu.dma_semaphore, #tpu.memory_space<semaphore_mem>>) src(%dma_wait3A_48 : memref<640x128xf32, #tpu.memory_space<vmem_shared>>) dst(%dma_wait3A_46 : memref<640x128xf32, #tpu.memory_space<hbm>>)
        tpu.yield
      }) : () -> ()
    } else {
    }
    %eq3A = arith.constant 15 : i32
    %eq3A_29 = arith.cmpi eq, %arg1, %eq3A : i32
    %convert_element_type3A_30 = arith.extui %eq3A_29 : i1 to i32
    %cond3A_31 = arith.constant 0 : i32
    %cond3A_32 = arith.cmpi ne, %convert_element_type3A_30, %cond3A_31 : i32
    scf.if %cond3A_32 {
      %mul3A_34 = arith.constant 10000 : i32
      %mul3A_35 = arith.muli %arg0, %mul3A_34 : i32
      %add3A_36 = arith.constant 9600 : i32
      %add3A_37 = arith.addi %mul3A_35, %add3A_36 : i32
      "tpu.region"() ({
        %run_scoped3A = tpu.sem_alloc : memref<!tpu.dma_semaphore, #tpu.memory_space<semaphore_mem>>
        %dma_start3A_38 = arith.constant 0 : i32
        %dma_start3A_39 = tpu.memref_slice %arg5[%add3A_37, %dma_start3A_38] : memref<20000x128xf32, #tpu.memory_space<hbm>> -> memref<400x128xf32, #tpu.memory_space<hbm>>
        %dma_start3A_40 = arith.constant 9600 : i32
        %dma_start3A_41 = arith.constant 0 : i32
        %dma_start3A_42 = tpu.memref_slice %arg15[%dma_start3A_40, %dma_start3A_41] : memref<10240x128xf32, #tpu.memory_space<vmem_shared>> -> memref<400x128xf32, #tpu.memory_space<vmem_shared>>
        tpu.enqueue_dma source(%dma_start3A_42 : memref<400x128xf32, #tpu.memory_space<vmem_shared>>) target(%dma_start3A_39 : memref<400x128xf32, #tpu.memory_space<hbm>>) target_semaphore(%run_scoped3A : memref<!tpu.dma_semaphore, #tpu.memory_space<semaphore_mem>>)
        %dma_wait3A_43 = arith.constant 0 : i32
        %dma_wait3A_44 = tpu.memref_slice %arg5[%add3A_37, %dma_wait3A_43] : memref<20000x128xf32, #tpu.memory_space<hbm>> -> memref<400x128xf32, #tpu.memory_space<hbm>>
        %dma_wait3A_45 = arith.constant 9600 : i32
        %dma_wait3A_46 = arith.constant 0 : i32
        %dma_wait3A_47 = tpu.memref_slice %arg15[%dma_wait3A_45, %dma_wait3A_46] : memref<10240x128xf32, #tpu.memory_space<vmem_shared>> -> memref<400x128xf32, #tpu.memory_space<vmem_shared>>
        tpu.wait_dma2 semaphore(%run_scoped3A : memref<!tpu.dma_semaphore, #tpu.memory_space<semaphore_mem>>) src(%dma_wait3A_47 : memref<400x128xf32, #tpu.memory_space<vmem_shared>>) dst(%dma_wait3A_44 : memref<400x128xf32, #tpu.memory_space<hbm>>)
        tpu.yield
      }) : () -> ()
    } else {
    }
    %barrier3A_33 = arith.constant 0 : index
    tpu.barrier barrier_id(%barrier3A_33)
    return
  }
}

module attributes {stable_mosaic.version = 14 : i64} {
  func.func @_tc_eidx_body(%arg0: i32, %arg1: memref<2x2500x128xi32, #tpu.memory_space<vmem>>, %arg2: memref<2500x128xi32, #tpu.memory_space<vmem>>, %arg3: memref<2500x128xi32, #tpu.memory_space<vmem>>, %arg4: memref<2500x128xi32, #tpu.memory_space<vmem>>) attributes {dimension_semantics = [#tpu.dimension_semantics<arbitrary>], iteration_bounds = array<i64: 1>, scalar_prefetch = 0 : i64, scratch_operands = 0 : i64, tpu.core_type = #tpu.core_type<tc>, window_params = [{transform_indices = @transform_0, window_bounds = array<i64: 2, 2500, 128>}, {transform_indices = @transform_1, window_bounds = array<i64: 2500, 128>}, {transform_indices = @transform_2, window_bounds = array<i64: 2500, 128>}, {transform_indices = @transform_3, window_bounds = array<i64: 2500, 128>}]} {
    %get3A = arith.constant 0 : index
    %get3A_0 = arith.constant 0 : index
    %get3A_1 = vector.load %arg2[%get3A, %get3A_0] : memref<2500x128xi32, #tpu.memory_space<vmem>>, vector<2500x128xi32>
    %mul3A = arith.constant 10000 : i32
    %mul3A_2 = vector.broadcast %mul3A : i32 to vector<2500x128xi32>
    %mul3A_3 = arith.muli %get3A_1, %mul3A_2 : vector<2500x128xi32>
    %get3A_4 = arith.constant 0 : index
    %get3A_5 = arith.constant 0 : index
    %get3A_6 = arith.constant 0 : index
    %get3A_7 = vector.load %arg1[%get3A_4, %get3A_5, %get3A_6] : memref<2x2500x128xi32, #tpu.memory_space<vmem>>, vector<1x2500x128xi32>
    %get3A_8 = vector.shape_cast %get3A_7 : vector<1x2500x128xi32> to vector<2500x128xi32>
    %add3A = arith.addi %mul3A_3, %get3A_8 : vector<2500x128xi32>
    %add3A_9 = arith.constant 10000 : i32
    %add3A_10 = vector.broadcast %add3A_9 : i32 to vector<2500x128xi32>
    %add3A_11 = arith.addi %add3A, %add3A_10 : vector<2500x128xi32>
    %swap3A = arith.constant 0 : index
    %swap3A_12 = arith.constant 0 : index
    %swap3A_13 = vector.load %arg3[%swap3A, %swap3A_12] : memref<2500x128xi32, #tpu.memory_space<vmem>>, vector<2500x128xi32>
    tpu.vector_store %arg3[%swap3A, %swap3A_12], %add3A_11 {strides = array<i32>} : memref<2500x128xi32, #tpu.memory_space<vmem>>, vector<2500x128xi32>,
    %get3A_14 = arith.constant 1 : index
    %get3A_15 = arith.constant 0 : index
    %get3A_16 = arith.constant 0 : index
    %get3A_17 = vector.load %arg1[%get3A_14, %get3A_15, %get3A_16] : memref<2x2500x128xi32, #tpu.memory_space<vmem>>, vector<1x2500x128xi32>
    %get3A_18 = vector.shape_cast %get3A_17 : vector<1x2500x128xi32> to vector<2500x128xi32>
    %swap3A_19 = arith.constant 0 : index
    %swap3A_20 = arith.constant 0 : index
    %swap3A_21 = vector.load %arg4[%swap3A_19, %swap3A_20] : memref<2500x128xi32, #tpu.memory_space<vmem>>, vector<2500x128xi32>
    tpu.vector_store %arg4[%swap3A_19, %swap3A_20], %get3A_18 {strides = array<i32>} : memref<2500x128xi32, #tpu.memory_space<vmem>>, vector<2500x128xi32>,
    return
  }
  func.func @transform_0(%arg0: i32) -> (i32, i32, i32) {
    %c0_i32 = arith.constant 0 : i32
    %c0_i32_0 = arith.constant 0 : i32
    %c0_i32_1 = arith.constant 0 : i32
    return %c0_i32, %arg0, %c0_i32_0 : i32, i32, i32
  }
  func.func @transform_1(%arg0: i32) -> (i32, i32) {
    %c0_i32 = arith.constant 0 : i32
    %c0_i32_0 = arith.constant 0 : i32
    return %arg0, %c0_i32 : i32, i32
  }
  func.func @transform_2(%arg0: i32) -> (i32, i32) {
    %c0_i32 = arith.constant 0 : i32
    %c0_i32_0 = arith.constant 0 : i32
    return %arg0, %c0_i32 : i32, i32
  }
  func.func @transform_3(%arg0: i32) -> (i32, i32) {
    %c0_i32 = arith.constant 0 : i32
    %c0_i32_0 = arith.constant 0 : i32
    return %arg0, %c0_i32 : i32, i32
  }
}

module attributes {stable_mosaic.version = 14 : i64} {
  func.func @_tc_transform_body(%arg0: i32, %arg1: i32, %arg2: memref<1000x128xf32, #tpu.memory_space<vmem>>, %arg3: memref<1x128x128xf32, #tpu.memory_space<vmem>>, %arg4: memref<1x128xf32, #tpu.memory_space<vmem>>, %arg5: memref<1000x128xf32, #tpu.memory_space<vmem>>) attributes {dimension_semantics = [#tpu.dimension_semantics<arbitrary>, #tpu.dimension_semantics<arbitrary>], iteration_bounds = array<i64: 10, 9>, scalar_prefetch = 0 : i64, scratch_operands = 0 : i64, tpu.core_type = #tpu.core_type<tc>, window_params = [{transform_indices = @transform_0, window_bounds = array<i64: 1000, 128>}, {transform_indices = @transform_1, window_bounds = array<i64: 1, 128, 128>}, {pipeline_mode = #tpu.pipeline_mode<synchronous>, transform_indices = @transform_2, window_bounds = array<i64: 1, 128>}, {transform_indices = @transform_3, window_bounds = array<i64: 1000, 128>}]} {
    %get3A = arith.constant 0 : index
    %get3A_0 = arith.constant 0 : index
    %get3A_1 = vector.load %arg2[%get3A, %get3A_0] : memref<1000x128xf32, #tpu.memory_space<vmem>>, vector<1000x128xf32>
    %get3A_2 = arith.constant 0 : index
    %get3A_3 = arith.constant 0 : index
    %get3A_4 = arith.constant 0 : index
    %get3A_5 = vector.load %arg3[%get3A_2, %get3A_3, %get3A_4] : memref<1x128x128xf32, #tpu.memory_space<vmem>>, vector<1x128x128xf32>
    %get3A_6 = vector.shape_cast %get3A_5 : vector<1x128x128xf32> to vector<128x128xf32>
    %dot_general3A = arith.constant dense<0.000000e+00> : vector<1000x128xf32>
    %dot_general3A_7 = tpu.matmul %get3A_1, %get3A_6, %dot_general3A {dimension_numbers = #tpu.dot_dimension_numbers<[1], [0], [0], [1], [0, 0, 1, 1], [], []>, transpose_lhs_hint = false} : vector<1000x128xf32>, vector<128x128xf32>, vector<1000x128xf32> -> vector<1000x128xf32>
    %eq3A = arith.constant 0 : i32
    %eq3A_8 = arith.cmpi eq, %arg1, %eq3A : i32
    %get3A_9 = arith.constant 0 : index
    %get3A_10 = arith.constant 0 : index
    %get3A_11 = vector.load %arg4[%get3A_9, %get3A_10] : memref<1x128xf32, #tpu.memory_space<vmem>>, vector<1x128xf32>
    %add3A = vector.broadcast %get3A_11 : vector<1x128xf32> to vector<1000x128xf32>
    %add3A_12 = arith.addf %dot_general3A_7, %add3A : vector<1000x128xf32>
    %select_n3A = arith.select %eq3A_8, %add3A_12, %dot_general3A_7 : vector<1000x128xf32>
    %swap3A = arith.constant 0 : index
    %swap3A_13 = arith.constant 0 : index
    %swap3A_14 = vector.load %arg5[%swap3A, %swap3A_13] : memref<1000x128xf32, #tpu.memory_space<vmem>>, vector<1000x128xf32>
    tpu.vector_store %arg5[%swap3A, %swap3A_13], %select_n3A {strides = array<i32>} : memref<1000x128xf32, #tpu.memory_space<vmem>>, vector<1000x128xf32>,
    return
  }
  func.func @transform_0(%arg0: i32, %arg1: i32) -> (i32, i32) {
    %c0_i32 = arith.constant 0 : i32
    %c0_i32_0 = arith.constant 0 : i32
    return %arg0, %c0_i32 : i32, i32
  }
  func.func @transform_1(%arg0: i32, %arg1: i32) -> (i32, i32, i32) {
    %c0_i32 = arith.constant 0 : i32
    %c0_i32_0 = arith.constant 0 : i32
    %c0_i32_1 = arith.constant 0 : i32
    return %arg1, %c0_i32, %c0_i32_0 : i32, i32, i32
  }
  func.func @transform_2(%arg0: i32, %arg1: i32) -> (i32, i32) {
    %c0_i32 = arith.constant 0 : i32
    %c0_i32_0 = arith.constant 0 : i32
    %c0_i32_1 = arith.constant 0 : i32
    return %c0_i32, %c0_i32_0 : i32, i32
  }
  func.func @transform_3(%arg0: i32, %arg1: i32) -> (i32, i32) {
    %mul3A = arith.constant 10 : i32
    %mul3A_0 = arith.muli %arg1, %mul3A : i32
    %add3A = arith.addi %mul3A_0, %arg0 : i32
    %c0_i32 = arith.constant 0 : i32
    %c0_i32_1 = arith.constant 0 : i32
    return %add3A, %c0_i32 : i32, i32
  }
}

module attributes {stable_mosaic.version = 14 : i64} {
  func.func @_tc_h1l2_body(%arg0: i32, %arg1: i32, %arg2: memref<1000x128xf32, #tpu.memory_space<vmem>>, %arg3: memref<1000x128xf32, #tpu.memory_space<vmem>>, %arg4: memref<1000x128xf32, #tpu.memory_space<vmem>>, %arg5: memref<1000x128xf32, #tpu.memory_space<vmem>>, %arg6: memref<1000x128xf32, #tpu.memory_space<vmem>>, %arg7: memref<1000x128xf32, #tpu.memory_space<vmem>>, %arg8: memref<1x256x128xf32, #tpu.memory_space<vmem>>, %arg9: memref<1x128xf32, #tpu.memory_space<vmem>>, %arg10: memref<1000x128xf32, #tpu.memory_space<vmem>>, %arg11: memref<1000x256xf32, #tpu.memory_space<vmem>>) attributes {dimension_semantics = [#tpu.dimension_semantics<arbitrary>, #tpu.dimension_semantics<arbitrary>], iteration_bounds = array<i64: 10, 9>, scalar_prefetch = 0 : i64, scratch_operands = 1 : i64, tpu.core_type = #tpu.core_type<tc>, window_params = [{transform_indices = @transform_0, window_bounds = array<i64: 1000, 128>}, {transform_indices = @transform_1, window_bounds = array<i64: 1000, 128>}, {transform_indices = @transform_2, window_bounds = array<i64: 1000, 128>}, {transform_indices = @transform_3, window_bounds = array<i64: 1000, 128>}, {transform_indices = @transform_4, window_bounds = array<i64: 1000, 128>}, {transform_indices = @transform_5, window_bounds = array<i64: 1000, 128>}, {transform_indices = @transform_6, window_bounds = array<i64: 1, 256, 128>}, {pipeline_mode = #tpu.pipeline_mode<synchronous>, transform_indices = @transform_7, window_bounds = array<i64: 1, 128>}, {transform_indices = @transform_8, window_bounds = array<i64: 1000, 128>}]} {
    %eq3A = arith.constant 0 : i32
    %eq3A_0 = arith.cmpi eq, %arg1, %eq3A : i32
    %convert_element_type3A = arith.extui %eq3A_0 : i1 to i32
    %cond3A = arith.constant 0 : i32
    %cond3A_1 = arith.cmpi ne, %convert_element_type3A, %cond3A : i32
    scf.if %cond3A_1 {
      %get3A_18 = arith.constant 0 : index
      %get3A_19 = arith.constant 0 : index
      %get3A_20 = vector.load %arg2[%get3A_18, %get3A_19] : memref<1000x128xf32, #tpu.memory_space<vmem>>, vector<1000x128xf32>
      %get3A_21 = arith.constant 0 : index
      %get3A_22 = arith.constant 0 : index
      %get3A_23 = vector.load %arg4[%get3A_21, %get3A_22] : memref<1000x128xf32, #tpu.memory_space<vmem>>, vector<1000x128xf32>
      %add3A_24 = arith.addf %get3A_20, %get3A_23 : vector<1000x128xf32>
      %get3A_25 = arith.constant 0 : index
      %get3A_26 = arith.constant 0 : index
      %get3A_27 = vector.load %arg5[%get3A_25, %get3A_26] : memref<1000x128xf32, #tpu.memory_space<vmem>>, vector<1000x128xf32>
      %add3A_28 = arith.addf %add3A_24, %get3A_27 : vector<1000x128xf32>
      %max3A = arith.constant 0.000000e+00 : f32
      %max3A_29 = vector.broadcast %max3A : f32 to vector<1000x128xf32>
      %max3A_30 = arith.maximumf %add3A_28, %max3A_29 : vector<1000x128xf32>
      %swap3A_31 = arith.constant 0 : index
      %swap3A_32 = arith.constant 0 : index
      %swap3A_33 = vector.load %arg11[%swap3A_31, %swap3A_32] : memref<1000x256xf32, #tpu.memory_space<vmem>>, vector<1000x128xf32>
      tpu.vector_store %arg11[%swap3A_31, %swap3A_32], %max3A_30 {strides = array<i32>} : memref<1000x256xf32, #tpu.memory_space<vmem>>, vector<1000x128xf32>,
      %get3A_34 = arith.constant 0 : index
      %get3A_35 = arith.constant 0 : index
      %get3A_36 = vector.load %arg3[%get3A_34, %get3A_35] : memref<1000x128xf32, #tpu.memory_space<vmem>>, vector<1000x128xf32>
      %get3A_37 = arith.constant 0 : index
      %get3A_38 = arith.constant 0 : index
      %get3A_39 = vector.load %arg6[%get3A_37, %get3A_38] : memref<1000x128xf32, #tpu.memory_space<vmem>>, vector<1000x128xf32>
      %add3A_40 = arith.addf %get3A_36, %get3A_39 : vector<1000x128xf32>
      %get3A_41 = arith.constant 0 : index
      %get3A_42 = arith.constant 0 : index
      %get3A_43 = vector.load %arg7[%get3A_41, %get3A_42] : memref<1000x128xf32, #tpu.memory_space<vmem>>, vector<1000x128xf32>
      %add3A_44 = arith.addf %add3A_40, %get3A_43 : vector<1000x128xf32>
      %max3A_45 = arith.constant 0.000000e+00 : f32
      %max3A_46 = vector.broadcast %max3A_45 : f32 to vector<1000x128xf32>
      %max3A_47 = arith.maximumf %add3A_44, %max3A_46 : vector<1000x128xf32>
      %swap3A_48 = arith.constant 0 : index
      %swap3A_49 = arith.constant 128 : index
      %swap3A_50 = vector.load %arg11[%swap3A_48, %swap3A_49] : memref<1000x256xf32, #tpu.memory_space<vmem>>, vector<1000x128xf32>
      tpu.vector_store %arg11[%swap3A_48, %swap3A_49], %max3A_47 {strides = array<i32>} : memref<1000x256xf32, #tpu.memory_space<vmem>>, vector<1000x128xf32>,
    } else {
    }
    %get3A = arith.constant 0 : index
    %get3A_2 = arith.constant 0 : index
    %get3A_3 = vector.load %arg11[%get3A, %get3A_2] : memref<1000x256xf32, #tpu.memory_space<vmem>>, vector<1000x256xf32>
    %get3A_4 = arith.constant 0 : index
    %get3A_5 = arith.constant 0 : index
    %get3A_6 = arith.constant 0 : index
    %get3A_7 = vector.load %arg8[%get3A_4, %get3A_5, %get3A_6] : memref<1x256x128xf32, #tpu.memory_space<vmem>>, vector<1x256x128xf32>
    %get3A_8 = vector.shape_cast %get3A_7 : vector<1x256x128xf32> to vector<256x128xf32>
    %dot_general3A = arith.constant dense<0.000000e+00> : vector<1000x128xf32>
    %dot_general3A_9 = tpu.matmul %get3A_3, %get3A_8, %dot_general3A {dimension_numbers = #tpu.dot_dimension_numbers<[1], [0], [0], [1], [0, 0, 1, 1], [], []>, transpose_lhs_hint = false} : vector<1000x256xf32>, vector<256x128xf32>, vector<1000x128xf32> -> vector<1000x128xf32>
    %eq3A_10 = arith.constant 0 : i32
    %eq3A_11 = arith.cmpi eq, %arg1, %eq3A_10 : i32
    %get3A_12 = arith.constant 0 : index
    %get3A_13 = arith.constant 0 : index
    %get3A_14 = vector.load %arg9[%get3A_12, %get3A_13] : memref<1x128xf32, #tpu.memory_space<vmem>>, vector<1x128xf32>
    %add3A = vector.broadcast %get3A_14 : vector<1x128xf32> to vector<1000x128xf32>
    %add3A_15 = arith.addf %dot_general3A_9, %add3A : vector<1000x128xf32>
    %select_n3A = arith.select %eq3A_11, %add3A_15, %dot_general3A_9 : vector<1000x128xf32>
    %swap3A = arith.constant 0 : index
    %swap3A_16 = arith.constant 0 : index
    %swap3A_17 = vector.load %arg10[%swap3A, %swap3A_16] : memref<1000x128xf32, #tpu.memory_space<vmem>>, vector<1000x128xf32>
    tpu.vector_store %arg10[%swap3A, %swap3A_16], %select_n3A {strides = array<i32>} : memref<1000x128xf32, #tpu.memory_space<vmem>>, vector<1000x128xf32>,
    return
  }
  func.func @transform_0(%arg0: i32, %arg1: i32) -> (i32, i32) {
    %c0_i32 = arith.constant 0 : i32
    %c0_i32_0 = arith.constant 0 : i32
    return %arg0, %c0_i32 : i32, i32
  }
  func.func @transform_1(%arg0: i32, %arg1: i32) -> (i32, i32) {
    %c0_i32 = arith.constant 0 : i32
    %c0_i32_0 = arith.constant 0 : i32
    return %arg0, %c0_i32 : i32, i32
  }
  func.func @transform_2(%arg0: i32, %arg1: i32) -> (i32, i32) {
    %c0_i32 = arith.constant 0 : i32
    %c0_i32_0 = arith.constant 0 : i32
    return %arg0, %c0_i32 : i32, i32
  }
  func.func @transform_3(%arg0: i32, %arg1: i32) -> (i32, i32) {
    %add3A = arith.constant 10 : i32
    %add3A_0 = arith.addi %add3A, %arg0 : i32
    %c0_i32 = arith.constant 0 : i32
    %c0_i32_1 = arith.constant 0 : i32
    return %add3A_0, %c0_i32 : i32, i32
  }
  func.func @transform_4(%arg0: i32, %arg1: i32) -> (i32, i32) {
    %c0_i32 = arith.constant 0 : i32
    %c0_i32_0 = arith.constant 0 : i32
    return %arg0, %c0_i32 : i32, i32
  }
  func.func @transform_5(%arg0: i32, %arg1: i32) -> (i32, i32) {
    %add3A = arith.constant 10 : i32
    %add3A_0 = arith.addi %add3A, %arg0 : i32
    %c0_i32 = arith.constant 0 : i32
    %c0_i32_1 = arith.constant 0 : i32
    return %add3A_0, %c0_i32 : i32, i32
  }
  func.func @transform_6(%arg0: i32, %arg1: i32) -> (i32, i32, i32) {
    %c0_i32 = arith.constant 0 : i32
    %c0_i32_0 = arith.constant 0 : i32
    %c0_i32_1 = arith.constant 0 : i32
    return %arg1, %c0_i32, %c0_i32_0 : i32, i32, i32
  }
  func.func @transform_7(%arg0: i32, %arg1: i32) -> (i32, i32) {
    %c0_i32 = arith.constant 0 : i32
    %c0_i32_0 = arith.constant 0 : i32
    %c0_i32_1 = arith.constant 0 : i32
    return %c0_i32, %c0_i32_0 : i32, i32
  }
  func.func @transform_8(%arg0: i32, %arg1: i32) -> (i32, i32) {
    %mul3A = arith.constant 10 : i32
    %mul3A_0 = arith.muli %arg1, %mul3A : i32
    %add3A = arith.addi %mul3A_0, %arg0 : i32
    %c0_i32 = arith.constant 0 : i32
    %c0_i32_1 = arith.constant 0 : i32
    return %add3A, %c0_i32 : i32, i32
  }
}

module attributes {stable_mosaic.version = 14 : i64} {
  func.func @_tc_dec_prep_body(%arg0: i32, %arg1: i32, %arg2: memref<1000x128xf32, #tpu.memory_space<vmem>>, %arg3: memref<1000x128xf32, #tpu.memory_space<vmem>>, %arg4: memref<1000x128xf32, #tpu.memory_space<vmem>>, %arg5: memref<128x128xf32, #tpu.memory_space<vmem>>, %arg6: memref<1x128xf32, #tpu.memory_space<vmem>>, %arg7: memref<1000x128xf32, #tpu.memory_space<vmem>>) attributes {dimension_semantics = [#tpu.dimension_semantics<arbitrary>, #tpu.dimension_semantics<arbitrary>], iteration_bounds = array<i64: 2, 10>, scalar_prefetch = 0 : i64, scratch_operands = 0 : i64, tpu.core_type = #tpu.core_type<tc>, window_params = [{transform_indices = @transform_0, window_bounds = array<i64: 1000, 128>}, {transform_indices = @transform_1, window_bounds = array<i64: 1000, 128>}, {transform_indices = @transform_2, window_bounds = array<i64: 1000, 128>}, {transform_indices = @transform_3, window_bounds = array<i64: 128, 128>}, {pipeline_mode = #tpu.pipeline_mode<synchronous>, transform_indices = @transform_4, window_bounds = array<i64: 1, 128>}, {transform_indices = @transform_5, window_bounds = array<i64: 1000, 128>}]} {
    %get3A = arith.constant 0 : index
    %get3A_0 = arith.constant 0 : index
    %get3A_1 = vector.load %arg2[%get3A, %get3A_0] : memref<1000x128xf32, #tpu.memory_space<vmem>>, vector<1000x128xf32>
    %get3A_2 = arith.constant 0 : index
    %get3A_3 = arith.constant 0 : index
    %get3A_4 = vector.load %arg3[%get3A_2, %get3A_3] : memref<1000x128xf32, #tpu.memory_space<vmem>>, vector<1000x128xf32>
    %add3A = arith.addf %get3A_1, %get3A_4 : vector<1000x128xf32>
    %get3A_5 = arith.constant 0 : index
    %get3A_6 = arith.constant 0 : index
    %get3A_7 = vector.load %arg4[%get3A_5, %get3A_6] : memref<1000x128xf32, #tpu.memory_space<vmem>>, vector<1000x128xf32>
    %add3A_8 = arith.addf %add3A, %get3A_7 : vector<1000x128xf32>
    %get3A_9 = arith.constant 0 : index
    %get3A_10 = arith.constant 0 : index
    %get3A_11 = vector.load %arg5[%get3A_9, %get3A_10] : memref<128x128xf32, #tpu.memory_space<vmem>>, vector<128x128xf32>
    %dot_general3A = arith.constant dense<0.000000e+00> : vector<1000x128xf32>
    %dot_general3A_12 = tpu.matmul %add3A_8, %get3A_11, %dot_general3A {dimension_numbers = #tpu.dot_dimension_numbers<[1], [0], [0], [1], [0, 0, 1, 1], [], []>, transpose_lhs_hint = false} : vector<1000x128xf32>, vector<128x128xf32>, vector<1000x128xf32> -> vector<1000x128xf32>
    %eq3A = arith.constant 0 : i32
    %eq3A_13 = arith.cmpi eq, %arg0, %eq3A : i32
    %get3A_14 = arith.constant 0 : index
    %get3A_15 = arith.constant 0 : index
    %get3A_16 = vector.load %arg6[%get3A_14, %get3A_15] : memref<1x128xf32, #tpu.memory_space<vmem>>, vector<1x128xf32>
    %add3A_17 = vector.broadcast %get3A_16 : vector<1x128xf32> to vector<1000x128xf32>
    %add3A_18 = arith.addf %dot_general3A_12, %add3A_17 : vector<1000x128xf32>
    %select_n3A = arith.select %eq3A_13, %add3A_18, %dot_general3A_12 : vector<1000x128xf32>
    %swap3A = arith.constant 0 : index
    %swap3A_19 = arith.constant 0 : index
    %swap3A_20 = vector.load %arg7[%swap3A, %swap3A_19] : memref<1000x128xf32, #tpu.memory_space<vmem>>, vector<1000x128xf32>
    tpu.vector_store %arg7[%swap3A, %swap3A_19], %select_n3A {strides = array<i32>} : memref<1000x128xf32, #tpu.memory_space<vmem>>, vector<1000x128xf32>,
    return
  }
  func.func @transform_0(%arg0: i32, %arg1: i32) -> (i32, i32) {
    %c0_i32 = arith.constant 0 : i32
    %c0_i32_0 = arith.constant 0 : i32
    return %arg1, %c0_i32 : i32, i32
  }
  func.func @transform_1(%arg0: i32, %arg1: i32) -> (i32, i32) {
    %c0_i32 = arith.constant 0 : i32
    %c0_i32_0 = arith.constant 0 : i32
    return %arg1, %c0_i32 : i32, i32
  }
  func.func @transform_2(%arg0: i32, %arg1: i32) -> (i32, i32) {
    %add3A = arith.constant 10 : i32
    %add3A_0 = arith.addi %add3A, %arg1 : i32
    %c0_i32 = arith.constant 0 : i32
    %c0_i32_1 = arith.constant 0 : i32
    return %add3A_0, %c0_i32 : i32, i32
  }
  func.func @transform_3(%arg0: i32, %arg1: i32) -> (i32, i32) {
    %c0_i32 = arith.constant 0 : i32
    %c0_i32_0 = arith.constant 0 : i32
    return %arg0, %c0_i32 : i32, i32
  }
  func.func @transform_4(%arg0: i32, %arg1: i32) -> (i32, i32) {
    %c0_i32 = arith.constant 0 : i32
    %c0_i32_0 = arith.constant 0 : i32
    %c0_i32_1 = arith.constant 0 : i32
    return %c0_i32, %c0_i32_0 : i32, i32
  }
  func.func @transform_5(%arg0: i32, %arg1: i32) -> (i32, i32) {
    %mul3A = arith.constant 10 : i32
    %mul3A_0 = arith.muli %arg0, %mul3A : i32
    %add3A = arith.addi %mul3A_0, %arg1 : i32
    %c0_i32 = arith.constant 0 : i32
    %c0_i32_1 = arith.constant 0 : i32
    return %add3A, %c0_i32 : i32, i32
  }
}

module attributes {stable_mosaic.version = 14 : i64} {
  func.func @_tc_out_body(%arg0: i32, %arg1: memref<1600x128xf32, #tpu.memory_space<vmem>>, %arg2: memref<128x16xf32, #tpu.memory_space<vmem>>, %arg3: memref<1x16xf32, #tpu.memory_space<vmem>>, %arg4: memref<1600x16xf32, #tpu.memory_space<vmem>>) attributes {dimension_semantics = [#tpu.dimension_semantics<arbitrary>], iteration_bounds = array<i64: 64>, scalar_prefetch = 0 : i64, scratch_operands = 0 : i64, tpu.core_type = #tpu.core_type<tc>, window_params = [{transform_indices = @transform_0, window_bounds = array<i64: 1600, 128>}, {pipeline_mode = #tpu.pipeline_mode<synchronous>, transform_indices = @transform_1, window_bounds = array<i64: 128, 16>}, {pipeline_mode = #tpu.pipeline_mode<synchronous>, transform_indices = @transform_2, window_bounds = array<i64: 1, 16>}, {transform_indices = @transform_3, window_bounds = array<i64: 1600, 16>}]} {
    %get3A = arith.constant 0 : index
    %get3A_0 = arith.constant 0 : index
    %get3A_1 = vector.load %arg1[%get3A, %get3A_0] : memref<1600x128xf32, #tpu.memory_space<vmem>>, vector<1600x128xf32>
    %get3A_2 = arith.constant 0 : index
    %get3A_3 = arith.constant 0 : index
    %get3A_4 = vector.load %arg2[%get3A_2, %get3A_3] : memref<128x16xf32, #tpu.memory_space<vmem>>, vector<128x16xf32>
    %dot_general3A = arith.constant dense<0.000000e+00> : vector<1600x16xf32>
    %dot_general3A_5 = tpu.matmul %get3A_1, %get3A_4, %dot_general3A {dimension_numbers = #tpu.dot_dimension_numbers<[1], [0], [0], [1], [0, 0, 1, 1], [], []>, transpose_lhs_hint = false} : vector<1600x128xf32>, vector<128x16xf32>, vector<1600x16xf32> -> vector<1600x16xf32>
    %get3A_6 = arith.constant 0 : index
    %get3A_7 = arith.constant 0 : index
    %get3A_8 = vector.load %arg3[%get3A_6, %get3A_7] : memref<1x16xf32, #tpu.memory_space<vmem>>, vector<1x16xf32>
    %add3A = vector.broadcast %get3A_8 : vector<1x16xf32> to vector<1600x16xf32>
    %add3A_9 = arith.addf %dot_general3A_5, %add3A : vector<1600x16xf32>
    %swap3A = arith.constant 0 : index
    %swap3A_10 = arith.constant 0 : index
    %swap3A_11 = vector.load %arg4[%swap3A, %swap3A_10] : memref<1600x16xf32, #tpu.memory_space<vmem>>, vector<1600x16xf32>
    tpu.vector_store %arg4[%swap3A, %swap3A_10], %add3A_9 {strides = array<i32>} : memref<1600x16xf32, #tpu.memory_space<vmem>>, vector<1600x16xf32>,
    return
  }
  func.func @transform_0(%arg0: i32) -> (i32, i32) {
    %c0_i32 = arith.constant 0 : i32
    %c0_i32_0 = arith.constant 0 : i32
    return %arg0, %c0_i32 : i32, i32
  }
  func.func @transform_1(%arg0: i32) -> (i32, i32) {
    %c0_i32 = arith.constant 0 : i32
    %c0_i32_0 = arith.constant 0 : i32
    %c0_i32_1 = arith.constant 0 : i32
    return %c0_i32, %c0_i32_0 : i32, i32
  }
  func.func @transform_2(%arg0: i32) -> (i32, i32) {
    %c0_i32 = arith.constant 0 : i32
    %c0_i32_0 = arith.constant 0 : i32
    %c0_i32_1 = arith.constant 0 : i32
    return %c0_i32, %c0_i32_0 : i32, i32
  }
  func.func @transform_3(%arg0: i32) -> (i32, i32) {
    %c0_i32 = arith.constant 0 : i32
    %c0_i32_0 = arith.constant 0 : i32
    return %arg0, %c0_i32 : i32, i32
  }
}

</mosaic_0001>

<sc_bundles>
// kernel: _run.12.cloned.1.call-start
scs
__scs_entry_jumppad:
0x0: {  	(pc) =	sbr.rel $0x88, $3  }
0x1: {  	(tag) =	ssettag $0x0;
	lr =	simm.s32 $0x1  }
0x2: {  	[smem:$0x3F93] =	sst lr;
	_ =	strace $0xD0000000  }
0x3: {  	_ = 	snop  }
0x4: {  	_ = 	snop  }
0x5: {  	_ = 	snop  }
0x6: {  	_ = 	snop  }
0x7: {  	_ = 	snop  }
__scs_overlays_trampoline_lowered:
0x8: {  	[smem:$0x3FA2] =	sst s0  }
0x9: {  	[smem:$0x3FA3] =	sst s1  }
0xa: {  	[smem:$0x3FA4] =	sst s2  }
0xb: {  	[smem:$0x3FA5] =	sst s3  }
0xc: {  	[smem:$0x3FA6] =	sst s4  }
0xd: {  	[smem:$0x3FA7] =	sst s5  }
0xe: {  	[smem:$0x3FA8] =	sst s6  }
0xf: {  	[smem:$0x3FA9] =	sst s7  }
0x10: {  	[smem:$0x3FAA] =	sst s8  }
0x11: {  	[smem:$0x3FAB] =	sst s9;
	s0 =	simm.s32 @!p0 $0x0  }
0x12: {  	s1 =	sld [smem:$0x3F91];
	s0 =	simm.s32 @p0 $0x1  }
0x13: {  	[smem:$0x3FAC] =	sst s0;
	s0 =	simm.s32 @!p1 $0x0  }
0x14: {  	s2 =	sld [smem:$0x3F90];
	s0 =	simm.s32 @p1 $0x1  }
0x15: {  	[smem:$0x3FAD] =	sst s0;
	s0 =	simm.s32 @!p2 $0x0  }
0x16: {  	s3 =	sld [smem:$0x3FDB];
	s0 =	simm.s32 @p2 $0x1  }
0x17: {  	s4 =	simm.s32 $0x1BF5;
	[smem:$0x3FAF] =	sst s0  }
0x18: {  	s0 =	sld [smem:$0x3F92];
	_ =	swait.ge [sflag:s4], $0x0  }
0x19: {  	s7 =	sld [smem:$0x3F93]  }
0x1a: {  	s8 =	sadd.s32 $0xFFFFE003, lr  }
0x1b: {  	s9 =	sadd.s32 $0xFFFFFEF7, lr;
	s5 =	simm.s32 $0xFFFFFFFF;
	p2 =	slt.u32 s8, $0xFFFFF086  }
0x1c: {  	p1 =	slt.u32 s9, $0xF7A;
	s5 =	simm.s32 @!p2 $0x0  }
0x1d: {  	s5 =	simm.s32 @p1 $0x1;
	p0 =	seq.s32 s7, s2  }
0x1e: {  	s7 =	smul.u32 @!p0 $0xF7A, s2;
	p2 =	seq.s32 @!p0 s5, $0x0  }
0x1f: {  	s9 =	smul.u32 $0xF7A, s1;
	s8 =	simm.s32 @!p0 $0x1BF5;
	p2 =	por !p2, p0  }
0x20: {  	[sflag:s8] =	ssyncset.s32 @!p0 $0xFFFFF086;
	s6 =	sadd.s32 @!p0 s3, s7;
	s7 =	simm.s32 @!p0 $0x108  }
0x21: {  	s3 =	sadd.s32 s3, s9;
	s6 =	sadd.s32 @!p0 $0x88, s6;
	s7 =	simm.s32 @p2 $0x1082  }
0x22: {  	[simem:s7], [sflag:s8] =	dma.local @!p0 [hbm:s6], $0xF7A  }
0x23: {  	s9 =	sor.u32 $0xD0000000, s2;
	s6 =	simm.s32 $0x108;
	_ =	swait.ge @!p0 [sflag:s8], $0x0  }
0x24: {  	s3 =	sadd.s32 $0x88, s3;
	s6 =	simm.s32 @!p1 $0x1082;
	[sflag:s4] =	ssyncset.s32 $0xFFFFF086  }
0x25: {  	[simem:s6], [sflag:s4] =	dma.local [hbm:s3], $0xF7A  }
0x26: {  	[smem:$0x3F93] =	sst s1;
	(tag) =	ssettag s2;
	_ =	strace s9  }
0x27: {  	s1 =	sld [smem:$0x3FA3]  }
0x28: {  	s2 =	sld [smem:$0x3FA4]  }
0x29: {  	s4 =	sld [smem:$0x3FA6]  }
0x2a: {  	p0 =	seq.s32 s5, $0x0;
	s5 =	sld [smem:$0x3FA7]  }
0x2b: {  	s6 =	sld [smem:$0x3FA8]  }
0x2c: {  	s7 =	sld [smem:$0x3FA9]  }
0x2d: {  	s3 =	simm.s32 $0x108;
	s8 =	sld [smem:$0x3FAA]  }
0x2e: {  	s3 =	simm.s32 @!p0 $0x1082;
	s9 =	sld [smem:$0x3FAB]  }
0x2f: {  	lr =	sadd.s32 s0, s3;
	s0 =	sld [smem:$0x3FA2]  }
0x30: {  	s3 =	sld [smem:$0x3FA5]  }
0x31: {  	[smem:$0x3FAE] =	sst s10  }
0x32: {  	s10 =	sld [smem:$0x3FAC];
	_ =	sdelay $0x3  }
0x33: {  	p0 =	seq.s32 s10, $0x1;
	s10 =	sld [smem:$0x3FAE];
	_ =	sdelay $0x3  }
0x34: {  	[smem:$0x3FAE] =	sst s10  }
0x35: {  	s10 =	sld [smem:$0x3FAD];
	_ =	sdelay $0x3  }
0x36: {  	p1 =	seq.s32 s10, $0x1;
	s10 =	sld [smem:$0x3FAE];
	_ =	sdelay $0x3  }
0x37: {  	[smem:$0x3FAE] =	sst s10  }
0x38: {  	s10 =	sld [smem:$0x3FAF]  }
0x39: {  	_ = 	snop;
	(pc) =	sbr.ind lr, $3  }
0x3a: {  	_ = 	snop  }
0x3b: {  	_ = 	snop  }
0x3c: {  	p2 =	seq.s32 s10, $0x1;
	s10 =	sld [smem:$0x3FAE]  }
0x3d: {  	_ =	shalt  }
0x3e: {  	_ =	shalt  }
0x3f: {  	_ =	shalt  }
0x40: {  	_ =	shalt  }
0x41: {  	_ =	shalt  }
0x42: {  	_ =	shalt  }
0x43: {  	_ =	shalt  }
0x44: {  	_ =	shalt  }
0x45: {  	_ =	shalt  }
0x46: {  	_ =	shalt  }
0x47: {  	_ =	shalt  }
0x48: {  	_ =	shalt  }
0x49: {  	_ =	shalt  }
0x4a: {  	_ =	shalt  }
0x4b: {  	_ =	shalt  }
0x4c: {  	_ =	shalt  }
0x4d: {  	_ =	shalt  }
0x4e: {  	_ =	shalt  }
0x4f: {  	_ =	shalt  }
0x50: {  	_ =	shalt  }
0x51: {  	_ =	shalt  }
0x52: {  	_ =	shalt  }
0x53: {  	_ =	shalt  }
0x54: {  	_ =	shalt  }
0x55: {  	_ =	shalt  }
0x56: {  	_ =	shalt  }
0x57: {  	_ =	shalt  }
0x58: {  	_ =	shalt  }
0x59: {  	_ =	shalt  }
0x5a: {  	_ =	shalt  }
0x5b: {  	_ =	shalt  }
0x5c: {  	_ =	shalt  }
0x5d: {  	_ =	shalt  }
0x5e: {  	_ =	shalt  }
0x5f: {  	_ =	shalt  }
0x60: {  	_ =	shalt  }
0x61: {  	_ =	shalt  }
0x62: {  	_ =	shalt  }
0x63: {  	_ =	shalt  }
0x64: {  	_ =	shalt  }
0x65: {  	_ =	shalt  }
0x66: {  	_ =	shalt  }
0x67: {  	_ =	shalt  }
0x68: {  	_ =	shalt  }
0x69: {  	_ =	shalt  }
0x6a: {  	_ =	shalt  }
0x6b: {  	_ =	shalt  }
0x6c: {  	_ =	shalt  }
0x6d: {  	_ =	shalt  }
0x6e: {  	_ =	shalt  }
0x6f: {  	_ =	shalt  }
0x70: {  	_ =	shalt  }
0x71: {  	_ =	shalt  }
0x72: {  	_ =	shalt  }
0x73: {  	_ =	shalt  }
0x74: {  	_ =	shalt  }
0x75: {  	_ =	shalt  }
0x76: {  	_ =	shalt  }
0x77: {  	_ =	shalt  }
0x78: {  	_ =	shalt  }
0x79: {  	_ =	shalt  }
0x7a: {  	_ =	shalt  }
0x7b: {  	_ =	shalt  }
0x7c: {  	_ =	shalt  }
0x7d: {  	_ =	shalt  }
0x7e: {  	_ =	shalt  }
0x7f: {  	_ =	shalt  }
0x80: {  	_ =	shalt  }
0x81: {  	_ =	shalt  }
0x82: {  	_ =	shalt  }
0x83: {  	_ =	shalt  }
0x84: {  	_ =	shalt  }
0x85: {  	_ =	shalt  }
0x86: {  	_ =	shalt  }
0x87: {  	_ =	shalt  }
.Lfunc_end0:
.L_simem_size_0:
called_computation_lowered:
.L_overlay_start_0:
0x88: {  	s2 =	sld [smem:$0x3FD9]  }
0x89: {  	s3 =	sld [smem:$0x3FFE];
	_ =	sdelay $0x1  }
0x8a: {  	s1 =	srdreg.scid  }
0x8b: {  	s0 =	sand.u32 $0x1, s1  }
0x8c: {  	s17 =	sshll.u32 s0, $0xA;
	s2 =	sadd.s32 s3, s2  }
0x8d: {  	s2 =	sadd.s32 s2, s17  }
0x8e: {  	[smem:$0x3FBA] =	sst s2  }
0x8f: {  	_ = 	snop  }
0x90: {  	s2 =	sld [smem:$0x3FD0];
	(tm) =	ssettm $0x1  }
0x91: {  	s18 =	sld [smem:$0x3FFB];
	_ =	sdelay $0x3  }
0x92: {  	_ =	strace s18  }
0x93: {  	s3 =	sld [smem:$0x3FFC];
	_ =	sdelay $0x3  }
0x94: {  	_ =	strace s3  }
0x95: {  	s3 =	sld [smem:$0x3FFD];
	_ =	sdelay $0x3  }
0x96: {  	_ =	strace s3  }
0x97: {  	_ =	strace $0x8FFFFFFF  }
0x98: {  	s19 =	sld [smem:$0x3FDB];
	_ =	sdelay $0x1  }
0x99: {  	s4 =	simm.s32 $_scs_section_size  }
0x9a: {  	s5 =	simm.s32 $_size__tile_overlayer_lowered;
	s6 =	simm.s32 $_tile_overlayer_lowered  }
0x9b: {  	s22 =	simm.s32 $0x1BFF;
	s21 =	sshll.u32 s6, $0x1;
	s3 =	sadd.s32 s4, s19  }
0x9c: {  	s7 =	simm.s32 $0x0;
	s20 =	sshll.u32 s5, $0x1;
	s5 =	sadd.s32 s21, s3  }
0x9d: {  	[timem:s7], [sflag:s22] =	dma.local [hbm:s5], s20  }
0x9e: {  	_ =	swait.ge [sflag:s22], s20  }
0x9f: {  	s4 =	ssub.s32 $0x0, s20;
	[sflag:s22] =	ssyncset.done $0x0  }
0xa0: {  	[sflag:s22] =	ssyncadd.s32 s4;
	_ =	sdelay $0x1  }
0xa1: {  	s23 =	simm.s32 $0x1B8B  }
0xa2: {  	_ =	swait.ge [sflag:s23], $0x1  }
0xa3: {  	[sflag:s23] =	ssyncset.done $0x0  }
0xa4: {  	s25 =	simm.s32 $0x1B8E;
	s24 =	sld [smem:$0x3FFE];
	[sflag:s23] =	ssyncadd.s32 $0xFFFFFFFF  }
0xa5: {  	s26 =	simm.s32 $execute0_lowered;
	[smem:$0x3FD2] =	sst s25  }
0xa6: {  	s5 =	sshll.u32 s26, $0x1;
	_ =	strace $0x80000046;
	[dreg:$0x1] =	wrdreg $0xFFFFFFFF  }
0xa7: {  	s28 =	simm.s32 $_size_execute0_lowered;
	s3 =	sadd.s32 s3, s5;
	[dreg:$0x0] =	wrdreg $0x0  }
0xa8: {  	s5 =	sshll.u32 s28, $0x1;
	[dreg:$0x2] =	wrdreg s3  }
0xa9: {  	[dreg:$0x3] =	wrdreg s5  }
0xaa: {  	[dreg:$0x4] =	wrdreg $0xC0  }
0xab: {  	_ =	task [dreg:s7], $0x5FFFF  }
0xac: {  	[dreg:$0x1] =	wrdreg $0xFFFFFFFF  }
0xad: {  	[dreg:$0x0] =	wrdreg $0x60  }
0xae: {  	[dreg:$0x2] =	wrdreg s24  }
0xaf: {  	[dreg:$0x3] =	wrdreg s2  }
0xb0: {  	[dreg:$0x4] =	wrdreg $0xB5000  }
0xb1: {  	[dreg:$0x5] =	wrdreg $0x9  }
0xb2: {  	_ =	task.clear_ibuf [dreg:s7], $0x6FFFF;
	_ =	strace $0x90000046  }
0xb3: {  	s29 =	simm.s32 $0x9;
	_ =	strace $0x80000048  }
0xb4: {  	_ =	swait.ge [sflag:s29], $0x1  }
0xb5: {  	[sflag:s29] =	ssyncadd.s32 $0xFFFFFFFF  }
0xb6: {  	_ =	strace $0x90000048  }
0xb7: {  	_ =	sfence  }
0xb8: {  	s30 =	sld [smem:$0x0];
	_ =	sdelay $0x2  }
0xb9: {  	s31 =	sshll.u32 s1, $0xD;
	s1 =	sshrl.u32 s1, $0x2  }
0xba: {  	s3 =	sand.u32 $0x4000, s31;
	s1 =	sadd.s32 s1, s30  }
0xbb: {  	s0 =	sor.u32 s3, s0;
	s1 =	sshll.u32 s1, $0x11  }
0xbc: {  	s0 =	sor.u32 s1, s0  }
0xbd: {  	s0 =	sadd.s32 $0x8F2B, s0  }
0xbe: {  	[sflag:s0] =	ssyncadd.remote.s32 $0x1  }
0xbf: {  	_ =	sfence.sel $0xFFFF  }
0xc0: {  	[dreg:$0x0] =	wrdreg $0xFFFFFFFF;
	(pc) =	sbr.abs _section_cstart, $3  }
0xc1: {  	[dreg:$0x1] =	wrdreg $0xFFFFFFFF  }
0xc2: {  	_ =	task.clear_ibuf [dreg:s7], $0x2FFFF;
	_ =	strace $0x9FFFFFFF  }
0xc3: {  	(tm) =	ssettm $0x7FFFFFFF  }
tec
execute0_lowered:
.L_overlay_start_1:
0x0: {  	(tag) =	ssettag $0x1  }
0x1: {  	s0 =	srdreg.scid;
	s1 =	rddreg [dreg:$0x0]  }
0x2: {  	s5 =	rddreg [dreg:$0x1];
	s13 =	stileid.u32  }
0x3: {  	s2 =	rddreg [dreg:$0x2];
	s28 =	simm.s32 $0xA100;
	s29 =	simm.s32 $0x3  }
0x4: {  	s30 =	simm.s32 $0x5100;
	s31 =	simm.s32 $0x80;
	s7 =	smul.u32 $0x50000, s13  }
0x5: {  	s0 =	sand.u32 $0x1, s0;
	s11 =	smul.u32 $0x2800, s13;
	p0 =	seq.s32 s13, $0xF  }
0x6: {  	s3 =	sshll.u32 s0, $0x4;
	s8 =	smul.u32 $0x27100, s0;
	s10 =	ssub.s32 $0x2, s0  }
0x7: {  	s0 =	smul.u32 $0x138800, s0;
	s4 =	sor.u32 s13, s3;
	s3 =	simm.s32 $0x0  }
0x8: {  	s12 =	sshrl.u32 s10, $0x1;
	s19 =	sshrl.u32 s7, $0x2;
	s6 =	smul.u32 $0x4E2, s4  }
0x9: {  	[smem:$0x7FF] =	sst s3;
	s4 =	sadd.s32 $0xEA00, s1;
	s10 =	ssub.s32 s10, s12  }
0xa: {  	s20 =	sadd.s32 s11, s8;
	s0 =	sshrl.u32 s0, $0x3;
	s7 =	sadd.s32 s19, s2  }
0xb: {  	s8 =	simm.s32 $0x2;
	_ =	strace $0x80000047;
	s22 =	smax.u32 s10, $0x1  }
0xc: {  	s23 =	sadd.s32 $0x1400, s7;
	s24 =	sadd.s32 $0x2800, s7;
	s25 =	sadd.s32 $0x3C00, s7  }
0xd: {  	s26 =	sadd.s32 $0x5000, s7;
	s15 =	sadd.s32 $0x6400, s7;
	[dreg:$0x8] =	wrdreg s22  }
0xe: {  	s16 =	sadd.s32 $0x7800, s7;
	s17 =	sadd.s32 $0x8C00, s7;
	[dreg:$0x9] =	wrdreg s23  }
0xf: {  	s19 =	sadd.s32 $0xB400, s7;
	s10 =	simm.s32 $0x0;
	[dreg:$0xa] =	wrdreg s24  }
0x10: {  	s9 =	sadd.s32 s6, s1;
	s1 =	sadd.s32 $0x16E400, s1;
	[dreg:$0xb] =	wrdreg s25  }
0x11: {  	s5 =	sadd.s32 s5, s6;
	[dreg:$0xc] =	wrdreg s26;
	s22 =	sadd.s32 $0xF000, s7  }
0x12: {  	s23 =	sadd.s32 $0x10400, s7;
	s24 =	sadd.s32 $0x11800, s7;
	s26 =	sadd.s32 $0x12C00, s7  }
0x13: {  	s6 =	simm.s32 $0x100;
	[dreg:$0x4] =	wrdreg s5;
	s18 =	sadd.s32 $0x4C00, s9  }
0x14: {  	s21 =	sadd.s32 s1, s20;
	s0 =	sadd.s32 s1, s0;
	s1 =	sadd.s32 $0x12C000, s2  }
0x15: {  	s20 =	sadd.s32 $0xC800, s7;
	s5 =	simm.s32 $0x1;
	[dreg:$0x5] =	wrdreg s18  }
0x16: {  	s9 =	simm.s32 $0x180;
	[dreg:$0x6] =	wrdreg s21;
	s0 =	sadd.s32 $0x25800, s0  }
0x17: {  	s18 =	sadd.s32 $0xA000, s7;
	s21 =	sadd.s32 $0xDC00, s7;
	s25 =	sshrl.u32 @p0 s1, $0x3  }
0x18: {  	v0 =	vimm.f32 $0.0e+00;
	s1 =	simm.s32 $0x50;
	[dreg:$0x7] =	wrdreg s0;
	s0 =	simm.s32 $0x7900  }
.LBB2_1:
0x19: {  	s11 =	simm.s32 $0x0;
	s12 =	simm.s32 $0x200  }
.LBB2_2:
0x1a: {  	p1 =	sne.s32 s12, $0x4E00;
	[tilespmem:s11+$0xA170] =	vst v0  }
0x1b: {  	[tilespmem:s11+$0xA100] =	vst v0  }
0x1c: {  	[tilespmem:s11+$0xA110] =	vst v0  }
.Ltmp0:
0x1d: {  	[tilespmem:s11+$0xA120] =	vst v0;
	(pc) =	sbr.rel @p1 .LBB2_2-.Ltmp0, $4  }
0x1e: {  	[tilespmem:s11+$0xA130] =	vst v0  }
0x1f: {  	[tilespmem:s11+$0xA140] =	vst v0  }
0x20: {  	[tilespmem:s11+$0xA150] =	vst v0  }
0x21: {  	[tilespmem:s11+$0xA160] =	vst v0;
	s11 =	sshra.s32 s12, $0x2;
	s12 =	sadd.s32 $0x200, s12  }
0x22: {  	[tilespmem:s11+$0xA170] =	vst v0  }
0x23: {  	[tilespmem:s11+$0xA100] =	vst v0  }
0x24: {  	[tilespmem:s11+$0xA110] =	vst v0  }
0x25: {  	[tilespmem:s11+$0xA120] =	vst v0  }
0x26: {  	[tilespmem:s11+$0xA130] =	vst v0  }
0x27: {  	[tilespmem:s11+$0xA140] =	vst v0  }
0x28: {  	[tilespmem:s11+$0xA150] =	vst v0  }
0x29: {  	[tilespmem:s11+$0xA160] =	vst v0  }
0x2a: {  	[spmem:s7] =	stream.linear.scatter [tilespmem:s28], [sflag:$0x3], $0x1400, $0x38;
	[tilespmem:$0x1F500] =	vst v63  }
0x2b: {  	_ =	swait.ge [sflag:s29], $0x1400  }
0x2c: {  	[sflag:s29] =	ssyncset.done $0x0  }
0x2d: {  	s13 =	rddreg [dreg:$0x9];
	[sflag:s29] =	ssyncadd.s32 $0xFFFFEC00  }
0x2e: {  	[spmem:s13] =	stream.linear.scatter [tilespmem:s28], [sflag:$0x3], $0x1400, $0x38;
	[tilespmem:$0x1F500] =	vst v63  }
0x2f: {  	_ =	swait.ge [sflag:s29], $0x1400  }
0x30: {  	[sflag:s29] =	ssyncset.done $0x0  }
0x31: {  	s14 =	rddreg [dreg:$0xa];
	[sflag:s29] =	ssyncadd.s32 $0xFFFFEC00  }
0x32: {  	[spmem:s14] =	stream.linear.scatter [tilespmem:s28], [sflag:$0x3], $0x1400, $0x38;
	[tilespmem:$0x1F500] =	vst v63  }
0x33: {  	_ =	swait.ge [sflag:s29], $0x1400  }
0x34: {  	[sflag:s29] =	ssyncset.done $0x0  }
0x35: {  	s12 =	rddreg [dreg:$0xb];
	[sflag:s29] =	ssyncadd.s32 $0xFFFFEC00  }
0x36: {  	[spmem:s12] =	stream.linear.scatter [tilespmem:s28], [sflag:$0x3], $0x1400, $0x38;
	[tilespmem:$0x1F500] =	vst v63  }
0x37: {  	_ =	swait.ge [sflag:s29], $0x1400  }
0x38: {  	[sflag:s29] =	ssyncset.done $0x0  }
0x39: {  	s13 =	rddreg [dreg:$0xc];
	[sflag:s29] =	ssyncadd.s32 $0xFFFFEC00  }
0x3a: {  	[spmem:s13] =	stream.linear.scatter [tilespmem:s28], [sflag:$0x3], $0x1400, $0x38;
	[tilespmem:$0x1F500] =	vst v63  }
0x3b: {  	_ =	swait.ge [sflag:s29], $0x1400  }
0x3c: {  	[sflag:s29] =	ssyncset.done $0x0  }
0x3d: {  	[sflag:s29] =	ssyncadd.s32 $0xFFFFEC00  }
0x3e: {  	[spmem:s15] =	stream.linear.scatter [tilespmem:s28], [sflag:$0x3], $0x1400, $0x38;
	[tilespmem:$0x1F500] =	vst v63  }
0x3f: {  	_ =	swait.ge [sflag:s29], $0x1400  }
0x40: {  	[sflag:s29] =	ssyncset.done $0x0  }
0x41: {  	[sflag:s29] =	ssyncadd.s32 $0xFFFFEC00  }
0x42: {  	[spmem:s16] =	stream.linear.scatter [tilespmem:s28], [sflag:$0x3], $0x1400, $0x38;
	[tilespmem:$0x1F500] =	vst v63  }
0x43: {  	_ =	swait.ge [sflag:s29], $0x1400  }
0x44: {  	[sflag:s29] =	ssyncset.done $0x0  }
0x45: {  	[sflag:s29] =	ssyncadd.s32 $0xFFFFEC00  }
0x46: {  	[spmem:s17] =	stream.linear.scatter [tilespmem:s28], [sflag:$0x3], $0x1400, $0x38;
	[tilespmem:$0x1F500] =	vst v63  }
0x47: {  	_ =	swait.ge [sflag:s29], $0x1400  }
0x48: {  	[sflag:s29] =	ssyncset.done $0x0  }
0x49: {  	[sflag:s29] =	ssyncadd.s32 $0xFFFFEC00  }
0x4a: {  	[spmem:s18] =	stream.linear.scatter [tilespmem:s28], [sflag:$0x3], $0x1400, $0x38;
	[tilespmem:$0x1F500] =	vst v63  }
0x4b: {  	_ =	swait.ge [sflag:s29], $0x1400  }
0x4c: {  	[sflag:s29] =	ssyncset.done $0x0  }
0x4d: {  	[sflag:s29] =	ssyncadd.s32 $0xFFFFEC00  }
0x4e: {  	[spmem:s19] =	stream.linear.scatter [tilespmem:s28], [sflag:$0x3], $0x1400, $0x38;
	[tilespmem:$0x1F500] =	vst v63  }
0x4f: {  	_ =	swait.ge [sflag:s29], $0x1400  }
0x50: {  	[sflag:s29] =	ssyncset.done $0x0  }
0x51: {  	[sflag:s29] =	ssyncadd.s32 $0xFFFFEC00  }
0x52: {  	[spmem:s20] =	stream.linear.scatter [tilespmem:s28], [sflag:$0x3], $0x1400, $0x38;
	[tilespmem:$0x1F500] =	vst v63  }
0x53: {  	_ =	swait.ge [sflag:s29], $0x1400  }
0x54: {  	[sflag:s29] =	ssyncset.done $0x0  }
0x55: {  	[sflag:s29] =	ssyncadd.s32 $0xFFFFEC00  }
0x56: {  	[spmem:s21] =	stream.linear.scatter [tilespmem:s28], [sflag:$0x3], $0x1400, $0x38;
	[tilespmem:$0x1F500] =	vst v63  }
0x57: {  	_ =	swait.ge [sflag:s29], $0x1400  }
0x58: {  	[sflag:s29] =	ssyncset.done $0x0  }
0x59: {  	[sflag:s29] =	ssyncadd.s32 $0xFFFFEC00  }
0x5a: {  	[spmem:s22] =	stream.linear.scatter [tilespmem:s28], [sflag:$0x3], $0x1400, $0x38;
	[tilespmem:$0x1F500] =	vst v63  }
0x5b: {  	_ =	swait.ge [sflag:s29], $0x1400  }
0x5c: {  	[sflag:s29] =	ssyncset.done $0x0  }
0x5d: {  	[sflag:s29] =	ssyncadd.s32 $0xFFFFEC00  }
0x5e: {  	[spmem:s23] =	stream.linear.scatter [tilespmem:s28], [sflag:$0x3], $0x1400, $0x38;
	[tilespmem:$0x1F500] =	vst v63  }
0x5f: {  	_ =	swait.ge [sflag:s29], $0x1400  }
0x60: {  	[sflag:s29] =	ssyncset.done $0x0  }
0x61: {  	[sflag:s29] =	ssyncadd.s32 $0xFFFFEC00  }
0x62: {  	[spmem:s24] =	stream.linear.scatter [tilespmem:s28], [sflag:$0x3], $0x1400, $0x38;
	[tilespmem:$0x1F500] =	vst v63  }
0x63: {  	_ =	swait.ge [sflag:s29], $0x1400  }
0x64: {  	[sflag:s29] =	ssyncset.done $0x0  }
0x65: {  	[sflag:s29] =	ssyncadd.s32 $0xFFFFEC00  }
0x66: {  	[spmem:s26] =	stream.linear.scatter [tilespmem:s28], [sflag:$0x3], $0x1400, $0x38;
	[tilespmem:$0x1F500] =	vst v63  }
0x67: {  	_ =	swait.ge [sflag:s29], $0x1400  }
0x68: {  	[sflag:s29] =	ssyncset.done $0x0  }
0x69: {  	s12 =	simm.s32 $0x200;
	s14 =	rddreg [dreg:$0x4];
	[sflag:s29] =	ssyncadd.s32 $0xFFFFEC00  }
0x6a: {  	[tilespmem:s12], [sflag:$0x3] =	stream.linear.gather [hbm4b:s14+s3], $0x2710, $0x38;
	[tilespmem:$0x1F500] =	vst v63  }
0x6b: {  	_ =	swait.ge [sflag:s29], $0x2710  }
0x6c: {  	[sflag:s29] =	ssyncset.done $0x0  }
0x6d: {  	s13 =	simm.s32 $0x2980;
	s12 =	rddreg [dreg:$0x5];
	[sflag:s29] =	ssyncadd.s32 $0xFFFFD8F0  }
0x6e: {  	[tilespmem:s13], [sflag:$0x3] =	stream.linear.gather [hbm4b:s12+s3], $0x2710, $0x38;
	[tilespmem:$0x1F500] =	vst v63  }
0x6f: {  	_ =	swait.ge [sflag:s29], $0x2710  }
0x70: {  	[sflag:s29] =	ssyncset.done $0x0  }
0x71: {  	[sflag:s29] =	ssyncadd.s32 $0xFFFFD8F0  }
0x72: {  	[bflag:$0x0] =	sbarrier.arrive $0xFFFF  }
0x73: {  	v1 =	vld [tilespmem:$0x200]  }
0x74: {  	v2 =	vld [tilespmem:$0x2980]  }
0x75: {  	v3 =	vld [tilespmem:$0x210]  }
0x76: {  	v4 =	vld [tilespmem:$0x2990]  }
0x77: {  	v5 =	vld [tilespmem:$0x220]  }
0x78: {  	v62 =	vld [tilespmem:$0x240];
	[tilespmem:$0x0] =	vst v1  }
0x79: {  	v63 =	vld [tilespmem:$0x29C0];
	[tilespmem:$0x100] =	vst v2  }
0x7a: {  	v1 =	vld [tilespmem:$0x29A0];
	[tilespmem:$0x10] =	vst v3  }
0x7b: {  	v2 =	vld [tilespmem:$0x230];
	[tilespmem:$0x110] =	vst v4  }
0x7c: {  	v3 =	vld [tilespmem:$0x29B0];
	[tilespmem:$0x20] =	vst v5  }
0x7d: {  	[tilespmem:$0x40] =	vst v62  }
0x7e: {  	[tilespmem:$0x140] =	vst v63  }
0x7f: {  	[tilespmem:$0x120] =	vst v1  }
0x80: {  	[tilespmem:$0x30] =	vst v2  }
0x81: {  	s14 =	simm.s32 $0xE0;
	[tilespmem:$0x130] =	vst v3  }
0x82: {  	[tilespmem:s30], [sflag:$0x1] =	stream.indirect.gather [hbm4b:s4+s1], $0x80, s3, s1, $0xb8;
	[tilespmem:$0x1F500] =	vst v63  }
0x83: {  	v1 =	vld [tilespmem:s14+$0x170];
	_ =	sdelay $0x4  }
0x84: {  	[tilespmem:$0x80] =	vst v1  }
0x85: {  	v1 =	vld [tilespmem:s14+$0x28F0];
	_ =	sdelay $0x4  }
0x86: {  	[tilespmem:$0x180] =	vst v1  }
0x87: {  	v1 =	vld [tilespmem:s14+$0x180];
	_ =	sdelay $0x4  }
0x88: {  	[tilespmem:$0x90] =	vst v1  }
0x89: {  	v1 =	vld [tilespmem:s14+$0x2900];
	_ =	sdelay $0x4  }
0x8a: {  	[tilespmem:$0x190] =	vst v1  }
0x8b: {  	v1 =	vld [tilespmem:s14+$0x190];
	_ =	sdelay $0x4  }
0x8c: {  	[tilespmem:$0xA0] =	vst v1  }
0x8d: {  	v1 =	vld [tilespmem:s14+$0x2910];
	_ =	sdelay $0x4  }
0x8e: {  	[tilespmem:$0x1A0] =	vst v1  }
0x8f: {  	v1 =	vld [tilespmem:s14+$0x1A0];
	_ =	sdelay $0x4  }
0x90: {  	[tilespmem:$0xB0] =	vst v1  }
0x91: {  	v1 =	vld [tilespmem:s14+$0x2920];
	_ =	sdelay $0x4  }
0x92: {  	[tilespmem:$0x1B0] =	vst v1  }
0x93: {  	v1 =	vld [tilespmem:s14+$0x1B0];
	_ =	sdelay $0x4  }
0x94: {  	[tilespmem:$0xC0] =	vst v1  }
0x95: {  	v1 =	vld [tilespmem:s14+$0x2930];
	_ =	sdelay $0x4  }
0x96: {  	[tilespmem:$0x1C0] =	vst v1  }
0x97: {  	[tilespmem:s0], [sflag:$0x2] =	stream.indirect.gather [hbm4b:s4+s1], $0x80, s31, s1, $0xb8;
	[tilespmem:$0x1F500] =	vst v63  }
0x98: {  	_ =	swait.ge [sflag:s5], $0x2800  }
0x99: {  	[sflag:s5] =	ssyncset.done $0x0  }
0x9a: {  	[sflag:s5] =	ssyncadd.s32 $0xFFFFD800  }
0x9b: {  	[spmem:s2] =	stream.indirect.scatter.add.f32 [tilespmem:s30], [sflag:$0x3], $0x80, s6, s1, $0xb8;
	[tilespmem:$0x1F500] =	vst v63  }
0x9c: {  	_ =	swait.ge [sflag:s29], $0x2800  }
0x9d: {  	[sflag:s29] =	ssyncset.done $0x0  }
0x9e: {  	[sflag:s29] =	ssyncadd.s32 $0xFFFFD800  }
0x9f: {  	v1 =	vld [tilespmem:s14+$0x1C0];
	_ =	sdelay $0x4  }
0xa0: {  	[tilespmem:$0x0] =	vst v1  }
0xa1: {  	v1 =	vld [tilespmem:s14+$0x2940];
	_ =	sdelay $0x4  }
0xa2: {  	[tilespmem:$0x100] =	vst v1  }
0xa3: {  	v1 =	vld [tilespmem:s14+$0x1D0];
	_ =	sdelay $0x4  }
0xa4: {  	[tilespmem:$0x10] =	vst v1  }
0xa5: {  	v1 =	vld [tilespmem:s14+$0x2950];
	_ =	sdelay $0x4  }
0xa6: {  	[tilespmem:$0x110] =	vst v1  }
0xa7: {  	v1 =	vld [tilespmem:s14+$0x1E0];
	_ =	sdelay $0x4  }
0xa8: {  	[tilespmem:$0x20] =	vst v1  }
0xa9: {  	v1 =	vld [tilespmem:s14+$0x2960];
	_ =	sdelay $0x4  }
0xaa: {  	[tilespmem:$0x120] =	vst v1  }
0xab: {  	v1 =	vld [tilespmem:s14+$0x1F0];
	_ =	sdelay $0x4  }
0xac: {  	[tilespmem:$0x30] =	vst v1  }
0xad: {  	v1 =	vld [tilespmem:s14+$0x2970];
	_ =	sdelay $0x4  }
0xae: {  	[tilespmem:$0x130] =	vst v1  }
0xaf: {  	v1 =	vld [tilespmem:s14+$0x200];
	_ =	sdelay $0x4  }
0xb0: {  	[tilespmem:$0x40] =	vst v1  }
0xb1: {  	v1 =	vld [tilespmem:s14+$0x2980];
	_ =	sdelay $0x4  }
0xb2: {  	[tilespmem:$0x140] =	vst v1  }
0xb3: {  	[tilespmem:s30], [sflag:$0x1] =	stream.indirect.gather [hbm4b:s4+s1], $0x80, s3, s1, $0xb8;
	[tilespmem:$0x1F500] =	vst v63  }
0xb4: {  	_ =	swait.ge [sflag:s8], $0x2800  }
0xb5: {  	[sflag:s8] =	ssyncset.done $0x0  }
0xb6: {  	[sflag:s8] =	ssyncadd.s32 $0xFFFFD800  }
0xb7: {  	[spmem:s2] =	stream.indirect.scatter.add.f32 [tilespmem:s0], [sflag:$0x3], $0x80, s9, s1, $0xb8;
	[tilespmem:$0x1F500] =	vst v63  }
0xb8: {  	_ =	swait.ge [sflag:s29], $0x2800  }
0xb9: {  	s11 =	simm.s32 $0x600;
	s12 =	simm.s32 $0x880;
	[sflag:s29] =	ssyncset.done $0x0  }
.LBB2_4:
0xba: {  	s13 =	sshra.s32 s11, $0x2  }
0xbb: {  	[sflag:s29] =	ssyncadd.s32 $0xFFFFD800;
	s11 =	smov.u32 s12;
	s14 =	sadd.s32 $0x280, s12  }
0xbc: {  	p1 =	sne.s32 s12, $0x9C00;
	v1 =	vld [tilespmem:s13+$0x170];
	_ =	sdelay $0x4  }
0xbd: {  	[tilespmem:$0x80] =	vst v1  }
0xbe: {  	v1 =	vld [tilespmem:s13+$0x28F0];
	_ =	sdelay $0x4  }
0xbf: {  	[tilespmem:$0x180] =	vst v1  }
0xc0: {  	v1 =	vld [tilespmem:s13+$0x180];
	_ =	sdelay $0x4  }
0xc1: {  	[tilespmem:$0x90] =	vst v1  }
0xc2: {  	v1 =	vld [tilespmem:s13+$0x2900];
	_ =	sdelay $0x4  }
0xc3: {  	[tilespmem:$0x190] =	vst v1  }
0xc4: {  	v1 =	vld [tilespmem:s13+$0x190];
	_ =	sdelay $0x4  }
0xc5: {  	[tilespmem:$0xA0] =	vst v1  }
0xc6: {  	v1 =	vld [tilespmem:s13+$0x2910];
	_ =	sdelay $0x4  }
0xc7: {  	[tilespmem:$0x1A0] =	vst v1  }
0xc8: {  	v1 =	vld [tilespmem:s13+$0x1A0];
	_ =	sdelay $0x4  }
0xc9: {  	[tilespmem:$0xB0] =	vst v1  }
0xca: {  	v1 =	vld [tilespmem:s13+$0x2920];
	_ =	sdelay $0x4  }
0xcb: {  	[tilespmem:$0x1B0] =	vst v1  }
0xcc: {  	v1 =	vld [tilespmem:s13+$0x1B0];
	_ =	sdelay $0x4  }
0xcd: {  	[tilespmem:$0xC0] =	vst v1  }
0xce: {  	v1 =	vld [tilespmem:s13+$0x2930];
	_ =	sdelay $0x4  }
0xcf: {  	[tilespmem:$0x1C0] =	vst v1  }
0xd0: {  	[tilespmem:s0], [sflag:$0x2] =	stream.indirect.gather [hbm4b:s4+s1], $0x80, s31, s1, $0xb8;
	[tilespmem:$0x1F500] =	vst v63  }
0xd1: {  	_ =	swait.ge [sflag:s5], $0x2800  }
0xd2: {  	[sflag:s5] =	ssyncset.done $0x0  }
0xd3: {  	[sflag:s5] =	ssyncadd.s32 $0xFFFFD800  }
0xd4: {  	[spmem:s2] =	stream.indirect.scatter.add.f32 [tilespmem:s30], [sflag:$0x3], $0x80, s6, s1, $0xb8;
	[tilespmem:$0x1F500] =	vst v63  }
0xd5: {  	_ =	swait.ge [sflag:s29], $0x2800  }
0xd6: {  	[sflag:s29] =	ssyncset.done $0x0  }
0xd7: {  	[sflag:s29] =	ssyncadd.s32 $0xFFFFD800  }
0xd8: {  	v1 =	vld [tilespmem:s13+$0x1C0];
	_ =	sdelay $0x4  }
0xd9: {  	[tilespmem:$0x0] =	vst v1  }
0xda: {  	v1 =	vld [tilespmem:s13+$0x2940];
	_ =	sdelay $0x4  }
0xdb: {  	[tilespmem:$0x100] =	vst v1  }
0xdc: {  	v1 =	vld [tilespmem:s13+$0x1D0];
	_ =	sdelay $0x4  }
0xdd: {  	[tilespmem:$0x10] =	vst v1  }
0xde: {  	v1 =	vld [tilespmem:s13+$0x2950];
	_ =	sdelay $0x4  }
0xdf: {  	[tilespmem:$0x110] =	vst v1  }
0xe0: {  	v1 =	vld [tilespmem:s13+$0x1E0];
	_ =	sdelay $0x4  }
0xe1: {  	[tilespmem:$0x20] =	vst v1  }
0xe2: {  	v1 =	vld [tilespmem:s13+$0x2960];
	_ =	sdelay $0x4  }
0xe3: {  	[tilespmem:$0x120] =	vst v1  }
0xe4: {  	v1 =	vld [tilespmem:s13+$0x1F0];
	_ =	sdelay $0x4  }
0xe5: {  	[tilespmem:$0x30] =	vst v1  }
0xe6: {  	v1 =	vld [tilespmem:s13+$0x2970];
	_ =	sdelay $0x4  }
0xe7: {  	[tilespmem:$0x130] =	vst v1  }
0xe8: {  	v1 =	vld [tilespmem:s13+$0x200];
	_ =	sdelay $0x4  }
0xe9: {  	[tilespmem:$0x40] =	vst v1  }
0xea: {  	v1 =	vld [tilespmem:s13+$0x2980];
	_ =	sdelay $0x4  }
0xeb: {  	[tilespmem:$0x140] =	vst v1  }
0xec: {  	[tilespmem:s30], [sflag:$0x1] =	stream.indirect.gather [hbm4b:s4+s1], $0x80, s3, s1, $0xb8;
	[tilespmem:$0x1F500] =	vst v63  }
0xed: {  	_ =	swait.ge [sflag:s8], $0x2800  }
.Ltmp1:
0xee: {  	[sflag:s8] =	ssyncset.done $0x0;
	(pc) =	sbr.rel @p1 .LBB2_4-.Ltmp1, $4  }
0xef: {  	[sflag:s8] =	ssyncadd.s32 $0xFFFFD800  }
0xf0: {  	[spmem:s2] =	stream.indirect.scatter.add.f32 [tilespmem:s0], [sflag:$0x3], $0x80, s9, s1, $0xb8;
	[tilespmem:$0x1F500] =	vst v63  }
0xf1: {  	_ =	swait.ge [sflag:s29], $0x2800  }
0xf2: {  	s12 =	smov.u32 s14;
	[sflag:s29] =	ssyncset.done $0x0  }
0xf3: {  	s11 =	sshra.s32 s11, $0x2;
	[sflag:s29] =	ssyncadd.s32 $0xFFFFD800  }
0xf4: {  	v1 =	vld [tilespmem:s11+$0x170];
	_ =	sdelay $0x4  }
0xf5: {  	[tilespmem:$0x80] =	vst v1  }
0xf6: {  	v1 =	vld [tilespmem:s11+$0x28F0];
	_ =	sdelay $0x4  }
0xf7: {  	[tilespmem:$0x180] =	vst v1  }
0xf8: {  	v1 =	vld [tilespmem:s11+$0x180];
	_ =	sdelay $0x4  }
0xf9: {  	[tilespmem:$0x90] =	vst v1  }
0xfa: {  	v1 =	vld [tilespmem:s11+$0x2900];
	_ =	sdelay $0x4  }
0xfb: {  	[tilespmem:$0x190] =	vst v1  }
0xfc: {  	v1 =	vld [tilespmem:s11+$0x190];
	_ =	sdelay $0x4  }
0xfd: {  	[tilespmem:$0xA0] =	vst v1  }
0xfe: {  	v1 =	vld [tilespmem:s11+$0x2910];
	_ =	sdelay $0x4  }
0xff: {  	[tilespmem:$0x1A0] =	vst v1  }
0x100: {  	v1 =	vld [tilespmem:s11+$0x1A0];
	_ =	sdelay $0x4  }
0x101: {  	[tilespmem:$0xB0] =	vst v1  }
0x102: {  	v1 =	vld [tilespmem:s11+$0x2920];
	_ =	sdelay $0x4  }
0x103: {  	[tilespmem:$0x1B0] =	vst v1  }
0x104: {  	v1 =	vld [tilespmem:s11+$0x1B0];
	_ =	sdelay $0x4  }
0x105: {  	[tilespmem:$0xC0] =	vst v1  }
0x106: {  	v1 =	vld [tilespmem:s11+$0x2930];
	_ =	sdelay $0x4  }
0x107: {  	[tilespmem:$0x1C0] =	vst v1  }
0x108: {  	[tilespmem:s0], [sflag:$0x2] =	stream.indirect.gather [hbm4b:s4+s1], $0x80, s31, s1, $0xb8;
	[tilespmem:$0x1F500] =	vst v63  }
0x109: {  	_ =	swait.ge [sflag:s5], $0x2800  }
0x10a: {  	[sflag:s5] =	ssyncset.done $0x0  }
0x10b: {  	[sflag:s5] =	ssyncadd.s32 $0xFFFFD800  }
0x10c: {  	[spmem:s2] =	stream.indirect.scatter.add.f32 [tilespmem:s30], [sflag:$0x3], $0x80, s6, s1, $0xb8;
	[tilespmem:$0x1F500] =	vst v63  }
0x10d: {  	_ =	swait.ge [sflag:s29], $0x2800  }
0x10e: {  	[sflag:s29] =	ssyncset.done $0x0  }
0x10f: {  	[sflag:s29] =	ssyncadd.s32 $0xFFFFD800  }
0x110: {  	v1 =	vld [tilespmem:s11+$0x1C0];
	_ =	sdelay $0x4  }
0x111: {  	[tilespmem:$0x0] =	vst v1  }
0x112: {  	v1 =	vld [tilespmem:s11+$0x2940];
	_ =	sdelay $0x4  }
0x113: {  	[tilespmem:$0x100] =	vst v1  }
0x114: {  	v1 =	vld [tilespmem:s11+$0x1D0];
	_ =	sdelay $0x4  }
0x115: {  	[tilespmem:$0x10] =	vst v1  }
0x116: {  	v1 =	vld [tilespmem:s11+$0x2950];
	_ =	sdelay $0x4  }
0x117: {  	[tilespmem:$0x110] =	vst v1  }
0x118: {  	v1 =	vld [tilespmem:s11+$0x1E0];
	_ =	sdelay $0x4  }
0x119: {  	[tilespmem:$0x20] =	vst v1  }
0x11a: {  	v1 =	vld [tilespmem:s11+$0x2960];
	_ =	sdelay $0x4  }
0x11b: {  	[tilespmem:$0x120] =	vst v1  }
0x11c: {  	v1 =	vld [tilespmem:s11+$0x1F0];
	_ =	sdelay $0x4  }
0x11d: {  	[tilespmem:$0x30] =	vst v1  }
0x11e: {  	v1 =	vld [tilespmem:s11+$0x2970];
	_ =	sdelay $0x4  }
0x11f: {  	[tilespmem:$0x130] =	vst v1  }
0x120: {  	v1 =	vld [tilespmem:s11+$0x200];
	_ =	sdelay $0x4  }
0x121: {  	[tilespmem:$0x40] =	vst v1  }
0x122: {  	v1 =	vld [tilespmem:s11+$0x2980];
	_ =	sdelay $0x4  }
0x123: {  	[tilespmem:$0x140] =	vst v1  }
0x124: {  	[tilespmem:s30], [sflag:$0x1] =	stream.indirect.gather [hbm4b:s4+s1], $0x80, s3, s1, $0xb8;
	[tilespmem:$0x1F500] =	vst v63  }
0x125: {  	_ =	swait.ge [sflag:s8], $0x2800  }
0x126: {  	[sflag:s8] =	ssyncset.done $0x0  }
0x127: {  	[sflag:s8] =	ssyncadd.s32 $0xFFFFD800  }
0x128: {  	[spmem:s2] =	stream.indirect.scatter.add.f32 [tilespmem:s0], [sflag:$0x3], $0x80, s9, s1, $0xb8;
	[tilespmem:$0x1F500] =	vst v63  }
0x129: {  	_ =	swait.ge [sflag:s29], $0x2800  }
0x12a: {  	[sflag:s29] =	ssyncset.done $0x0  }
0x12b: {  	[sflag:s29] =	ssyncadd.s32 $0xFFFFD800  }
0x12c: {  	_ =	swait.ge [sflag:s5], $0x2800  }
0x12d: {  	[sflag:s5] =	ssyncset.done $0x0  }
0x12e: {  	[sflag:s5] =	ssyncadd.s32 $0xFFFFD800  }
0x12f: {  	[spmem:s2] =	stream.indirect.scatter.add.f32 [tilespmem:s30], [sflag:$0x3], $0x80, s6, s1, $0xb8;
	[tilespmem:$0x1F500] =	vst v63  }
0x130: {  	_ =	swait.ge [sflag:s29], $0x2800  }
0x131: {  	[sflag:s29] =	ssyncset.done $0x0  }
0x132: {  	[sflag:s29] =	ssyncadd.s32 $0xFFFFD800  }
0x133: {  	[bflag:$0x0] =	sbarrier.arrive $0xFFFF  }
0x134: {  	s11 =	simm.s32 @p0 $0x1FC3;
	s12 =	rddreg [dreg:$0x7]  }
0x135: {  	[hbm:s12], [sflag:s11] =	dma.local @p0 [spmem:s25], $0x1900  }
0x136: {  	s11 =	simm.s32 @p0 $0x3  }
0x137: {  	s12 =	stileid.u32;
	_ =	swait.ge @p0 [sflag:s11], $0x1900  }
0x138: {  	s12 =	sshll.u32 @!p0 s12, $0x6;
	[sflag:s11] =	ssyncset.done @p0 $0x0;
	s13 =	rddreg [dreg:$0x6]  }
0x139: {  	[sflag:s11] =	ssyncadd.s32 @p0 $0xFFFFE700;
	s11 =	sor.u32 @!p0 $0x1C03, s12;
	s12 =	sshrl.u32 @!p0 s7, $0x3  }
0x13a: {  	[hbm:s13], [sflag:s11] =	dma.local @!p0 [spmem:s12], $0x2800  }
0x13b: {  	s11 =	simm.s32 @!p0 $0x3  }
0x13c: {  	_ =	swait.ge @!p0 [sflag:s11], $0x2800  }
0x13d: {  	s10 =	sadd.s32 $0x1, s10;
	s14 =	rddreg [dreg:$0x8]  }
0x13e: {  	p1 =	sne.s32 s10, s14  }
.Ltmp2:
0x13f: {  	_ = 	snop;
	(pc) =	sbr.rel @p1 .LBB2_1-.Ltmp2, $3  }
0x140: {  	[sflag:s11] =	ssyncset.done @!p0 $0x0  }
0x141: {  	[sflag:s11] =	ssyncadd.s32 @!p0 $0xFFFFD800  }
0x142: {  	[bflag:$0x0] =	sbarrier.arrive $0xFFFF;
	_ =	sdelay $0x1  }
0x143: {  	_ =	sfence.sel $0x180000  }
0x144: {  	[bflag:$0x0] =	sbarrier.arrive $0xFFFF  }
0x145: {  	_ =	strace $0x90000047  }
0x146: {  	s0 =	stileid.u32;
	[bflag:$0x2] =	sbarrier.arrive $0xFFFF  }
0x147: {  	p0 =	sne.s32 s0, $0x0;
	s0 =	rddreg [dreg:$0x3]  }
0x148: {  	s0 =	sadd.s32 @!p0 $0x100000, s0  }
0x149: {  	[sflag:s0] =	ssyncadd.tile.s32 @!p0 $0x1;
	_ =	shalt  }
.Lfunc_end2:
_tile_overlayer_lowered:
.L_overlay_start_2:
0x14a: {  	(tag) =	ssettag $0x2  }
0x14b: {  	s0 =	rddreg [dreg:$0x0];
	s2 =	stileid.u32  }
0x14c: {  	s1 =	rddreg [dreg:$0x1];
	p0 =	sne.s32 s2, $0x0  }
0x14d: {  	s3 =	rddreg [dreg:$0x2];
	[bflag:$0x3] =	sbarrier.arrive $0xFFFF;
	s2 =	simm.s32 @!p0 $0x1C03  }
0x14e: {  	[timem:s3], [sflag:s2] =	dma.local @!p0 [hbm:s0], s1  }
0x14f: {  	s0 =	simm.s32 @!p0 $0x3  }
0x150: {  	_ =	swait.ge @!p0 [sflag:s0], s1  }
0x151: {  	s1 =	ssub.s32 @!p0 $0x0, s1;
	[sflag:s0] =	ssyncset.done @!p0 $0x0  }
0x152: {  	[sflag:s0] =	ssyncadd.s32 @!p0 s1  }
0x153: {  	[bflag:$0x3] =	sbarrier.arrive $0xFFFF  }
0x154: {  	_ =	shalt  }

// kernel: _run.15.cloned.1.call-start
scs
__scs_entry_jumppad:
0x0: {  	(pc) =	sbr.rel $0x88, $3  }
0x1: {  	(tag) =	ssettag $0x0;
	lr =	simm.s32 $0x1  }
0x2: {  	[smem:$0x3F93] =	sst lr;
	_ =	strace $0xD0000000  }
0x3: {  	_ = 	snop  }
0x4: {  	_ = 	snop  }
0x5: {  	_ = 	snop  }
0x6: {  	_ = 	snop  }
0x7: {  	_ = 	snop  }
__scs_overlays_trampoline_lowered:
0x8: {  	[smem:$0x3FA2] =	sst s0  }
0x9: {  	[smem:$0x3FA3] =	sst s1  }
0xa: {  	[smem:$0x3FA4] =	sst s2  }
0xb: {  	[smem:$0x3FA5] =	sst s3  }
0xc: {  	[smem:$0x3FA6] =	sst s4  }
0xd: {  	[smem:$0x3FA7] =	sst s5  }
0xe: {  	[smem:$0x3FA8] =	sst s6  }
0xf: {  	[smem:$0x3FA9] =	sst s7  }
0x10: {  	[smem:$0x3FAA] =	sst s8  }
0x11: {  	[smem:$0x3FAB] =	sst s9;
	s0 =	simm.s32 @!p0 $0x0  }
0x12: {  	s1 =	sld [smem:$0x3F91];
	s0 =	simm.s32 @p0 $0x1  }
0x13: {  	[smem:$0x3FAC] =	sst s0;
	s0 =	simm.s32 @!p1 $0x0  }
0x14: {  	s2 =	sld [smem:$0x3F90];
	s0 =	simm.s32 @p1 $0x1  }
0x15: {  	[smem:$0x3FAD] =	sst s0;
	s0 =	simm.s32 @!p2 $0x0  }
0x16: {  	s3 =	sld [smem:$0x3FDB];
	s0 =	simm.s32 @p2 $0x1  }
0x17: {  	s4 =	simm.s32 $0x1BF5;
	[smem:$0x3FAF] =	sst s0  }
0x18: {  	s0 =	sld [smem:$0x3F92];
	_ =	swait.ge [sflag:s4], $0x0  }
0x19: {  	s7 =	sld [smem:$0x3F93]  }
0x1a: {  	s8 =	sadd.s32 $0xFFFFE003, lr  }
0x1b: {  	s9 =	sadd.s32 $0xFFFFFEF7, lr;
	s5 =	simm.s32 $0xFFFFFFFF;
	p2 =	slt.u32 s8, $0xFFFFF086  }
0x1c: {  	p1 =	slt.u32 s9, $0xF7A;
	s5 =	simm.s32 @!p2 $0x0  }
0x1d: {  	s5 =	simm.s32 @p1 $0x1;
	p0 =	seq.s32 s7, s2  }
0x1e: {  	s7 =	smul.u32 @!p0 $0xF7A, s2;
	p2 =	seq.s32 @!p0 s5, $0x0  }
0x1f: {  	s9 =	smul.u32 $0xF7A, s1;
	s8 =	simm.s32 @!p0 $0x1BF5;
	p2 =	por !p2, p0  }
0x20: {  	[sflag:s8] =	ssyncset.s32 @!p0 $0xFFFFF086;
	s6 =	sadd.s32 @!p0 s3, s7;
	s7 =	simm.s32 @!p0 $0x108  }
0x21: {  	s3 =	sadd.s32 s3, s9;
	s6 =	sadd.s32 @!p0 $0x88, s6;
	s7 =	simm.s32 @p2 $0x1082  }
0x22: {  	[simem:s7], [sflag:s8] =	dma.local @!p0 [hbm:s6], $0xF7A  }
0x23: {  	s9 =	sor.u32 $0xD0000000, s2;
	s6 =	simm.s32 $0x108;
	_ =	swait.ge @!p0 [sflag:s8], $0x0  }
0x24: {  	s3 =	sadd.s32 $0x88, s3;
	s6 =	simm.s32 @!p1 $0x1082;
	[sflag:s4] =	ssyncset.s32 $0xFFFFF086  }
0x25: {  	[simem:s6], [sflag:s4] =	dma.local [hbm:s3], $0xF7A  }
0x26: {  	[smem:$0x3F93] =	sst s1;
	(tag) =	ssettag s2;
	_ =	strace s9  }
0x27: {  	s1 =	sld [smem:$0x3FA3]  }
0x28: {  	s2 =	sld [smem:$0x3FA4]  }
0x29: {  	s4 =	sld [smem:$0x3FA6]  }
0x2a: {  	p0 =	seq.s32 s5, $0x0;
	s5 =	sld [smem:$0x3FA7]  }
0x2b: {  	s6 =	sld [smem:$0x3FA8]  }
0x2c: {  	s7 =	sld [smem:$0x3FA9]  }
0x2d: {  	s3 =	simm.s32 $0x108;
	s8 =	sld [smem:$0x3FAA]  }
0x2e: {  	s3 =	simm.s32 @!p0 $0x1082;
	s9 =	sld [smem:$0x3FAB]  }
0x2f: {  	lr =	sadd.s32 s0, s3;
	s0 =	sld [smem:$0x3FA2]  }
0x30: {  	s3 =	sld [smem:$0x3FA5]  }
0x31: {  	[smem:$0x3FAE] =	sst s10  }
0x32: {  	s10 =	sld [smem:$0x3FAC];
	_ =	sdelay $0x3  }
0x33: {  	p0 =	seq.s32 s10, $0x1;
	s10 =	sld [smem:$0x3FAE];
	_ =	sdelay $0x3  }
0x34: {  	[smem:$0x3FAE] =	sst s10  }
0x35: {  	s10 =	sld [smem:$0x3FAD];
	_ =	sdelay $0x3  }
0x36: {  	p1 =	seq.s32 s10, $0x1;
	s10 =	sld [smem:$0x3FAE];
	_ =	sdelay $0x3  }
0x37: {  	[smem:$0x3FAE] =	sst s10  }
0x38: {  	s10 =	sld [smem:$0x3FAF]  }
0x39: {  	_ = 	snop;
	(pc) =	sbr.ind lr, $3  }
0x3a: {  	_ = 	snop  }
0x3b: {  	_ = 	snop  }
0x3c: {  	p2 =	seq.s32 s10, $0x1;
	s10 =	sld [smem:$0x3FAE]  }
0x3d: {  	_ =	shalt  }
0x3e: {  	_ =	shalt  }
0x3f: {  	_ =	shalt  }
0x40: {  	_ =	shalt  }
0x41: {  	_ =	shalt  }
0x42: {  	_ =	shalt  }
0x43: {  	_ =	shalt  }
0x44: {  	_ =	shalt  }
0x45: {  	_ =	shalt  }
0x46: {  	_ =	shalt  }
0x47: {  	_ =	shalt  }
0x48: {  	_ =	shalt  }
0x49: {  	_ =	shalt  }
0x4a: {  	_ =	shalt  }
0x4b: {  	_ =	shalt  }
0x4c: {  	_ =	shalt  }
0x4d: {  	_ =	shalt  }
0x4e: {  	_ =	shalt  }
0x4f: {  	_ =	shalt  }
0x50: {  	_ =	shalt  }
0x51: {  	_ =	shalt  }
0x52: {  	_ =	shalt  }
0x53: {  	_ =	shalt  }
0x54: {  	_ =	shalt  }
0x55: {  	_ =	shalt  }
0x56: {  	_ =	shalt  }
0x57: {  	_ =	shalt  }
0x58: {  	_ =	shalt  }
0x59: {  	_ =	shalt  }
0x5a: {  	_ =	shalt  }
0x5b: {  	_ =	shalt  }
0x5c: {  	_ =	shalt  }
0x5d: {  	_ =	shalt  }
0x5e: {  	_ =	shalt  }
0x5f: {  	_ =	shalt  }
0x60: {  	_ =	shalt  }
0x61: {  	_ =	shalt  }
0x62: {  	_ =	shalt  }
0x63: {  	_ =	shalt  }
0x64: {  	_ =	shalt  }
0x65: {  	_ =	shalt  }
0x66: {  	_ =	shalt  }
0x67: {  	_ =	shalt  }
0x68: {  	_ =	shalt  }
0x69: {  	_ =	shalt  }
0x6a: {  	_ =	shalt  }
0x6b: {  	_ =	shalt  }
0x6c: {  	_ =	shalt  }
0x6d: {  	_ =	shalt  }
0x6e: {  	_ =	shalt  }
0x6f: {  	_ =	shalt  }
0x70: {  	_ =	shalt  }
0x71: {  	_ =	shalt  }
0x72: {  	_ =	shalt  }
0x73: {  	_ =	shalt  }
0x74: {  	_ =	shalt  }
0x75: {  	_ =	shalt  }
0x76: {  	_ =	shalt  }
0x77: {  	_ =	shalt  }
0x78: {  	_ =	shalt  }
0x79: {  	_ =	shalt  }
0x7a: {  	_ =	shalt  }
0x7b: {  	_ =	shalt  }
0x7c: {  	_ =	shalt  }
0x7d: {  	_ =	shalt  }
0x7e: {  	_ =	shalt  }
0x7f: {  	_ =	shalt  }
0x80: {  	_ =	shalt  }
0x81: {  	_ =	shalt  }
0x82: {  	_ =	shalt  }
0x83: {  	_ =	shalt  }
0x84: {  	_ =	shalt  }
0x85: {  	_ =	shalt  }
0x86: {  	_ =	shalt  }
0x87: {  	_ =	shalt  }
.Lfunc_end0:
.L_simem_size_0:
called_computation.1_lowered:
.L_overlay_start_0:
0x88: {  	s2 =	sld [smem:$0x3FD9]  }
0x89: {  	s3 =	sld [smem:$0x3FFE];
	_ =	sdelay $0x1  }
0x8a: {  	s1 =	srdreg.scid  }
0x8b: {  	s0 =	sand.u32 $0x1, s1  }
0x8c: {  	s17 =	sshll.u32 s0, $0xA;
	s2 =	sadd.s32 s3, s2  }
0x8d: {  	s2 =	sadd.s32 s2, s17  }
0x8e: {  	[smem:$0x3FBA] =	sst s2  }
0x8f: {  	_ = 	snop  }
0x90: {  	s2 =	sld [smem:$0x3FD0];
	(tm) =	ssettm $0x1  }
0x91: {  	s18 =	sld [smem:$0x3FFB];
	_ =	sdelay $0x3  }
0x92: {  	_ =	strace s18  }
0x93: {  	s3 =	sld [smem:$0x3FFC];
	_ =	sdelay $0x3  }
0x94: {  	_ =	strace s3  }
0x95: {  	s3 =	sld [smem:$0x3FFD];
	_ =	sdelay $0x3  }
0x96: {  	_ =	strace s3  }
0x97: {  	_ =	strace $0x8FFFFFFF  }
0x98: {  	s19 =	sld [smem:$0x3FDB];
	_ =	sdelay $0x1  }
0x99: {  	s4 =	simm.s32 $_scs_section_size  }
0x9a: {  	s5 =	simm.s32 $_size__tile_overlayer_lowered;
	s6 =	simm.s32 $_tile_overlayer_lowered  }
0x9b: {  	s22 =	simm.s32 $0x1BFF;
	s21 =	sshll.u32 s6, $0x1;
	s3 =	sadd.s32 s4, s19  }
0x9c: {  	s7 =	simm.s32 $0x0;
	s20 =	sshll.u32 s5, $0x1;
	s5 =	sadd.s32 s21, s3  }
0x9d: {  	[timem:s7], [sflag:s22] =	dma.local [hbm:s5], s20  }
0x9e: {  	_ =	swait.ge [sflag:s22], s20  }
0x9f: {  	s4 =	ssub.s32 $0x0, s20;
	[sflag:s22] =	ssyncset.done $0x0  }
0xa0: {  	[sflag:s22] =	ssyncadd.s32 s4;
	_ =	sdelay $0x1  }
0xa1: {  	s23 =	simm.s32 $0x1B8B  }
0xa2: {  	_ =	swait.ge [sflag:s23], $0x1  }
0xa3: {  	[sflag:s23] =	ssyncset.done $0x0  }
0xa4: {  	s25 =	simm.s32 $0x1B8E;
	s24 =	sld [smem:$0x3FFE];
	[sflag:s23] =	ssyncadd.s32 $0xFFFFFFFF  }
0xa5: {  	s26 =	simm.s32 $execute0_lowered;
	[smem:$0x3FD2] =	sst s25  }
0xa6: {  	s5 =	sshll.u32 s26, $0x1;
	_ =	strace $0x80000049;
	[dreg:$0x1] =	wrdreg $0xFFFFFFFF  }
0xa7: {  	s28 =	simm.s32 $_size_execute0_lowered;
	s3 =	sadd.s32 s3, s5;
	[dreg:$0x0] =	wrdreg $0x0  }
0xa8: {  	s5 =	sshll.u32 s28, $0x1;
	[dreg:$0x2] =	wrdreg s3  }
0xa9: {  	[dreg:$0x3] =	wrdreg s5  }
0xaa: {  	[dreg:$0x4] =	wrdreg $0xC0  }
0xab: {  	_ =	task [dreg:s7], $0x5FFFF  }
0xac: {  	[dreg:$0x1] =	wrdreg $0xFFFFFFFF  }
0xad: {  	[dreg:$0x0] =	wrdreg $0x60  }
0xae: {  	[dreg:$0x2] =	wrdreg s24  }
0xaf: {  	[dreg:$0x3] =	wrdreg s2  }
0xb0: {  	[dreg:$0x4] =	wrdreg $0xB5000  }
0xb1: {  	[dreg:$0x5] =	wrdreg $0x9  }
0xb2: {  	_ =	task.clear_ibuf [dreg:s7], $0x6FFFF;
	_ =	strace $0x90000049  }
0xb3: {  	s29 =	simm.s32 $0x9;
	_ =	strace $0x8000004B  }
0xb4: {  	_ =	swait.ge [sflag:s29], $0x1  }
0xb5: {  	[sflag:s29] =	ssyncadd.s32 $0xFFFFFFFF  }
0xb6: {  	_ =	strace $0x9000004B  }
0xb7: {  	_ =	sfence  }
0xb8: {  	s30 =	sld [smem:$0x0];
	_ =	sdelay $0x2  }
0xb9: {  	s31 =	sshll.u32 s1, $0xD;
	s1 =	sshrl.u32 s1, $0x2  }
0xba: {  	s3 =	sand.u32 $0x4000, s31;
	s1 =	sadd.s32 s1, s30  }
0xbb: {  	s0 =	sor.u32 s3, s0;
	s1 =	sshll.u32 s1, $0x11  }
0xbc: {  	s0 =	sor.u32 s1, s0  }
0xbd: {  	s0 =	sadd.s32 $0x8F2B, s0  }
0xbe: {  	[sflag:s0] =	ssyncadd.remote.s32 $0x1  }
0xbf: {  	_ =	sfence.sel $0xFFFF  }
0xc0: {  	[dreg:$0x0] =	wrdreg $0xFFFFFFFF;
	(pc) =	sbr.abs _section_cstart, $3  }
0xc1: {  	[dreg:$0x1] =	wrdreg $0xFFFFFFFF  }
0xc2: {  	_ =	task.clear_ibuf [dreg:s7], $0x2FFFF;
	_ =	strace $0x9FFFFFFF  }
0xc3: {  	(tm) =	ssettm $0x7FFFFFFF  }
tec
execute0_lowered:
.L_overlay_start_1:
0x0: {  	(tag) =	ssettag $0x1  }
0x1: {  	s0 =	rddreg [dreg:$0x0]  }
0x2: {  	s5 =	rddreg [dreg:$0x1]  }
0x3: {  	s1 =	srdreg.scid;
	s2 =	rddreg [dreg:$0x2]  }
0x4: {  	s13 =	stileid.u32;
	s3 =	simm.s32 $0x0;
	s28 =	simm.s32 $0xA100  }
0x5: {  	s29 =	simm.s32 $0x3;
	s30 =	simm.s32 $0x5100;
	s31 =	simm.s32 $0x80  }
0x6: {  	s1 =	sand.u32 $0x1, s1;
	[smem:$0x7FF] =	sst s3;
	s7 =	smul.u32 $0x50000, s13  }
0x7: {  	s11 =	smul.u32 $0x2800, s13;
	p0 =	seq.s32 s13, $0xF;
	s4 =	sshll.u32 s1, $0x4  }
0x8: {  	_ =	strace $0x8000004A;
	s8 =	smul.u32 $0x27100, s1;
	s10 =	ssub.s32 $0x2, s1  }
0x9: {  	s1 =	smul.u32 $0x138800, s1;
	s4 =	sor.u32 s13, s4;
	s12 =	sshrl.u32 s10, $0x1  }
0xa: {  	s19 =	sshrl.u32 s7, $0x2;
	s6 =	smul.u32 $0x4E2, s4;
	s4 =	sadd.s32 $0x1BC600, s0  }
0xb: {  	s10 =	ssub.s32 s10, s12;
	s20 =	sadd.s32 s11, s8;
	s1 =	sshrl.u32 s1, $0x3  }
0xc: {  	s7 =	sadd.s32 s19, s2;
	s8 =	simm.s32 $0x2;
	s22 =	smax.u32 s10, $0x1  }
0xd: {  	s23 =	sadd.s32 $0x1400, s7;
	s24 =	sadd.s32 $0x2800, s7;
	s25 =	sadd.s32 $0x3C00, s7  }
0xe: {  	s26 =	sadd.s32 $0x5000, s7;
	s15 =	sadd.s32 $0x6400, s7;
	[dreg:$0x8] =	wrdreg s22  }
0xf: {  	s16 =	sadd.s32 $0x7800, s7;
	s17 =	sadd.s32 $0x8C00, s7;
	[dreg:$0x9] =	wrdreg s23  }
0x10: {  	s19 =	sadd.s32 $0xB400, s7;
	s10 =	simm.s32 $0x0;
	[dreg:$0xa] =	wrdreg s24  }
0x11: {  	s9 =	sadd.s32 s6, s0;
	s0 =	sadd.s32 $0x31C000, s0;
	[dreg:$0xb] =	wrdreg s25  }
0x12: {  	s5 =	sadd.s32 s5, s6;
	[dreg:$0xc] =	wrdreg s26;
	s22 =	sadd.s32 $0xF000, s7  }
0x13: {  	s23 =	sadd.s32 $0x10400, s7;
	s24 =	sadd.s32 $0x11800, s7;
	s26 =	sadd.s32 $0x12C00, s7  }
0x14: {  	s6 =	simm.s32 $0x100;
	[dreg:$0x4] =	wrdreg s5;
	s18 =	sadd.s32 $0x4C00, s9  }
0x15: {  	s21 =	sadd.s32 s0, s20;
	s0 =	sadd.s32 s0, s1;
	s1 =	sadd.s32 $0x12C000, s2  }
0x16: {  	s20 =	sadd.s32 $0xC800, s7;
	s5 =	simm.s32 $0x1;
	[dreg:$0x5] =	wrdreg s18  }
0x17: {  	s9 =	simm.s32 $0x180;
	[dreg:$0x6] =	wrdreg s21;
	s0 =	sadd.s32 $0x25800, s0  }
0x18: {  	s18 =	sadd.s32 $0xA000, s7;
	s21 =	sadd.s32 $0xDC00, s7;
	s25 =	sshrl.u32 @p0 s1, $0x3  }
0x19: {  	v0 =	vimm.f32 $0.0e+00;
	s1 =	simm.s32 $0x7900;
	[dreg:$0x7] =	wrdreg s0;
	s0 =	simm.s32 $0x50  }
.LBB2_1:
0x1a: {  	s11 =	simm.s32 $0x0;
	s12 =	simm.s32 $0x200  }
.LBB2_2:
0x1b: {  	p1 =	sne.s32 s12, $0x4E00;
	[tilespmem:s11+$0xA170] =	vst v0  }
0x1c: {  	[tilespmem:s11+$0xA100] =	vst v0  }
0x1d: {  	[tilespmem:s11+$0xA110] =	vst v0  }
.Ltmp0:
0x1e: {  	[tilespmem:s11+$0xA120] =	vst v0;
	(pc) =	sbr.rel @p1 .LBB2_2-.Ltmp0, $4  }
0x1f: {  	[tilespmem:s11+$0xA130] =	vst v0  }
0x20: {  	[tilespmem:s11+$0xA140] =	vst v0  }
0x21: {  	[tilespmem:s11+$0xA150] =	vst v0  }
0x22: {  	[tilespmem:s11+$0xA160] =	vst v0;
	s11 =	sshra.s32 s12, $0x2;
	s12 =	sadd.s32 $0x200, s12  }
0x23: {  	[tilespmem:s11+$0xA170] =	vst v0  }
0x24: {  	[tilespmem:s11+$0xA100] =	vst v0  }
0x25: {  	[tilespmem:s11+$0xA110] =	vst v0  }
0x26: {  	[tilespmem:s11+$0xA120] =	vst v0  }
0x27: {  	[tilespmem:s11+$0xA130] =	vst v0  }
0x28: {  	[tilespmem:s11+$0xA140] =	vst v0  }
0x29: {  	[tilespmem:s11+$0xA150] =	vst v0  }
0x2a: {  	[tilespmem:s11+$0xA160] =	vst v0  }
0x2b: {  	[spmem:s7] =	stream.linear.scatter [tilespmem:s28], [sflag:$0x3], $0x1400, $0x38;
	[tilespmem:$0x1F500] =	vst v63  }
0x2c: {  	_ =	swait.ge [sflag:s29], $0x1400  }
0x2d: {  	[sflag:s29] =	ssyncset.done $0x0  }
0x2e: {  	s13 =	rddreg [dreg:$0x9];
	[sflag:s29] =	ssyncadd.s32 $0xFFFFEC00  }
0x2f: {  	[spmem:s13] =	stream.linear.scatter [tilespmem:s28], [sflag:$0x3], $0x1400, $0x38;
	[tilespmem:$0x1F500] =	vst v63  }
0x30: {  	_ =	swait.ge [sflag:s29], $0x1400  }
0x31: {  	[sflag:s29] =	ssyncset.done $0x0  }
0x32: {  	s14 =	rddreg [dreg:$0xa];
	[sflag:s29] =	ssyncadd.s32 $0xFFFFEC00  }
0x33: {  	[spmem:s14] =	stream.linear.scatter [tilespmem:s28], [sflag:$0x3], $0x1400, $0x38;
	[tilespmem:$0x1F500] =	vst v63  }
0x34: {  	_ =	swait.ge [sflag:s29], $0x1400  }
0x35: {  	[sflag:s29] =	ssyncset.done $0x0  }
0x36: {  	s12 =	rddreg [dreg:$0xb];
	[sflag:s29] =	ssyncadd.s32 $0xFFFFEC00  }
0x37: {  	[spmem:s12] =	stream.linear.scatter [tilespmem:s28], [sflag:$0x3], $0x1400, $0x38;
	[tilespmem:$0x1F500] =	vst v63  }
0x38: {  	_ =	swait.ge [sflag:s29], $0x1400  }
0x39: {  	[sflag:s29] =	ssyncset.done $0x0  }
0x3a: {  	s13 =	rddreg [dreg:$0xc];
	[sflag:s29] =	ssyncadd.s32 $0xFFFFEC00  }
0x3b: {  	[spmem:s13] =	stream.linear.scatter [tilespmem:s28], [sflag:$0x3], $0x1400, $0x38;
	[tilespmem:$0x1F500] =	vst v63  }
0x3c: {  	_ =	swait.ge [sflag:s29], $0x1400  }
0x3d: {  	[sflag:s29] =	ssyncset.done $0x0  }
0x3e: {  	[sflag:s29] =	ssyncadd.s32 $0xFFFFEC00  }
0x3f: {  	[spmem:s15] =	stream.linear.scatter [tilespmem:s28], [sflag:$0x3], $0x1400, $0x38;
	[tilespmem:$0x1F500] =	vst v63  }
0x40: {  	_ =	swait.ge [sflag:s29], $0x1400  }
0x41: {  	[sflag:s29] =	ssyncset.done $0x0  }
0x42: {  	[sflag:s29] =	ssyncadd.s32 $0xFFFFEC00  }
0x43: {  	[spmem:s16] =	stream.linear.scatter [tilespmem:s28], [sflag:$0x3], $0x1400, $0x38;
	[tilespmem:$0x1F500] =	vst v63  }
0x44: {  	_ =	swait.ge [sflag:s29], $0x1400  }
0x45: {  	[sflag:s29] =	ssyncset.done $0x0  }
0x46: {  	[sflag:s29] =	ssyncadd.s32 $0xFFFFEC00  }
0x47: {  	[spmem:s17] =	stream.linear.scatter [tilespmem:s28], [sflag:$0x3], $0x1400, $0x38;
	[tilespmem:$0x1F500] =	vst v63  }
0x48: {  	_ =	swait.ge [sflag:s29], $0x1400  }
0x49: {  	[sflag:s29] =	ssyncset.done $0x0  }
0x4a: {  	[sflag:s29] =	ssyncadd.s32 $0xFFFFEC00  }
0x4b: {  	[spmem:s18] =	stream.linear.scatter [tilespmem:s28], [sflag:$0x3], $0x1400, $0x38;
	[tilespmem:$0x1F500] =	vst v63  }
0x4c: {  	_ =	swait.ge [sflag:s29], $0x1400  }
0x4d: {  	[sflag:s29] =	ssyncset.done $0x0  }
0x4e: {  	[sflag:s29] =	ssyncadd.s32 $0xFFFFEC00  }
0x4f: {  	[spmem:s19] =	stream.linear.scatter [tilespmem:s28], [sflag:$0x3], $0x1400, $0x38;
	[tilespmem:$0x1F500] =	vst v63  }
0x50: {  	_ =	swait.ge [sflag:s29], $0x1400  }
0x51: {  	[sflag:s29] =	ssyncset.done $0x0  }
0x52: {  	[sflag:s29] =	ssyncadd.s32 $0xFFFFEC00  }
0x53: {  	[spmem:s20] =	stream.linear.scatter [tilespmem:s28], [sflag:$0x3], $0x1400, $0x38;
	[tilespmem:$0x1F500] =	vst v63  }
0x54: {  	_ =	swait.ge [sflag:s29], $0x1400  }
0x55: {  	[sflag:s29] =	ssyncset.done $0x0  }
0x56: {  	[sflag:s29] =	ssyncadd.s32 $0xFFFFEC00  }
0x57: {  	[spmem:s21] =	stream.linear.scatter [tilespmem:s28], [sflag:$0x3], $0x1400, $0x38;
	[tilespmem:$0x1F500] =	vst v63  }
0x58: {  	_ =	swait.ge [sflag:s29], $0x1400  }
0x59: {  	[sflag:s29] =	ssyncset.done $0x0  }
0x5a: {  	[sflag:s29] =	ssyncadd.s32 $0xFFFFEC00  }
0x5b: {  	[spmem:s22] =	stream.linear.scatter [tilespmem:s28], [sflag:$0x3], $0x1400, $0x38;
	[tilespmem:$0x1F500] =	vst v63  }
0x5c: {  	_ =	swait.ge [sflag:s29], $0x1400  }
0x5d: {  	[sflag:s29] =	ssyncset.done $0x0  }
0x5e: {  	[sflag:s29] =	ssyncadd.s32 $0xFFFFEC00  }
0x5f: {  	[spmem:s23] =	stream.linear.scatter [tilespmem:s28], [sflag:$0x3], $0x1400, $0x38;
	[tilespmem:$0x1F500] =	vst v63  }
0x60: {  	_ =	swait.ge [sflag:s29], $0x1400  }
0x61: {  	[sflag:s29] =	ssyncset.done $0x0  }
0x62: {  	[sflag:s29] =	ssyncadd.s32 $0xFFFFEC00  }
0x63: {  	[spmem:s24] =	stream.linear.scatter [tilespmem:s28], [sflag:$0x3], $0x1400, $0x38;
	[tilespmem:$0x1F500] =	vst v63  }
0x64: {  	_ =	swait.ge [sflag:s29], $0x1400  }
0x65: {  	[sflag:s29] =	ssyncset.done $0x0  }
0x66: {  	[sflag:s29] =	ssyncadd.s32 $0xFFFFEC00  }
0x67: {  	[spmem:s26] =	stream.linear.scatter [tilespmem:s28], [sflag:$0x3], $0x1400, $0x38;
	[tilespmem:$0x1F500] =	vst v63  }
0x68: {  	_ =	swait.ge [sflag:s29], $0x1400  }
0x69: {  	[sflag:s29] =	ssyncset.done $0x0  }
0x6a: {  	s12 =	simm.s32 $0x200;
	s14 =	rddreg [dreg:$0x4];
	[sflag:s29] =	ssyncadd.s32 $0xFFFFEC00  }
0x6b: {  	[tilespmem:s12], [sflag:$0x3] =	stream.linear.gather [hbm4b:s14+s3], $0x2710, $0x38;
	[tilespmem:$0x1F500] =	vst v63  }
0x6c: {  	_ =	swait.ge [sflag:s29], $0x2710  }
0x6d: {  	[sflag:s29] =	ssyncset.done $0x0  }
0x6e: {  	s13 =	simm.s32 $0x2980;
	s12 =	rddreg [dreg:$0x5];
	[sflag:s29] =	ssyncadd.s32 $0xFFFFD8F0  }
0x6f: {  	[tilespmem:s13], [sflag:$0x3] =	stream.linear.gather [hbm4b:s12+s3], $0x2710, $0x38;
	[tilespmem:$0x1F500] =	vst v63  }
0x70: {  	_ =	swait.ge [sflag:s29], $0x2710  }
0x71: {  	[sflag:s29] =	ssyncset.done $0x0  }
0x72: {  	[sflag:s29] =	ssyncadd.s32 $0xFFFFD8F0  }
0x73: {  	[bflag:$0x0] =	sbarrier.arrive $0xFFFF  }
0x74: {  	v1 =	vld [tilespmem:$0x200]  }
0x75: {  	v2 =	vld [tilespmem:$0x2980]  }
0x76: {  	v3 =	vld [tilespmem:$0x210]  }
0x77: {  	v4 =	vld [tilespmem:$0x2990]  }
0x78: {  	v5 =	vld [tilespmem:$0x220]  }
0x79: {  	v62 =	vld [tilespmem:$0x240];
	[tilespmem:$0x0] =	vst v1  }
0x7a: {  	v63 =	vld [tilespmem:$0x29C0];
	[tilespmem:$0x100] =	vst v2  }
0x7b: {  	v1 =	vld [tilespmem:$0x29A0];
	[tilespmem:$0x10] =	vst v3  }
0x7c: {  	v2 =	vld [tilespmem:$0x230];
	[tilespmem:$0x110] =	vst v4  }
0x7d: {  	v3 =	vld [tilespmem:$0x29B0];
	[tilespmem:$0x20] =	vst v5  }
0x7e: {  	[tilespmem:$0x40] =	vst v62  }
0x7f: {  	[tilespmem:$0x140] =	vst v63  }
0x80: {  	[tilespmem:$0x120] =	vst v1  }
0x81: {  	[tilespmem:$0x30] =	vst v2  }
0x82: {  	s14 =	simm.s32 $0xE0;
	[tilespmem:$0x130] =	vst v3  }
0x83: {  	[tilespmem:s30], [sflag:$0x1] =	stream.indirect.gather [hbm4b:s4+s0], $0x80, s3, s0, $0xb8;
	[tilespmem:$0x1F500] =	vst v63  }
0x84: {  	v1 =	vld [tilespmem:s14+$0x170];
	_ =	sdelay $0x4  }
0x85: {  	[tilespmem:$0x80] =	vst v1  }
0x86: {  	v1 =	vld [tilespmem:s14+$0x28F0];
	_ =	sdelay $0x4  }
0x87: {  	[tilespmem:$0x180] =	vst v1  }
0x88: {  	v1 =	vld [tilespmem:s14+$0x180];
	_ =	sdelay $0x4  }
0x89: {  	[tilespmem:$0x90] =	vst v1  }
0x8a: {  	v1 =	vld [tilespmem:s14+$0x2900];
	_ =	sdelay $0x4  }
0x8b: {  	[tilespmem:$0x190] =	vst v1  }
0x8c: {  	v1 =	vld [tilespmem:s14+$0x190];
	_ =	sdelay $0x4  }
0x8d: {  	[tilespmem:$0xA0] =	vst v1  }
0x8e: {  	v1 =	vld [tilespmem:s14+$0x2910];
	_ =	sdelay $0x4  }
0x8f: {  	[tilespmem:$0x1A0] =	vst v1  }
0x90: {  	v1 =	vld [tilespmem:s14+$0x1A0];
	_ =	sdelay $0x4  }
0x91: {  	[tilespmem:$0xB0] =	vst v1  }
0x92: {  	v1 =	vld [tilespmem:s14+$0x2920];
	_ =	sdelay $0x4  }
0x93: {  	[tilespmem:$0x1B0] =	vst v1  }
0x94: {  	v1 =	vld [tilespmem:s14+$0x1B0];
	_ =	sdelay $0x4  }
0x95: {  	[tilespmem:$0xC0] =	vst v1  }
0x96: {  	v1 =	vld [tilespmem:s14+$0x2930];
	_ =	sdelay $0x4  }
0x97: {  	[tilespmem:$0x1C0] =	vst v1  }
0x98: {  	[tilespmem:s1], [sflag:$0x2] =	stream.indirect.gather [hbm4b:s4+s0], $0x80, s31, s0, $0xb8;
	[tilespmem:$0x1F500] =	vst v63  }
0x99: {  	_ =	swait.ge [sflag:s5], $0x2800  }
0x9a: {  	[sflag:s5] =	ssyncset.done $0x0  }
0x9b: {  	[sflag:s5] =	ssyncadd.s32 $0xFFFFD800  }
0x9c: {  	[spmem:s2] =	stream.indirect.scatter.add.f32 [tilespmem:s30], [sflag:$0x3], $0x80, s6, s0, $0xb8;
	[tilespmem:$0x1F500] =	vst v63  }
0x9d: {  	_ =	swait.ge [sflag:s29], $0x2800  }
0x9e: {  	[sflag:s29] =	ssyncset.done $0x0  }
0x9f: {  	[sflag:s29] =	ssyncadd.s32 $0xFFFFD800  }
0xa0: {  	v1 =	vld [tilespmem:s14+$0x1C0];
	_ =	sdelay $0x4  }
0xa1: {  	[tilespmem:$0x0] =	vst v1  }
0xa2: {  	v1 =	vld [tilespmem:s14+$0x2940];
	_ =	sdelay $0x4  }
0xa3: {  	[tilespmem:$0x100] =	vst v1  }
0xa4: {  	v1 =	vld [tilespmem:s14+$0x1D0];
	_ =	sdelay $0x4  }
0xa5: {  	[tilespmem:$0x10] =	vst v1  }
0xa6: {  	v1 =	vld [tilespmem:s14+$0x2950];
	_ =	sdelay $0x4  }
0xa7: {  	[tilespmem:$0x110] =	vst v1  }
0xa8: {  	v1 =	vld [tilespmem:s14+$0x1E0];
	_ =	sdelay $0x4  }
0xa9: {  	[tilespmem:$0x20] =	vst v1  }
0xaa: {  	v1 =	vld [tilespmem:s14+$0x2960];
	_ =	sdelay $0x4  }
0xab: {  	[tilespmem:$0x120] =	vst v1  }
0xac: {  	v1 =	vld [tilespmem:s14+$0x1F0];
	_ =	sdelay $0x4  }
0xad: {  	[tilespmem:$0x30] =	vst v1  }
0xae: {  	v1 =	vld [tilespmem:s14+$0x2970];
	_ =	sdelay $0x4  }
0xaf: {  	[tilespmem:$0x130] =	vst v1  }
0xb0: {  	v1 =	vld [tilespmem:s14+$0x200];
	_ =	sdelay $0x4  }
0xb1: {  	[tilespmem:$0x40] =	vst v1  }
0xb2: {  	v1 =	vld [tilespmem:s14+$0x2980];
	_ =	sdelay $0x4  }
0xb3: {  	[tilespmem:$0x140] =	vst v1  }
0xb4: {  	[tilespmem:s30], [sflag:$0x1] =	stream.indirect.gather [hbm4b:s4+s0], $0x80, s3, s0, $0xb8;
	[tilespmem:$0x1F500] =	vst v63  }
0xb5: {  	_ =	swait.ge [sflag:s8], $0x2800  }
0xb6: {  	[sflag:s8] =	ssyncset.done $0x0  }
0xb7: {  	[sflag:s8] =	ssyncadd.s32 $0xFFFFD800  }
0xb8: {  	[spmem:s2] =	stream.indirect.scatter.add.f32 [tilespmem:s1], [sflag:$0x3], $0x80, s9, s0, $0xb8;
	[tilespmem:$0x1F500] =	vst v63  }
0xb9: {  	_ =	swait.ge [sflag:s29], $0x2800  }
0xba: {  	s11 =	simm.s32 $0x600;
	s12 =	simm.s32 $0x880;
	[sflag:s29] =	ssyncset.done $0x0  }
.LBB2_4:
0xbb: {  	s13 =	sshra.s32 s11, $0x2  }
0xbc: {  	[sflag:s29] =	ssyncadd.s32 $0xFFFFD800;
	s11 =	smov.u32 s12;
	s14 =	sadd.s32 $0x280, s12  }
0xbd: {  	p1 =	sne.s32 s12, $0x9C00;
	v1 =	vld [tilespmem:s13+$0x170];
	_ =	sdelay $0x4  }
0xbe: {  	[tilespmem:$0x80] =	vst v1  }
0xbf: {  	v1 =	vld [tilespmem:s13+$0x28F0];
	_ =	sdelay $0x4  }
0xc0: {  	[tilespmem:$0x180] =	vst v1  }
0xc1: {  	v1 =	vld [tilespmem:s13+$0x180];
	_ =	sdelay $0x4  }
0xc2: {  	[tilespmem:$0x90] =	vst v1  }
0xc3: {  	v1 =	vld [tilespmem:s13+$0x2900];
	_ =	sdelay $0x4  }
0xc4: {  	[tilespmem:$0x190] =	vst v1  }
0xc5: {  	v1 =	vld [tilespmem:s13+$0x190];
	_ =	sdelay $0x4  }
0xc6: {  	[tilespmem:$0xA0] =	vst v1  }
0xc7: {  	v1 =	vld [tilespmem:s13+$0x2910];
	_ =	sdelay $0x4  }
0xc8: {  	[tilespmem:$0x1A0] =	vst v1  }
0xc9: {  	v1 =	vld [tilespmem:s13+$0x1A0];
	_ =	sdelay $0x4  }
0xca: {  	[tilespmem:$0xB0] =	vst v1  }
0xcb: {  	v1 =	vld [tilespmem:s13+$0x2920];
	_ =	sdelay $0x4  }
0xcc: {  	[tilespmem:$0x1B0] =	vst v1  }
0xcd: {  	v1 =	vld [tilespmem:s13+$0x1B0];
	_ =	sdelay $0x4  }
0xce: {  	[tilespmem:$0xC0] =	vst v1  }
0xcf: {  	v1 =	vld [tilespmem:s13+$0x2930];
	_ =	sdelay $0x4  }
0xd0: {  	[tilespmem:$0x1C0] =	vst v1  }
0xd1: {  	[tilespmem:s1], [sflag:$0x2] =	stream.indirect.gather [hbm4b:s4+s0], $0x80, s31, s0, $0xb8;
	[tilespmem:$0x1F500] =	vst v63  }
0xd2: {  	_ =	swait.ge [sflag:s5], $0x2800  }
0xd3: {  	[sflag:s5] =	ssyncset.done $0x0  }
0xd4: {  	[sflag:s5] =	ssyncadd.s32 $0xFFFFD800  }
0xd5: {  	[spmem:s2] =	stream.indirect.scatter.add.f32 [tilespmem:s30], [sflag:$0x3], $0x80, s6, s0, $0xb8;
	[tilespmem:$0x1F500] =	vst v63  }
0xd6: {  	_ =	swait.ge [sflag:s29], $0x2800  }
0xd7: {  	[sflag:s29] =	ssyncset.done $0x0  }
0xd8: {  	[sflag:s29] =	ssyncadd.s32 $0xFFFFD800  }
0xd9: {  	v1 =	vld [tilespmem:s13+$0x1C0];
	_ =	sdelay $0x4  }
0xda: {  	[tilespmem:$0x0] =	vst v1  }
0xdb: {  	v1 =	vld [tilespmem:s13+$0x2940];
	_ =	sdelay $0x4  }
0xdc: {  	[tilespmem:$0x100] =	vst v1  }
0xdd: {  	v1 =	vld [tilespmem:s13+$0x1D0];
	_ =	sdelay $0x4  }
0xde: {  	[tilespmem:$0x10] =	vst v1  }
0xdf: {  	v1 =	vld [tilespmem:s13+$0x2950];
	_ =	sdelay $0x4  }
0xe0: {  	[tilespmem:$0x110] =	vst v1  }
0xe1: {  	v1 =	vld [tilespmem:s13+$0x1E0];
	_ =	sdelay $0x4  }
0xe2: {  	[tilespmem:$0x20] =	vst v1  }
0xe3: {  	v1 =	vld [tilespmem:s13+$0x2960];
	_ =	sdelay $0x4  }
0xe4: {  	[tilespmem:$0x120] =	vst v1  }
0xe5: {  	v1 =	vld [tilespmem:s13+$0x1F0];
	_ =	sdelay $0x4  }
0xe6: {  	[tilespmem:$0x30] =	vst v1  }
0xe7: {  	v1 =	vld [tilespmem:s13+$0x2970];
	_ =	sdelay $0x4  }
0xe8: {  	[tilespmem:$0x130] =	vst v1  }
0xe9: {  	v1 =	vld [tilespmem:s13+$0x200];
	_ =	sdelay $0x4  }
0xea: {  	[tilespmem:$0x40] =	vst v1  }
0xeb: {  	v1 =	vld [tilespmem:s13+$0x2980];
	_ =	sdelay $0x4  }
0xec: {  	[tilespmem:$0x140] =	vst v1  }
0xed: {  	[tilespmem:s30], [sflag:$0x1] =	stream.indirect.gather [hbm4b:s4+s0], $0x80, s3, s0, $0xb8;
	[tilespmem:$0x1F500] =	vst v63  }
0xee: {  	_ =	swait.ge [sflag:s8], $0x2800  }
.Ltmp1:
0xef: {  	[sflag:s8] =	ssyncset.done $0x0;
	(pc) =	sbr.rel @p1 .LBB2_4-.Ltmp1, $4  }
0xf0: {  	[sflag:s8] =	ssyncadd.s32 $0xFFFFD800  }
0xf1: {  	[spmem:s2] =	stream.indirect.scatter.add.f32 [tilespmem:s1], [sflag:$0x3], $0x80, s9, s0, $0xb8;
	[tilespmem:$0x1F500] =	vst v63  }
0xf2: {  	_ =	swait.ge [sflag:s29], $0x2800  }
0xf3: {  	s12 =	smov.u32 s14;
	[sflag:s29] =	ssyncset.done $0x0  }
0xf4: {  	s11 =	sshra.s32 s11, $0x2;
	[sflag:s29] =	ssyncadd.s32 $0xFFFFD800  }
0xf5: {  	v1 =	vld [tilespmem:s11+$0x170];
	_ =	sdelay $0x4  }
0xf6: {  	[tilespmem:$0x80] =	vst v1  }
0xf7: {  	v1 =	vld [tilespmem:s11+$0x28F0];
	_ =	sdelay $0x4  }
0xf8: {  	[tilespmem:$0x180] =	vst v1  }
0xf9: {  	v1 =	vld [tilespmem:s11+$0x180];
	_ =	sdelay $0x4  }
0xfa: {  	[tilespmem:$0x90] =	vst v1  }
0xfb: {  	v1 =	vld [tilespmem:s11+$0x2900];
	_ =	sdelay $0x4  }
0xfc: {  	[tilespmem:$0x190] =	vst v1  }
0xfd: {  	v1 =	vld [tilespmem:s11+$0x190];
	_ =	sdelay $0x4  }
0xfe: {  	[tilespmem:$0xA0] =	vst v1  }
0xff: {  	v1 =	vld [tilespmem:s11+$0x2910];
	_ =	sdelay $0x4  }
0x100: {  	[tilespmem:$0x1A0] =	vst v1  }
0x101: {  	v1 =	vld [tilespmem:s11+$0x1A0];
	_ =	sdelay $0x4  }
0x102: {  	[tilespmem:$0xB0] =	vst v1  }
0x103: {  	v1 =	vld [tilespmem:s11+$0x2920];
	_ =	sdelay $0x4  }
0x104: {  	[tilespmem:$0x1B0] =	vst v1  }
0x105: {  	v1 =	vld [tilespmem:s11+$0x1B0];
	_ =	sdelay $0x4  }
0x106: {  	[tilespmem:$0xC0] =	vst v1  }
0x107: {  	v1 =	vld [tilespmem:s11+$0x2930];
	_ =	sdelay $0x4  }
0x108: {  	[tilespmem:$0x1C0] =	vst v1  }
0x109: {  	[tilespmem:s1], [sflag:$0x2] =	stream.indirect.gather [hbm4b:s4+s0], $0x80, s31, s0, $0xb8;
	[tilespmem:$0x1F500] =	vst v63  }
0x10a: {  	_ =	swait.ge [sflag:s5], $0x2800  }
0x10b: {  	[sflag:s5] =	ssyncset.done $0x0  }
0x10c: {  	[sflag:s5] =	ssyncadd.s32 $0xFFFFD800  }
0x10d: {  	[spmem:s2] =	stream.indirect.scatter.add.f32 [tilespmem:s30], [sflag:$0x3], $0x80, s6, s0, $0xb8;
	[tilespmem:$0x1F500] =	vst v63  }
0x10e: {  	_ =	swait.ge [sflag:s29], $0x2800  }
0x10f: {  	[sflag:s29] =	ssyncset.done $0x0  }
0x110: {  	[sflag:s29] =	ssyncadd.s32 $0xFFFFD800  }
0x111: {  	v1 =	vld [tilespmem:s11+$0x1C0];
	_ =	sdelay $0x4  }
0x112: {  	[tilespmem:$0x0] =	vst v1  }
0x113: {  	v1 =	vld [tilespmem:s11+$0x2940];
	_ =	sdelay $0x4  }
0x114: {  	[tilespmem:$0x100] =	vst v1  }
0x115: {  	v1 =	vld [tilespmem:s11+$0x1D0];
	_ =	sdelay $0x4  }
0x116: {  	[tilespmem:$0x10] =	vst v1  }
0x117: {  	v1 =	vld [tilespmem:s11+$0x2950];
	_ =	sdelay $0x4  }
0x118: {  	[tilespmem:$0x110] =	vst v1  }
0x119: {  	v1 =	vld [tilespmem:s11+$0x1E0];
	_ =	sdelay $0x4  }
0x11a: {  	[tilespmem:$0x20] =	vst v1  }
0x11b: {  	v1 =	vld [tilespmem:s11+$0x2960];
	_ =	sdelay $0x4  }
0x11c: {  	[tilespmem:$0x120] =	vst v1  }
0x11d: {  	v1 =	vld [tilespmem:s11+$0x1F0];
	_ =	sdelay $0x4  }
0x11e: {  	[tilespmem:$0x30] =	vst v1  }
0x11f: {  	v1 =	vld [tilespmem:s11+$0x2970];
	_ =	sdelay $0x4  }
0x120: {  	[tilespmem:$0x130] =	vst v1  }
0x121: {  	v1 =	vld [tilespmem:s11+$0x200];
	_ =	sdelay $0x4  }
0x122: {  	[tilespmem:$0x40] =	vst v1  }
0x123: {  	v1 =	vld [tilespmem:s11+$0x2980];
	_ =	sdelay $0x4  }
0x124: {  	[tilespmem:$0x140] =	vst v1  }
0x125: {  	[tilespmem:s30], [sflag:$0x1] =	stream.indirect.gather [hbm4b:s4+s0], $0x80, s3, s0, $0xb8;
	[tilespmem:$0x1F500] =	vst v63  }
0x126: {  	_ =	swait.ge [sflag:s8], $0x2800  }
0x127: {  	[sflag:s8] =	ssyncset.done $0x0  }
0x128: {  	[sflag:s8] =	ssyncadd.s32 $0xFFFFD800  }
0x129: {  	[spmem:s2] =	stream.indirect.scatter.add.f32 [tilespmem:s1], [sflag:$0x3], $0x80, s9, s0, $0xb8;
	[tilespmem:$0x1F500] =	vst v63  }
0x12a: {  	_ =	swait.ge [sflag:s29], $0x2800  }
0x12b: {  	[sflag:s29] =	ssyncset.done $0x0  }
0x12c: {  	[sflag:s29] =	ssyncadd.s32 $0xFFFFD800  }
0x12d: {  	_ =	swait.ge [sflag:s5], $0x2800  }
0x12e: {  	[sflag:s5] =	ssyncset.done $0x0  }
0x12f: {  	[sflag:s5] =	ssyncadd.s32 $0xFFFFD800  }
0x130: {  	[spmem:s2] =	stream.indirect.scatter.add.f32 [tilespmem:s30], [sflag:$0x3], $0x80, s6, s0, $0xb8;
	[tilespmem:$0x1F500] =	vst v63  }
0x131: {  	_ =	swait.ge [sflag:s29], $0x2800  }
0x132: {  	[sflag:s29] =	ssyncset.done $0x0  }
0x133: {  	[sflag:s29] =	ssyncadd.s32 $0xFFFFD800  }
0x134: {  	[bflag:$0x0] =	sbarrier.arrive $0xFFFF  }
0x135: {  	s11 =	simm.s32 @p0 $0x1FC3;
	s12 =	rddreg [dreg:$0x7]  }
0x136: {  	[hbm:s12], [sflag:s11] =	dma.local @p0 [spmem:s25], $0x1900  }
0x137: {  	s11 =	simm.s32 @p0 $0x3  }
0x138: {  	s12 =	stileid.u32;
	_ =	swait.ge @p0 [sflag:s11], $0x1900  }
0x139: {  	s12 =	sshll.u32 @!p0 s12, $0x6;
	[sflag:s11] =	ssyncset.done @p0 $0x0;
	s13 =	rddreg [dreg:$0x6]  }
0x13a: {  	[sflag:s11] =	ssyncadd.s32 @p0 $0xFFFFE700;
	s11 =	sor.u32 @!p0 $0x1C03, s12;
	s12 =	sshrl.u32 @!p0 s7, $0x3  }
0x13b: {  	[hbm:s13], [sflag:s11] =	dma.local @!p0 [spmem:s12], $0x2800  }
0x13c: {  	s11 =	simm.s32 @!p0 $0x3  }
0x13d: {  	_ =	swait.ge @!p0 [sflag:s11], $0x2800  }
0x13e: {  	s10 =	sadd.s32 $0x1, s10;
	s14 =	rddreg [dreg:$0x8]  }
0x13f: {  	p1 =	sne.s32 s10, s14  }
.Ltmp2:
0x140: {  	_ = 	snop;
	(pc) =	sbr.rel @p1 .LBB2_1-.Ltmp2, $3  }
0x141: {  	[sflag:s11] =	ssyncset.done @!p0 $0x0  }
0x142: {  	[sflag:s11] =	ssyncadd.s32 @!p0 $0xFFFFD800  }
0x143: {  	[bflag:$0x0] =	sbarrier.arrive $0xFFFF;
	_ =	sdelay $0x1  }
0x144: {  	_ =	sfence.sel $0x180000  }
0x145: {  	[bflag:$0x0] =	sbarrier.arrive $0xFFFF  }
0x146: {  	_ =	strace $0x9000004A  }
0x147: {  	s0 =	stileid.u32;
	[bflag:$0x2] =	sbarrier.arrive $0xFFFF  }
0x148: {  	p0 =	sne.s32 s0, $0x0;
	s0 =	rddreg [dreg:$0x3]  }
0x149: {  	s0 =	sadd.s32 @!p0 $0x100000, s0  }
0x14a: {  	[sflag:s0] =	ssyncadd.tile.s32 @!p0 $0x1;
	_ =	shalt  }
.Lfunc_end2:
_tile_overlayer_lowered:
.L_overlay_start_2:
0x14b: {  	(tag) =	ssettag $0x2  }
0x14c: {  	s0 =	rddreg [dreg:$0x0];
	s2 =	stileid.u32  }
0x14d: {  	s1 =	rddreg [dreg:$0x1];
	p0 =	sne.s32 s2, $0x0  }
0x14e: {  	s3 =	rddreg [dreg:$0x2];
	[bflag:$0x3] =	sbarrier.arrive $0xFFFF;
	s2 =	simm.s32 @!p0 $0x1C03  }
0x14f: {  	[timem:s3], [sflag:s2] =	dma.local @!p0 [hbm:s0], s1  }
0x150: {  	s0 =	simm.s32 @!p0 $0x3  }
0x151: {  	_ =	swait.ge @!p0 [sflag:s0], s1  }
0x152: {  	s1 =	ssub.s32 @!p0 $0x0, s1;
	[sflag:s0] =	ssyncset.done @!p0 $0x0  }
0x153: {  	[sflag:s0] =	ssyncadd.s32 @!p0 s1  }
0x154: {  	[bflag:$0x3] =	sbarrier.arrive $0xFFFF  }
0x155: {  	_ =	shalt  }

// kernel: _run.18.cloned.1.call-start
scs
__scs_entry_jumppad:
0x0: {  	(pc) =	sbr.rel $0x88, $3  }
0x1: {  	(tag) =	ssettag $0x0;
	lr =	simm.s32 $0x1  }
0x2: {  	[smem:$0x3F93] =	sst lr;
	_ =	strace $0xD0000000  }
0x3: {  	_ = 	snop  }
0x4: {  	_ = 	snop  }
0x5: {  	_ = 	snop  }
0x6: {  	_ = 	snop  }
0x7: {  	_ = 	snop  }
__scs_overlays_trampoline_lowered:
0x8: {  	[smem:$0x3FA2] =	sst s0  }
0x9: {  	[smem:$0x3FA3] =	sst s1  }
0xa: {  	[smem:$0x3FA4] =	sst s2  }
0xb: {  	[smem:$0x3FA5] =	sst s3  }
0xc: {  	[smem:$0x3FA6] =	sst s4  }
0xd: {  	[smem:$0x3FA7] =	sst s5  }
0xe: {  	[smem:$0x3FA8] =	sst s6  }
0xf: {  	[smem:$0x3FA9] =	sst s7  }
0x10: {  	[smem:$0x3FAA] =	sst s8  }
0x11: {  	[smem:$0x3FAB] =	sst s9;
	s0 =	simm.s32 @!p0 $0x0  }
0x12: {  	s1 =	sld [smem:$0x3F91];
	s0 =	simm.s32 @p0 $0x1  }
0x13: {  	[smem:$0x3FAC] =	sst s0;
	s0 =	simm.s32 @!p1 $0x0  }
0x14: {  	s2 =	sld [smem:$0x3F90];
	s0 =	simm.s32 @p1 $0x1  }
0x15: {  	[smem:$0x3FAD] =	sst s0;
	s0 =	simm.s32 @!p2 $0x0  }
0x16: {  	s3 =	sld [smem:$0x3FDB];
	s0 =	simm.s32 @p2 $0x1  }
0x17: {  	s4 =	simm.s32 $0x1BF5;
	[smem:$0x3FAF] =	sst s0  }
0x18: {  	s0 =	sld [smem:$0x3F92];
	_ =	swait.ge [sflag:s4], $0x0  }
0x19: {  	s7 =	sld [smem:$0x3F93]  }
0x1a: {  	s8 =	sadd.s32 $0xFFFFE003, lr  }
0x1b: {  	s9 =	sadd.s32 $0xFFFFFEF7, lr;
	s5 =	simm.s32 $0xFFFFFFFF;
	p2 =	slt.u32 s8, $0xFFFFF086  }
0x1c: {  	p1 =	slt.u32 s9, $0xF7A;
	s5 =	simm.s32 @!p2 $0x0  }
0x1d: {  	s5 =	simm.s32 @p1 $0x1;
	p0 =	seq.s32 s7, s2  }
0x1e: {  	s7 =	smul.u32 @!p0 $0xF7A, s2;
	p2 =	seq.s32 @!p0 s5, $0x0  }
0x1f: {  	s9 =	smul.u32 $0xF7A, s1;
	s8 =	simm.s32 @!p0 $0x1BF5;
	p2 =	por !p2, p0  }
0x20: {  	[sflag:s8] =	ssyncset.s32 @!p0 $0xFFFFF086;
	s6 =	sadd.s32 @!p0 s3, s7;
	s7 =	simm.s32 @!p0 $0x108  }
0x21: {  	s3 =	sadd.s32 s3, s9;
	s6 =	sadd.s32 @!p0 $0x88, s6;
	s7 =	simm.s32 @p2 $0x1082  }
0x22: {  	[simem:s7], [sflag:s8] =	dma.local @!p0 [hbm:s6], $0xF7A  }
0x23: {  	s9 =	sor.u32 $0xD0000000, s2;
	s6 =	simm.s32 $0x108;
	_ =	swait.ge @!p0 [sflag:s8], $0x0  }
0x24: {  	s3 =	sadd.s32 $0x88, s3;
	s6 =	simm.s32 @!p1 $0x1082;
	[sflag:s4] =	ssyncset.s32 $0xFFFFF086  }
0x25: {  	[simem:s6], [sflag:s4] =	dma.local [hbm:s3], $0xF7A  }
0x26: {  	[smem:$0x3F93] =	sst s1;
	(tag) =	ssettag s2;
	_ =	strace s9  }
0x27: {  	s1 =	sld [smem:$0x3FA3]  }
0x28: {  	s2 =	sld [smem:$0x3FA4]  }
0x29: {  	s4 =	sld [smem:$0x3FA6]  }
0x2a: {  	p0 =	seq.s32 s5, $0x0;
	s5 =	sld [smem:$0x3FA7]  }
0x2b: {  	s6 =	sld [smem:$0x3FA8]  }
0x2c: {  	s7 =	sld [smem:$0x3FA9]  }
0x2d: {  	s3 =	simm.s32 $0x108;
	s8 =	sld [smem:$0x3FAA]  }
0x2e: {  	s3 =	simm.s32 @!p0 $0x1082;
	s9 =	sld [smem:$0x3FAB]  }
0x2f: {  	lr =	sadd.s32 s0, s3;
	s0 =	sld [smem:$0x3FA2]  }
0x30: {  	s3 =	sld [smem:$0x3FA5]  }
0x31: {  	[smem:$0x3FAE] =	sst s10  }
0x32: {  	s10 =	sld [smem:$0x3FAC];
	_ =	sdelay $0x3  }
0x33: {  	p0 =	seq.s32 s10, $0x1;
	s10 =	sld [smem:$0x3FAE];
	_ =	sdelay $0x3  }
0x34: {  	[smem:$0x3FAE] =	sst s10  }
0x35: {  	s10 =	sld [smem:$0x3FAD];
	_ =	sdelay $0x3  }
0x36: {  	p1 =	seq.s32 s10, $0x1;
	s10 =	sld [smem:$0x3FAE];
	_ =	sdelay $0x3  }
0x37: {  	[smem:$0x3FAE] =	sst s10  }
0x38: {  	s10 =	sld [smem:$0x3FAF]  }
0x39: {  	_ = 	snop;
	(pc) =	sbr.ind lr, $3  }
0x3a: {  	_ = 	snop  }
0x3b: {  	_ = 	snop  }
0x3c: {  	p2 =	seq.s32 s10, $0x1;
	s10 =	sld [smem:$0x3FAE]  }
0x3d: {  	_ =	shalt  }
0x3e: {  	_ =	shalt  }
0x3f: {  	_ =	shalt  }
0x40: {  	_ =	shalt  }
0x41: {  	_ =	shalt  }
0x42: {  	_ =	shalt  }
0x43: {  	_ =	shalt  }
0x44: {  	_ =	shalt  }
0x45: {  	_ =	shalt  }
0x46: {  	_ =	shalt  }
0x47: {  	_ =	shalt  }
0x48: {  	_ =	shalt  }
0x49: {  	_ =	shalt  }
0x4a: {  	_ =	shalt  }
0x4b: {  	_ =	shalt  }
0x4c: {  	_ =	shalt  }
0x4d: {  	_ =	shalt  }
0x4e: {  	_ =	shalt  }
0x4f: {  	_ =	shalt  }
0x50: {  	_ =	shalt  }
0x51: {  	_ =	shalt  }
0x52: {  	_ =	shalt  }
0x53: {  	_ =	shalt  }
0x54: {  	_ =	shalt  }
0x55: {  	_ =	shalt  }
0x56: {  	_ =	shalt  }
0x57: {  	_ =	shalt  }
0x58: {  	_ =	shalt  }
0x59: {  	_ =	shalt  }
0x5a: {  	_ =	shalt  }
0x5b: {  	_ =	shalt  }
0x5c: {  	_ =	shalt  }
0x5d: {  	_ =	shalt  }
0x5e: {  	_ =	shalt  }
0x5f: {  	_ =	shalt  }
0x60: {  	_ =	shalt  }
0x61: {  	_ =	shalt  }
0x62: {  	_ =	shalt  }
0x63: {  	_ =	shalt  }
0x64: {  	_ =	shalt  }
0x65: {  	_ =	shalt  }
0x66: {  	_ =	shalt  }
0x67: {  	_ =	shalt  }
0x68: {  	_ =	shalt  }
0x69: {  	_ =	shalt  }
0x6a: {  	_ =	shalt  }
0x6b: {  	_ =	shalt  }
0x6c: {  	_ =	shalt  }
0x6d: {  	_ =	shalt  }
0x6e: {  	_ =	shalt  }
0x6f: {  	_ =	shalt  }
0x70: {  	_ =	shalt  }
0x71: {  	_ =	shalt  }
0x72: {  	_ =	shalt  }
0x73: {  	_ =	shalt  }
0x74: {  	_ =	shalt  }
0x75: {  	_ =	shalt  }
0x76: {  	_ =	shalt  }
0x77: {  	_ =	shalt  }
0x78: {  	_ =	shalt  }
0x79: {  	_ =	shalt  }
0x7a: {  	_ =	shalt  }
0x7b: {  	_ =	shalt  }
0x7c: {  	_ =	shalt  }
0x7d: {  	_ =	shalt  }
0x7e: {  	_ =	shalt  }
0x7f: {  	_ =	shalt  }
0x80: {  	_ =	shalt  }
0x81: {  	_ =	shalt  }
0x82: {  	_ =	shalt  }
0x83: {  	_ =	shalt  }
0x84: {  	_ =	shalt  }
0x85: {  	_ =	shalt  }
0x86: {  	_ =	shalt  }
0x87: {  	_ =	shalt  }
.Lfunc_end0:
.L_simem_size_0:
called_computation.2_lowered:
.L_overlay_start_0:
0x88: {  	s2 =	sld [smem:$0x3FD9]  }
0x89: {  	s3 =	sld [smem:$0x3FFE];
	_ =	sdelay $0x1  }
0x8a: {  	s1 =	srdreg.scid  }
0x8b: {  	s0 =	sand.u32 $0x1, s1  }
0x8c: {  	s17 =	sshll.u32 s0, $0xA;
	s2 =	sadd.s32 s3, s2  }
0x8d: {  	s2 =	sadd.s32 s2, s17  }
0x8e: {  	[smem:$0x3FBA] =	sst s2  }
0x8f: {  	_ = 	snop  }
0x90: {  	s2 =	sld [smem:$0x3FD0];
	(tm) =	ssettm $0x1  }
0x91: {  	s18 =	sld [smem:$0x3FFB];
	_ =	sdelay $0x3  }
0x92: {  	_ =	strace s18  }
0x93: {  	s3 =	sld [smem:$0x3FFC];
	_ =	sdelay $0x3  }
0x94: {  	_ =	strace s3  }
0x95: {  	s3 =	sld [smem:$0x3FFD];
	_ =	sdelay $0x3  }
0x96: {  	_ =	strace s3  }
0x97: {  	_ =	strace $0x8FFFFFFF  }
0x98: {  	s19 =	sld [smem:$0x3FDB];
	_ =	sdelay $0x1  }
0x99: {  	s4 =	simm.s32 $_scs_section_size  }
0x9a: {  	s5 =	simm.s32 $_size__tile_overlayer_lowered;
	s6 =	simm.s32 $_tile_overlayer_lowered  }
0x9b: {  	s22 =	simm.s32 $0x1BFF;
	s21 =	sshll.u32 s6, $0x1;
	s3 =	sadd.s32 s4, s19  }
0x9c: {  	s7 =	simm.s32 $0x0;
	s20 =	sshll.u32 s5, $0x1;
	s5 =	sadd.s32 s21, s3  }
0x9d: {  	[timem:s7], [sflag:s22] =	dma.local [hbm:s5], s20  }
0x9e: {  	_ =	swait.ge [sflag:s22], s20  }
0x9f: {  	s4 =	ssub.s32 $0x0, s20;
	[sflag:s22] =	ssyncset.done $0x0  }
0xa0: {  	[sflag:s22] =	ssyncadd.s32 s4;
	_ =	sdelay $0x1  }
0xa1: {  	s23 =	simm.s32 $0x1B8B  }
0xa2: {  	_ =	swait.ge [sflag:s23], $0x1  }
0xa3: {  	[sflag:s23] =	ssyncset.done $0x0  }
0xa4: {  	s25 =	simm.s32 $0x1B8E;
	s24 =	sld [smem:$0x3FFE];
	[sflag:s23] =	ssyncadd.s32 $0xFFFFFFFF  }
0xa5: {  	s26 =	simm.s32 $execute0_lowered;
	[smem:$0x3FD2] =	sst s25  }
0xa6: {  	s5 =	sshll.u32 s26, $0x1;
	_ =	strace $0x8000004C;
	[dreg:$0x1] =	wrdreg $0xFFFFFFFF  }
0xa7: {  	s28 =	simm.s32 $_size_execute0_lowered;
	s3 =	sadd.s32 s3, s5;
	[dreg:$0x0] =	wrdreg $0x0  }
0xa8: {  	s5 =	sshll.u32 s28, $0x1;
	[dreg:$0x2] =	wrdreg s3  }
0xa9: {  	[dreg:$0x3] =	wrdreg s5  }
0xaa: {  	[dreg:$0x4] =	wrdreg $0xC0  }
0xab: {  	_ =	task [dreg:s7], $0x5FFFF  }
0xac: {  	[dreg:$0x1] =	wrdreg $0xFFFFFFFF  }
0xad: {  	[dreg:$0x0] =	wrdreg $0x60  }
0xae: {  	[dreg:$0x2] =	wrdreg s24  }
0xaf: {  	[dreg:$0x3] =	wrdreg s2  }
0xb0: {  	[dreg:$0x4] =	wrdreg $0xB5000  }
0xb1: {  	[dreg:$0x5] =	wrdreg $0x9  }
0xb2: {  	_ =	task.clear_ibuf [dreg:s7], $0x6FFFF;
	_ =	strace $0x9000004C  }
0xb3: {  	s29 =	simm.s32 $0x9;
	_ =	strace $0x8000004E  }
0xb4: {  	_ =	swait.ge [sflag:s29], $0x1  }
0xb5: {  	[sflag:s29] =	ssyncadd.s32 $0xFFFFFFFF  }
0xb6: {  	_ =	strace $0x9000004E  }
0xb7: {  	_ =	sfence  }
0xb8: {  	s30 =	sld [smem:$0x0];
	_ =	sdelay $0x2  }
0xb9: {  	s31 =	sshll.u32 s1, $0xD;
	s1 =	sshrl.u32 s1, $0x2  }
0xba: {  	s3 =	sand.u32 $0x4000, s31;
	s1 =	sadd.s32 s1, s30  }
0xbb: {  	s0 =	sor.u32 s3, s0;
	s1 =	sshll.u32 s1, $0x11  }
0xbc: {  	s0 =	sor.u32 s1, s0  }
0xbd: {  	s0 =	sadd.s32 $0x8F2B, s0  }
0xbe: {  	[sflag:s0] =	ssyncadd.remote.s32 $0x1  }
0xbf: {  	_ =	sfence.sel $0xFFFF  }
0xc0: {  	[dreg:$0x0] =	wrdreg $0xFFFFFFFF;
	(pc) =	sbr.abs _section_cstart, $3  }
0xc1: {  	[dreg:$0x1] =	wrdreg $0xFFFFFFFF  }
0xc2: {  	_ =	task.clear_ibuf [dreg:s7], $0x2FFFF;
	_ =	strace $0x9FFFFFFF  }
0xc3: {  	(tm) =	ssettm $0x7FFFFFFF  }
tec
execute0_lowered:
.L_overlay_start_1:
0x0: {  	(tag) =	ssettag $0x1  }
0x1: {  	s0 =	srdreg.scid;
	s1 =	rddreg [dreg:$0x0]  }
0x2: {  	s5 =	rddreg [dreg:$0x1];
	s13 =	stileid.u32  }
0x3: {  	s2 =	rddreg [dreg:$0x2];
	s28 =	simm.s32 $0xA100;
	s29 =	simm.s32 $0x3  }
0x4: {  	s30 =	simm.s32 $0x5100;
	s31 =	simm.s32 $0x80;
	s7 =	smul.u32 $0x50000, s13  }
0x5: {  	s0 =	sand.u32 $0x1, s0;
	s11 =	smul.u32 $0x2800, s13;
	p0 =	seq.s32 s13, $0xF  }
0x6: {  	s3 =	sshll.u32 s0, $0x4;
	s8 =	smul.u32 $0x27100, s0;
	s10 =	ssub.s32 $0x2, s0  }
0x7: {  	s0 =	smul.u32 $0x138800, s0;
	s4 =	sor.u32 s13, s3;
	s3 =	simm.s32 $0x0  }
0x8: {  	s12 =	sshrl.u32 s10, $0x1;
	s19 =	sshrl.u32 s7, $0x2;
	s6 =	smul.u32 $0x4E2, s4  }
0x9: {  	[smem:$0x7FF] =	sst s3;
	s4 =	sadd.s32 $0x31C000, s1;
	s10 =	ssub.s32 s10, s12  }
0xa: {  	s20 =	sadd.s32 s11, s8;
	s0 =	sshrl.u32 s0, $0x3;
	s7 =	sadd.s32 s19, s2  }
0xb: {  	s8 =	simm.s32 $0x2;
	_ =	strace $0x8000004D;
	s22 =	smax.u32 s10, $0x1  }
0xc: {  	s23 =	sadd.s32 $0x1400, s7;
	s24 =	sadd.s32 $0x2800, s7;
	s25 =	sadd.s32 $0x3C00, s7  }
0xd: {  	s26 =	sadd.s32 $0x5000, s7;
	s15 =	sadd.s32 $0x6400, s7;
	[dreg:$0x8] =	wrdreg s22  }
0xe: {  	s16 =	sadd.s32 $0x7800, s7;
	s17 =	sadd.s32 $0x8C00, s7;
	[dreg:$0x9] =	wrdreg s23  }
0xf: {  	s19 =	sadd.s32 $0xB400, s7;
	s10 =	simm.s32 $0x0;
	[dreg:$0xa] =	wrdreg s24  }
0x10: {  	s9 =	sadd.s32 s6, s1;
	s1 =	sadd.s32 $0xEA00, s1;
	[dreg:$0xb] =	wrdreg s25  }
0x11: {  	s5 =	sadd.s32 s5, s6;
	[dreg:$0xc] =	wrdreg s26;
	s22 =	sadd.s32 $0xF000, s7  }
0x12: {  	s23 =	sadd.s32 $0x10400, s7;
	s24 =	sadd.s32 $0x11800, s7;
	s26 =	sadd.s32 $0x12C00, s7  }
0x13: {  	s6 =	simm.s32 $0x100;
	[dreg:$0x4] =	wrdreg s5;
	s18 =	sadd.s32 $0x4C00, s9  }
0x14: {  	s21 =	sadd.s32 s1, s20;
	s0 =	sadd.s32 s1, s0;
	s1 =	sadd.s32 $0x12C000, s2  }
0x15: {  	s20 =	sadd.s32 $0xC800, s7;
	s5 =	simm.s32 $0x1;
	[dreg:$0x5] =	wrdreg s18  }
0x16: {  	s9 =	simm.s32 $0x180;
	[dreg:$0x6] =	wrdreg s21;
	s0 =	sadd.s32 $0x25800, s0  }
0x17: {  	s18 =	sadd.s32 $0xA000, s7;
	s21 =	sadd.s32 $0xDC00, s7;
	s25 =	sshrl.u32 @p0 s1, $0x3  }
0x18: {  	v0 =	vimm.f32 $0.0e+00;
	s1 =	simm.s32 $0x50;
	[dreg:$0x7] =	wrdreg s0;
	s0 =	simm.s32 $0x7900  }
.LBB2_1:
0x19: {  	s11 =	simm.s32 $0x0;
	s12 =	simm.s32 $0x200  }
.LBB2_2:
0x1a: {  	p1 =	sne.s32 s12, $0x4E00;
	[tilespmem:s11+$0xA170] =	vst v0  }
0x1b: {  	[tilespmem:s11+$0xA100] =	vst v0  }
0x1c: {  	[tilespmem:s11+$0xA110] =	vst v0  }
.Ltmp0:
0x1d: {  	[tilespmem:s11+$0xA120] =	vst v0;
	(pc) =	sbr.rel @p1 .LBB2_2-.Ltmp0, $4  }
0x1e: {  	[tilespmem:s11+$0xA130] =	vst v0  }
0x1f: {  	[tilespmem:s11+$0xA140] =	vst v0  }
0x20: {  	[tilespmem:s11+$0xA150] =	vst v0  }
0x21: {  	[tilespmem:s11+$0xA160] =	vst v0;
	s11 =	sshra.s32 s12, $0x2;
	s12 =	sadd.s32 $0x200, s12  }
0x22: {  	[tilespmem:s11+$0xA170] =	vst v0  }
0x23: {  	[tilespmem:s11+$0xA100] =	vst v0  }
0x24: {  	[tilespmem:s11+$0xA110] =	vst v0  }
0x25: {  	[tilespmem:s11+$0xA120] =	vst v0  }
0x26: {  	[tilespmem:s11+$0xA130] =	vst v0  }
0x27: {  	[tilespmem:s11+$0xA140] =	vst v0  }
0x28: {  	[tilespmem:s11+$0xA150] =	vst v0  }
0x29: {  	[tilespmem:s11+$0xA160] =	vst v0  }
0x2a: {  	[spmem:s7] =	stream.linear.scatter [tilespmem:s28], [sflag:$0x3], $0x1400, $0x38;
	[tilespmem:$0x1F500] =	vst v63  }
0x2b: {  	_ =	swait.ge [sflag:s29], $0x1400  }
0x2c: {  	[sflag:s29] =	ssyncset.done $0x0  }
0x2d: {  	s13 =	rddreg [dreg:$0x9];
	[sflag:s29] =	ssyncadd.s32 $0xFFFFEC00  }
0x2e: {  	[spmem:s13] =	stream.linear.scatter [tilespmem:s28], [sflag:$0x3], $0x1400, $0x38;
	[tilespmem:$0x1F500] =	vst v63  }
0x2f: {  	_ =	swait.ge [sflag:s29], $0x1400  }
0x30: {  	[sflag:s29] =	ssyncset.done $0x0  }
0x31: {  	s14 =	rddreg [dreg:$0xa];
	[sflag:s29] =	ssyncadd.s32 $0xFFFFEC00  }
0x32: {  	[spmem:s14] =	stream.linear.scatter [tilespmem:s28], [sflag:$0x3], $0x1400, $0x38;
	[tilespmem:$0x1F500] =	vst v63  }
0x33: {  	_ =	swait.ge [sflag:s29], $0x1400  }
0x34: {  	[sflag:s29] =	ssyncset.done $0x0  }
0x35: {  	s12 =	rddreg [dreg:$0xb];
	[sflag:s29] =	ssyncadd.s32 $0xFFFFEC00  }
0x36: {  	[spmem:s12] =	stream.linear.scatter [tilespmem:s28], [sflag:$0x3], $0x1400, $0x38;
	[tilespmem:$0x1F500] =	vst v63  }
0x37: {  	_ =	swait.ge [sflag:s29], $0x1400  }
0x38: {  	[sflag:s29] =	ssyncset.done $0x0  }
0x39: {  	s13 =	rddreg [dreg:$0xc];
	[sflag:s29] =	ssyncadd.s32 $0xFFFFEC00  }
0x3a: {  	[spmem:s13] =	stream.linear.scatter [tilespmem:s28], [sflag:$0x3], $0x1400, $0x38;
	[tilespmem:$0x1F500] =	vst v63  }
0x3b: {  	_ =	swait.ge [sflag:s29], $0x1400  }
0x3c: {  	[sflag:s29] =	ssyncset.done $0x0  }
0x3d: {  	[sflag:s29] =	ssyncadd.s32 $0xFFFFEC00  }
0x3e: {  	[spmem:s15] =	stream.linear.scatter [tilespmem:s28], [sflag:$0x3], $0x1400, $0x38;
	[tilespmem:$0x1F500] =	vst v63  }
0x3f: {  	_ =	swait.ge [sflag:s29], $0x1400  }
0x40: {  	[sflag:s29] =	ssyncset.done $0x0  }
0x41: {  	[sflag:s29] =	ssyncadd.s32 $0xFFFFEC00  }
0x42: {  	[spmem:s16] =	stream.linear.scatter [tilespmem:s28], [sflag:$0x3], $0x1400, $0x38;
	[tilespmem:$0x1F500] =	vst v63  }
0x43: {  	_ =	swait.ge [sflag:s29], $0x1400  }
0x44: {  	[sflag:s29] =	ssyncset.done $0x0  }
0x45: {  	[sflag:s29] =	ssyncadd.s32 $0xFFFFEC00  }
0x46: {  	[spmem:s17] =	stream.linear.scatter [tilespmem:s28], [sflag:$0x3], $0x1400, $0x38;
	[tilespmem:$0x1F500] =	vst v63  }
0x47: {  	_ =	swait.ge [sflag:s29], $0x1400  }
0x48: {  	[sflag:s29] =	ssyncset.done $0x0  }
0x49: {  	[sflag:s29] =	ssyncadd.s32 $0xFFFFEC00  }
0x4a: {  	[spmem:s18] =	stream.linear.scatter [tilespmem:s28], [sflag:$0x3], $0x1400, $0x38;
	[tilespmem:$0x1F500] =	vst v63  }
0x4b: {  	_ =	swait.ge [sflag:s29], $0x1400  }
0x4c: {  	[sflag:s29] =	ssyncset.done $0x0  }
0x4d: {  	[sflag:s29] =	ssyncadd.s32 $0xFFFFEC00  }
0x4e: {  	[spmem:s19] =	stream.linear.scatter [tilespmem:s28], [sflag:$0x3], $0x1400, $0x38;
	[tilespmem:$0x1F500] =	vst v63  }
0x4f: {  	_ =	swait.ge [sflag:s29], $0x1400  }
0x50: {  	[sflag:s29] =	ssyncset.done $0x0  }
0x51: {  	[sflag:s29] =	ssyncadd.s32 $0xFFFFEC00  }
0x52: {  	[spmem:s20] =	stream.linear.scatter [tilespmem:s28], [sflag:$0x3], $0x1400, $0x38;
	[tilespmem:$0x1F500] =	vst v63  }
0x53: {  	_ =	swait.ge [sflag:s29], $0x1400  }
0x54: {  	[sflag:s29] =	ssyncset.done $0x0  }
0x55: {  	[sflag:s29] =	ssyncadd.s32 $0xFFFFEC00  }
0x56: {  	[spmem:s21] =	stream.linear.scatter [tilespmem:s28], [sflag:$0x3], $0x1400, $0x38;
	[tilespmem:$0x1F500] =	vst v63  }
0x57: {  	_ =	swait.ge [sflag:s29], $0x1400  }
0x58: {  	[sflag:s29] =	ssyncset.done $0x0  }
0x59: {  	[sflag:s29] =	ssyncadd.s32 $0xFFFFEC00  }
0x5a: {  	[spmem:s22] =	stream.linear.scatter [tilespmem:s28], [sflag:$0x3], $0x1400, $0x38;
	[tilespmem:$0x1F500] =	vst v63  }
0x5b: {  	_ =	swait.ge [sflag:s29], $0x1400  }
0x5c: {  	[sflag:s29] =	ssyncset.done $0x0  }
0x5d: {  	[sflag:s29] =	ssyncadd.s32 $0xFFFFEC00  }
0x5e: {  	[spmem:s23] =	stream.linear.scatter [tilespmem:s28], [sflag:$0x3], $0x1400, $0x38;
	[tilespmem:$0x1F500] =	vst v63  }
0x5f: {  	_ =	swait.ge [sflag:s29], $0x1400  }
0x60: {  	[sflag:s29] =	ssyncset.done $0x0  }
0x61: {  	[sflag:s29] =	ssyncadd.s32 $0xFFFFEC00  }
0x62: {  	[spmem:s24] =	stream.linear.scatter [tilespmem:s28], [sflag:$0x3], $0x1400, $0x38;
	[tilespmem:$0x1F500] =	vst v63  }
0x63: {  	_ =	swait.ge [sflag:s29], $0x1400  }
0x64: {  	[sflag:s29] =	ssyncset.done $0x0  }
0x65: {  	[sflag:s29] =	ssyncadd.s32 $0xFFFFEC00  }
0x66: {  	[spmem:s26] =	stream.linear.scatter [tilespmem:s28], [sflag:$0x3], $0x1400, $0x38;
	[tilespmem:$0x1F500] =	vst v63  }
0x67: {  	_ =	swait.ge [sflag:s29], $0x1400  }
0x68: {  	[sflag:s29] =	ssyncset.done $0x0  }
0x69: {  	s12 =	simm.s32 $0x200;
	s14 =	rddreg [dreg:$0x4];
	[sflag:s29] =	ssyncadd.s32 $0xFFFFEC00  }
0x6a: {  	[tilespmem:s12], [sflag:$0x3] =	stream.linear.gather [hbm4b:s14+s3], $0x2710, $0x38;
	[tilespmem:$0x1F500] =	vst v63  }
0x6b: {  	_ =	swait.ge [sflag:s29], $0x2710  }
0x6c: {  	[sflag:s29] =	ssyncset.done $0x0  }
0x6d: {  	s13 =	simm.s32 $0x2980;
	s12 =	rddreg [dreg:$0x5];
	[sflag:s29] =	ssyncadd.s32 $0xFFFFD8F0  }
0x6e: {  	[tilespmem:s13], [sflag:$0x3] =	stream.linear.gather [hbm4b:s12+s3], $0x2710, $0x38;
	[tilespmem:$0x1F500] =	vst v63  }
0x6f: {  	_ =	swait.ge [sflag:s29], $0x2710  }
0x70: {  	[sflag:s29] =	ssyncset.done $0x0  }
0x71: {  	[sflag:s29] =	ssyncadd.s32 $0xFFFFD8F0  }
0x72: {  	[bflag:$0x0] =	sbarrier.arrive $0xFFFF  }
0x73: {  	v1 =	vld [tilespmem:$0x200]  }
0x74: {  	v2 =	vld [tilespmem:$0x2980]  }
0x75: {  	v3 =	vld [tilespmem:$0x210]  }
0x76: {  	v4 =	vld [tilespmem:$0x2990]  }
0x77: {  	v5 =	vld [tilespmem:$0x220]  }
0x78: {  	v62 =	vld [tilespmem:$0x240];
	[tilespmem:$0x0] =	vst v1  }
0x79: {  	v63 =	vld [tilespmem:$0x29C0];
	[tilespmem:$0x100] =	vst v2  }
0x7a: {  	v1 =	vld [tilespmem:$0x29A0];
	[tilespmem:$0x10] =	vst v3  }
0x7b: {  	v2 =	vld [tilespmem:$0x230];
	[tilespmem:$0x110] =	vst v4  }
0x7c: {  	v3 =	vld [tilespmem:$0x29B0];
	[tilespmem:$0x20] =	vst v5  }
0x7d: {  	[tilespmem:$0x40] =	vst v62  }
0x7e: {  	[tilespmem:$0x140] =	vst v63  }
0x7f: {  	[tilespmem:$0x120] =	vst v1  }
0x80: {  	[tilespmem:$0x30] =	vst v2  }
0x81: {  	s14 =	simm.s32 $0xE0;
	[tilespmem:$0x130] =	vst v3  }
0x82: {  	[tilespmem:s30], [sflag:$0x1] =	stream.indirect.gather [hbm4b:s4+s1], $0x80, s3, s1, $0xb8;
	[tilespmem:$0x1F500] =	vst v63  }
0x83: {  	v1 =	vld [tilespmem:s14+$0x170];
	_ =	sdelay $0x4  }
0x84: {  	[tilespmem:$0x80] =	vst v1  }
0x85: {  	v1 =	vld [tilespmem:s14+$0x28F0];
	_ =	sdelay $0x4  }
0x86: {  	[tilespmem:$0x180] =	vst v1  }
0x87: {  	v1 =	vld [tilespmem:s14+$0x180];
	_ =	sdelay $0x4  }
0x88: {  	[tilespmem:$0x90] =	vst v1  }
0x89: {  	v1 =	vld [tilespmem:s14+$0x2900];
	_ =	sdelay $0x4  }
0x8a: {  	[tilespmem:$0x190] =	vst v1  }
0x8b: {  	v1 =	vld [tilespmem:s14+$0x190];
	_ =	sdelay $0x4  }
0x8c: {  	[tilespmem:$0xA0] =	vst v1  }
0x8d: {  	v1 =	vld [tilespmem:s14+$0x2910];
	_ =	sdelay $0x4  }
0x8e: {  	[tilespmem:$0x1A0] =	vst v1  }
0x8f: {  	v1 =	vld [tilespmem:s14+$0x1A0];
	_ =	sdelay $0x4  }
0x90: {  	[tilespmem:$0xB0] =	vst v1  }
0x91: {  	v1 =	vld [tilespmem:s14+$0x2920];
	_ =	sdelay $0x4  }
0x92: {  	[tilespmem:$0x1B0] =	vst v1  }
0x93: {  	v1 =	vld [tilespmem:s14+$0x1B0];
	_ =	sdelay $0x4  }
0x94: {  	[tilespmem:$0xC0] =	vst v1  }
0x95: {  	v1 =	vld [tilespmem:s14+$0x2930];
	_ =	sdelay $0x4  }
0x96: {  	[tilespmem:$0x1C0] =	vst v1  }
0x97: {  	[tilespmem:s0], [sflag:$0x2] =	stream.indirect.gather [hbm4b:s4+s1], $0x80, s31, s1, $0xb8;
	[tilespmem:$0x1F500] =	vst v63  }
0x98: {  	_ =	swait.ge [sflag:s5], $0x2800  }
0x99: {  	[sflag:s5] =	ssyncset.done $0x0  }
0x9a: {  	[sflag:s5] =	ssyncadd.s32 $0xFFFFD800  }
0x9b: {  	[spmem:s2] =	stream.indirect.scatter.add.f32 [tilespmem:s30], [sflag:$0x3], $0x80, s6, s1, $0xb8;
	[tilespmem:$0x1F500] =	vst v63  }
0x9c: {  	_ =	swait.ge [sflag:s29], $0x2800  }
0x9d: {  	[sflag:s29] =	ssyncset.done $0x0  }
0x9e: {  	[sflag:s29] =	ssyncadd.s32 $0xFFFFD800  }
0x9f: {  	v1 =	vld [tilespmem:s14+$0x1C0];
	_ =	sdelay $0x4  }
0xa0: {  	[tilespmem:$0x0] =	vst v1  }
0xa1: {  	v1 =	vld [tilespmem:s14+$0x2940];
	_ =	sdelay $0x4  }
0xa2: {  	[tilespmem:$0x100] =	vst v1  }
0xa3: {  	v1 =	vld [tilespmem:s14+$0x1D0];
	_ =	sdelay $0x4  }
0xa4: {  	[tilespmem:$0x10] =	vst v1  }
0xa5: {  	v1 =	vld [tilespmem:s14+$0x2950];
	_ =	sdelay $0x4  }
0xa6: {  	[tilespmem:$0x110] =	vst v1  }
0xa7: {  	v1 =	vld [tilespmem:s14+$0x1E0];
	_ =	sdelay $0x4  }
0xa8: {  	[tilespmem:$0x20] =	vst v1  }
0xa9: {  	v1 =	vld [tilespmem:s14+$0x2960];
	_ =	sdelay $0x4  }
0xaa: {  	[tilespmem:$0x120] =	vst v1  }
0xab: {  	v1 =	vld [tilespmem:s14+$0x1F0];
	_ =	sdelay $0x4  }
0xac: {  	[tilespmem:$0x30] =	vst v1  }
0xad: {  	v1 =	vld [tilespmem:s14+$0x2970];
	_ =	sdelay $0x4  }
0xae: {  	[tilespmem:$0x130] =	vst v1  }
0xaf: {  	v1 =	vld [tilespmem:s14+$0x200];
	_ =	sdelay $0x4  }
0xb0: {  	[tilespmem:$0x40] =	vst v1  }
0xb1: {  	v1 =	vld [tilespmem:s14+$0x2980];
	_ =	sdelay $0x4  }
0xb2: {  	[tilespmem:$0x140] =	vst v1  }
0xb3: {  	[tilespmem:s30], [sflag:$0x1] =	stream.indirect.gather [hbm4b:s4+s1], $0x80, s3, s1, $0xb8;
	[tilespmem:$0x1F500] =	vst v63  }
0xb4: {  	_ =	swait.ge [sflag:s8], $0x2800  }
0xb5: {  	[sflag:s8] =	ssyncset.done $0x0  }
0xb6: {  	[sflag:s8] =	ssyncadd.s32 $0xFFFFD800  }
0xb7: {  	[spmem:s2] =	stream.indirect.scatter.add.f32 [tilespmem:s0], [sflag:$0x3], $0x80, s9, s1, $0xb8;
	[tilespmem:$0x1F500] =	vst v63  }
0xb8: {  	_ =	swait.ge [sflag:s29], $0x2800  }
0xb9: {  	s11 =	simm.s32 $0x600;
	s12 =	simm.s32 $0x880;
	[sflag:s29] =	ssyncset.done $0x0  }
.LBB2_4:
0xba: {  	s13 =	sshra.s32 s11, $0x2  }
0xbb: {  	[sflag:s29] =	ssyncadd.s32 $0xFFFFD800;
	s11 =	smov.u32 s12;
	s14 =	sadd.s32 $0x280, s12  }
0xbc: {  	p1 =	sne.s32 s12, $0x9C00;
	v1 =	vld [tilespmem:s13+$0x170];
	_ =	sdelay $0x4  }
0xbd: {  	[tilespmem:$0x80] =	vst v1  }
0xbe: {  	v1 =	vld [tilespmem:s13+$0x28F0];
	_ =	sdelay $0x4  }
0xbf: {  	[tilespmem:$0x180] =	vst v1  }
0xc0: {  	v1 =	vld [tilespmem:s13+$0x180];
	_ =	sdelay $0x4  }
0xc1: {  	[tilespmem:$0x90] =	vst v1  }
0xc2: {  	v1 =	vld [tilespmem:s13+$0x2900];
	_ =	sdelay $0x4  }
0xc3: {  	[tilespmem:$0x190] =	vst v1  }
0xc4: {  	v1 =	vld [tilespmem:s13+$0x190];
	_ =	sdelay $0x4  }
0xc5: {  	[tilespmem:$0xA0] =	vst v1  }
0xc6: {  	v1 =	vld [tilespmem:s13+$0x2910];
	_ =	sdelay $0x4  }
0xc7: {  	[tilespmem:$0x1A0] =	vst v1  }
0xc8: {  	v1 =	vld [tilespmem:s13+$0x1A0];
	_ =	sdelay $0x4  }
0xc9: {  	[tilespmem:$0xB0] =	vst v1  }
0xca: {  	v1 =	vld [tilespmem:s13+$0x2920];
	_ =	sdelay $0x4  }
0xcb: {  	[tilespmem:$0x1B0] =	vst v1  }
0xcc: {  	v1 =	vld [tilespmem:s13+$0x1B0];
	_ =	sdelay $0x4  }
0xcd: {  	[tilespmem:$0xC0] =	vst v1  }
0xce: {  	v1 =	vld [tilespmem:s13+$0x2930];
	_ =	sdelay $0x4  }
0xcf: {  	[tilespmem:$0x1C0] =	vst v1  }
0xd0: {  	[tilespmem:s0], [sflag:$0x2] =	stream.indirect.gather [hbm4b:s4+s1], $0x80, s31, s1, $0xb8;
	[tilespmem:$0x1F500] =	vst v63  }
0xd1: {  	_ =	swait.ge [sflag:s5], $0x2800  }
0xd2: {  	[sflag:s5] =	ssyncset.done $0x0  }
0xd3: {  	[sflag:s5] =	ssyncadd.s32 $0xFFFFD800  }
0xd4: {  	[spmem:s2] =	stream.indirect.scatter.add.f32 [tilespmem:s30], [sflag:$0x3], $0x80, s6, s1, $0xb8;
	[tilespmem:$0x1F500] =	vst v63  }
0xd5: {  	_ =	swait.ge [sflag:s29], $0x2800  }
0xd6: {  	[sflag:s29] =	ssyncset.done $0x0  }
0xd7: {  	[sflag:s29] =	ssyncadd.s32 $0xFFFFD800  }
0xd8: {  	v1 =	vld [tilespmem:s13+$0x1C0];
	_ =	sdelay $0x4  }
0xd9: {  	[tilespmem:$0x0] =	vst v1  }
0xda: {  	v1 =	vld [tilespmem:s13+$0x2940];
	_ =	sdelay $0x4  }
0xdb: {  	[tilespmem:$0x100] =	vst v1  }
0xdc: {  	v1 =	vld [tilespmem:s13+$0x1D0];
	_ =	sdelay $0x4  }
0xdd: {  	[tilespmem:$0x10] =	vst v1  }
0xde: {  	v1 =	vld [tilespmem:s13+$0x2950];
	_ =	sdelay $0x4  }
0xdf: {  	[tilespmem:$0x110] =	vst v1  }
0xe0: {  	v1 =	vld [tilespmem:s13+$0x1E0];
	_ =	sdelay $0x4  }
0xe1: {  	[tilespmem:$0x20] =	vst v1  }
0xe2: {  	v1 =	vld [tilespmem:s13+$0x2960];
	_ =	sdelay $0x4  }
0xe3: {  	[tilespmem:$0x120] =	vst v1  }
0xe4: {  	v1 =	vld [tilespmem:s13+$0x1F0];
	_ =	sdelay $0x4  }
0xe5: {  	[tilespmem:$0x30] =	vst v1  }
0xe6: {  	v1 =	vld [tilespmem:s13+$0x2970];
	_ =	sdelay $0x4  }
0xe7: {  	[tilespmem:$0x130] =	vst v1  }
0xe8: {  	v1 =	vld [tilespmem:s13+$0x200];
	_ =	sdelay $0x4  }
0xe9: {  	[tilespmem:$0x40] =	vst v1  }
0xea: {  	v1 =	vld [tilespmem:s13+$0x2980];
	_ =	sdelay $0x4  }
0xeb: {  	[tilespmem:$0x140] =	vst v1  }
0xec: {  	[tilespmem:s30], [sflag:$0x1] =	stream.indirect.gather [hbm4b:s4+s1], $0x80, s3, s1, $0xb8;
	[tilespmem:$0x1F500] =	vst v63  }
0xed: {  	_ =	swait.ge [sflag:s8], $0x2800  }
.Ltmp1:
0xee: {  	[sflag:s8] =	ssyncset.done $0x0;
	(pc) =	sbr.rel @p1 .LBB2_4-.Ltmp1, $4  }
0xef: {  	[sflag:s8] =	ssyncadd.s32 $0xFFFFD800  }
0xf0: {  	[spmem:s2] =	stream.indirect.scatter.add.f32 [tilespmem:s0], [sflag:$0x3], $0x80, s9, s1, $0xb8;
	[tilespmem:$0x1F500] =	vst v63  }
0xf1: {  	_ =	swait.ge [sflag:s29], $0x2800  }
0xf2: {  	s12 =	smov.u32 s14;
	[sflag:s29] =	ssyncset.done $0x0  }
0xf3: {  	s11 =	sshra.s32 s11, $0x2;
	[sflag:s29] =	ssyncadd.s32 $0xFFFFD800  }
0xf4: {  	v1 =	vld [tilespmem:s11+$0x170];
	_ =	sdelay $0x4  }
0xf5: {  	[tilespmem:$0x80] =	vst v1  }
0xf6: {  	v1 =	vld [tilespmem:s11+$0x28F0];
	_ =	sdelay $0x4  }
0xf7: {  	[tilespmem:$0x180] =	vst v1  }
0xf8: {  	v1 =	vld [tilespmem:s11+$0x180];
	_ =	sdelay $0x4  }
0xf9: {  	[tilespmem:$0x90] =	vst v1  }
0xfa: {  	v1 =	vld [tilespmem:s11+$0x2900];
	_ =	sdelay $0x4  }
0xfb: {  	[tilespmem:$0x190] =	vst v1  }
0xfc: {  	v1 =	vld [tilespmem:s11+$0x190];
	_ =	sdelay $0x4  }
0xfd: {  	[tilespmem:$0xA0] =	vst v1  }
0xfe: {  	v1 =	vld [tilespmem:s11+$0x2910];
	_ =	sdelay $0x4  }
0xff: {  	[tilespmem:$0x1A0] =	vst v1  }
0x100: {  	v1 =	vld [tilespmem:s11+$0x1A0];
	_ =	sdelay $0x4  }
0x101: {  	[tilespmem:$0xB0] =	vst v1  }
0x102: {  	v1 =	vld [tilespmem:s11+$0x2920];
	_ =	sdelay $0x4  }
0x103: {  	[tilespmem:$0x1B0] =	vst v1  }
0x104: {  	v1 =	vld [tilespmem:s11+$0x1B0];
	_ =	sdelay $0x4  }
0x105: {  	[tilespmem:$0xC0] =	vst v1  }
0x106: {  	v1 =	vld [tilespmem:s11+$0x2930];
	_ =	sdelay $0x4  }
0x107: {  	[tilespmem:$0x1C0] =	vst v1  }
0x108: {  	[tilespmem:s0], [sflag:$0x2] =	stream.indirect.gather [hbm4b:s4+s1], $0x80, s31, s1, $0xb8;
	[tilespmem:$0x1F500] =	vst v63  }
0x109: {  	_ =	swait.ge [sflag:s5], $0x2800  }
0x10a: {  	[sflag:s5] =	ssyncset.done $0x0  }
0x10b: {  	[sflag:s5] =	ssyncadd.s32 $0xFFFFD800  }
0x10c: {  	[spmem:s2] =	stream.indirect.scatter.add.f32 [tilespmem:s30], [sflag:$0x3], $0x80, s6, s1, $0xb8;
	[tilespmem:$0x1F500] =	vst v63  }
0x10d: {  	_ =	swait.ge [sflag:s29], $0x2800  }
0x10e: {  	[sflag:s29] =	ssyncset.done $0x0  }
0x10f: {  	[sflag:s29] =	ssyncadd.s32 $0xFFFFD800  }
0x110: {  	v1 =	vld [tilespmem:s11+$0x1C0];
	_ =	sdelay $0x4  }
0x111: {  	[tilespmem:$0x0] =	vst v1  }
0x112: {  	v1 =	vld [tilespmem:s11+$0x2940];
	_ =	sdelay $0x4  }
0x113: {  	[tilespmem:$0x100] =	vst v1  }
0x114: {  	v1 =	vld [tilespmem:s11+$0x1D0];
	_ =	sdelay $0x4  }
0x115: {  	[tilespmem:$0x10] =	vst v1  }
0x116: {  	v1 =	vld [tilespmem:s11+$0x2950];
	_ =	sdelay $0x4  }
0x117: {  	[tilespmem:$0x110] =	vst v1  }
0x118: {  	v1 =	vld [tilespmem:s11+$0x1E0];
	_ =	sdelay $0x4  }
0x119: {  	[tilespmem:$0x20] =	vst v1  }
0x11a: {  	v1 =	vld [tilespmem:s11+$0x2960];
	_ =	sdelay $0x4  }
0x11b: {  	[tilespmem:$0x120] =	vst v1  }
0x11c: {  	v1 =	vld [tilespmem:s11+$0x1F0];
	_ =	sdelay $0x4  }
0x11d: {  	[tilespmem:$0x30] =	vst v1  }
0x11e: {  	v1 =	vld [tilespmem:s11+$0x2970];
	_ =	sdelay $0x4  }
0x11f: {  	[tilespmem:$0x130] =	vst v1  }
0x120: {  	v1 =	vld [tilespmem:s11+$0x200];
	_ =	sdelay $0x4  }
0x121: {  	[tilespmem:$0x40] =	vst v1  }
0x122: {  	v1 =	vld [tilespmem:s11+$0x2980];
	_ =	sdelay $0x4  }
0x123: {  	[tilespmem:$0x140] =	vst v1  }
0x124: {  	[tilespmem:s30], [sflag:$0x1] =	stream.indirect.gather [hbm4b:s4+s1], $0x80, s3, s1, $0xb8;
	[tilespmem:$0x1F500] =	vst v63  }
0x125: {  	_ =	swait.ge [sflag:s8], $0x2800  }
0x126: {  	[sflag:s8] =	ssyncset.done $0x0  }
0x127: {  	[sflag:s8] =	ssyncadd.s32 $0xFFFFD800  }
0x128: {  	[spmem:s2] =	stream.indirect.scatter.add.f32 [tilespmem:s0], [sflag:$0x3], $0x80, s9, s1, $0xb8;
	[tilespmem:$0x1F500] =	vst v63  }
0x129: {  	_ =	swait.ge [sflag:s29], $0x2800  }
0x12a: {  	[sflag:s29] =	ssyncset.done $0x0  }
0x12b: {  	[sflag:s29] =	ssyncadd.s32 $0xFFFFD800  }
0x12c: {  	_ =	swait.ge [sflag:s5], $0x2800  }
0x12d: {  	[sflag:s5] =	ssyncset.done $0x0  }
0x12e: {  	[sflag:s5] =	ssyncadd.s32 $0xFFFFD800  }
0x12f: {  	[spmem:s2] =	stream.indirect.scatter.add.f32 [tilespmem:s30], [sflag:$0x3], $0x80, s6, s1, $0xb8;
	[tilespmem:$0x1F500] =	vst v63  }
0x130: {  	_ =	swait.ge [sflag:s29], $0x2800  }
0x131: {  	[sflag:s29] =	ssyncset.done $0x0  }
0x132: {  	[sflag:s29] =	ssyncadd.s32 $0xFFFFD800  }
0x133: {  	[bflag:$0x0] =	sbarrier.arrive $0xFFFF  }
0x134: {  	s11 =	simm.s32 @p0 $0x1FC3;
	s12 =	rddreg [dreg:$0x7]  }
0x135: {  	[hbm:s12], [sflag:s11] =	dma.local @p0 [spmem:s25], $0x1900  }
0x136: {  	s11 =	simm.s32 @p0 $0x3  }
0x137: {  	s12 =	stileid.u32;
	_ =	swait.ge @p0 [sflag:s11], $0x1900  }
0x138: {  	s12 =	sshll.u32 @!p0 s12, $0x6;
	[sflag:s11] =	ssyncset.done @p0 $0x0;
	s13 =	rddreg [dreg:$0x6]  }
0x139: {  	[sflag:s11] =	ssyncadd.s32 @p0 $0xFFFFE700;
	s11 =	sor.u32 @!p0 $0x1C03, s12;
	s12 =	sshrl.u32 @!p0 s7, $0x3  }
0x13a: {  	[hbm:s13], [sflag:s11] =	dma.local @!p0 [spmem:s12], $0x2800  }
0x13b: {  	s11 =	simm.s32 @!p0 $0x3  }
0x13c: {  	_ =	swait.ge @!p0 [sflag:s11], $0x2800  }
0x13d: {  	s10 =	sadd.s32 $0x1, s10;
	s14 =	rddreg [dreg:$0x8]  }
0x13e: {  	p1 =	sne.s32 s10, s14  }
.Ltmp2:
0x13f: {  	_ = 	snop;
	(pc) =	sbr.rel @p1 .LBB2_1-.Ltmp2, $3  }
0x140: {  	[sflag:s11] =	ssyncset.done @!p0 $0x0  }
0x141: {  	[sflag:s11] =	ssyncadd.s32 @!p0 $0xFFFFD800  }
0x142: {  	[bflag:$0x0] =	sbarrier.arrive $0xFFFF;
	_ =	sdelay $0x1  }
0x143: {  	_ =	sfence.sel $0x180000  }
0x144: {  	[bflag:$0x0] =	sbarrier.arrive $0xFFFF  }
0x145: {  	_ =	strace $0x9000004D  }
0x146: {  	s0 =	stileid.u32;
	[bflag:$0x2] =	sbarrier.arrive $0xFFFF  }
0x147: {  	p0 =	sne.s32 s0, $0x0;
	s0 =	rddreg [dreg:$0x3]  }
0x148: {  	s0 =	sadd.s32 @!p0 $0x100000, s0  }
0x149: {  	[sflag:s0] =	ssyncadd.tile.s32 @!p0 $0x1;
	_ =	shalt  }
.Lfunc_end2:
_tile_overlayer_lowered:
.L_overlay_start_2:
0x14a: {  	(tag) =	ssettag $0x2  }
0x14b: {  	s0 =	rddreg [dreg:$0x0];
	s2 =	stileid.u32  }
0x14c: {  	s1 =	rddreg [dreg:$0x1];
	p0 =	sne.s32 s2, $0x0  }
0x14d: {  	s3 =	rddreg [dreg:$0x2];
	[bflag:$0x3] =	sbarrier.arrive $0xFFFF;
	s2 =	simm.s32 @!p0 $0x1C03  }
0x14e: {  	[timem:s3], [sflag:s2] =	dma.local @!p0 [hbm:s0], s1  }
0x14f: {  	s0 =	simm.s32 @!p0 $0x3  }
0x150: {  	_ =	swait.ge @!p0 [sflag:s0], s1  }
0x151: {  	s1 =	ssub.s32 @!p0 $0x0, s1;
	[sflag:s0] =	ssyncset.done @!p0 $0x0  }
0x152: {  	[sflag:s0] =	ssyncadd.s32 @!p0 s1  }
0x153: {  	[bflag:$0x3] =	sbarrier.arrive $0xFFFF  }
0x154: {  	_ =	shalt  }

// kernel: _run.21.cloned.1.call-start
scs
__scs_entry_jumppad:
0x0: {  	(pc) =	sbr.rel $0x88, $3  }
0x1: {  	(tag) =	ssettag $0x0;
	lr =	simm.s32 $0x1  }
0x2: {  	[smem:$0x3F93] =	sst lr;
	_ =	strace $0xD0000000  }
0x3: {  	_ = 	snop  }
0x4: {  	_ = 	snop  }
0x5: {  	_ = 	snop  }
0x6: {  	_ = 	snop  }
0x7: {  	_ = 	snop  }
__scs_overlays_trampoline_lowered:
0x8: {  	[smem:$0x3FA2] =	sst s0  }
0x9: {  	[smem:$0x3FA3] =	sst s1  }
0xa: {  	[smem:$0x3FA4] =	sst s2  }
0xb: {  	[smem:$0x3FA5] =	sst s3  }
0xc: {  	[smem:$0x3FA6] =	sst s4  }
0xd: {  	[smem:$0x3FA7] =	sst s5  }
0xe: {  	[smem:$0x3FA8] =	sst s6  }
0xf: {  	[smem:$0x3FA9] =	sst s7  }
0x10: {  	[smem:$0x3FAA] =	sst s8  }
0x11: {  	[smem:$0x3FAB] =	sst s9;
	s0 =	simm.s32 @!p0 $0x0  }
0x12: {  	s1 =	sld [smem:$0x3F91];
	s0 =	simm.s32 @p0 $0x1  }
0x13: {  	[smem:$0x3FAC] =	sst s0;
	s0 =	simm.s32 @!p1 $0x0  }
0x14: {  	s2 =	sld [smem:$0x3F90];
	s0 =	simm.s32 @p1 $0x1  }
0x15: {  	[smem:$0x3FAD] =	sst s0;
	s0 =	simm.s32 @!p2 $0x0  }
0x16: {  	s3 =	sld [smem:$0x3FDB];
	s0 =	simm.s32 @p2 $0x1  }
0x17: {  	s4 =	simm.s32 $0x1BF5;
	[smem:$0x3FAF] =	sst s0  }
0x18: {  	s0 =	sld [smem:$0x3F92];
	_ =	swait.ge [sflag:s4], $0x0  }
0x19: {  	s7 =	sld [smem:$0x3F93]  }
0x1a: {  	s8 =	sadd.s32 $0xFFFFE003, lr  }
0x1b: {  	s9 =	sadd.s32 $0xFFFFFEF7, lr;
	s5 =	simm.s32 $0xFFFFFFFF;
	p2 =	slt.u32 s8, $0xFFFFF086  }
0x1c: {  	p1 =	slt.u32 s9, $0xF7A;
	s5 =	simm.s32 @!p2 $0x0  }
0x1d: {  	s5 =	simm.s32 @p1 $0x1;
	p0 =	seq.s32 s7, s2  }
0x1e: {  	s7 =	smul.u32 @!p0 $0xF7A, s2;
	p2 =	seq.s32 @!p0 s5, $0x0  }
0x1f: {  	s9 =	smul.u32 $0xF7A, s1;
	s8 =	simm.s32 @!p0 $0x1BF5;
	p2 =	por !p2, p0  }
0x20: {  	[sflag:s8] =	ssyncset.s32 @!p0 $0xFFFFF086;
	s6 =	sadd.s32 @!p0 s3, s7;
	s7 =	simm.s32 @!p0 $0x108  }
0x21: {  	s3 =	sadd.s32 s3, s9;
	s6 =	sadd.s32 @!p0 $0x88, s6;
	s7 =	simm.s32 @p2 $0x1082  }
0x22: {  	[simem:s7], [sflag:s8] =	dma.local @!p0 [hbm:s6], $0xF7A  }
0x23: {  	s9 =	sor.u32 $0xD0000000, s2;
	s6 =	simm.s32 $0x108;
	_ =	swait.ge @!p0 [sflag:s8], $0x0  }
0x24: {  	s3 =	sadd.s32 $0x88, s3;
	s6 =	simm.s32 @!p1 $0x1082;
	[sflag:s4] =	ssyncset.s32 $0xFFFFF086  }
0x25: {  	[simem:s6], [sflag:s4] =	dma.local [hbm:s3], $0xF7A  }
0x26: {  	[smem:$0x3F93] =	sst s1;
	(tag) =	ssettag s2;
	_ =	strace s9  }
0x27: {  	s1 =	sld [smem:$0x3FA3]  }
0x28: {  	s2 =	sld [smem:$0x3FA4]  }
0x29: {  	s4 =	sld [smem:$0x3FA6]  }
0x2a: {  	p0 =	seq.s32 s5, $0x0;
	s5 =	sld [smem:$0x3FA7]  }
0x2b: {  	s6 =	sld [smem:$0x3FA8]  }
0x2c: {  	s7 =	sld [smem:$0x3FA9]  }
0x2d: {  	s3 =	simm.s32 $0x108;
	s8 =	sld [smem:$0x3FAA]  }
0x2e: {  	s3 =	simm.s32 @!p0 $0x1082;
	s9 =	sld [smem:$0x3FAB]  }
0x2f: {  	lr =	sadd.s32 s0, s3;
	s0 =	sld [smem:$0x3FA2]  }
0x30: {  	s3 =	sld [smem:$0x3FA5]  }
0x31: {  	[smem:$0x3FAE] =	sst s10  }
0x32: {  	s10 =	sld [smem:$0x3FAC];
	_ =	sdelay $0x3  }
0x33: {  	p0 =	seq.s32 s10, $0x1;
	s10 =	sld [smem:$0x3FAE];
	_ =	sdelay $0x3  }
0x34: {  	[smem:$0x3FAE] =	sst s10  }
0x35: {  	s10 =	sld [smem:$0x3FAD];
	_ =	sdelay $0x3  }
0x36: {  	p1 =	seq.s32 s10, $0x1;
	s10 =	sld [smem:$0x3FAE];
	_ =	sdelay $0x3  }
0x37: {  	[smem:$0x3FAE] =	sst s10  }
0x38: {  	s10 =	sld [smem:$0x3FAF]  }
0x39: {  	_ = 	snop;
	(pc) =	sbr.ind lr, $3  }
0x3a: {  	_ = 	snop  }
0x3b: {  	_ = 	snop  }
0x3c: {  	p2 =	seq.s32 s10, $0x1;
	s10 =	sld [smem:$0x3FAE]  }
0x3d: {  	_ =	shalt  }
0x3e: {  	_ =	shalt  }
0x3f: {  	_ =	shalt  }
0x40: {  	_ =	shalt  }
0x41: {  	_ =	shalt  }
0x42: {  	_ =	shalt  }
0x43: {  	_ =	shalt  }
0x44: {  	_ =	shalt  }
0x45: {  	_ =	shalt  }
0x46: {  	_ =	shalt  }
0x47: {  	_ =	shalt  }
0x48: {  	_ =	shalt  }
0x49: {  	_ =	shalt  }
0x4a: {  	_ =	shalt  }
0x4b: {  	_ =	shalt  }
0x4c: {  	_ =	shalt  }
0x4d: {  	_ =	shalt  }
0x4e: {  	_ =	shalt  }
0x4f: {  	_ =	shalt  }
0x50: {  	_ =	shalt  }
0x51: {  	_ =	shalt  }
0x52: {  	_ =	shalt  }
0x53: {  	_ =	shalt  }
0x54: {  	_ =	shalt  }
0x55: {  	_ =	shalt  }
0x56: {  	_ =	shalt  }
0x57: {  	_ =	shalt  }
0x58: {  	_ =	shalt  }
0x59: {  	_ =	shalt  }
0x5a: {  	_ =	shalt  }
0x5b: {  	_ =	shalt  }
0x5c: {  	_ =	shalt  }
0x5d: {  	_ =	shalt  }
0x5e: {  	_ =	shalt  }
0x5f: {  	_ =	shalt  }
0x60: {  	_ =	shalt  }
0x61: {  	_ =	shalt  }
0x62: {  	_ =	shalt  }
0x63: {  	_ =	shalt  }
0x64: {  	_ =	shalt  }
0x65: {  	_ =	shalt  }
0x66: {  	_ =	shalt  }
0x67: {  	_ =	shalt  }
0x68: {  	_ =	shalt  }
0x69: {  	_ =	shalt  }
0x6a: {  	_ =	shalt  }
0x6b: {  	_ =	shalt  }
0x6c: {  	_ =	shalt  }
0x6d: {  	_ =	shalt  }
0x6e: {  	_ =	shalt  }
0x6f: {  	_ =	shalt  }
0x70: {  	_ =	shalt  }
0x71: {  	_ =	shalt  }
0x72: {  	_ =	shalt  }
0x73: {  	_ =	shalt  }
0x74: {  	_ =	shalt  }
0x75: {  	_ =	shalt  }
0x76: {  	_ =	shalt  }
0x77: {  	_ =	shalt  }
0x78: {  	_ =	shalt  }
0x79: {  	_ =	shalt  }
0x7a: {  	_ =	shalt  }
0x7b: {  	_ =	shalt  }
0x7c: {  	_ =	shalt  }
0x7d: {  	_ =	shalt  }
0x7e: {  	_ =	shalt  }
0x7f: {  	_ =	shalt  }
0x80: {  	_ =	shalt  }
0x81: {  	_ =	shalt  }
0x82: {  	_ =	shalt  }
0x83: {  	_ =	shalt  }
0x84: {  	_ =	shalt  }
0x85: {  	_ =	shalt  }
0x86: {  	_ =	shalt  }
0x87: {  	_ =	shalt  }
.Lfunc_end0:
.L_simem_size_0:
called_computation.3_lowered:
.L_overlay_start_0:
0x88: {  	s2 =	sld [smem:$0x3FD9]  }
0x89: {  	s3 =	sld [smem:$0x3FFE];
	_ =	sdelay $0x1  }
0x8a: {  	s1 =	srdreg.scid  }
0x8b: {  	s0 =	sand.u32 $0x1, s1  }
0x8c: {  	s16 =	sshll.u32 s0, $0xA;
	s2 =	sadd.s32 s3, s2  }
0x8d: {  	s2 =	sadd.s32 s2, s16  }
0x8e: {  	[smem:$0x3FBA] =	sst s2  }
0x8f: {  	_ = 	snop  }
0x90: {  	(tm) =	ssettm $0x1  }
0x91: {  	s17 =	sld [smem:$0x3FFB];
	_ =	sdelay $0x3  }
0x92: {  	_ =	strace s17  }
0x93: {  	s2 =	sld [smem:$0x3FFC];
	_ =	sdelay $0x3  }
0x94: {  	_ =	strace s2  }
0x95: {  	s2 =	sld [smem:$0x3FFD];
	_ =	sdelay $0x3  }
0x96: {  	_ =	strace s2  }
0x97: {  	_ =	strace $0x8FFFFFFF  }
0x98: {  	s18 =	sld [smem:$0x3FDB];
	_ =	sdelay $0x1  }
0x99: {  	s19 =	simm.s32 $_scs_section_size  }
0x9a: {  	s4 =	simm.s32 $_size__tile_overlayer_lowered;
	s5 =	simm.s32 $_tile_overlayer_lowered  }
0x9b: {  	s22 =	simm.s32 $0x1BFF;
	s21 =	sshll.u32 s5, $0x1;
	s2 =	sadd.s32 s19, s18  }
0x9c: {  	s6 =	simm.s32 $0x0;
	s20 =	sshll.u32 s4, $0x1;
	s4 =	sadd.s32 s21, s2  }
0x9d: {  	[timem:s6], [sflag:s22] =	dma.local [hbm:s4], s20  }
0x9e: {  	_ =	swait.ge [sflag:s22], s20  }
0x9f: {  	s3 =	ssub.s32 $0x0, s20;
	[sflag:s22] =	ssyncset.done $0x0  }
0xa0: {  	[sflag:s22] =	ssyncadd.s32 s3;
	_ =	sdelay $0x1  }
0xa1: {  	s23 =	simm.s32 $0x1B8B  }
0xa2: {  	_ =	swait.ge [sflag:s23], $0x1  }
0xa3: {  	[sflag:s23] =	ssyncset.done $0x0  }
0xa4: {  	s25 =	simm.s32 $0x1B8E;
	s24 =	sld [smem:$0x3FFE];
	[sflag:s23] =	ssyncadd.s32 $0xFFFFFFFF  }
0xa5: {  	s26 =	simm.s32 $execute0_lowered;
	[smem:$0x3FD2] =	sst s25  }
0xa6: {  	s4 =	sshll.u32 s26, $0x1;
	_ =	strace $0x8000004F;
	[dreg:$0x1] =	wrdreg $0xFFFFFFFF  }
0xa7: {  	s28 =	simm.s32 $_size_execute0_lowered;
	s2 =	sadd.s32 s2, s4;
	[dreg:$0x0] =	wrdreg $0x0  }
0xa8: {  	s4 =	sshll.u32 s28, $0x1;
	[dreg:$0x2] =	wrdreg s2  }
0xa9: {  	[dreg:$0x3] =	wrdreg s4  }
0xaa: {  	[dreg:$0x4] =	wrdreg $0xC0  }
0xab: {  	_ =	task [dreg:s6], $0x5FFFF  }
0xac: {  	[dreg:$0x1] =	wrdreg $0xFFFFFFFF  }
0xad: {  	[dreg:$0x0] =	wrdreg $0x60  }
0xae: {  	[dreg:$0x2] =	wrdreg s24  }
0xaf: {  	[dreg:$0x3] =	wrdreg $0x9  }
0xb0: {  	_ =	task.clear_ibuf [dreg:s6], $0x4FFFF;
	_ =	strace $0x9000004F  }
0xb1: {  	s29 =	simm.s32 $0x9;
	_ =	strace $0x80000051  }
0xb2: {  	_ =	swait.ge [sflag:s29], $0x1  }
0xb3: {  	[sflag:s29] =	ssyncadd.s32 $0xFFFFFFFF  }
0xb4: {  	_ =	strace $0x90000051  }
0xb5: {  	_ =	sfence  }
0xb6: {  	s30 =	sld [smem:$0x0];
	_ =	sdelay $0x2  }
0xb7: {  	s31 =	sshll.u32 s1, $0xD;
	s1 =	sshrl.u32 s1, $0x2  }
0xb8: {  	s3 =	sand.u32 $0x4000, s31;
	s1 =	sadd.s32 s1, s30  }
0xb9: {  	s0 =	sor.u32 s3, s0;
	s1 =	sshll.u32 s1, $0x11  }
0xba: {  	s0 =	sor.u32 s1, s0  }
0xbb: {  	s0 =	sadd.s32 $0x8F2B, s0  }
0xbc: {  	[sflag:s0] =	ssyncadd.remote.s32 $0x1  }
0xbd: {  	_ =	sfence.sel $0xFFFF  }
0xbe: {  	[dreg:$0x0] =	wrdreg $0xFFFFFFFF;
	(pc) =	sbr.abs _section_cstart, $3  }
0xbf: {  	[dreg:$0x1] =	wrdreg $0xFFFFFFFF  }
0xc0: {  	_ =	task.clear_ibuf [dreg:s6], $0x2FFFF;
	_ =	strace $0x9FFFFFFF  }
0xc1: {  	(tm) =	ssettm $0x7FFFFFFF  }
tec
execute0_lowered:
.L_overlay_start_1:
0x0: {  	(tag) =	ssettag $0x1  }
0x1: {  	s0 =	srdreg.scid;
	s5 =	rddreg [dreg:$0x0];
	s9 =	simm.s32 $0x5  }
0x2: {  	s10 =	simm.s32 $0xC80;
	s11 =	simm.s32 $0xA0;
	s12 =	simm.s32 $0x1900  }
0x3: {  	s13 =	simm.s32 $0x1D00;
	s14 =	simm.s32 $0x1A00;
	s15 =	simm.s32 $0x6D00  }
0x4: {  	s16 =	simm.s32 $0x1B00;
	s17 =	simm.s32 $0xBD00;
	s18 =	simm.s32 $0x1C00  }
0x5: {  	s19 =	simm.s32 $0x10D00;
	s20 =	simm.s32 $0x1;
	s1 =	sand.u32 $0x1, s0  }
0x6: {  	s21 =	simm.s32 $0x2;
	s0 =	stileid.u32;
	s2 =	sshll.u32 s1, $0x4  }
0x7: {  	s22 =	simm.s32 $0x3;
	s23 =	simm.s32 $0x4;
	s3 =	sor.u32 s0, s2  }
0x8: {  	s24 =	simm.s32 $0x0;
	s1 =	ssub.s32 $0x2, s1;
	s3 =	smul.u32 $0xC80, s3  }
0x9: {  	s4 =	sadd.s32 $0x4C00, s5;
	s2 =	simm.s32 $0x0;
	s31 =	sshrl.u32 s1, $0x1  }
0xa: {  	[smem:$0x7FF] =	sst s2;
	s1 =	ssub.s32 s1, s31;
	s6 =	sshrl.u32 s3, $0x3  }
0xb: {  	_ =	strace $0x80000050;
	s8 =	smax.u32 s1, $0x1;
	s7 =	sadd.s32 s6, s5  }
0xc: {  	s5 =	sadd.s32 $0x63000, s5;
	s6 =	sadd.s32 $0x5FE00, s7;
	s7 =	sadd.s32 $0x5CC00, s7  }
.LBB2_1:
0xd: {  	[tilespmem:s2], [sflag:$0x5] =	stream.linear.gather [hbm4b:s6+s2], $0xC80, $0x38;
	[tilespmem:$0x15D00] =	vst v63  }
0xe: {  	_ =	swait.ge [sflag:s9], $0xC80  }
0xf: {  	[sflag:s9] =	ssyncset.done $0x0  }
0x10: {  	[sflag:s9] =	ssyncadd.s32 $0xFFFFF380  }
0x11: {  	[tilespmem:s10], [sflag:$0x5] =	stream.linear.gather [hbm4b:s7+s2], $0xC80, $0x38;
	[tilespmem:$0x15D00] =	vst v63  }
0x12: {  	_ =	swait.ge [sflag:s9], $0xC80  }
0x13: {  	[sflag:s9] =	ssyncset.done $0x0  }
0x14: {  	[sflag:s9] =	ssyncadd.s32 $0xFFFFF380  }
0x15: {  	v0 =	vld [tilespmem:$0x0]  }
0x16: {  	v1 =	vld [tilespmem:$0xC80]  }
0x17: {  	v2 =	vld [tilespmem:$0x10]  }
0x18: {  	v4 =	vld [tilespmem:$0x20]  }
0x19: {  	v47 =	vld [tilespmem:$0x30]  }
0x1a: {  	v50 =	vld [tilespmem:$0x40]  }
0x1b: {  	v53 =	vld [tilespmem:$0x50];
	[tilespmem:$0x1900] =	vst v0  }
0x1c: {  	v55 =	vld [tilespmem:$0x60];
	[tilespmem:$0x1910] =	vst v2  }
0x1d: {  	v57 =	vld [tilespmem:$0x70];
	[tilespmem:$0x1920] =	vst v4  }
0x1e: {  	v59 =	vld [tilespmem:$0x80];
	[tilespmem:$0x1930] =	vst v47  }
0x1f: {  	v61 =	vld [tilespmem:$0x90];
	[tilespmem:$0x1940] =	vst v50  }
0x20: {  	v3 =	vld [tilespmem:$0xC90];
	[tilespmem:$0x1950] =	vst v53  }
0x21: {  	v5 =	vld [tilespmem:$0xCA0];
	[tilespmem:$0x1960] =	vst v55  }
0x22: {  	v48 =	vld [tilespmem:$0xCB0];
	[tilespmem:$0x1970] =	vst v57  }
0x23: {  	v51 =	vld [tilespmem:$0xCC0];
	[tilespmem:$0x1980] =	vst v59  }
0x24: {  	v54 =	vld [tilespmem:$0xCD0];
	v46 =	vadd.s32 $0x2710, v1;
	[tilespmem:$0x1990] =	vst v61  }
0x25: {  	v60 =	vld [tilespmem:$0xD00];
	v49 =	vadd.s32 $0x2710, v3;
	[tilespmem:$0x1A00] =	vst v46  }
0x26: {  	v56 =	vld [tilespmem:$0xCE0];
	v52 =	vadd.s32 $0x2710, v5;
	[tilespmem:$0x1A10] =	vst v49  }
0x27: {  	v58 =	vld [tilespmem:$0xCF0];
	v0 =	vadd.s32 $0x2710, v48;
	[tilespmem:$0x1A20] =	vst v52  }
0x28: {  	v62 =	vld [tilespmem:$0xD10];
	v2 =	vadd.s32 $0x2710, v51;
	[tilespmem:$0x1A30] =	vst v0  }
0x29: {  	v4 =	vadd.s32 $0x2710, v54;
	[tilespmem:$0x1A40] =	vst v2  }
0x2a: {  	v63 =	vadd.s32 $0x2710, v60;
	[tilespmem:$0x1A50] =	vst v4  }
0x2b: {  	v0 =	vadd.s32 $0x2710, v56;
	[tilespmem:$0x1A80] =	vst v63  }
0x2c: {  	v2 =	vadd.s32 $0x2710, v58;
	[tilespmem:$0x1A60] =	vst v0  }
0x2d: {  	[tilespmem:$0x1A70] =	vst v2;
	v0 =	vadd.s32 $0x2710, v62  }
0x2e: {  	[tilespmem:$0x1A90] =	vst v0  }
0x2f: {  	[tilespmem:s13], [sflag:$0x1] =	stream.indirect.gather [hbm4b:s4+s11], $0x80, s12, s11, $0xb8;
	[tilespmem:$0x15D00] =	vst v63  }
0x30: {  	s25 =	simm.s32 $0x0  }
0x31: {  	[tilespmem:s15], [sflag:$0x2] =	stream.indirect.gather [hbm4b:s4+s11], $0x80, s14, s11, $0xb8;
	[tilespmem:$0x15D00] =	vst v63  }
.LBB2_2:
0x32: {  	s28 =	smul.u32 $0x140, s25;
	_ =	sdelay $0x1  }
0x33: {  	v0 =	vld [tilespmem:s28+$0xA0];
	_ =	sdelay $0x4  }
0x34: {  	[tilespmem:$0x1B00] =	vst v0  }
0x35: {  	v0 =	vld [tilespmem:s28+$0xD20];
	_ =	sdelay $0x4  }
0x36: {  	v0 =	vadd.s32 $0x2710, v0  }
0x37: {  	[tilespmem:$0x1C00] =	vst v0  }
0x38: {  	v0 =	vld [tilespmem:s28+$0xB0];
	_ =	sdelay $0x4  }
0x39: {  	[tilespmem:$0x1B10] =	vst v0  }
0x3a: {  	v0 =	vld [tilespmem:s28+$0xD30];
	_ =	sdelay $0x4  }
0x3b: {  	v0 =	vadd.s32 $0x2710, v0  }
0x3c: {  	[tilespmem:$0x1C10] =	vst v0  }
0x3d: {  	v0 =	vld [tilespmem:s28+$0xC0];
	_ =	sdelay $0x4  }
0x3e: {  	[tilespmem:$0x1B20] =	vst v0  }
0x3f: {  	v0 =	vld [tilespmem:s28+$0xD40];
	_ =	sdelay $0x4  }
0x40: {  	v0 =	vadd.s32 $0x2710, v0  }
0x41: {  	[tilespmem:$0x1C20] =	vst v0  }
0x42: {  	v0 =	vld [tilespmem:s28+$0xD0];
	_ =	sdelay $0x4  }
0x43: {  	[tilespmem:$0x1B30] =	vst v0  }
0x44: {  	v0 =	vld [tilespmem:s28+$0xD50];
	_ =	sdelay $0x4  }
0x45: {  	v0 =	vadd.s32 $0x2710, v0  }
0x46: {  	[tilespmem:$0x1C30] =	vst v0  }
0x47: {  	v0 =	vld [tilespmem:s28+$0xE0];
	_ =	sdelay $0x4  }
0x48: {  	[tilespmem:$0x1B40] =	vst v0  }
0x49: {  	v0 =	vld [tilespmem:s28+$0xD60];
	_ =	sdelay $0x4  }
0x4a: {  	v0 =	vadd.s32 $0x2710, v0  }
0x4b: {  	[tilespmem:$0x1C40] =	vst v0  }
0x4c: {  	v0 =	vld [tilespmem:s28+$0xF0];
	_ =	sdelay $0x4  }
0x4d: {  	[tilespmem:$0x1B50] =	vst v0  }
0x4e: {  	v0 =	vld [tilespmem:s28+$0xD70];
	_ =	sdelay $0x4  }
0x4f: {  	v0 =	vadd.s32 $0x2710, v0  }
0x50: {  	[tilespmem:$0x1C50] =	vst v0  }
0x51: {  	v0 =	vld [tilespmem:s28+$0x100];
	_ =	sdelay $0x4  }
0x52: {  	[tilespmem:$0x1B60] =	vst v0  }
0x53: {  	v0 =	vld [tilespmem:s28+$0xD80];
	_ =	sdelay $0x4  }
0x54: {  	v0 =	vadd.s32 $0x2710, v0  }
0x55: {  	[tilespmem:$0x1C60] =	vst v0  }
0x56: {  	v0 =	vld [tilespmem:s28+$0x110];
	_ =	sdelay $0x4  }
0x57: {  	[tilespmem:$0x1B70] =	vst v0  }
0x58: {  	v0 =	vld [tilespmem:s28+$0xD90];
	_ =	sdelay $0x4  }
0x59: {  	v0 =	vadd.s32 $0x2710, v0  }
0x5a: {  	[tilespmem:$0x1C70] =	vst v0  }
0x5b: {  	v0 =	vld [tilespmem:s28+$0x120];
	_ =	sdelay $0x4  }
0x5c: {  	[tilespmem:$0x1B80] =	vst v0  }
0x5d: {  	v0 =	vld [tilespmem:s28+$0xDA0];
	_ =	sdelay $0x4  }
0x5e: {  	v0 =	vadd.s32 $0x2710, v0  }
0x5f: {  	[tilespmem:$0x1C80] =	vst v0  }
0x60: {  	v0 =	vld [tilespmem:s28+$0x130];
	_ =	sdelay $0x4  }
0x61: {  	[tilespmem:$0x1B90] =	vst v0  }
0x62: {  	v0 =	vld [tilespmem:s28+$0xDB0];
	_ =	sdelay $0x4  }
0x63: {  	v0 =	vadd.s32 $0x2710, v0  }
0x64: {  	[tilespmem:$0x1C90] =	vst v0  }
0x65: {  	[tilespmem:s17], [sflag:$0x3] =	stream.indirect.gather [hbm4b:s4+s11], $0x80, s16, s11, $0xb8;
	[tilespmem:$0x15D00] =	vst v63  }
0x66: {  	_ = 	snop  }
0x67: {  	[tilespmem:s19], [sflag:$0x4] =	stream.indirect.gather [hbm4b:s4+s11], $0x80, s18, s11, $0xb8;
	[tilespmem:$0x15D00] =	vst v63  }
0x68: {  	_ =	swait.ge [sflag:s20], $0x5000  }
0x69: {  	[sflag:s20] =	ssyncset.done $0x0  }
0x6a: {  	[sflag:s20] =	ssyncadd.s32 $0xFFFFB000  }
0x6b: {  	_ =	swait.ge [sflag:s21], $0x5000  }
0x6c: {  	[sflag:s21] =	ssyncset.done $0x0  }
0x6d: {  	s29 =	simm.s32 $0x1E00;
	[sflag:s21] =	ssyncadd.s32 $0xFFFFB000  }
0x6e: {  	s30 =	simm.s32 $0x6E00;
	v0 =	vld [tilespmem:s29+$0xFFFFFF00]  }
0x6f: {  	v1 =	vld [tilespmem:s30+$0xFFFFFF00];
	_ =	sdelay $0x4  }
0x70: {  	v0 =	vadd.f32 v1, v0;
	_ =	sdelay $0x1  }
0x71: {  	v0 =	vmax.f32 v0, $0.0e+00  }
0x72: {  	[tilespmem:s29+$0xFFFFFF00] =	vst v0;
	v0 =	vld [tilespmem:s29+$0xFFFFFF10]  }
0x73: {  	v1 =	vld [tilespmem:s30+$0xFFFFFF10];
	_ =	sdelay $0x4  }
0x74: {  	v0 =	vadd.f32 v1, v0;
	_ =	sdelay $0x1  }
0x75: {  	v0 =	vmax.f32 v0, $0.0e+00  }
0x76: {  	[tilespmem:s29+$0xFFFFFF10] =	vst v0;
	v0 =	vld [tilespmem:s29+$0xFFFFFF20]  }
0x77: {  	v1 =	vld [tilespmem:s30+$0xFFFFFF20];
	_ =	sdelay $0x4  }
0x78: {  	v0 =	vadd.f32 v1, v0;
	_ =	sdelay $0x1  }
0x79: {  	v0 =	vmax.f32 v0, $0.0e+00  }
0x7a: {  	[tilespmem:s29+$0xFFFFFF20] =	vst v0;
	v0 =	vld [tilespmem:s29+$0xFFFFFF30]  }
0x7b: {  	v1 =	vld [tilespmem:s30+$0xFFFFFF30];
	_ =	sdelay $0x4  }
0x7c: {  	v0 =	vadd.f32 v1, v0;
	_ =	sdelay $0x1  }
0x7d: {  	v0 =	vmax.f32 v0, $0.0e+00  }
0x7e: {  	[tilespmem:s29+$0xFFFFFF30] =	vst v0;
	v0 =	vld [tilespmem:s29+$0xFFFFFF40]  }
0x7f: {  	v1 =	vld [tilespmem:s30+$0xFFFFFF40];
	_ =	sdelay $0x4  }
0x80: {  	v0 =	vadd.f32 v1, v0;
	_ =	sdelay $0x1  }
0x81: {  	v0 =	vmax.f32 v0, $0.0e+00  }
0x82: {  	[tilespmem:s29+$0xFFFFFF40] =	vst v0;
	v0 =	vld [tilespmem:s29+$0xFFFFFF50]  }
0x83: {  	v1 =	vld [tilespmem:s30+$0xFFFFFF50];
	_ =	sdelay $0x4  }
0x84: {  	v0 =	vadd.f32 v1, v0;
	_ =	sdelay $0x1  }
0x85: {  	v0 =	vmax.f32 v0, $0.0e+00  }
0x86: {  	[tilespmem:s29+$0xFFFFFF50] =	vst v0;
	v0 =	vld [tilespmem:s29+$0xFFFFFF60]  }
0x87: {  	v1 =	vld [tilespmem:s30+$0xFFFFFF60];
	_ =	sdelay $0x4  }
0x88: {  	v0 =	vadd.f32 v1, v0;
	_ =	sdelay $0x1  }
0x89: {  	v0 =	vmax.f32 v0, $0.0e+00  }
0x8a: {  	[tilespmem:s29+$0xFFFFFF60] =	vst v0;
	v0 =	vld [tilespmem:s29+$0xFFFFFF70]  }
0x8b: {  	v1 =	vld [tilespmem:s30+$0xFFFFFF70];
	_ =	sdelay $0x4  }
0x8c: {  	v0 =	vadd.f32 v1, v0;
	_ =	sdelay $0x1  }
0x8d: {  	v0 =	vmax.f32 v0, $0.0e+00  }
0x8e: {  	[tilespmem:s29+$0xFFFFFF70] =	vst v0;
	v0 =	vld [tilespmem:s29+$0xFFFFFF80]  }
0x8f: {  	v1 =	vld [tilespmem:s30+$0xFFFFFF80];
	_ =	sdelay $0x4  }
0x90: {  	v0 =	vadd.f32 v1, v0;
	_ =	sdelay $0x1  }
0x91: {  	v0 =	vmax.f32 v0, $0.0e+00  }
0x92: {  	[tilespmem:s29+$0xFFFFFF80] =	vst v0;
	v0 =	vld [tilespmem:s29+$0xFFFFFF90]  }
0x93: {  	v1 =	vld [tilespmem:s30+$0xFFFFFF90];
	_ =	sdelay $0x4  }
0x94: {  	v0 =	vadd.f32 v1, v0;
	_ =	sdelay $0x1  }
0x95: {  	v0 =	vmax.f32 v0, $0.0e+00  }
0x96: {  	[tilespmem:s29+$0xFFFFFF90] =	vst v0;
	v0 =	vld [tilespmem:s29+$0xFFFFFFA0]  }
0x97: {  	v1 =	vld [tilespmem:s30+$0xFFFFFFA0];
	_ =	sdelay $0x4  }
0x98: {  	v0 =	vadd.f32 v1, v0;
	_ =	sdelay $0x1  }
0x99: {  	v0 =	vmax.f32 v0, $0.0e+00  }
0x9a: {  	[tilespmem:s29+$0xFFFFFFA0] =	vst v0;
	v0 =	vld [tilespmem:s29+$0xFFFFFFB0]  }
0x9b: {  	v1 =	vld [tilespmem:s30+$0xFFFFFFB0];
	_ =	sdelay $0x4  }
0x9c: {  	v0 =	vadd.f32 v1, v0;
	_ =	sdelay $0x1  }
0x9d: {  	v0 =	vmax.f32 v0, $0.0e+00  }
0x9e: {  	[tilespmem:s29+$0xFFFFFFB0] =	vst v0;
	v0 =	vld [tilespmem:s29+$0xFFFFFFC0]  }
0x9f: {  	v1 =	vld [tilespmem:s30+$0xFFFFFFC0];
	_ =	sdelay $0x4  }
0xa0: {  	v0 =	vadd.f32 v1, v0;
	_ =	sdelay $0x1  }
0xa1: {  	v0 =	vmax.f32 v0, $0.0e+00  }
0xa2: {  	[tilespmem:s29+$0xFFFFFFC0] =	vst v0;
	v0 =	vld [tilespmem:s29+$0xFFFFFFD0]  }
0xa3: {  	v1 =	vld [tilespmem:s30+$0xFFFFFFD0];
	_ =	sdelay $0x4  }
0xa4: {  	v0 =	vadd.f32 v1, v0;
	_ =	sdelay $0x1  }
0xa5: {  	v0 =	vmax.f32 v0, $0.0e+00  }
0xa6: {  	[tilespmem:s29+$0xFFFFFFD0] =	vst v0;
	v0 =	vld [tilespmem:s29+$0xFFFFFFE0]  }
0xa7: {  	v1 =	vld [tilespmem:s30+$0xFFFFFFE0];
	_ =	sdelay $0x4  }
0xa8: {  	v0 =	vadd.f32 v1, v0;
	_ =	sdelay $0x1  }
0xa9: {  	v0 =	vmax.f32 v0, $0.0e+00  }
0xaa: {  	[tilespmem:s29+$0xFFFFFFE0] =	vst v0;
	v0 =	vld [tilespmem:s29+$0xFFFFFFF0]  }
0xab: {  	v1 =	vld [tilespmem:s30+$0xFFFFFFF0];
	_ =	sdelay $0x4  }
0xac: {  	v0 =	vadd.f32 v1, v0;
	_ =	sdelay $0x1  }
0xad: {  	v0 =	vmax.f32 v0, $0.0e+00  }
0xae: {  	[tilespmem:s29+$0xFFFFFFF0] =	vst v0;
	v0 =	vld [tilespmem:s29+$0x0]  }
0xaf: {  	v1 =	vld [tilespmem:s30+$0x0];
	_ =	sdelay $0x4  }
0xb0: {  	v0 =	vadd.f32 v1, v0;
	_ =	sdelay $0x1  }
0xb1: {  	v0 =	vmax.f32 v0, $0.0e+00  }
0xb2: {  	[tilespmem:s29+$0x0] =	vst v0;
	v0 =	vld [tilespmem:s29+$0x10]  }
0xb3: {  	v1 =	vld [tilespmem:s30+$0x10];
	_ =	sdelay $0x4  }
0xb4: {  	v0 =	vadd.f32 v1, v0;
	_ =	sdelay $0x1  }
0xb5: {  	v0 =	vmax.f32 v0, $0.0e+00  }
0xb6: {  	[tilespmem:s29+$0x10] =	vst v0;
	v0 =	vld [tilespmem:s29+$0x20]  }
0xb7: {  	v1 =	vld [tilespmem:s30+$0x20];
	_ =	sdelay $0x4  }
0xb8: {  	v0 =	vadd.f32 v1, v0;
	_ =	sdelay $0x1  }
0xb9: {  	v0 =	vmax.f32 v0, $0.0e+00  }
0xba: {  	[tilespmem:s29+$0x20] =	vst v0;
	v0 =	vld [tilespmem:s29+$0x30]  }
0xbb: {  	v1 =	vld [tilespmem:s30+$0x30];
	_ =	sdelay $0x4  }
0xbc: {  	v0 =	vadd.f32 v1, v0;
	_ =	sdelay $0x1  }
0xbd: {  	v0 =	vmax.f32 v0, $0.0e+00  }
0xbe: {  	[tilespmem:s29+$0x30] =	vst v0;
	v0 =	vld [tilespmem:s29+$0x40]  }
0xbf: {  	v1 =	vld [tilespmem:s30+$0x40];
	_ =	sdelay $0x4  }
0xc0: {  	v0 =	vadd.f32 v1, v0;
	_ =	sdelay $0x1  }
0xc1: {  	v0 =	vmax.f32 v0, $0.0e+00  }
0xc2: {  	[tilespmem:s29+$0x40] =	vst v0;
	v0 =	vld [tilespmem:s29+$0x50]  }
0xc3: {  	v1 =	vld [tilespmem:s30+$0x50];
	_ =	sdelay $0x4  }
0xc4: {  	v0 =	vadd.f32 v1, v0;
	_ =	sdelay $0x1  }
0xc5: {  	v0 =	vmax.f32 v0, $0.0e+00  }
0xc6: {  	[tilespmem:s29+$0x50] =	vst v0;
	v0 =	vld [tilespmem:s29+$0x60]  }
0xc7: {  	v1 =	vld [tilespmem:s30+$0x60];
	_ =	sdelay $0x4  }
0xc8: {  	v0 =	vadd.f32 v1, v0;
	_ =	sdelay $0x1  }
0xc9: {  	v0 =	vmax.f32 v0, $0.0e+00  }
0xca: {  	[tilespmem:s29+$0x60] =	vst v0;
	v0 =	vld [tilespmem:s29+$0x70]  }
0xcb: {  	v1 =	vld [tilespmem:s30+$0x70];
	_ =	sdelay $0x4  }
0xcc: {  	v0 =	vadd.f32 v1, v0;
	_ =	sdelay $0x1  }
0xcd: {  	v0 =	vmax.f32 v0, $0.0e+00  }
0xce: {  	[tilespmem:s29+$0x70] =	vst v0;
	v0 =	vld [tilespmem:s29+$0x80]  }
0xcf: {  	v1 =	vld [tilespmem:s30+$0x80];
	_ =	sdelay $0x4  }
0xd0: {  	v0 =	vadd.f32 v1, v0;
	_ =	sdelay $0x1  }
0xd1: {  	v0 =	vmax.f32 v0, $0.0e+00  }
0xd2: {  	[tilespmem:s29+$0x80] =	vst v0;
	v0 =	vld [tilespmem:s29+$0x90]  }
0xd3: {  	v1 =	vld [tilespmem:s30+$0x90];
	_ =	sdelay $0x4  }
0xd4: {  	v0 =	vadd.f32 v1, v0;
	_ =	sdelay $0x1  }
0xd5: {  	v0 =	vmax.f32 v0, $0.0e+00  }
0xd6: {  	[tilespmem:s29+$0x90] =	vst v0;
	v0 =	vld [tilespmem:s29+$0xA0]  }
0xd7: {  	v1 =	vld [tilespmem:s30+$0xA0];
	_ =	sdelay $0x4  }
0xd8: {  	v0 =	vadd.f32 v1, v0;
	_ =	sdelay $0x1  }
0xd9: {  	v0 =	vmax.f32 v0, $0.0e+00  }
0xda: {  	[tilespmem:s29+$0xA0] =	vst v0;
	v0 =	vld [tilespmem:s29+$0xB0]  }
0xdb: {  	v1 =	vld [tilespmem:s30+$0xB0];
	_ =	sdelay $0x4  }
0xdc: {  	v0 =	vadd.f32 v1, v0;
	_ =	sdelay $0x1  }
0xdd: {  	v0 =	vmax.f32 v0, $0.0e+00  }
0xde: {  	[tilespmem:s29+$0xB0] =	vst v0;
	v0 =	vld [tilespmem:s29+$0xC0]  }
0xdf: {  	v1 =	vld [tilespmem:s30+$0xC0];
	_ =	sdelay $0x4  }
0xe0: {  	v0 =	vadd.f32 v1, v0;
	_ =	sdelay $0x1  }
0xe1: {  	v0 =	vmax.f32 v0, $0.0e+00  }
0xe2: {  	[tilespmem:s29+$0xC0] =	vst v0;
	v0 =	vld [tilespmem:s29+$0xD0]  }
0xe3: {  	v1 =	vld [tilespmem:s30+$0xD0];
	_ =	sdelay $0x4  }
0xe4: {  	v0 =	vadd.f32 v1, v0;
	_ =	sdelay $0x1  }
0xe5: {  	v0 =	vmax.f32 v0, $0.0e+00  }
0xe6: {  	[tilespmem:s29+$0xD0] =	vst v0;
	v0 =	vld [tilespmem:s29+$0xE0]  }
0xe7: {  	v1 =	vld [tilespmem:s30+$0xE0];
	_ =	sdelay $0x4  }
0xe8: {  	v0 =	vadd.f32 v1, v0;
	_ =	sdelay $0x1  }
0xe9: {  	v0 =	vmax.f32 v0, $0.0e+00  }
0xea: {  	[tilespmem:s29+$0xE0] =	vst v0;
	v0 =	vld [tilespmem:s29+$0xF0]  }
0xeb: {  	v1 =	vld [tilespmem:s30+$0xF0];
	_ =	sdelay $0x4  }
0xec: {  	v0 =	vadd.f32 v1, v0;
	_ =	sdelay $0x1  }
0xed: {  	s31 =	simm.s32 $0x0;
	s1 =	simm.s32 $0x2000;
	s26 =	sadd.s32 $0xA0, s28;
	v0 =	vmax.f32 v0, $0.0e+00  }
.LBB2_3:
0xee: {  	v1 =	vld [tilespmem:s1+$0xFFFFFF00];
	[tilespmem:s29+$0xF0] =	vst v0;
	s30 =	sadd.s32 $0x200, s30;
	s29 =	smov.u32 s1  }
0xef: {  	s31 =	sadd.s32 $0x4, s31;
	v0 =	vld [tilespmem:s30+$0xFFFFFF00]  }
0xf0: {  	p0 =	slt.u32 s31, $0x9C;
	_ =	sdelay $0x3  }
0xf1: {  	v0 =	vadd.f32 v0, v1;
	_ =	sdelay $0x1  }
0xf2: {  	v0 =	vmax.f32 v0, $0.0e+00  }
0xf3: {  	[tilespmem:s1+$0xFFFFFF00] =	vst v0;
	v0 =	vld [tilespmem:s1+$0xFFFFFF10]  }
0xf4: {  	v1 =	vld [tilespmem:s30+$0xFFFFFF10];
	_ =	sdelay $0x4  }
0xf5: {  	v0 =	vadd.f32 v1, v0;
	_ =	sdelay $0x1  }
0xf6: {  	v0 =	vmax.f32 v0, $0.0e+00  }
0xf7: {  	[tilespmem:s1+$0xFFFFFF10] =	vst v0;
	v0 =	vld [tilespmem:s1+$0xFFFFFF20]  }
0xf8: {  	v1 =	vld [tilespmem:s30+$0xFFFFFF20];
	_ =	sdelay $0x4  }
0xf9: {  	v0 =	vadd.f32 v1, v0;
	_ =	sdelay $0x1  }
0xfa: {  	v0 =	vmax.f32 v0, $0.0e+00  }
0xfb: {  	[tilespmem:s1+$0xFFFFFF20] =	vst v0;
	v0 =	vld [tilespmem:s1+$0xFFFFFF30]  }
0xfc: {  	v1 =	vld [tilespmem:s30+$0xFFFFFF30];
	_ =	sdelay $0x4  }
0xfd: {  	v0 =	vadd.f32 v1, v0;
	_ =	sdelay $0x1  }
0xfe: {  	v0 =	vmax.f32 v0, $0.0e+00  }
0xff: {  	[tilespmem:s1+$0xFFFFFF30] =	vst v0;
	v0 =	vld [tilespmem:s1+$0xFFFFFF40]  }
0x100: {  	v1 =	vld [tilespmem:s30+$0xFFFFFF40];
	_ =	sdelay $0x4  }
0x101: {  	v0 =	vadd.f32 v1, v0;
	_ =	sdelay $0x1  }
0x102: {  	v0 =	vmax.f32 v0, $0.0e+00  }
0x103: {  	[tilespmem:s1+$0xFFFFFF40] =	vst v0;
	v0 =	vld [tilespmem:s1+$0xFFFFFF50]  }
0x104: {  	v1 =	vld [tilespmem:s30+$0xFFFFFF50];
	_ =	sdelay $0x4  }
0x105: {  	v0 =	vadd.f32 v1, v0;
	_ =	sdelay $0x1  }
0x106: {  	v0 =	vmax.f32 v0, $0.0e+00  }
0x107: {  	[tilespmem:s1+$0xFFFFFF50] =	vst v0;
	v0 =	vld [tilespmem:s1+$0xFFFFFF60]  }
0x108: {  	v1 =	vld [tilespmem:s30+$0xFFFFFF60];
	_ =	sdelay $0x4  }
0x109: {  	v0 =	vadd.f32 v1, v0;
	_ =	sdelay $0x1  }
0x10a: {  	v0 =	vmax.f32 v0, $0.0e+00  }
0x10b: {  	[tilespmem:s1+$0xFFFFFF60] =	vst v0;
	v0 =	vld [tilespmem:s1+$0xFFFFFF70]  }
0x10c: {  	v1 =	vld [tilespmem:s30+$0xFFFFFF70];
	_ =	sdelay $0x4  }
0x10d: {  	v0 =	vadd.f32 v1, v0;
	_ =	sdelay $0x1  }
0x10e: {  	v0 =	vmax.f32 v0, $0.0e+00  }
0x10f: {  	[tilespmem:s1+$0xFFFFFF70] =	vst v0;
	v0 =	vld [tilespmem:s1+$0xFFFFFF80]  }
0x110: {  	v1 =	vld [tilespmem:s30+$0xFFFFFF80];
	_ =	sdelay $0x4  }
0x111: {  	v0 =	vadd.f32 v1, v0;
	_ =	sdelay $0x1  }
0x112: {  	v0 =	vmax.f32 v0, $0.0e+00  }
0x113: {  	[tilespmem:s1+$0xFFFFFF80] =	vst v0;
	v0 =	vld [tilespmem:s1+$0xFFFFFF90]  }
0x114: {  	v1 =	vld [tilespmem:s30+$0xFFFFFF90];
	_ =	sdelay $0x4  }
0x115: {  	v0 =	vadd.f32 v1, v0;
	_ =	sdelay $0x1  }
0x116: {  	v0 =	vmax.f32 v0, $0.0e+00  }
0x117: {  	[tilespmem:s1+$0xFFFFFF90] =	vst v0;
	v0 =	vld [tilespmem:s1+$0xFFFFFFA0]  }
0x118: {  	v1 =	vld [tilespmem:s30+$0xFFFFFFA0];
	_ =	sdelay $0x4  }
0x119: {  	v0 =	vadd.f32 v1, v0;
	_ =	sdelay $0x1  }
0x11a: {  	v0 =	vmax.f32 v0, $0.0e+00  }
0x11b: {  	[tilespmem:s1+$0xFFFFFFA0] =	vst v0;
	v0 =	vld [tilespmem:s1+$0xFFFFFFB0]  }
0x11c: {  	v1 =	vld [tilespmem:s30+$0xFFFFFFB0];
	_ =	sdelay $0x4  }
0x11d: {  	v0 =	vadd.f32 v1, v0;
	_ =	sdelay $0x1  }
0x11e: {  	v0 =	vmax.f32 v0, $0.0e+00  }
0x11f: {  	[tilespmem:s1+$0xFFFFFFB0] =	vst v0;
	v0 =	vld [tilespmem:s1+$0xFFFFFFC0]  }
0x120: {  	v1 =	vld [tilespmem:s30+$0xFFFFFFC0];
	_ =	sdelay $0x4  }
0x121: {  	v0 =	vadd.f32 v1, v0;
	_ =	sdelay $0x1  }
0x122: {  	v0 =	vmax.f32 v0, $0.0e+00  }
0x123: {  	[tilespmem:s1+$0xFFFFFFC0] =	vst v0;
	v0 =	vld [tilespmem:s1+$0xFFFFFFD0]  }
0x124: {  	v1 =	vld [tilespmem:s30+$0xFFFFFFD0];
	_ =	sdelay $0x4  }
0x125: {  	v0 =	vadd.f32 v1, v0;
	_ =	sdelay $0x1  }
0x126: {  	v0 =	vmax.f32 v0, $0.0e+00  }
0x127: {  	[tilespmem:s1+$0xFFFFFFD0] =	vst v0;
	v0 =	vld [tilespmem:s1+$0xFFFFFFE0]  }
0x128: {  	v1 =	vld [tilespmem:s30+$0xFFFFFFE0];
	_ =	sdelay $0x4  }
0x129: {  	v0 =	vadd.f32 v1, v0;
	_ =	sdelay $0x1  }
0x12a: {  	v0 =	vmax.f32 v0, $0.0e+00  }
0x12b: {  	[tilespmem:s1+$0xFFFFFFE0] =	vst v0;
	v0 =	vld [tilespmem:s1+$0xFFFFFFF0]  }
0x12c: {  	v1 =	vld [tilespmem:s30+$0xFFFFFFF0];
	_ =	sdelay $0x4  }
0x12d: {  	v0 =	vadd.f32 v1, v0;
	_ =	sdelay $0x1  }
0x12e: {  	v0 =	vmax.f32 v0, $0.0e+00  }
0x12f: {  	[tilespmem:s1+$0xFFFFFFF0] =	vst v0;
	v0 =	vld [tilespmem:s1+$0x0]  }
0x130: {  	v1 =	vld [tilespmem:s30+$0x0];
	_ =	sdelay $0x4  }
0x131: {  	v0 =	vadd.f32 v1, v0;
	_ =	sdelay $0x1  }
0x132: {  	v0 =	vmax.f32 v0, $0.0e+00  }
0x133: {  	[tilespmem:s1+$0x0] =	vst v0;
	v0 =	vld [tilespmem:s1+$0x10]  }
0x134: {  	v1 =	vld [tilespmem:s30+$0x10];
	_ =	sdelay $0x4  }
0x135: {  	v0 =	vadd.f32 v1, v0;
	_ =	sdelay $0x1  }
0x136: {  	v0 =	vmax.f32 v0, $0.0e+00  }
0x137: {  	[tilespmem:s1+$0x10] =	vst v0;
	v0 =	vld [tilespmem:s1+$0x20]  }
0x138: {  	v1 =	vld [tilespmem:s30+$0x20];
	_ =	sdelay $0x4  }
0x139: {  	v0 =	vadd.f32 v1, v0;
	_ =	sdelay $0x1  }
0x13a: {  	v0 =	vmax.f32 v0, $0.0e+00  }
0x13b: {  	[tilespmem:s1+$0x20] =	vst v0;
	v0 =	vld [tilespmem:s1+$0x30]  }
0x13c: {  	v1 =	vld [tilespmem:s30+$0x30];
	_ =	sdelay $0x4  }
0x13d: {  	v0 =	vadd.f32 v1, v0;
	_ =	sdelay $0x1  }
0x13e: {  	v0 =	vmax.f32 v0, $0.0e+00  }
0x13f: {  	[tilespmem:s1+$0x30] =	vst v0;
	v0 =	vld [tilespmem:s1+$0x40]  }
0x140: {  	v1 =	vld [tilespmem:s30+$0x40];
	_ =	sdelay $0x4  }
0x141: {  	v0 =	vadd.f32 v1, v0;
	_ =	sdelay $0x1  }
0x142: {  	v0 =	vmax.f32 v0, $0.0e+00  }
0x143: {  	[tilespmem:s1+$0x40] =	vst v0;
	v0 =	vld [tilespmem:s1+$0x50]  }
0x144: {  	v1 =	vld [tilespmem:s30+$0x50];
	_ =	sdelay $0x4  }
0x145: {  	v0 =	vadd.f32 v1, v0;
	_ =	sdelay $0x1  }
0x146: {  	v0 =	vmax.f32 v0, $0.0e+00  }
0x147: {  	[tilespmem:s1+$0x50] =	vst v0;
	v0 =	vld [tilespmem:s1+$0x60]  }
0x148: {  	v1 =	vld [tilespmem:s30+$0x60];
	_ =	sdelay $0x4  }
0x149: {  	v0 =	vadd.f32 v1, v0;
	_ =	sdelay $0x1  }
0x14a: {  	v0 =	vmax.f32 v0, $0.0e+00  }
0x14b: {  	[tilespmem:s1+$0x60] =	vst v0;
	v0 =	vld [tilespmem:s1+$0x70]  }
0x14c: {  	v1 =	vld [tilespmem:s30+$0x70];
	_ =	sdelay $0x4  }
0x14d: {  	v0 =	vadd.f32 v1, v0;
	_ =	sdelay $0x1  }
0x14e: {  	v0 =	vmax.f32 v0, $0.0e+00  }
0x14f: {  	[tilespmem:s1+$0x70] =	vst v0;
	v0 =	vld [tilespmem:s1+$0x80]  }
0x150: {  	v1 =	vld [tilespmem:s30+$0x80];
	_ =	sdelay $0x4  }
0x151: {  	v0 =	vadd.f32 v1, v0;
	_ =	sdelay $0x1  }
0x152: {  	v0 =	vmax.f32 v0, $0.0e+00  }
0x153: {  	[tilespmem:s1+$0x80] =	vst v0;
	v0 =	vld [tilespmem:s1+$0x90]  }
0x154: {  	v1 =	vld [tilespmem:s30+$0x90];
	_ =	sdelay $0x4  }
0x155: {  	v0 =	vadd.f32 v1, v0;
	_ =	sdelay $0x1  }
0x156: {  	v0 =	vmax.f32 v0, $0.0e+00  }
0x157: {  	[tilespmem:s1+$0x90] =	vst v0;
	v0 =	vld [tilespmem:s1+$0xA0]  }
0x158: {  	v1 =	vld [tilespmem:s30+$0xA0];
	_ =	sdelay $0x4  }
0x159: {  	v0 =	vadd.f32 v1, v0;
	_ =	sdelay $0x1  }
0x15a: {  	v0 =	vmax.f32 v0, $0.0e+00  }
0x15b: {  	[tilespmem:s1+$0xA0] =	vst v0;
	v0 =	vld [tilespmem:s1+$0xB0]  }
0x15c: {  	v1 =	vld [tilespmem:s30+$0xB0];
	_ =	sdelay $0x4  }
0x15d: {  	v0 =	vadd.f32 v1, v0;
	_ =	sdelay $0x1  }
0x15e: {  	v0 =	vmax.f32 v0, $0.0e+00  }
0x15f: {  	[tilespmem:s1+$0xB0] =	vst v0;
	v0 =	vld [tilespmem:s1+$0xC0]  }
0x160: {  	v1 =	vld [tilespmem:s30+$0xC0];
	_ =	sdelay $0x4  }
0x161: {  	v0 =	vadd.f32 v1, v0;
	_ =	sdelay $0x1  }
0x162: {  	v0 =	vmax.f32 v0, $0.0e+00  }
0x163: {  	[tilespmem:s1+$0xC0] =	vst v0;
	v0 =	vld [tilespmem:s1+$0xD0]  }
0x164: {  	v1 =	vld [tilespmem:s30+$0xD0];
	_ =	sdelay $0x4  }
0x165: {  	v0 =	vadd.f32 v1, v0;
	_ =	sdelay $0x1  }
0x166: {  	v0 =	vmax.f32 v0, $0.0e+00  }
0x167: {  	[tilespmem:s1+$0xD0] =	vst v0;
	v0 =	vld [tilespmem:s1+$0xE0]  }
0x168: {  	v1 =	vld [tilespmem:s30+$0xE0];
	_ =	sdelay $0x4  }
0x169: {  	v0 =	vadd.f32 v1, v0;
	_ =	sdelay $0x1  }
0x16a: {  	v0 =	vmax.f32 v0, $0.0e+00  }
0x16b: {  	[tilespmem:s1+$0xE0] =	vst v0;
	v0 =	vld [tilespmem:s1+$0xF0]  }
0x16c: {  	v1 =	vld [tilespmem:s30+$0xF0];
	_ =	sdelay $0x2  }
.Ltmp0:
0x16d: {  	(pc) =	sbr.rel @p0 .LBB2_3-.Ltmp0, $3  }
0x16e: {  	_ = 	snop  }
0x16f: {  	v0 =	vadd.f32 v1, v0;
	_ =	sdelay $0x1  }
0x170: {  	s1 =	sadd.s32 $0x200, s1;
	v0 =	vmax.f32 v0, $0.0e+00  }
0x171: {  	s1 =	sadd.s32 s3, s28  }
0x172: {  	s1 =	sshll.u32 s1, $0x4  }
0x173: {  	[tilespmem:s29+$0xF0] =	vst v0;
	s1 =	sadd.s32 s5, s1  }
0x174: {  	[hbm4b:s1+s2] =	stream.linear.scatter [tilespmem:s13], [sflag:$0x5], $0x5000, $0x38;
	[tilespmem:$0x15D00] =	vst v63  }
0x175: {  	_ =	swait.ge [sflag:s9], $0x5000  }
0x176: {  	[sflag:s9] =	ssyncset.done $0x0  }
0x177: {  	p0 =	seq.s32 s25, $0x9;
	[sflag:s9] =	ssyncadd.s32 $0xFFFFB000  }
0x178: {  	v0 =	vld @!p0 [tilespmem:s28+$0x140];
	_ =	sdelay $0x4  }
0x179: {  	[tilespmem:$0x1900] =	vst @!p0 v0  }
0x17a: {  	v0 =	vld @!p0 [tilespmem:s28+$0xDC0];
	_ =	sdelay $0x4  }
0x17b: {  	v0 =	vadd.s32 @!p0 $0x2710, v0  }
0x17c: {  	[tilespmem:$0x1A00] =	vst @!p0 v0  }
0x17d: {  	v0 =	vld @!p0 [tilespmem:s28+$0x150];
	_ =	sdelay $0x4  }
0x17e: {  	[tilespmem:$0x1910] =	vst @!p0 v0  }
0x17f: {  	v0 =	vld @!p0 [tilespmem:s28+$0xDD0];
	_ =	sdelay $0x4  }
0x180: {  	v0 =	vadd.s32 @!p0 $0x2710, v0  }
0x181: {  	[tilespmem:$0x1A10] =	vst @!p0 v0  }
0x182: {  	v0 =	vld @!p0 [tilespmem:s28+$0x160];
	_ =	sdelay $0x4  }
0x183: {  	[tilespmem:$0x1920] =	vst @!p0 v0  }
0x184: {  	v0 =	vld @!p0 [tilespmem:s28+$0xDE0];
	_ =	sdelay $0x4  }
0x185: {  	v0 =	vadd.s32 @!p0 $0x2710, v0  }
0x186: {  	[tilespmem:$0x1A20] =	vst @!p0 v0  }
0x187: {  	v0 =	vld @!p0 [tilespmem:s28+$0x170];
	_ =	sdelay $0x4  }
0x188: {  	[tilespmem:$0x1930] =	vst @!p0 v0  }
0x189: {  	v0 =	vld @!p0 [tilespmem:s28+$0xDF0];
	_ =	sdelay $0x4  }
0x18a: {  	v0 =	vadd.s32 @!p0 $0x2710, v0  }
0x18b: {  	[tilespmem:$0x1A30] =	vst @!p0 v0  }
0x18c: {  	v0 =	vld @!p0 [tilespmem:s28+$0x180];
	_ =	sdelay $0x4  }
0x18d: {  	[tilespmem:$0x1940] =	vst @!p0 v0  }
0x18e: {  	v0 =	vld @!p0 [tilespmem:s28+$0xE00];
	_ =	sdelay $0x4  }
0x18f: {  	v0 =	vadd.s32 @!p0 $0x2710, v0  }
0x190: {  	[tilespmem:$0x1A40] =	vst @!p0 v0  }
0x191: {  	v0 =	vld @!p0 [tilespmem:s28+$0x190];
	_ =	sdelay $0x4  }
0x192: {  	[tilespmem:$0x1950] =	vst @!p0 v0  }
0x193: {  	v0 =	vld @!p0 [tilespmem:s28+$0xE10];
	_ =	sdelay $0x4  }
0x194: {  	v0 =	vadd.s32 @!p0 $0x2710, v0  }
0x195: {  	[tilespmem:$0x1A50] =	vst @!p0 v0  }
0x196: {  	v0 =	vld @!p0 [tilespmem:s28+$0x1A0];
	_ =	sdelay $0x4  }
0x197: {  	[tilespmem:$0x1960] =	vst @!p0 v0  }
0x198: {  	v0 =	vld @!p0 [tilespmem:s28+$0xE20];
	_ =	sdelay $0x4  }
0x199: {  	v0 =	vadd.s32 @!p0 $0x2710, v0  }
0x19a: {  	[tilespmem:$0x1A60] =	vst @!p0 v0  }
0x19b: {  	v0 =	vld @!p0 [tilespmem:s28+$0x1B0];
	_ =	sdelay $0x4  }
0x19c: {  	[tilespmem:$0x1970] =	vst @!p0 v0  }
0x19d: {  	v0 =	vld @!p0 [tilespmem:s28+$0xE30];
	_ =	sdelay $0x4  }
0x19e: {  	v0 =	vadd.s32 @!p0 $0x2710, v0  }
0x19f: {  	[tilespmem:$0x1A70] =	vst @!p0 v0  }
0x1a0: {  	v0 =	vld @!p0 [tilespmem:s28+$0x1C0];
	_ =	sdelay $0x4  }
0x1a1: {  	[tilespmem:$0x1980] =	vst @!p0 v0  }
0x1a2: {  	v0 =	vld @!p0 [tilespmem:s28+$0xE40];
	_ =	sdelay $0x4  }
0x1a3: {  	v0 =	vadd.s32 @!p0 $0x2710, v0  }
0x1a4: {  	[tilespmem:$0x1A80] =	vst @!p0 v0  }
0x1a5: {  	v0 =	vld @!p0 [tilespmem:s28+$0x1D0];
	_ =	sdelay $0x4  }
0x1a6: {  	[tilespmem:$0x1990] =	vst @!p0 v0  }
0x1a7: {  	v0 =	vld @!p0 [tilespmem:s28+$0xE50];
	_ =	sdelay $0x4  }
0x1a8: {  	v0 =	vadd.s32 @!p0 $0x2710, v0  }
0x1a9: {  	s29 =	simm.s32 @!p0 $0x1D00;
	s1 =	simm.s32 @!p0 $0xA0;
	s28 =	simm.s32 @!p0 $0x1900;
	[tilespmem:$0x1A90] =	vst @!p0 v0  }
0x1aa: {  	[tilespmem:s29], [sflag:$0x1] =	stream.indirect.gather @!p0 [hbm4b:s4+s1], $0x80, s28, s1, $0xb8;
	[tilespmem:$0x15D00] =	vst v63  }
0x1ab: {  	s28 =	simm.s32 @!p0 $0x1A00;
	s29 =	simm.s32 @!p0 $0x6D00  }
0x1ac: {  	[tilespmem:s29], [sflag:$0x2] =	stream.indirect.gather @!p0 [hbm4b:s4+s1], $0x80, s28, s1, $0xb8;
	[tilespmem:$0x15D00] =	vst v63  }
0x1ad: {  	_ =	swait.ge [sflag:s22], $0x5000  }
0x1ae: {  	[sflag:s22] =	ssyncset.done $0x0  }
0x1af: {  	[sflag:s22] =	ssyncadd.s32 $0xFFFFB000  }
0x1b0: {  	_ =	swait.ge [sflag:s23], $0x5000  }
0x1b1: {  	[sflag:s23] =	ssyncset.done $0x0  }
0x1b2: {  	s28 =	simm.s32 $0xBE00;
	[sflag:s23] =	ssyncadd.s32 $0xFFFFB000  }
0x1b3: {  	s29 =	simm.s32 $0x10E00;
	v0 =	vld [tilespmem:s28+$0xFFFFFF00]  }
0x1b4: {  	v1 =	vld [tilespmem:s29+$0xFFFFFF00];
	_ =	sdelay $0x4  }
0x1b5: {  	v0 =	vadd.f32 v1, v0;
	_ =	sdelay $0x1  }
0x1b6: {  	v0 =	vmax.f32 v0, $0.0e+00  }
0x1b7: {  	[tilespmem:s28+$0xFFFFFF00] =	vst v0;
	v0 =	vld [tilespmem:s28+$0xFFFFFF10]  }
0x1b8: {  	v1 =	vld [tilespmem:s29+$0xFFFFFF10];
	_ =	sdelay $0x4  }
0x1b9: {  	v0 =	vadd.f32 v1, v0;
	_ =	sdelay $0x1  }
0x1ba: {  	v0 =	vmax.f32 v0, $0.0e+00  }
0x1bb: {  	[tilespmem:s28+$0xFFFFFF10] =	vst v0;
	v0 =	vld [tilespmem:s28+$0xFFFFFF20]  }
0x1bc: {  	v1 =	vld [tilespmem:s29+$0xFFFFFF20];
	_ =	sdelay $0x4  }
0x1bd: {  	v0 =	vadd.f32 v1, v0;
	_ =	sdelay $0x1  }
0x1be: {  	v0 =	vmax.f32 v0, $0.0e+00  }
0x1bf: {  	[tilespmem:s28+$0xFFFFFF20] =	vst v0;
	v0 =	vld [tilespmem:s28+$0xFFFFFF30]  }
0x1c0: {  	v1 =	vld [tilespmem:s29+$0xFFFFFF30];
	_ =	sdelay $0x4  }
0x1c1: {  	v0 =	vadd.f32 v1, v0;
	_ =	sdelay $0x1  }
0x1c2: {  	v0 =	vmax.f32 v0, $0.0e+00  }
0x1c3: {  	[tilespmem:s28+$0xFFFFFF30] =	vst v0;
	v0 =	vld [tilespmem:s28+$0xFFFFFF40]  }
0x1c4: {  	v1 =	vld [tilespmem:s29+$0xFFFFFF40];
	_ =	sdelay $0x4  }
0x1c5: {  	v0 =	vadd.f32 v1, v0;
	_ =	sdelay $0x1  }
0x1c6: {  	v0 =	vmax.f32 v0, $0.0e+00  }
0x1c7: {  	[tilespmem:s28+$0xFFFFFF40] =	vst v0;
	v0 =	vld [tilespmem:s28+$0xFFFFFF50]  }
0x1c8: {  	v1 =	vld [tilespmem:s29+$0xFFFFFF50];
	_ =	sdelay $0x4  }
0x1c9: {  	v0 =	vadd.f32 v1, v0;
	_ =	sdelay $0x1  }
0x1ca: {  	v0 =	vmax.f32 v0, $0.0e+00  }
0x1cb: {  	[tilespmem:s28+$0xFFFFFF50] =	vst v0;
	v0 =	vld [tilespmem:s28+$0xFFFFFF60]  }
0x1cc: {  	v1 =	vld [tilespmem:s29+$0xFFFFFF60];
	_ =	sdelay $0x4  }
0x1cd: {  	v0 =	vadd.f32 v1, v0;
	_ =	sdelay $0x1  }
0x1ce: {  	v0 =	vmax.f32 v0, $0.0e+00  }
0x1cf: {  	[tilespmem:s28+$0xFFFFFF60] =	vst v0;
	v0 =	vld [tilespmem:s28+$0xFFFFFF70]  }
0x1d0: {  	v1 =	vld [tilespmem:s29+$0xFFFFFF70];
	_ =	sdelay $0x4  }
0x1d1: {  	v0 =	vadd.f32 v1, v0;
	_ =	sdelay $0x1  }
0x1d2: {  	v0 =	vmax.f32 v0, $0.0e+00  }
0x1d3: {  	[tilespmem:s28+$0xFFFFFF70] =	vst v0;
	v0 =	vld [tilespmem:s28+$0xFFFFFF80]  }
0x1d4: {  	v1 =	vld [tilespmem:s29+$0xFFFFFF80];
	_ =	sdelay $0x4  }
0x1d5: {  	v0 =	vadd.f32 v1, v0;
	_ =	sdelay $0x1  }
0x1d6: {  	v0 =	vmax.f32 v0, $0.0e+00  }
0x1d7: {  	[tilespmem:s28+$0xFFFFFF80] =	vst v0;
	v0 =	vld [tilespmem:s28+$0xFFFFFF90]  }
0x1d8: {  	v1 =	vld [tilespmem:s29+$0xFFFFFF90];
	_ =	sdelay $0x4  }
0x1d9: {  	v0 =	vadd.f32 v1, v0;
	_ =	sdelay $0x1  }
0x1da: {  	v0 =	vmax.f32 v0, $0.0e+00  }
0x1db: {  	[tilespmem:s28+$0xFFFFFF90] =	vst v0;
	v0 =	vld [tilespmem:s28+$0xFFFFFFA0]  }
0x1dc: {  	v1 =	vld [tilespmem:s29+$0xFFFFFFA0];
	_ =	sdelay $0x4  }
0x1dd: {  	v0 =	vadd.f32 v1, v0;
	_ =	sdelay $0x1  }
0x1de: {  	v0 =	vmax.f32 v0, $0.0e+00  }
0x1df: {  	[tilespmem:s28+$0xFFFFFFA0] =	vst v0;
	v0 =	vld [tilespmem:s28+$0xFFFFFFB0]  }
0x1e0: {  	v1 =	vld [tilespmem:s29+$0xFFFFFFB0];
	_ =	sdelay $0x4  }
0x1e1: {  	v0 =	vadd.f32 v1, v0;
	_ =	sdelay $0x1  }
0x1e2: {  	v0 =	vmax.f32 v0, $0.0e+00  }
0x1e3: {  	[tilespmem:s28+$0xFFFFFFB0] =	vst v0;
	v0 =	vld [tilespmem:s28+$0xFFFFFFC0]  }
0x1e4: {  	v1 =	vld [tilespmem:s29+$0xFFFFFFC0];
	_ =	sdelay $0x4  }
0x1e5: {  	v0 =	vadd.f32 v1, v0;
	_ =	sdelay $0x1  }
0x1e6: {  	v0 =	vmax.f32 v0, $0.0e+00  }
0x1e7: {  	[tilespmem:s28+$0xFFFFFFC0] =	vst v0;
	v0 =	vld [tilespmem:s28+$0xFFFFFFD0]  }
0x1e8: {  	v1 =	vld [tilespmem:s29+$0xFFFFFFD0];
	_ =	sdelay $0x4  }
0x1e9: {  	v0 =	vadd.f32 v1, v0;
	_ =	sdelay $0x1  }
0x1ea: {  	v0 =	vmax.f32 v0, $0.0e+00  }
0x1eb: {  	[tilespmem:s28+$0xFFFFFFD0] =	vst v0;
	v0 =	vld [tilespmem:s28+$0xFFFFFFE0]  }
0x1ec: {  	v1 =	vld [tilespmem:s29+$0xFFFFFFE0];
	_ =	sdelay $0x4  }
0x1ed: {  	v0 =	vadd.f32 v1, v0;
	_ =	sdelay $0x1  }
0x1ee: {  	v0 =	vmax.f32 v0, $0.0e+00  }
0x1ef: {  	[tilespmem:s28+$0xFFFFFFE0] =	vst v0;
	v0 =	vld [tilespmem:s28+$0xFFFFFFF0]  }
0x1f0: {  	v1 =	vld [tilespmem:s29+$0xFFFFFFF0];
	_ =	sdelay $0x4  }
0x1f1: {  	v0 =	vadd.f32 v1, v0;
	_ =	sdelay $0x1  }
0x1f2: {  	v0 =	vmax.f32 v0, $0.0e+00  }
0x1f3: {  	[tilespmem:s28+$0xFFFFFFF0] =	vst v0;
	v0 =	vld [tilespmem:s28+$0x0]  }
0x1f4: {  	v1 =	vld [tilespmem:s29+$0x0];
	_ =	sdelay $0x4  }
0x1f5: {  	v0 =	vadd.f32 v1, v0;
	_ =	sdelay $0x1  }
0x1f6: {  	v0 =	vmax.f32 v0, $0.0e+00  }
0x1f7: {  	[tilespmem:s28+$0x0] =	vst v0;
	v0 =	vld [tilespmem:s28+$0x10]  }
0x1f8: {  	v1 =	vld [tilespmem:s29+$0x10];
	_ =	sdelay $0x4  }
0x1f9: {  	v0 =	vadd.f32 v1, v0;
	_ =	sdelay $0x1  }
0x1fa: {  	v0 =	vmax.f32 v0, $0.0e+00  }
0x1fb: {  	[tilespmem:s28+$0x10] =	vst v0;
	v0 =	vld [tilespmem:s28+$0x20]  }
0x1fc: {  	v1 =	vld [tilespmem:s29+$0x20];
	_ =	sdelay $0x4  }
0x1fd: {  	v0 =	vadd.f32 v1, v0;
	_ =	sdelay $0x1  }
0x1fe: {  	v0 =	vmax.f32 v0, $0.0e+00  }
0x1ff: {  	[tilespmem:s28+$0x20] =	vst v0;
	v0 =	vld [tilespmem:s28+$0x30]  }
0x200: {  	v1 =	vld [tilespmem:s29+$0x30];
	_ =	sdelay $0x4  }
0x201: {  	v0 =	vadd.f32 v1, v0;
	_ =	sdelay $0x1  }
0x202: {  	v0 =	vmax.f32 v0, $0.0e+00  }
0x203: {  	[tilespmem:s28+$0x30] =	vst v0;
	v0 =	vld [tilespmem:s28+$0x40]  }
0x204: {  	v1 =	vld [tilespmem:s29+$0x40];
	_ =	sdelay $0x4  }
0x205: {  	v0 =	vadd.f32 v1, v0;
	_ =	sdelay $0x1  }
0x206: {  	v0 =	vmax.f32 v0, $0.0e+00  }
0x207: {  	[tilespmem:s28+$0x40] =	vst v0;
	v0 =	vld [tilespmem:s28+$0x50]  }
0x208: {  	v1 =	vld [tilespmem:s29+$0x50];
	_ =	sdelay $0x4  }
0x209: {  	v0 =	vadd.f32 v1, v0;
	_ =	sdelay $0x1  }
0x20a: {  	v0 =	vmax.f32 v0, $0.0e+00  }
0x20b: {  	[tilespmem:s28+$0x50] =	vst v0;
	v0 =	vld [tilespmem:s28+$0x60]  }
0x20c: {  	v1 =	vld [tilespmem:s29+$0x60];
	_ =	sdelay $0x4  }
0x20d: {  	v0 =	vadd.f32 v1, v0;
	_ =	sdelay $0x1  }
0x20e: {  	v0 =	vmax.f32 v0, $0.0e+00  }
0x20f: {  	[tilespmem:s28+$0x60] =	vst v0;
	v0 =	vld [tilespmem:s28+$0x70]  }
0x210: {  	v1 =	vld [tilespmem:s29+$0x70];
	_ =	sdelay $0x4  }
0x211: {  	v0 =	vadd.f32 v1, v0;
	_ =	sdelay $0x1  }
0x212: {  	v0 =	vmax.f32 v0, $0.0e+00  }
0x213: {  	[tilespmem:s28+$0x70] =	vst v0;
	v0 =	vld [tilespmem:s28+$0x80]  }
0x214: {  	v1 =	vld [tilespmem:s29+$0x80];
	_ =	sdelay $0x4  }
0x215: {  	v0 =	vadd.f32 v1, v0;
	_ =	sdelay $0x1  }
0x216: {  	v0 =	vmax.f32 v0, $0.0e+00  }
0x217: {  	[tilespmem:s28+$0x80] =	vst v0;
	v0 =	vld [tilespmem:s28+$0x90]  }
0x218: {  	v1 =	vld [tilespmem:s29+$0x90];
	_ =	sdelay $0x4  }
0x219: {  	v0 =	vadd.f32 v1, v0;
	_ =	sdelay $0x1  }
0x21a: {  	v0 =	vmax.f32 v0, $0.0e+00  }
0x21b: {  	[tilespmem:s28+$0x90] =	vst v0;
	v0 =	vld [tilespmem:s28+$0xA0]  }
0x21c: {  	v1 =	vld [tilespmem:s29+$0xA0];
	_ =	sdelay $0x4  }
0x21d: {  	v0 =	vadd.f32 v1, v0;
	_ =	sdelay $0x1  }
0x21e: {  	v0 =	vmax.f32 v0, $0.0e+00  }
0x21f: {  	[tilespmem:s28+$0xA0] =	vst v0;
	v0 =	vld [tilespmem:s28+$0xB0]  }
0x220: {  	v1 =	vld [tilespmem:s29+$0xB0];
	_ =	sdelay $0x4  }
0x221: {  	v0 =	vadd.f32 v1, v0;
	_ =	sdelay $0x1  }
0x222: {  	v0 =	vmax.f32 v0, $0.0e+00  }
0x223: {  	[tilespmem:s28+$0xB0] =	vst v0;
	v0 =	vld [tilespmem:s28+$0xC0]  }
0x224: {  	v1 =	vld [tilespmem:s29+$0xC0];
	_ =	sdelay $0x4  }
0x225: {  	v0 =	vadd.f32 v1, v0;
	_ =	sdelay $0x1  }
0x226: {  	v0 =	vmax.f32 v0, $0.0e+00  }
0x227: {  	[tilespmem:s28+$0xC0] =	vst v0;
	v0 =	vld [tilespmem:s28+$0xD0]  }
0x228: {  	v1 =	vld [tilespmem:s29+$0xD0];
	_ =	sdelay $0x4  }
0x229: {  	v0 =	vadd.f32 v1, v0;
	_ =	sdelay $0x1  }
0x22a: {  	v0 =	vmax.f32 v0, $0.0e+00  }
0x22b: {  	[tilespmem:s28+$0xD0] =	vst v0;
	v0 =	vld [tilespmem:s28+$0xE0]  }
0x22c: {  	v1 =	vld [tilespmem:s29+$0xE0];
	_ =	sdelay $0x4  }
0x22d: {  	v0 =	vadd.f32 v1, v0;
	_ =	sdelay $0x1  }
0x22e: {  	v0 =	vmax.f32 v0, $0.0e+00  }
0x22f: {  	[tilespmem:s28+$0xE0] =	vst v0;
	v0 =	vld [tilespmem:s28+$0xF0]  }
0x230: {  	v1 =	vld [tilespmem:s29+$0xF0];
	_ =	sdelay $0x4  }
0x231: {  	v0 =	vadd.f32 v1, v0;
	_ =	sdelay $0x1  }
0x232: {  	s30 =	simm.s32 $0x0;
	s1 =	simm.s32 $0xC000;
	v0 =	vmax.f32 v0, $0.0e+00  }
.LBB2_5:
0x233: {  	v1 =	vld [tilespmem:s1+$0xFFFFFF00];
	[tilespmem:s28+$0xF0] =	vst v0;
	s29 =	sadd.s32 $0x200, s29;
	s28 =	smov.u32 s1  }
0x234: {  	s30 =	sadd.s32 $0x4, s30;
	v0 =	vld [tilespmem:s29+$0xFFFFFF00]  }
0x235: {  	p0 =	slt.u32 s30, $0x9C;
	_ =	sdelay $0x3  }
0x236: {  	v0 =	vadd.f32 v0, v1;
	_ =	sdelay $0x1  }
0x237: {  	v0 =	vmax.f32 v0, $0.0e+00  }
0x238: {  	[tilespmem:s1+$0xFFFFFF00] =	vst v0;
	v0 =	vld [tilespmem:s1+$0xFFFFFF10]  }
0x239: {  	v1 =	vld [tilespmem:s29+$0xFFFFFF10];
	_ =	sdelay $0x4  }
0x23a: {  	v0 =	vadd.f32 v1, v0;
	_ =	sdelay $0x1  }
0x23b: {  	v0 =	vmax.f32 v0, $0.0e+00  }
0x23c: {  	[tilespmem:s1+$0xFFFFFF10] =	vst v0;
	v0 =	vld [tilespmem:s1+$0xFFFFFF20]  }
0x23d: {  	v1 =	vld [tilespmem:s29+$0xFFFFFF20];
	_ =	sdelay $0x4  }
0x23e: {  	v0 =	vadd.f32 v1, v0;
	_ =	sdelay $0x1  }
0x23f: {  	v0 =	vmax.f32 v0, $0.0e+00  }
0x240: {  	[tilespmem:s1+$0xFFFFFF20] =	vst v0;
	v0 =	vld [tilespmem:s1+$0xFFFFFF30]  }
0x241: {  	v1 =	vld [tilespmem:s29+$0xFFFFFF30];
	_ =	sdelay $0x4  }
0x242: {  	v0 =	vadd.f32 v1, v0;
	_ =	sdelay $0x1  }
0x243: {  	v0 =	vmax.f32 v0, $0.0e+00  }
0x244: {  	[tilespmem:s1+$0xFFFFFF30] =	vst v0;
	v0 =	vld [tilespmem:s1+$0xFFFFFF40]  }
0x245: {  	v1 =	vld [tilespmem:s29+$0xFFFFFF40];
	_ =	sdelay $0x4  }
0x246: {  	v0 =	vadd.f32 v1, v0;
	_ =	sdelay $0x1  }
0x247: {  	v0 =	vmax.f32 v0, $0.0e+00  }
0x248: {  	[tilespmem:s1+$0xFFFFFF40] =	vst v0;
	v0 =	vld [tilespmem:s1+$0xFFFFFF50]  }
0x249: {  	v1 =	vld [tilespmem:s29+$0xFFFFFF50];
	_ =	sdelay $0x4  }
0x24a: {  	v0 =	vadd.f32 v1, v0;
	_ =	sdelay $0x1  }
0x24b: {  	v0 =	vmax.f32 v0, $0.0e+00  }
0x24c: {  	[tilespmem:s1+$0xFFFFFF50] =	vst v0;
	v0 =	vld [tilespmem:s1+$0xFFFFFF60]  }
0x24d: {  	v1 =	vld [tilespmem:s29+$0xFFFFFF60];
	_ =	sdelay $0x4  }
0x24e: {  	v0 =	vadd.f32 v1, v0;
	_ =	sdelay $0x1  }
0x24f: {  	v0 =	vmax.f32 v0, $0.0e+00  }
0x250: {  	[tilespmem:s1+$0xFFFFFF60] =	vst v0;
	v0 =	vld [tilespmem:s1+$0xFFFFFF70]  }
0x251: {  	v1 =	vld [tilespmem:s29+$0xFFFFFF70];
	_ =	sdelay $0x4  }
0x252: {  	v0 =	vadd.f32 v1, v0;
	_ =	sdelay $0x1  }
0x253: {  	v0 =	vmax.f32 v0, $0.0e+00  }
0x254: {  	[tilespmem:s1+$0xFFFFFF70] =	vst v0;
	v0 =	vld [tilespmem:s1+$0xFFFFFF80]  }
0x255: {  	v1 =	vld [tilespmem:s29+$0xFFFFFF80];
	_ =	sdelay $0x4  }
0x256: {  	v0 =	vadd.f32 v1, v0;
	_ =	sdelay $0x1  }
0x257: {  	v0 =	vmax.f32 v0, $0.0e+00  }
0x258: {  	[tilespmem:s1+$0xFFFFFF80] =	vst v0;
	v0 =	vld [tilespmem:s1+$0xFFFFFF90]  }
0x259: {  	v1 =	vld [tilespmem:s29+$0xFFFFFF90];
	_ =	sdelay $0x4  }
0x25a: {  	v0 =	vadd.f32 v1, v0;
	_ =	sdelay $0x1  }
0x25b: {  	v0 =	vmax.f32 v0, $0.0e+00  }
0x25c: {  	[tilespmem:s1+$0xFFFFFF90] =	vst v0;
	v0 =	vld [tilespmem:s1+$0xFFFFFFA0]  }
0x25d: {  	v1 =	vld [tilespmem:s29+$0xFFFFFFA0];
	_ =	sdelay $0x4  }
0x25e: {  	v0 =	vadd.f32 v1, v0;
	_ =	sdelay $0x1  }
0x25f: {  	v0 =	vmax.f32 v0, $0.0e+00  }
0x260: {  	[tilespmem:s1+$0xFFFFFFA0] =	vst v0;
	v0 =	vld [tilespmem:s1+$0xFFFFFFB0]  }
0x261: {  	v1 =	vld [tilespmem:s29+$0xFFFFFFB0];
	_ =	sdelay $0x4  }
0x262: {  	v0 =	vadd.f32 v1, v0;
	_ =	sdelay $0x1  }
0x263: {  	v0 =	vmax.f32 v0, $0.0e+00  }
0x264: {  	[tilespmem:s1+$0xFFFFFFB0] =	vst v0;
	v0 =	vld [tilespmem:s1+$0xFFFFFFC0]  }
0x265: {  	v1 =	vld [tilespmem:s29+$0xFFFFFFC0];
	_ =	sdelay $0x4  }
0x266: {  	v0 =	vadd.f32 v1, v0;
	_ =	sdelay $0x1  }
0x267: {  	v0 =	vmax.f32 v0, $0.0e+00  }
0x268: {  	[tilespmem:s1+$0xFFFFFFC0] =	vst v0;
	v0 =	vld [tilespmem:s1+$0xFFFFFFD0]  }
0x269: {  	v1 =	vld [tilespmem:s29+$0xFFFFFFD0];
	_ =	sdelay $0x4  }
0x26a: {  	v0 =	vadd.f32 v1, v0;
	_ =	sdelay $0x1  }
0x26b: {  	v0 =	vmax.f32 v0, $0.0e+00  }
0x26c: {  	[tilespmem:s1+$0xFFFFFFD0] =	vst v0;
	v0 =	vld [tilespmem:s1+$0xFFFFFFE0]  }
0x26d: {  	v1 =	vld [tilespmem:s29+$0xFFFFFFE0];
	_ =	sdelay $0x4  }
0x26e: {  	v0 =	vadd.f32 v1, v0;
	_ =	sdelay $0x1  }
0x26f: {  	v0 =	vmax.f32 v0, $0.0e+00  }
0x270: {  	[tilespmem:s1+$0xFFFFFFE0] =	vst v0;
	v0 =	vld [tilespmem:s1+$0xFFFFFFF0]  }
0x271: {  	v1 =	vld [tilespmem:s29+$0xFFFFFFF0];
	_ =	sdelay $0x4  }
0x272: {  	v0 =	vadd.f32 v1, v0;
	_ =	sdelay $0x1  }
0x273: {  	v0 =	vmax.f32 v0, $0.0e+00  }
0x274: {  	[tilespmem:s1+$0xFFFFFFF0] =	vst v0;
	v0 =	vld [tilespmem:s1+$0x0]  }
0x275: {  	v1 =	vld [tilespmem:s29+$0x0];
	_ =	sdelay $0x4  }
0x276: {  	v0 =	vadd.f32 v1, v0;
	_ =	sdelay $0x1  }
0x277: {  	v0 =	vmax.f32 v0, $0.0e+00  }
0x278: {  	[tilespmem:s1+$0x0] =	vst v0;
	v0 =	vld [tilespmem:s1+$0x10]  }
0x279: {  	v1 =	vld [tilespmem:s29+$0x10];
	_ =	sdelay $0x4  }
0x27a: {  	v0 =	vadd.f32 v1, v0;
	_ =	sdelay $0x1  }
0x27b: {  	v0 =	vmax.f32 v0, $0.0e+00  }
0x27c: {  	[tilespmem:s1+$0x10] =	vst v0;
	v0 =	vld [tilespmem:s1+$0x20]  }
0x27d: {  	v1 =	vld [tilespmem:s29+$0x20];
	_ =	sdelay $0x4  }
0x27e: {  	v0 =	vadd.f32 v1, v0;
	_ =	sdelay $0x1  }
0x27f: {  	v0 =	vmax.f32 v0, $0.0e+00  }
0x280: {  	[tilespmem:s1+$0x20] =	vst v0;
	v0 =	vld [tilespmem:s1+$0x30]  }
0x281: {  	v1 =	vld [tilespmem:s29+$0x30];
	_ =	sdelay $0x4  }
0x282: {  	v0 =	vadd.f32 v1, v0;
	_ =	sdelay $0x1  }
0x283: {  	v0 =	vmax.f32 v0, $0.0e+00  }
0x284: {  	[tilespmem:s1+$0x30] =	vst v0;
	v0 =	vld [tilespmem:s1+$0x40]  }
0x285: {  	v1 =	vld [tilespmem:s29+$0x40];
	_ =	sdelay $0x4  }
0x286: {  	v0 =	vadd.f32 v1, v0;
	_ =	sdelay $0x1  }
0x287: {  	v0 =	vmax.f32 v0, $0.0e+00  }
0x288: {  	[tilespmem:s1+$0x40] =	vst v0;
	v0 =	vld [tilespmem:s1+$0x50]  }
0x289: {  	v1 =	vld [tilespmem:s29+$0x50];
	_ =	sdelay $0x4  }
0x28a: {  	v0 =	vadd.f32 v1, v0;
	_ =	sdelay $0x1  }
0x28b: {  	v0 =	vmax.f32 v0, $0.0e+00  }
0x28c: {  	[tilespmem:s1+$0x50] =	vst v0;
	v0 =	vld [tilespmem:s1+$0x60]  }
0x28d: {  	v1 =	vld [tilespmem:s29+$0x60];
	_ =	sdelay $0x4  }
0x28e: {  	v0 =	vadd.f32 v1, v0;
	_ =	sdelay $0x1  }
0x28f: {  	v0 =	vmax.f32 v0, $0.0e+00  }
0x290: {  	[tilespmem:s1+$0x60] =	vst v0;
	v0 =	vld [tilespmem:s1+$0x70]  }
0x291: {  	v1 =	vld [tilespmem:s29+$0x70];
	_ =	sdelay $0x4  }
0x292: {  	v0 =	vadd.f32 v1, v0;
	_ =	sdelay $0x1  }
0x293: {  	v0 =	vmax.f32 v0, $0.0e+00  }
0x294: {  	[tilespmem:s1+$0x70] =	vst v0;
	v0 =	vld [tilespmem:s1+$0x80]  }
0x295: {  	v1 =	vld [tilespmem:s29+$0x80];
	_ =	sdelay $0x4  }
0x296: {  	v0 =	vadd.f32 v1, v0;
	_ =	sdelay $0x1  }
0x297: {  	v0 =	vmax.f32 v0, $0.0e+00  }
0x298: {  	[tilespmem:s1+$0x80] =	vst v0;
	v0 =	vld [tilespmem:s1+$0x90]  }
0x299: {  	v1 =	vld [tilespmem:s29+$0x90];
	_ =	sdelay $0x4  }
0x29a: {  	v0 =	vadd.f32 v1, v0;
	_ =	sdelay $0x1  }
0x29b: {  	v0 =	vmax.f32 v0, $0.0e+00  }
0x29c: {  	[tilespmem:s1+$0x90] =	vst v0;
	v0 =	vld [tilespmem:s1+$0xA0]  }
0x29d: {  	v1 =	vld [tilespmem:s29+$0xA0];
	_ =	sdelay $0x4  }
0x29e: {  	v0 =	vadd.f32 v1, v0;
	_ =	sdelay $0x1  }
0x29f: {  	v0 =	vmax.f32 v0, $0.0e+00  }
0x2a0: {  	[tilespmem:s1+$0xA0] =	vst v0;
	v0 =	vld [tilespmem:s1+$0xB0]  }
0x2a1: {  	v1 =	vld [tilespmem:s29+$0xB0];
	_ =	sdelay $0x4  }
0x2a2: {  	v0 =	vadd.f32 v1, v0;
	_ =	sdelay $0x1  }
0x2a3: {  	v0 =	vmax.f32 v0, $0.0e+00  }
0x2a4: {  	[tilespmem:s1+$0xB0] =	vst v0;
	v0 =	vld [tilespmem:s1+$0xC0]  }
0x2a5: {  	v1 =	vld [tilespmem:s29+$0xC0];
	_ =	sdelay $0x4  }
0x2a6: {  	v0 =	vadd.f32 v1, v0;
	_ =	sdelay $0x1  }
0x2a7: {  	v0 =	vmax.f32 v0, $0.0e+00  }
0x2a8: {  	[tilespmem:s1+$0xC0] =	vst v0;
	v0 =	vld [tilespmem:s1+$0xD0]  }
0x2a9: {  	v1 =	vld [tilespmem:s29+$0xD0];
	_ =	sdelay $0x4  }
0x2aa: {  	v0 =	vadd.f32 v1, v0;
	_ =	sdelay $0x1  }
0x2ab: {  	v0 =	vmax.f32 v0, $0.0e+00  }
0x2ac: {  	[tilespmem:s1+$0xD0] =	vst v0;
	v0 =	vld [tilespmem:s1+$0xE0]  }
0x2ad: {  	v1 =	vld [tilespmem:s29+$0xE0];
	_ =	sdelay $0x4  }
0x2ae: {  	v0 =	vadd.f32 v1, v0;
	_ =	sdelay $0x1  }
0x2af: {  	v0 =	vmax.f32 v0, $0.0e+00  }
0x2b0: {  	[tilespmem:s1+$0xE0] =	vst v0;
	v0 =	vld [tilespmem:s1+$0xF0]  }
0x2b1: {  	v1 =	vld [tilespmem:s29+$0xF0];
	_ =	sdelay $0x2  }
.Ltmp1:
0x2b2: {  	(pc) =	sbr.rel @p0 .LBB2_5-.Ltmp1, $3  }
0x2b3: {  	_ = 	snop  }
0x2b4: {  	v0 =	vadd.f32 v1, v0;
	_ =	sdelay $0x1  }
0x2b5: {  	s1 =	sadd.s32 $0x200, s1;
	v0 =	vmax.f32 v0, $0.0e+00  }
0x2b6: {  	s1 =	sadd.s32 s3, s26;
	s25 =	sadd.s32 $0x1, s25  }
0x2b7: {  	s1 =	sshll.u32 s1, $0x4;
	p0 =	sne.s32 s25, $0xA  }
.Ltmp2:
0x2b8: {  	[tilespmem:s28+$0xF0] =	vst v0;
	s1 =	sadd.s32 s5, s1;
	(pc) =	sbr.rel @p0 .LBB2_2-.Ltmp2, $4  }
0x2b9: {  	[hbm4b:s1+s2] =	stream.linear.scatter [tilespmem:s17], [sflag:$0x5], $0x5000, $0x38;
	[tilespmem:$0x15D00] =	vst v63  }
0x2ba: {  	_ =	swait.ge [sflag:s9], $0x5000  }
0x2bb: {  	[sflag:s9] =	ssyncset.done $0x0  }
0x2bc: {  	[sflag:s9] =	ssyncadd.s32 $0xFFFFB000  }
0x2bd: {  	s24 =	sadd.s32 $0x1, s24  }
0x2be: {  	p0 =	sne.s32 s24, s8  }
.Ltmp3:
0x2bf: {  	_ = 	snop;
	(pc) =	sbr.rel @p0 .LBB2_1-.Ltmp3, $1  }
0x2c0: {  	_ =	sdelay $0x3  }
0x2c1: {  	_ =	sfence.sel $0x180000  }
0x2c2: {  	[bflag:$0x0] =	sbarrier.arrive $0xFFFF  }
0x2c3: {  	_ =	strace $0x90000050  }
0x2c4: {  	[bflag:$0x2] =	sbarrier.arrive $0xFFFF  }
0x2c5: {  	p0 =	sne.s32 s0, $0x0;
	s0 =	rddreg [dreg:$0x1]  }
0x2c6: {  	s0 =	sadd.s32 @!p0 $0x100000, s0  }
0x2c7: {  	[sflag:s0] =	ssyncadd.tile.s32 @!p0 $0x1;
	_ =	shalt  }
.Lfunc_end2:
_tile_overlayer_lowered:
.L_overlay_start_2:
0x2c8: {  	(tag) =	ssettag $0x2  }
0x2c9: {  	s0 =	rddreg [dreg:$0x0];
	s2 =	stileid.u32  }
0x2ca: {  	s1 =	rddreg [dreg:$0x1];
	p0 =	sne.s32 s2, $0x0  }
0x2cb: {  	s3 =	rddreg [dreg:$0x2];
	[bflag:$0x3] =	sbarrier.arrive $0xFFFF;
	s2 =	simm.s32 @!p0 $0x1C05  }
0x2cc: {  	[timem:s3], [sflag:s2] =	dma.local @!p0 [hbm:s0], s1  }
0x2cd: {  	s0 =	simm.s32 @!p0 $0x5  }
0x2ce: {  	_ =	swait.ge @!p0 [sflag:s0], s1  }
0x2cf: {  	s1 =	ssub.s32 @!p0 $0x0, s1;
	[sflag:s0] =	ssyncset.done @!p0 $0x0  }
0x2d0: {  	[sflag:s0] =	ssyncadd.s32 @!p0 s1  }
0x2d1: {  	[bflag:$0x3] =	sbarrier.arrive $0xFFFF  }
0x2d2: {  	_ =	shalt  }

</sc_bundles>
